<compile_context>
chip_gen: v7x
topology: tpu7x:2x2x1
jax: 0.10.2.dev20260603
libtpu: 0.0.44.dev20260713+nightly
codegen_flags: <defaults>
</compile_context>

<pallas_src>
import functools

import jax
import jax.numpy as jnp
from jax import lax
from jax.experimental import pallas as pl
from jax.experimental.pallas import tpu as pltpu
from jax.experimental.pallas import tpu_sc as plsc

_NC, _NS = 2, 16
_NW = _NC * _NS
_CHUNK = 80
_NBUF = 5


@functools.lru_cache(maxsize=None)
def _build(n_chunks, S, D):
    assert (_CHUNK * _NBUF) % S == 0
    assert n_chunks % (_NW * _NBUF) == 0
    ncw = n_chunks // _NW
    ngroups = ncw // _NBUF
    n_rows = n_chunks * _CHUNK
    mesh = plsc.VectorSubcoreMesh(core_axis_name="c", subcore_axis_name="s")

    @functools.partial(
        pl.kernel,
        out_type=jax.ShapeDtypeStruct((n_rows, D), jnp.float32),
        mesh=mesh,
        scratch_types=[
            pltpu.VMEM((ncw, _CHUNK), jnp.int32),
            pltpu.VMEM((2 * S, D), jnp.float32),
            pltpu.VMEM((_NBUF, _CHUNK, D), jnp.float32),
        ] + [pltpu.SemaphoreType.DMA] * (2 * _NBUF),
        compiler_params=pltpu.CompilerParams(use_tc_tiling_on_sc=False),
    )
    def k(x_hbm, table_hbm, pe_hbm, out_hbm, idx_v, pe_v, rows_v, *sems):
        gsems = sems[:_NBUF]
        ssems = sems[_NBUF:]
        wid = lax.axis_index("s") * _NC + lax.axis_index("c")
        c0 = wid * ncw
        pltpu.sync_copy(x_hbm.at[pl.ds(c0, ncw)], idx_v)
        pltpu.sync_copy(pe_hbm, pe_v)

        def fire_gather(c_local, b):
            pltpu.make_async_copy(
                table_hbm.at[idx_v.at[c_local]], rows_v.at[b], gsems[b]
            ).start()

        def wait_gather(b):
            pltpu.make_async_copy(
                table_hbm.at[idx_v.at[0]], rows_v.at[b], gsems[b]
            ).wait()

        def fire_scatter(c_local, b):
            row0 = (c0 + c_local) * _CHUNK
            pltpu.make_async_copy(
                rows_v.at[b], out_hbm.at[pl.ds(row0, _CHUNK)], ssems[b]
            ).start()

        def wait_scatter(b):
            pltpu.make_async_copy(
                rows_v.at[b], out_hbm.at[pl.ds(0, _CHUNK)], ssems[b]
            ).wait()

        def add_pe(b):
            q = (_CHUNK * b) % S

            def row_body(r, carry):
                for gi in range(D // 16):
                    sl = pl.ds(gi * 16, 16)
                    rows_v[b, r, sl] = rows_v[b, r, sl] + pe_v[q + r, sl]
                return carry

            lax.fori_loop(0, _CHUNK, row_body, 0, unroll=2)

        def chunk_step(c_local, b, first, last):
            wait_gather(b)
            add_pe(b)
            nb = (b + _NBUF - 1) % _NBUF
            if not last:
                if not first:
                    wait_scatter(nb)
                fire_gather(c_local + (_NBUF - 1), nb)
            fire_scatter(c_local, b)

        for b in range(_NBUF - 1):
            fire_gather(b, b)
        for b in range(_NBUF):
            chunk_step(b, b, first=(b == 0), last=False)

        def group_body(g, carry):
            cbase = g * _NBUF
            for b in range(_NBUF):
                chunk_step(cbase + b, b, first=False, last=False)
            return carry

        lax.fori_loop(1, ngroups - 1, group_body, 0)

        cbase = (ngroups - 1) * _NBUF
        for b in range(_NBUF):
            chunk_step(cbase + b, b, first=False, last=(b != 0))
        for b in range(_NBUF):
            wait_scatter(b)

    return k


def kernel(x, embedding_matrix, positional_encodings):
    B, S = x.shape
    V, D = embedding_matrix.shape
    n_chunks = B * S // _CHUNK
    x2 = x.reshape(n_chunks, _CHUNK).astype(jnp.int32)
    pe = positional_encodings[:S]
    pe2 = jnp.concatenate([pe, pe], axis=0)
    out = _build(n_chunks, S, D)(x2, embedding_matrix, pe2)
    return out.reshape(B, S, D)

# --- scband reference (transcript-rebuilt; emitter-appended) ---
"""Pipeline reference for scband-embedding-67843303407998 (READ-ONLY COPY).

The authoritative reference and input builder live on the scoring server;
editing this copy changes nothing except your own understanding.
"""

import jax, jax.numpy as jnp
import numpy as np

VOCAB_SIZE = 1000000
D_MODEL = 64
MAX_SEQ_LEN = 256
BATCH = 1024
SEQ_LEN = 200


def _make_positional_encodings(max_seq_len, d_model):
    position = jnp.arange(max_seq_len)[:, None]
    div_term = jnp.exp(jnp.arange(0, d_model, 2) * (-jnp.log(10000.0) / d_model))
    pe = jnp.zeros((max_seq_len, d_model))
    pe = pe.at[:, 0::2].set(jnp.sin(position * div_term))
    pe = pe.at[:, 1::2].set(jnp.cos(position * div_term))
    return pe


def setup_inputs(seed: int = 0) -> dict:
    key = jax.random.key(seed)
    k1, k2 = jax.random.split(key)
    x = jax.random.randint(k1, (BATCH, SEQ_LEN), 0, VOCAB_SIZE, dtype=jnp.int64 if jax.config.jax_enable_x64 else jnp.int32)
    embedding_matrix = jax.random.normal(k2, (VOCAB_SIZE, D_MODEL), dtype=jnp.float32) / jnp.sqrt(D_MODEL)
    positional_encodings = _make_positional_encodings(MAX_SEQ_LEN, D_MODEL).astype(jnp.float32)
    return {"x": x, "embedding_matrix": embedding_matrix, "positional_encodings": positional_encodings}


def reference(x, embedding_matrix, positional_encodings):
    # TokenEmbedding: gather rows of the table
    token_embeddings = jnp.take(embedding_matrix, x, axis=0)
    # PositionalEmbedding: add precomputed sinusoidal encodings
    seq_len = token_embeddings.shape[-2]
    return token_embeddings + positional_encodings[:seq_len]

if __name__ == "__main__":
    import jax
    _d = setup_inputs()
    print(jax.jit(kernel)(*tuple(_d.values())))

</pallas_src>

<mosaic_0001>
#map = affine_map<(d0, d1) -> (0, 0)>
module attributes {stable_mosaic.version = 14 : i64} {
  func.func @k(%arg0: i32, %arg1: i32, %arg2: memref<2560x80xi32, #tpu.memory_space<hbm>>, %arg3: memref<1000000x64xf32, #tpu.memory_space<hbm>>, %arg4: memref<400x64xf32, #tpu.memory_space<hbm>>, %arg5: memref<204800x64xf32, #tpu.memory_space<hbm>>, %arg6: memref<80x80xi32, #tpu.memory_space<vmem>>, %arg7: memref<400x64xf32, #tpu.memory_space<vmem>>, %arg8: memref<5x80x64xf32, #tpu.memory_space<vmem>>, %arg9: memref<!tpu.dma_semaphore, #tpu.memory_space<semaphore_mem>>, %arg10: memref<!tpu.dma_semaphore, #tpu.memory_space<semaphore_mem>>, %arg11: memref<!tpu.dma_semaphore, #tpu.memory_space<semaphore_mem>>, %arg12: memref<!tpu.dma_semaphore, #tpu.memory_space<semaphore_mem>>, %arg13: memref<!tpu.dma_semaphore, #tpu.memory_space<semaphore_mem>>, %arg14: memref<!tpu.dma_semaphore, #tpu.memory_space<semaphore_mem>>, %arg15: memref<!tpu.dma_semaphore, #tpu.memory_space<semaphore_mem>>, %arg16: memref<!tpu.dma_semaphore, #tpu.memory_space<semaphore_mem>>, %arg17: memref<!tpu.dma_semaphore, #tpu.memory_space<semaphore_mem>>, %arg18: memref<!tpu.dma_semaphore, #tpu.memory_space<semaphore_mem>>) attributes {dimension_semantics = [#tpu.dimension_semantics<core_parallel>, #tpu.dimension_semantics<subcore_parallel>], iteration_bounds = array<i64: 2, 16>, scalar_prefetch = 0 : i64, scratch_operands = 13 : i64, tpu.core_type = #tpu.core_type<sc_vector_subcore>, window_params = [{transform_indices = #map}, {transform_indices = #map}, {transform_indices = #map}, {transform_indices = #map}]} {
    %mul3A = arith.constant 2 : i32
    %mul3A_0 = arith.muli %arg1, %mul3A : i32
    %add3A = arith.addi %mul3A_0, %arg0 : i32
    %mul3A_1 = arith.constant 80 : i32
    %mul3A_2 = arith.muli %add3A, %mul3A_1 : i32
    "tpu.region"() ({
      %run_scoped3A = tpu.sem_alloc : memref<!tpu.dma_semaphore, #tpu.memory_space<semaphore_mem>>
      %dma_start3A_626 = arith.constant 0 : i32
      %dma_start3A_627 = tpu.memref_slice %arg2[%mul3A_2, %dma_start3A_626] : memref<2560x80xi32, #tpu.memory_space<hbm>> -> memref<80x80xi32, #tpu.memory_space<hbm>>
      %dma_start3A_628 = arith.constant 0 : i32
      %dma_start3A_629 = tpu.memref_slice %arg2[%mul3A_2, %dma_start3A_628] : memref<2560x80xi32, #tpu.memory_space<hbm>> -> memref<80x80xi32, #tpu.memory_space<hbm>>
      tpu.enqueue_dma source(%dma_start3A_629 : memref<80x80xi32, #tpu.memory_space<hbm>>) target(%arg6 : memref<80x80xi32, #tpu.memory_space<vmem>>) target_semaphore(%run_scoped3A : memref<!tpu.dma_semaphore, #tpu.memory_space<semaphore_mem>>)
      %dma_wait3A_630 = arith.constant 0 : i32
      %dma_wait3A_631 = tpu.memref_slice %arg2[%mul3A_2, %dma_wait3A_630] : memref<2560x80xi32, #tpu.memory_space<hbm>> -> memref<80x80xi32, #tpu.memory_space<hbm>>
      %dma_wait3A_632 = arith.constant 0 : i32
      %dma_wait3A_633 = tpu.memref_slice %arg2[%mul3A_2, %dma_wait3A_632] : memref<2560x80xi32, #tpu.memory_space<hbm>> -> memref<80x80xi32, #tpu.memory_space<hbm>>
      tpu.wait_dma2 semaphore(%run_scoped3A : memref<!tpu.dma_semaphore, #tpu.memory_space<semaphore_mem>>) src(%dma_wait3A_633 : memref<80x80xi32, #tpu.memory_space<hbm>>) dst(%arg6 : memref<80x80xi32, #tpu.memory_space<vmem>>)
      tpu.yield
    }) : () -> ()
    "tpu.region"() ({
      %run_scoped3A = tpu.sem_alloc : memref<!tpu.dma_semaphore, #tpu.memory_space<semaphore_mem>>
      tpu.enqueue_dma source(%arg4 : memref<400x64xf32, #tpu.memory_space<hbm>>) target(%arg7 : memref<400x64xf32, #tpu.memory_space<vmem>>) target_semaphore(%run_scoped3A : memref<!tpu.dma_semaphore, #tpu.memory_space<semaphore_mem>>)
      tpu.wait_dma2 semaphore(%run_scoped3A : memref<!tpu.dma_semaphore, #tpu.memory_space<semaphore_mem>>) src(%arg4 : memref<400x64xf32, #tpu.memory_space<hbm>>) dst(%arg7 : memref<400x64xf32, #tpu.memory_space<vmem>>)
      tpu.yield
    }) : () -> ()
    %dma_start3A = arith.constant 0 : i32
    %dma_start3A_3 = arith.constant 0 : i32
    %dma_start3A_4 = arith.constant 0 : i32
    %dma_start3A_5 = arith.constant 0 : i32
    %dma_start3A_6 = tpu.memref_slice %arg8[%dma_start3A_3, %dma_start3A_4, %dma_start3A_5] : memref<5x80x64xf32, #tpu.memory_space<vmem>> -> memref<1x80x64xf32, #tpu.memory_space<vmem>>
    %dma_start3A_7 = tpu.memref_squeeze %dma_start3A_6 : memref<1x80x64xf32, #tpu.memory_space<vmem>> -> memref<80x64xf32, #tpu.memory_space<vmem>>
    %dma_start3A_8 = arith.constant 0 : i32
    %dma_start3A_9 = tpu.memref_slice %arg6[%dma_start3A, %dma_start3A_8] : memref<80x80xi32, #tpu.memory_space<vmem>> -> memref<1x80xi32, #tpu.memory_space<vmem>>
    %dma_start3A_10 = tpu.memref_squeeze %dma_start3A_9 : memref<1x80xi32, #tpu.memory_space<vmem>> -> memref<80xi32, #tpu.memory_space<vmem>>
    %dma_start3A_11 = arith.constant 0 : i32
    %dma_start3A_12 = arith.constant 0 : i32
    %dma_start3A_13 = tpu.memref_slice %arg3[%dma_start3A_11, %dma_start3A_12] : memref<1000000x64xf32, #tpu.memory_space<hbm>> -> memref<1000000x64xf32, #tpu.memory_space<hbm>>
    tpu.enqueue_indirect_dma source(%dma_start3A_13 : memref<1000000x64xf32, #tpu.memory_space<hbm>>) target(%dma_start3A_7 : memref<80x64xf32, #tpu.memory_space<vmem>>) offsets(%dma_start3A_10 : memref<80xi32, #tpu.memory_space<vmem>>) semaphore(%arg9 : memref<!tpu.dma_semaphore, #tpu.memory_space<semaphore_mem>>)
    %dma_start3A_14 = arith.constant 1 : i32
    %dma_start3A_15 = arith.constant 1 : i32
    %dma_start3A_16 = arith.constant 0 : i32
    %dma_start3A_17 = arith.constant 0 : i32
    %dma_start3A_18 = tpu.memref_slice %arg8[%dma_start3A_15, %dma_start3A_16, %dma_start3A_17] : memref<5x80x64xf32, #tpu.memory_space<vmem>> -> memref<1x80x64xf32, #tpu.memory_space<vmem>>
    %dma_start3A_19 = tpu.memref_squeeze %dma_start3A_18 : memref<1x80x64xf32, #tpu.memory_space<vmem>> -> memref<80x64xf32, #tpu.memory_space<vmem>>
    %dma_start3A_20 = arith.constant 0 : i32
    %dma_start3A_21 = tpu.memref_slice %arg6[%dma_start3A_14, %dma_start3A_20] : memref<80x80xi32, #tpu.memory_space<vmem>> -> memref<1x80xi32, #tpu.memory_space<vmem>>
    %dma_start3A_22 = tpu.memref_squeeze %dma_start3A_21 : memref<1x80xi32, #tpu.memory_space<vmem>> -> memref<80xi32, #tpu.memory_space<vmem>>
    %dma_start3A_23 = arith.constant 0 : i32
    %dma_start3A_24 = arith.constant 0 : i32
    %dma_start3A_25 = tpu.memref_slice %arg3[%dma_start3A_23, %dma_start3A_24] : memref<1000000x64xf32, #tpu.memory_space<hbm>> -> memref<1000000x64xf32, #tpu.memory_space<hbm>>
    tpu.enqueue_indirect_dma source(%dma_start3A_25 : memref<1000000x64xf32, #tpu.memory_space<hbm>>) target(%dma_start3A_19 : memref<80x64xf32, #tpu.memory_space<vmem>>) offsets(%dma_start3A_22 : memref<80xi32, #tpu.memory_space<vmem>>) semaphore(%arg10 : memref<!tpu.dma_semaphore, #tpu.memory_space<semaphore_mem>>)
    %dma_start3A_26 = arith.constant 2 : i32
    %dma_start3A_27 = arith.constant 2 : i32
    %dma_start3A_28 = arith.constant 0 : i32
    %dma_start3A_29 = arith.constant 0 : i32
    %dma_start3A_30 = tpu.memref_slice %arg8[%dma_start3A_27, %dma_start3A_28, %dma_start3A_29] : memref<5x80x64xf32, #tpu.memory_space<vmem>> -> memref<1x80x64xf32, #tpu.memory_space<vmem>>
    %dma_start3A_31 = tpu.memref_squeeze %dma_start3A_30 : memref<1x80x64xf32, #tpu.memory_space<vmem>> -> memref<80x64xf32, #tpu.memory_space<vmem>>
    %dma_start3A_32 = arith.constant 0 : i32
    %dma_start3A_33 = tpu.memref_slice %arg6[%dma_start3A_26, %dma_start3A_32] : memref<80x80xi32, #tpu.memory_space<vmem>> -> memref<1x80xi32, #tpu.memory_space<vmem>>
    %dma_start3A_34 = tpu.memref_squeeze %dma_start3A_33 : memref<1x80xi32, #tpu.memory_space<vmem>> -> memref<80xi32, #tpu.memory_space<vmem>>
    %dma_start3A_35 = arith.constant 0 : i32
    %dma_start3A_36 = arith.constant 0 : i32
    %dma_start3A_37 = tpu.memref_slice %arg3[%dma_start3A_35, %dma_start3A_36] : memref<1000000x64xf32, #tpu.memory_space<hbm>> -> memref<1000000x64xf32, #tpu.memory_space<hbm>>
    tpu.enqueue_indirect_dma source(%dma_start3A_37 : memref<1000000x64xf32, #tpu.memory_space<hbm>>) target(%dma_start3A_31 : memref<80x64xf32, #tpu.memory_space<vmem>>) offsets(%dma_start3A_34 : memref<80xi32, #tpu.memory_space<vmem>>) semaphore(%arg11 : memref<!tpu.dma_semaphore, #tpu.memory_space<semaphore_mem>>)
    %dma_start3A_38 = arith.constant 3 : i32
    %dma_start3A_39 = arith.constant 3 : i32
    %dma_start3A_40 = arith.constant 0 : i32
    %dma_start3A_41 = arith.constant 0 : i32
    %dma_start3A_42 = tpu.memref_slice %arg8[%dma_start3A_39, %dma_start3A_40, %dma_start3A_41] : memref<5x80x64xf32, #tpu.memory_space<vmem>> -> memref<1x80x64xf32, #tpu.memory_space<vmem>>
    %dma_start3A_43 = tpu.memref_squeeze %dma_start3A_42 : memref<1x80x64xf32, #tpu.memory_space<vmem>> -> memref<80x64xf32, #tpu.memory_space<vmem>>
    %dma_start3A_44 = arith.constant 0 : i32
    %dma_start3A_45 = tpu.memref_slice %arg6[%dma_start3A_38, %dma_start3A_44] : memref<80x80xi32, #tpu.memory_space<vmem>> -> memref<1x80xi32, #tpu.memory_space<vmem>>
    %dma_start3A_46 = tpu.memref_squeeze %dma_start3A_45 : memref<1x80xi32, #tpu.memory_space<vmem>> -> memref<80xi32, #tpu.memory_space<vmem>>
    %dma_start3A_47 = arith.constant 0 : i32
    %dma_start3A_48 = arith.constant 0 : i32
    %dma_start3A_49 = tpu.memref_slice %arg3[%dma_start3A_47, %dma_start3A_48] : memref<1000000x64xf32, #tpu.memory_space<hbm>> -> memref<1000000x64xf32, #tpu.memory_space<hbm>>
    tpu.enqueue_indirect_dma source(%dma_start3A_49 : memref<1000000x64xf32, #tpu.memory_space<hbm>>) target(%dma_start3A_43 : memref<80x64xf32, #tpu.memory_space<vmem>>) offsets(%dma_start3A_46 : memref<80xi32, #tpu.memory_space<vmem>>) semaphore(%arg12 : memref<!tpu.dma_semaphore, #tpu.memory_space<semaphore_mem>>)
    %dma_wait3A = arith.constant 0 : i32
    %dma_wait3A_50 = arith.constant 0 : i32
    %dma_wait3A_51 = arith.constant 0 : i32
    %dma_wait3A_52 = arith.constant 0 : i32
    %dma_wait3A_53 = tpu.memref_slice %arg8[%dma_wait3A_50, %dma_wait3A_51, %dma_wait3A_52] : memref<5x80x64xf32, #tpu.memory_space<vmem>> -> memref<1x80x64xf32, #tpu.memory_space<vmem>>
    %dma_wait3A_54 = tpu.memref_squeeze %dma_wait3A_53 : memref<1x80x64xf32, #tpu.memory_space<vmem>> -> memref<80x64xf32, #tpu.memory_space<vmem>>
    %dma_wait3A_55 = arith.constant 0 : i32
    %dma_wait3A_56 = tpu.memref_slice %arg6[%dma_wait3A, %dma_wait3A_55] : memref<80x80xi32, #tpu.memory_space<vmem>> -> memref<1x80xi32, #tpu.memory_space<vmem>>
    %dma_wait3A_57 = tpu.memref_squeeze %dma_wait3A_56 : memref<1x80xi32, #tpu.memory_space<vmem>> -> memref<80xi32, #tpu.memory_space<vmem>>
    %dma_wait3A_58 = arith.constant 0 : i32
    %dma_wait3A_59 = arith.constant 0 : i32
    %dma_wait3A_60 = tpu.memref_slice %arg3[%dma_wait3A_58, %dma_wait3A_59] : memref<1000000x64xf32, #tpu.memory_space<hbm>> -> memref<1000000x64xf32, #tpu.memory_space<hbm>>
    tpu.wait_indirect_dma semaphore(%arg9 : memref<!tpu.dma_semaphore, #tpu.memory_space<semaphore_mem>>) src(%dma_wait3A_60 : memref<1000000x64xf32, #tpu.memory_space<hbm>>) dst(%dma_wait3A_54 : memref<80x64xf32, #tpu.memory_space<vmem>>)
    %scan3A = arith.constant 0 : i32
    %scan3A_61 = arith.constant 0 : i32
    %scan3A_62 = arith.constant 80 : i32
    %scan3A_63 = arith.addi %scan3A_61, %scan3A_62 : i32
    %scan3A_64 = arith.constant 2 : i32
    scf.for %scan3A_626 = %scan3A_61 to %scan3A_63 step %scan3A_64  : i32 {
      %get3A = arith.constant 0 : i32
      %get3A_627 = arith.index_cast %get3A : i32 to index
      %get3A_628 = arith.index_cast %scan3A_626 : i32 to index
      %get3A_629 = arith.constant 0 : index
      %get3A_630 = tpu.vector_load %arg8[%get3A_627, %get3A_628, %get3A_629] {strides = array<i32>} : memref<5x80x64xf32, #tpu.memory_space<vmem>>, vector<1x1x16xf32>,
      %get3A_631 = vector.shape_cast %get3A_630 : vector<1x1x16xf32> to vector<16xf32>
      %add3A_632 = arith.constant 0 : i32
      %add3A_633 = arith.addi %add3A_632, %scan3A_626 : i32
      %get3A_634 = arith.index_cast %add3A_633 : i32 to index
      %get3A_635 = arith.constant 0 : index
      %get3A_636 = tpu.vector_load %arg7[%get3A_634, %get3A_635] {strides = array<i32>} : memref<400x64xf32, #tpu.memory_space<vmem>>, vector<1x16xf32>,
      %get3A_637 = vector.shape_cast %get3A_636 : vector<1x16xf32> to vector<16xf32>
      %add3A_638 = arith.addf %get3A_631, %get3A_637 : vector<16xf32>
      %swap3A = arith.constant 0 : i32
      %swap3A_639 = arith.index_cast %swap3A : i32 to index
      %swap3A_640 = arith.index_cast %scan3A_626 : i32 to index
      %swap3A_641 = arith.constant 0 : index
      %swap3A_642 = tpu.vector_load %arg8[%swap3A_639, %swap3A_640, %swap3A_641] {strides = array<i32>} : memref<5x80x64xf32, #tpu.memory_space<vmem>>, vector<1x1x16xf32>,
      %swap3A_643 = vector.shape_cast %swap3A_642 : vector<1x1x16xf32> to vector<16xf32>
      %swap3A_644 = vector.shape_cast %add3A_638 : vector<16xf32> to vector<1x1x16xf32>
      tpu.vector_store %arg8[%swap3A_639, %swap3A_640, %swap3A_641], %swap3A_644 {strides = array<i32>} : memref<5x80x64xf32, #tpu.memory_space<vmem>>, vector<1x1x16xf32>,
      %get3A_645 = arith.constant 0 : i32
      %get3A_646 = arith.index_cast %get3A_645 : i32 to index
      %get3A_647 = arith.index_cast %scan3A_626 : i32 to index
      %get3A_648 = arith.constant 16 : index
      %get3A_649 = tpu.vector_load %arg8[%get3A_646, %get3A_647, %get3A_648] {strides = array<i32>} : memref<5x80x64xf32, #tpu.memory_space<vmem>>, vector<1x1x16xf32>,
      %get3A_650 = vector.shape_cast %get3A_649 : vector<1x1x16xf32> to vector<16xf32>
      %add3A_651 = arith.constant 0 : i32
      %add3A_652 = arith.addi %add3A_651, %scan3A_626 : i32
      %get3A_653 = arith.index_cast %add3A_652 : i32 to index
      %get3A_654 = arith.constant 16 : index
      %get3A_655 = tpu.vector_load %arg7[%get3A_653, %get3A_654] {strides = array<i32>} : memref<400x64xf32, #tpu.memory_space<vmem>>, vector<1x16xf32>,
      %get3A_656 = vector.shape_cast %get3A_655 : vector<1x16xf32> to vector<16xf32>
      %add3A_657 = arith.addf %get3A_650, %get3A_656 : vector<16xf32>
      %swap3A_658 = arith.constant 0 : i32
      %swap3A_659 = arith.index_cast %swap3A_658 : i32 to index
      %swap3A_660 = arith.index_cast %scan3A_626 : i32 to index
      %swap3A_661 = arith.constant 16 : index
      %swap3A_662 = tpu.vector_load %arg8[%swap3A_659, %swap3A_660, %swap3A_661] {strides = array<i32>} : memref<5x80x64xf32, #tpu.memory_space<vmem>>, vector<1x1x16xf32>,
      %swap3A_663 = vector.shape_cast %swap3A_662 : vector<1x1x16xf32> to vector<16xf32>
      %swap3A_664 = vector.shape_cast %add3A_657 : vector<16xf32> to vector<1x1x16xf32>
      tpu.vector_store %arg8[%swap3A_659, %swap3A_660, %swap3A_661], %swap3A_664 {strides = array<i32>} : memref<5x80x64xf32, #tpu.memory_space<vmem>>, vector<1x1x16xf32>,
      %get3A_665 = arith.constant 0 : i32
      %get3A_666 = arith.index_cast %get3A_665 : i32 to index
      %get3A_667 = arith.index_cast %scan3A_626 : i32 to index
      %get3A_668 = arith.constant 32 : index
      %get3A_669 = tpu.vector_load %arg8[%get3A_666, %get3A_667, %get3A_668] {strides = array<i32>} : memref<5x80x64xf32, #tpu.memory_space<vmem>>, vector<1x1x16xf32>,
      %get3A_670 = vector.shape_cast %get3A_669 : vector<1x1x16xf32> to vector<16xf32>
      %add3A_671 = arith.constant 0 : i32
      %add3A_672 = arith.addi %add3A_671, %scan3A_626 : i32
      %get3A_673 = arith.index_cast %add3A_672 : i32 to index
      %get3A_674 = arith.constant 32 : index
      %get3A_675 = tpu.vector_load %arg7[%get3A_673, %get3A_674] {strides = array<i32>} : memref<400x64xf32, #tpu.memory_space<vmem>>, vector<1x16xf32>,
      %get3A_676 = vector.shape_cast %get3A_675 : vector<1x16xf32> to vector<16xf32>
      %add3A_677 = arith.addf %get3A_670, %get3A_676 : vector<16xf32>
      %swap3A_678 = arith.constant 0 : i32
      %swap3A_679 = arith.index_cast %swap3A_678 : i32 to index
      %swap3A_680 = arith.index_cast %scan3A_626 : i32 to index
      %swap3A_681 = arith.constant 32 : index
      %swap3A_682 = tpu.vector_load %arg8[%swap3A_679, %swap3A_680, %swap3A_681] {strides = array<i32>} : memref<5x80x64xf32, #tpu.memory_space<vmem>>, vector<1x1x16xf32>,
      %swap3A_683 = vector.shape_cast %swap3A_682 : vector<1x1x16xf32> to vector<16xf32>
      %swap3A_684 = vector.shape_cast %add3A_677 : vector<16xf32> to vector<1x1x16xf32>
      tpu.vector_store %arg8[%swap3A_679, %swap3A_680, %swap3A_681], %swap3A_684 {strides = array<i32>} : memref<5x80x64xf32, #tpu.memory_space<vmem>>, vector<1x1x16xf32>,
      %get3A_685 = arith.constant 0 : i32
      %get3A_686 = arith.index_cast %get3A_685 : i32 to index
      %get3A_687 = arith.index_cast %scan3A_626 : i32 to index
      %get3A_688 = arith.constant 48 : index
      %get3A_689 = tpu.vector_load %arg8[%get3A_686, %get3A_687, %get3A_688] {strides = array<i32>} : memref<5x80x64xf32, #tpu.memory_space<vmem>>, vector<1x1x16xf32>,
      %get3A_690 = vector.shape_cast %get3A_689 : vector<1x1x16xf32> to vector<16xf32>
      %add3A_691 = arith.constant 0 : i32
      %add3A_692 = arith.addi %add3A_691, %scan3A_626 : i32
      %get3A_693 = arith.index_cast %add3A_692 : i32 to index
      %get3A_694 = arith.constant 48 : index
      %get3A_695 = tpu.vector_load %arg7[%get3A_693, %get3A_694] {strides = array<i32>} : memref<400x64xf32, #tpu.memory_space<vmem>>, vector<1x16xf32>,
      %get3A_696 = vector.shape_cast %get3A_695 : vector<1x16xf32> to vector<16xf32>
      %add3A_697 = arith.addf %get3A_690, %get3A_696 : vector<16xf32>
      %swap3A_698 = arith.constant 0 : i32
      %swap3A_699 = arith.index_cast %swap3A_698 : i32 to index
      %swap3A_700 = arith.index_cast %scan3A_626 : i32 to index
      %swap3A_701 = arith.constant 48 : index
      %swap3A_702 = tpu.vector_load %arg8[%swap3A_699, %swap3A_700, %swap3A_701] {strides = array<i32>} : memref<5x80x64xf32, #tpu.memory_space<vmem>>, vector<1x1x16xf32>,
      %swap3A_703 = vector.shape_cast %swap3A_702 : vector<1x1x16xf32> to vector<16xf32>
      %swap3A_704 = vector.shape_cast %add3A_697 : vector<16xf32> to vector<1x1x16xf32>
      tpu.vector_store %arg8[%swap3A_699, %swap3A_700, %swap3A_701], %swap3A_704 {strides = array<i32>} : memref<5x80x64xf32, #tpu.memory_space<vmem>>, vector<1x1x16xf32>,
      %scan3A_705 = arith.constant 1 : i32
      %scan3A_706 = arith.addi %scan3A_626, %scan3A_705 : i32
      %get3A_707 = arith.constant 0 : i32
      %get3A_708 = arith.index_cast %get3A_707 : i32 to index
      %get3A_709 = arith.index_cast %scan3A_706 : i32 to index
      %get3A_710 = arith.constant 0 : index
      %get3A_711 = tpu.vector_load %arg8[%get3A_708, %get3A_709, %get3A_710] {strides = array<i32>} : memref<5x80x64xf32, #tpu.memory_space<vmem>>, vector<1x1x16xf32>,
      %get3A_712 = vector.shape_cast %get3A_711 : vector<1x1x16xf32> to vector<16xf32>
      %add3A_713 = arith.constant 0 : i32
      %add3A_714 = arith.addi %add3A_713, %scan3A_706 : i32
      %get3A_715 = arith.index_cast %add3A_714 : i32 to index
      %get3A_716 = arith.constant 0 : index
      %get3A_717 = tpu.vector_load %arg7[%get3A_715, %get3A_716] {strides = array<i32>} : memref<400x64xf32, #tpu.memory_space<vmem>>, vector<1x16xf32>,
      %get3A_718 = vector.shape_cast %get3A_717 : vector<1x16xf32> to vector<16xf32>
      %add3A_719 = arith.addf %get3A_712, %get3A_718 : vector<16xf32>
      %swap3A_720 = arith.constant 0 : i32
      %swap3A_721 = arith.index_cast %swap3A_720 : i32 to index
      %swap3A_722 = arith.index_cast %scan3A_706 : i32 to index
      %swap3A_723 = arith.constant 0 : index
      %swap3A_724 = tpu.vector_load %arg8[%swap3A_721, %swap3A_722, %swap3A_723] {strides = array<i32>} : memref<5x80x64xf32, #tpu.memory_space<vmem>>, vector<1x1x16xf32>,
      %swap3A_725 = vector.shape_cast %swap3A_724 : vector<1x1x16xf32> to vector<16xf32>
      %swap3A_726 = vector.shape_cast %add3A_719 : vector<16xf32> to vector<1x1x16xf32>
      tpu.vector_store %arg8[%swap3A_721, %swap3A_722, %swap3A_723], %swap3A_726 {strides = array<i32>} : memref<5x80x64xf32, #tpu.memory_space<vmem>>, vector<1x1x16xf32>,
      %get3A_727 = arith.constant 0 : i32
      %get3A_728 = arith.index_cast %get3A_727 : i32 to index
      %get3A_729 = arith.index_cast %scan3A_706 : i32 to index
      %get3A_730 = arith.constant 16 : index
      %get3A_731 = tpu.vector_load %arg8[%get3A_728, %get3A_729, %get3A_730] {strides = array<i32>} : memref<5x80x64xf32, #tpu.memory_space<vmem>>, vector<1x1x16xf32>,
      %get3A_732 = vector.shape_cast %get3A_731 : vector<1x1x16xf32> to vector<16xf32>
      %add3A_733 = arith.constant 0 : i32
      %add3A_734 = arith.addi %add3A_733, %scan3A_706 : i32
      %get3A_735 = arith.index_cast %add3A_734 : i32 to index
      %get3A_736 = arith.constant 16 : index
      %get3A_737 = tpu.vector_load %arg7[%get3A_735, %get3A_736] {strides = array<i32>} : memref<400x64xf32, #tpu.memory_space<vmem>>, vector<1x16xf32>,
      %get3A_738 = vector.shape_cast %get3A_737 : vector<1x16xf32> to vector<16xf32>
      %add3A_739 = arith.addf %get3A_732, %get3A_738 : vector<16xf32>
      %swap3A_740 = arith.constant 0 : i32
      %swap3A_741 = arith.index_cast %swap3A_740 : i32 to index
      %swap3A_742 = arith.index_cast %scan3A_706 : i32 to index
      %swap3A_743 = arith.constant 16 : index
      %swap3A_744 = tpu.vector_load %arg8[%swap3A_741, %swap3A_742, %swap3A_743] {strides = array<i32>} : memref<5x80x64xf32, #tpu.memory_space<vmem>>, vector<1x1x16xf32>,
      %swap3A_745 = vector.shape_cast %swap3A_744 : vector<1x1x16xf32> to vector<16xf32>
      %swap3A_746 = vector.shape_cast %add3A_739 : vector<16xf32> to vector<1x1x16xf32>
      tpu.vector_store %arg8[%swap3A_741, %swap3A_742, %swap3A_743], %swap3A_746 {strides = array<i32>} : memref<5x80x64xf32, #tpu.memory_space<vmem>>, vector<1x1x16xf32>,
      %get3A_747 = arith.constant 0 : i32
      %get3A_748 = arith.index_cast %get3A_747 : i32 to index
      %get3A_749 = arith.index_cast %scan3A_706 : i32 to index
      %get3A_750 = arith.constant 32 : index
      %get3A_751 = tpu.vector_load %arg8[%get3A_748, %get3A_749, %get3A_750] {strides = array<i32>} : memref<5x80x64xf32, #tpu.memory_space<vmem>>, vector<1x1x16xf32>,
      %get3A_752 = vector.shape_cast %get3A_751 : vector<1x1x16xf32> to vector<16xf32>
      %add3A_753 = arith.constant 0 : i32
      %add3A_754 = arith.addi %add3A_753, %scan3A_706 : i32
      %get3A_755 = arith.index_cast %add3A_754 : i32 to index
      %get3A_756 = arith.constant 32 : index
      %get3A_757 = tpu.vector_load %arg7[%get3A_755, %get3A_756] {strides = array<i32>} : memref<400x64xf32, #tpu.memory_space<vmem>>, vector<1x16xf32>,
      %get3A_758 = vector.shape_cast %get3A_757 : vector<1x16xf32> to vector<16xf32>
      %add3A_759 = arith.addf %get3A_752, %get3A_758 : vector<16xf32>
      %swap3A_760 = arith.constant 0 : i32
      %swap3A_761 = arith.index_cast %swap3A_760 : i32 to index
      %swap3A_762 = arith.index_cast %scan3A_706 : i32 to index
      %swap3A_763 = arith.constant 32 : index
      %swap3A_764 = tpu.vector_load %arg8[%swap3A_761, %swap3A_762, %swap3A_763] {strides = array<i32>} : memref<5x80x64xf32, #tpu.memory_space<vmem>>, vector<1x1x16xf32>,
      %swap3A_765 = vector.shape_cast %swap3A_764 : vector<1x1x16xf32> to vector<16xf32>
      %swap3A_766 = vector.shape_cast %add3A_759 : vector<16xf32> to vector<1x1x16xf32>
      tpu.vector_store %arg8[%swap3A_761, %swap3A_762, %swap3A_763], %swap3A_766 {strides = array<i32>} : memref<5x80x64xf32, #tpu.memory_space<vmem>>, vector<1x1x16xf32>,
      %get3A_767 = arith.constant 0 : i32
      %get3A_768 = arith.index_cast %get3A_767 : i32 to index
      %get3A_769 = arith.index_cast %scan3A_706 : i32 to index
      %get3A_770 = arith.constant 48 : index
      %get3A_771 = tpu.vector_load %arg8[%get3A_768, %get3A_769, %get3A_770] {strides = array<i32>} : memref<5x80x64xf32, #tpu.memory_space<vmem>>, vector<1x1x16xf32>,
      %get3A_772 = vector.shape_cast %get3A_771 : vector<1x1x16xf32> to vector<16xf32>
      %add3A_773 = arith.constant 0 : i32
      %add3A_774 = arith.addi %add3A_773, %scan3A_706 : i32
      %get3A_775 = arith.index_cast %add3A_774 : i32 to index
      %get3A_776 = arith.constant 48 : index
      %get3A_777 = tpu.vector_load %arg7[%get3A_775, %get3A_776] {strides = array<i32>} : memref<400x64xf32, #tpu.memory_space<vmem>>, vector<1x16xf32>,
      %get3A_778 = vector.shape_cast %get3A_777 : vector<1x16xf32> to vector<16xf32>
      %add3A_779 = arith.addf %get3A_772, %get3A_778 : vector<16xf32>
      %swap3A_780 = arith.constant 0 : i32
      %swap3A_781 = arith.index_cast %swap3A_780 : i32 to index
      %swap3A_782 = arith.index_cast %scan3A_706 : i32 to index
      %swap3A_783 = arith.constant 48 : index
      %swap3A_784 = tpu.vector_load %arg8[%swap3A_781, %swap3A_782, %swap3A_783] {strides = array<i32>} : memref<5x80x64xf32, #tpu.memory_space<vmem>>, vector<1x1x16xf32>,
      %swap3A_785 = vector.shape_cast %swap3A_784 : vector<1x1x16xf32> to vector<16xf32>
      %swap3A_786 = vector.shape_cast %add3A_779 : vector<16xf32> to vector<1x1x16xf32>
      tpu.vector_store %arg8[%swap3A_781, %swap3A_782, %swap3A_783], %swap3A_786 {strides = array<i32>} : memref<5x80x64xf32, #tpu.memory_space<vmem>>, vector<1x1x16xf32>,
    }
    %scan3A_65 = arith.constant 80 : i32
    %dma_start3A_66 = arith.constant 4 : i32
    %dma_start3A_67 = arith.constant 4 : i32
    %dma_start3A_68 = arith.constant 0 : i32
    %dma_start3A_69 = arith.constant 0 : i32
    %dma_start3A_70 = tpu.memref_slice %arg8[%dma_start3A_67, %dma_start3A_68, %dma_start3A_69] : memref<5x80x64xf32, #tpu.memory_space<vmem>> -> memref<1x80x64xf32, #tpu.memory_space<vmem>>
    %dma_start3A_71 = tpu.memref_squeeze %dma_start3A_70 : memref<1x80x64xf32, #tpu.memory_space<vmem>> -> memref<80x64xf32, #tpu.memory_space<vmem>>
    %dma_start3A_72 = arith.constant 0 : i32
    %dma_start3A_73 = tpu.memref_slice %arg6[%dma_start3A_66, %dma_start3A_72] : memref<80x80xi32, #tpu.memory_space<vmem>> -> memref<1x80xi32, #tpu.memory_space<vmem>>
    %dma_start3A_74 = tpu.memref_squeeze %dma_start3A_73 : memref<1x80xi32, #tpu.memory_space<vmem>> -> memref<80xi32, #tpu.memory_space<vmem>>
    %dma_start3A_75 = arith.constant 0 : i32
    %dma_start3A_76 = arith.constant 0 : i32
    %dma_start3A_77 = tpu.memref_slice %arg3[%dma_start3A_75, %dma_start3A_76] : memref<1000000x64xf32, #tpu.memory_space<hbm>> -> memref<1000000x64xf32, #tpu.memory_space<hbm>>
    tpu.enqueue_indirect_dma source(%dma_start3A_77 : memref<1000000x64xf32, #tpu.memory_space<hbm>>) target(%dma_start3A_71 : memref<80x64xf32, #tpu.memory_space<vmem>>) offsets(%dma_start3A_74 : memref<80xi32, #tpu.memory_space<vmem>>) semaphore(%arg13 : memref<!tpu.dma_semaphore, #tpu.memory_space<semaphore_mem>>)
    %add3A_78 = arith.constant 0 : i32
    %add3A_79 = arith.addi %mul3A_2, %add3A_78 : i32
    %mul3A_80 = arith.constant 80 : i32
    %mul3A_81 = arith.muli %add3A_79, %mul3A_80 : i32
    %dma_start3A_82 = arith.constant 0 : i32
    %dma_start3A_83 = arith.constant 0 : i32
    %dma_start3A_84 = arith.constant 0 : i32
    %dma_start3A_85 = tpu.memref_slice %arg8[%dma_start3A_82, %dma_start3A_83, %dma_start3A_84] : memref<5x80x64xf32, #tpu.memory_space<vmem>> -> memref<1x80x64xf32, #tpu.memory_space<vmem>>
    %dma_start3A_86 = tpu.memref_squeeze %dma_start3A_85 : memref<1x80x64xf32, #tpu.memory_space<vmem>> -> memref<80x64xf32, #tpu.memory_space<vmem>>
    %dma_start3A_87 = arith.constant 0 : i32
    %dma_start3A_88 = tpu.memref_slice %arg5[%mul3A_81, %dma_start3A_87] : memref<204800x64xf32, #tpu.memory_space<hbm>> -> memref<80x64xf32, #tpu.memory_space<hbm>>
    %dma_start3A_89 = arith.constant 0 : i32
    %dma_start3A_90 = tpu.memref_slice %arg5[%mul3A_81, %dma_start3A_89] : memref<204800x64xf32, #tpu.memory_space<hbm>> -> memref<80x64xf32, #tpu.memory_space<hbm>>
    %dma_start3A_91 = arith.constant 0 : i32
    %dma_start3A_92 = arith.constant 0 : i32
    %dma_start3A_93 = tpu.memref_slice %arg8[%dma_start3A_82, %dma_start3A_91, %dma_start3A_92] : memref<5x80x64xf32, #tpu.memory_space<vmem>> -> memref<1x80x64xf32, #tpu.memory_space<vmem>>
    %dma_start3A_94 = tpu.memref_squeeze %dma_start3A_93 : memref<1x80x64xf32, #tpu.memory_space<vmem>> -> memref<80x64xf32, #tpu.memory_space<vmem>>
    tpu.enqueue_dma source(%dma_start3A_94 : memref<80x64xf32, #tpu.memory_space<vmem>>) target(%dma_start3A_90 : memref<80x64xf32, #tpu.memory_space<hbm>>) target_semaphore(%arg14 : memref<!tpu.dma_semaphore, #tpu.memory_space<semaphore_mem>>)
    %dma_wait3A_95 = arith.constant 0 : i32
    %dma_wait3A_96 = arith.constant 1 : i32
    %dma_wait3A_97 = arith.constant 0 : i32
    %dma_wait3A_98 = arith.constant 0 : i32
    %dma_wait3A_99 = tpu.memref_slice %arg8[%dma_wait3A_96, %dma_wait3A_97, %dma_wait3A_98] : memref<5x80x64xf32, #tpu.memory_space<vmem>> -> memref<1x80x64xf32, #tpu.memory_space<vmem>>
    %dma_wait3A_100 = tpu.memref_squeeze %dma_wait3A_99 : memref<1x80x64xf32, #tpu.memory_space<vmem>> -> memref<80x64xf32, #tpu.memory_space<vmem>>
    %dma_wait3A_101 = arith.constant 0 : i32
    %dma_wait3A_102 = tpu.memref_slice %arg6[%dma_wait3A_95, %dma_wait3A_101] : memref<80x80xi32, #tpu.memory_space<vmem>> -> memref<1x80xi32, #tpu.memory_space<vmem>>
    %dma_wait3A_103 = tpu.memref_squeeze %dma_wait3A_102 : memref<1x80xi32, #tpu.memory_space<vmem>> -> memref<80xi32, #tpu.memory_space<vmem>>
    %dma_wait3A_104 = arith.constant 0 : i32
    %dma_wait3A_105 = arith.constant 0 : i32
    %dma_wait3A_106 = tpu.memref_slice %arg3[%dma_wait3A_104, %dma_wait3A_105] : memref<1000000x64xf32, #tpu.memory_space<hbm>> -> memref<1000000x64xf32, #tpu.memory_space<hbm>>
    tpu.wait_indirect_dma semaphore(%arg10 : memref<!tpu.dma_semaphore, #tpu.memory_space<semaphore_mem>>) src(%dma_wait3A_106 : memref<1000000x64xf32, #tpu.memory_space<hbm>>) dst(%dma_wait3A_100 : memref<80x64xf32, #tpu.memory_space<vmem>>)
    %scan3A_107 = arith.constant 0 : i32
    %scan3A_108 = arith.constant 0 : i32
    %scan3A_109 = arith.constant 80 : i32
    %scan3A_110 = arith.addi %scan3A_108, %scan3A_109 : i32
    %scan3A_111 = arith.constant 2 : i32
    scf.for %scan3A_626 = %scan3A_108 to %scan3A_110 step %scan3A_111  : i32 {
      %get3A = arith.constant 1 : i32
      %get3A_627 = arith.index_cast %get3A : i32 to index
      %get3A_628 = arith.index_cast %scan3A_626 : i32 to index
      %get3A_629 = arith.constant 0 : index
      %get3A_630 = tpu.vector_load %arg8[%get3A_627, %get3A_628, %get3A_629] {strides = array<i32>} : memref<5x80x64xf32, #tpu.memory_space<vmem>>, vector<1x1x16xf32>,
      %get3A_631 = vector.shape_cast %get3A_630 : vector<1x1x16xf32> to vector<16xf32>
      %add3A_632 = arith.constant 80 : i32
      %add3A_633 = arith.addi %add3A_632, %scan3A_626 : i32
      %get3A_634 = arith.index_cast %add3A_633 : i32 to index
      %get3A_635 = arith.constant 0 : index
      %get3A_636 = tpu.vector_load %arg7[%get3A_634, %get3A_635] {strides = array<i32>} : memref<400x64xf32, #tpu.memory_space<vmem>>, vector<1x16xf32>,
      %get3A_637 = vector.shape_cast %get3A_636 : vector<1x16xf32> to vector<16xf32>
      %add3A_638 = arith.addf %get3A_631, %get3A_637 : vector<16xf32>
      %swap3A = arith.constant 1 : i32
      %swap3A_639 = arith.index_cast %swap3A : i32 to index
      %swap3A_640 = arith.index_cast %scan3A_626 : i32 to index
      %swap3A_641 = arith.constant 0 : index
      %swap3A_642 = tpu.vector_load %arg8[%swap3A_639, %swap3A_640, %swap3A_641] {strides = array<i32>} : memref<5x80x64xf32, #tpu.memory_space<vmem>>, vector<1x1x16xf32>,
      %swap3A_643 = vector.shape_cast %swap3A_642 : vector<1x1x16xf32> to vector<16xf32>
      %swap3A_644 = vector.shape_cast %add3A_638 : vector<16xf32> to vector<1x1x16xf32>
      tpu.vector_store %arg8[%swap3A_639, %swap3A_640, %swap3A_641], %swap3A_644 {strides = array<i32>} : memref<5x80x64xf32, #tpu.memory_space<vmem>>, vector<1x1x16xf32>,
      %get3A_645 = arith.constant 1 : i32
      %get3A_646 = arith.index_cast %get3A_645 : i32 to index
      %get3A_647 = arith.index_cast %scan3A_626 : i32 to index
      %get3A_648 = arith.constant 16 : index
      %get3A_649 = tpu.vector_load %arg8[%get3A_646, %get3A_647, %get3A_648] {strides = array<i32>} : memref<5x80x64xf32, #tpu.memory_space<vmem>>, vector<1x1x16xf32>,
      %get3A_650 = vector.shape_cast %get3A_649 : vector<1x1x16xf32> to vector<16xf32>
      %add3A_651 = arith.constant 80 : i32
      %add3A_652 = arith.addi %add3A_651, %scan3A_626 : i32
      %get3A_653 = arith.index_cast %add3A_652 : i32 to index
      %get3A_654 = arith.constant 16 : index
      %get3A_655 = tpu.vector_load %arg7[%get3A_653, %get3A_654] {strides = array<i32>} : memref<400x64xf32, #tpu.memory_space<vmem>>, vector<1x16xf32>,
      %get3A_656 = vector.shape_cast %get3A_655 : vector<1x16xf32> to vector<16xf32>
      %add3A_657 = arith.addf %get3A_650, %get3A_656 : vector<16xf32>
      %swap3A_658 = arith.constant 1 : i32
      %swap3A_659 = arith.index_cast %swap3A_658 : i32 to index
      %swap3A_660 = arith.index_cast %scan3A_626 : i32 to index
      %swap3A_661 = arith.constant 16 : index
      %swap3A_662 = tpu.vector_load %arg8[%swap3A_659, %swap3A_660, %swap3A_661] {strides = array<i32>} : memref<5x80x64xf32, #tpu.memory_space<vmem>>, vector<1x1x16xf32>,
      %swap3A_663 = vector.shape_cast %swap3A_662 : vector<1x1x16xf32> to vector<16xf32>
      %swap3A_664 = vector.shape_cast %add3A_657 : vector<16xf32> to vector<1x1x16xf32>
      tpu.vector_store %arg8[%swap3A_659, %swap3A_660, %swap3A_661], %swap3A_664 {strides = array<i32>} : memref<5x80x64xf32, #tpu.memory_space<vmem>>, vector<1x1x16xf32>,
      %get3A_665 = arith.constant 1 : i32
      %get3A_666 = arith.index_cast %get3A_665 : i32 to index
      %get3A_667 = arith.index_cast %scan3A_626 : i32 to index
      %get3A_668 = arith.constant 32 : index
      %get3A_669 = tpu.vector_load %arg8[%get3A_666, %get3A_667, %get3A_668] {strides = array<i32>} : memref<5x80x64xf32, #tpu.memory_space<vmem>>, vector<1x1x16xf32>,
      %get3A_670 = vector.shape_cast %get3A_669 : vector<1x1x16xf32> to vector<16xf32>
      %add3A_671 = arith.constant 80 : i32
      %add3A_672 = arith.addi %add3A_671, %scan3A_626 : i32
      %get3A_673 = arith.index_cast %add3A_672 : i32 to index
      %get3A_674 = arith.constant 32 : index
      %get3A_675 = tpu.vector_load %arg7[%get3A_673, %get3A_674] {strides = array<i32>} : memref<400x64xf32, #tpu.memory_space<vmem>>, vector<1x16xf32>,
      %get3A_676 = vector.shape_cast %get3A_675 : vector<1x16xf32> to vector<16xf32>
      %add3A_677 = arith.addf %get3A_670, %get3A_676 : vector<16xf32>
      %swap3A_678 = arith.constant 1 : i32
      %swap3A_679 = arith.index_cast %swap3A_678 : i32 to index
      %swap3A_680 = arith.index_cast %scan3A_626 : i32 to index
      %swap3A_681 = arith.constant 32 : index
      %swap3A_682 = tpu.vector_load %arg8[%swap3A_679, %swap3A_680, %swap3A_681] {strides = array<i32>} : memref<5x80x64xf32, #tpu.memory_space<vmem>>, vector<1x1x16xf32>,
      %swap3A_683 = vector.shape_cast %swap3A_682 : vector<1x1x16xf32> to vector<16xf32>
      %swap3A_684 = vector.shape_cast %add3A_677 : vector<16xf32> to vector<1x1x16xf32>
      tpu.vector_store %arg8[%swap3A_679, %swap3A_680, %swap3A_681], %swap3A_684 {strides = array<i32>} : memref<5x80x64xf32, #tpu.memory_space<vmem>>, vector<1x1x16xf32>,
      %get3A_685 = arith.constant 1 : i32
      %get3A_686 = arith.index_cast %get3A_685 : i32 to index
      %get3A_687 = arith.index_cast %scan3A_626 : i32 to index
      %get3A_688 = arith.constant 48 : index
      %get3A_689 = tpu.vector_load %arg8[%get3A_686, %get3A_687, %get3A_688] {strides = array<i32>} : memref<5x80x64xf32, #tpu.memory_space<vmem>>, vector<1x1x16xf32>,
      %get3A_690 = vector.shape_cast %get3A_689 : vector<1x1x16xf32> to vector<16xf32>
      %add3A_691 = arith.constant 80 : i32
      %add3A_692 = arith.addi %add3A_691, %scan3A_626 : i32
      %get3A_693 = arith.index_cast %add3A_692 : i32 to index
      %get3A_694 = arith.constant 48 : index
      %get3A_695 = tpu.vector_load %arg7[%get3A_693, %get3A_694] {strides = array<i32>} : memref<400x64xf32, #tpu.memory_space<vmem>>, vector<1x16xf32>,
      %get3A_696 = vector.shape_cast %get3A_695 : vector<1x16xf32> to vector<16xf32>
      %add3A_697 = arith.addf %get3A_690, %get3A_696 : vector<16xf32>
      %swap3A_698 = arith.constant 1 : i32
      %swap3A_699 = arith.index_cast %swap3A_698 : i32 to index
      %swap3A_700 = arith.index_cast %scan3A_626 : i32 to index
      %swap3A_701 = arith.constant 48 : index
      %swap3A_702 = tpu.vector_load %arg8[%swap3A_699, %swap3A_700, %swap3A_701] {strides = array<i32>} : memref<5x80x64xf32, #tpu.memory_space<vmem>>, vector<1x1x16xf32>,
      %swap3A_703 = vector.shape_cast %swap3A_702 : vector<1x1x16xf32> to vector<16xf32>
      %swap3A_704 = vector.shape_cast %add3A_697 : vector<16xf32> to vector<1x1x16xf32>
      tpu.vector_store %arg8[%swap3A_699, %swap3A_700, %swap3A_701], %swap3A_704 {strides = array<i32>} : memref<5x80x64xf32, #tpu.memory_space<vmem>>, vector<1x1x16xf32>,
      %scan3A_705 = arith.constant 1 : i32
      %scan3A_706 = arith.addi %scan3A_626, %scan3A_705 : i32
      %get3A_707 = arith.constant 1 : i32
      %get3A_708 = arith.index_cast %get3A_707 : i32 to index
      %get3A_709 = arith.index_cast %scan3A_706 : i32 to index
      %get3A_710 = arith.constant 0 : index
      %get3A_711 = tpu.vector_load %arg8[%get3A_708, %get3A_709, %get3A_710] {strides = array<i32>} : memref<5x80x64xf32, #tpu.memory_space<vmem>>, vector<1x1x16xf32>,
      %get3A_712 = vector.shape_cast %get3A_711 : vector<1x1x16xf32> to vector<16xf32>
      %add3A_713 = arith.constant 80 : i32
      %add3A_714 = arith.addi %add3A_713, %scan3A_706 : i32
      %get3A_715 = arith.index_cast %add3A_714 : i32 to index
      %get3A_716 = arith.constant 0 : index
      %get3A_717 = tpu.vector_load %arg7[%get3A_715, %get3A_716] {strides = array<i32>} : memref<400x64xf32, #tpu.memory_space<vmem>>, vector<1x16xf32>,
      %get3A_718 = vector.shape_cast %get3A_717 : vector<1x16xf32> to vector<16xf32>
      %add3A_719 = arith.addf %get3A_712, %get3A_718 : vector<16xf32>
      %swap3A_720 = arith.constant 1 : i32
      %swap3A_721 = arith.index_cast %swap3A_720 : i32 to index
      %swap3A_722 = arith.index_cast %scan3A_706 : i32 to index
      %swap3A_723 = arith.constant 0 : index
      %swap3A_724 = tpu.vector_load %arg8[%swap3A_721, %swap3A_722, %swap3A_723] {strides = array<i32>} : memref<5x80x64xf32, #tpu.memory_space<vmem>>, vector<1x1x16xf32>,
      %swap3A_725 = vector.shape_cast %swap3A_724 : vector<1x1x16xf32> to vector<16xf32>
      %swap3A_726 = vector.shape_cast %add3A_719 : vector<16xf32> to vector<1x1x16xf32>
      tpu.vector_store %arg8[%swap3A_721, %swap3A_722, %swap3A_723], %swap3A_726 {strides = array<i32>} : memref<5x80x64xf32, #tpu.memory_space<vmem>>, vector<1x1x16xf32>,
      %get3A_727 = arith.constant 1 : i32
      %get3A_728 = arith.index_cast %get3A_727 : i32 to index
      %get3A_729 = arith.index_cast %scan3A_706 : i32 to index
      %get3A_730 = arith.constant 16 : index
      %get3A_731 = tpu.vector_load %arg8[%get3A_728, %get3A_729, %get3A_730] {strides = array<i32>} : memref<5x80x64xf32, #tpu.memory_space<vmem>>, vector<1x1x16xf32>,
      %get3A_732 = vector.shape_cast %get3A_731 : vector<1x1x16xf32> to vector<16xf32>
      %add3A_733 = arith.constant 80 : i32
      %add3A_734 = arith.addi %add3A_733, %scan3A_706 : i32
      %get3A_735 = arith.index_cast %add3A_734 : i32 to index
      %get3A_736 = arith.constant 16 : index
      %get3A_737 = tpu.vector_load %arg7[%get3A_735, %get3A_736] {strides = array<i32>} : memref<400x64xf32, #tpu.memory_space<vmem>>, vector<1x16xf32>,
      %get3A_738 = vector.shape_cast %get3A_737 : vector<1x16xf32> to vector<16xf32>
      %add3A_739 = arith.addf %get3A_732, %get3A_738 : vector<16xf32>
      %swap3A_740 = arith.constant 1 : i32
      %swap3A_741 = arith.index_cast %swap3A_740 : i32 to index
      %swap3A_742 = arith.index_cast %scan3A_706 : i32 to index
      %swap3A_743 = arith.constant 16 : index
      %swap3A_744 = tpu.vector_load %arg8[%swap3A_741, %swap3A_742, %swap3A_743] {strides = array<i32>} : memref<5x80x64xf32, #tpu.memory_space<vmem>>, vector<1x1x16xf32>,
      %swap3A_745 = vector.shape_cast %swap3A_744 : vector<1x1x16xf32> to vector<16xf32>
      %swap3A_746 = vector.shape_cast %add3A_739 : vector<16xf32> to vector<1x1x16xf32>
      tpu.vector_store %arg8[%swap3A_741, %swap3A_742, %swap3A_743], %swap3A_746 {strides = array<i32>} : memref<5x80x64xf32, #tpu.memory_space<vmem>>, vector<1x1x16xf32>,
      %get3A_747 = arith.constant 1 : i32
      %get3A_748 = arith.index_cast %get3A_747 : i32 to index
      %get3A_749 = arith.index_cast %scan3A_706 : i32 to index
      %get3A_750 = arith.constant 32 : index
      %get3A_751 = tpu.vector_load %arg8[%get3A_748, %get3A_749, %get3A_750] {strides = array<i32>} : memref<5x80x64xf32, #tpu.memory_space<vmem>>, vector<1x1x16xf32>,
      %get3A_752 = vector.shape_cast %get3A_751 : vector<1x1x16xf32> to vector<16xf32>
      %add3A_753 = arith.constant 80 : i32
      %add3A_754 = arith.addi %add3A_753, %scan3A_706 : i32
      %get3A_755 = arith.index_cast %add3A_754 : i32 to index
      %get3A_756 = arith.constant 32 : index
      %get3A_757 = tpu.vector_load %arg7[%get3A_755, %get3A_756] {strides = array<i32>} : memref<400x64xf32, #tpu.memory_space<vmem>>, vector<1x16xf32>,
      %get3A_758 = vector.shape_cast %get3A_757 : vector<1x16xf32> to vector<16xf32>
      %add3A_759 = arith.addf %get3A_752, %get3A_758 : vector<16xf32>
      %swap3A_760 = arith.constant 1 : i32
      %swap3A_761 = arith.index_cast %swap3A_760 : i32 to index
      %swap3A_762 = arith.index_cast %scan3A_706 : i32 to index
      %swap3A_763 = arith.constant 32 : index
      %swap3A_764 = tpu.vector_load %arg8[%swap3A_761, %swap3A_762, %swap3A_763] {strides = array<i32>} : memref<5x80x64xf32, #tpu.memory_space<vmem>>, vector<1x1x16xf32>,
      %swap3A_765 = vector.shape_cast %swap3A_764 : vector<1x1x16xf32> to vector<16xf32>
      %swap3A_766 = vector.shape_cast %add3A_759 : vector<16xf32> to vector<1x1x16xf32>
      tpu.vector_store %arg8[%swap3A_761, %swap3A_762, %swap3A_763], %swap3A_766 {strides = array<i32>} : memref<5x80x64xf32, #tpu.memory_space<vmem>>, vector<1x1x16xf32>,
      %get3A_767 = arith.constant 1 : i32
      %get3A_768 = arith.index_cast %get3A_767 : i32 to index
      %get3A_769 = arith.index_cast %scan3A_706 : i32 to index
      %get3A_770 = arith.constant 48 : index
      %get3A_771 = tpu.vector_load %arg8[%get3A_768, %get3A_769, %get3A_770] {strides = array<i32>} : memref<5x80x64xf32, #tpu.memory_space<vmem>>, vector<1x1x16xf32>,
      %get3A_772 = vector.shape_cast %get3A_771 : vector<1x1x16xf32> to vector<16xf32>
      %add3A_773 = arith.constant 80 : i32
      %add3A_774 = arith.addi %add3A_773, %scan3A_706 : i32
      %get3A_775 = arith.index_cast %add3A_774 : i32 to index
      %get3A_776 = arith.constant 48 : index
      %get3A_777 = tpu.vector_load %arg7[%get3A_775, %get3A_776] {strides = array<i32>} : memref<400x64xf32, #tpu.memory_space<vmem>>, vector<1x16xf32>,
      %get3A_778 = vector.shape_cast %get3A_777 : vector<1x16xf32> to vector<16xf32>
      %add3A_779 = arith.addf %get3A_772, %get3A_778 : vector<16xf32>
      %swap3A_780 = arith.constant 1 : i32
      %swap3A_781 = arith.index_cast %swap3A_780 : i32 to index
      %swap3A_782 = arith.index_cast %scan3A_706 : i32 to index
      %swap3A_783 = arith.constant 48 : index
      %swap3A_784 = tpu.vector_load %arg8[%swap3A_781, %swap3A_782, %swap3A_783] {strides = array<i32>} : memref<5x80x64xf32, #tpu.memory_space<vmem>>, vector<1x1x16xf32>,
      %swap3A_785 = vector.shape_cast %swap3A_784 : vector<1x1x16xf32> to vector<16xf32>
      %swap3A_786 = vector.shape_cast %add3A_779 : vector<16xf32> to vector<1x1x16xf32>
      tpu.vector_store %arg8[%swap3A_781, %swap3A_782, %swap3A_783], %swap3A_786 {strides = array<i32>} : memref<5x80x64xf32, #tpu.memory_space<vmem>>, vector<1x1x16xf32>,
    }
    %scan3A_112 = arith.constant 80 : i32
    %dma_wait3A_113 = arith.constant 0 : i32
    %dma_wait3A_114 = arith.constant 0 : i32
    %dma_wait3A_115 = arith.constant 0 : i32
    %dma_wait3A_116 = tpu.memref_slice %arg8[%dma_wait3A_113, %dma_wait3A_114, %dma_wait3A_115] : memref<5x80x64xf32, #tpu.memory_space<vmem>> -> memref<1x80x64xf32, #tpu.memory_space<vmem>>
    %dma_wait3A_117 = tpu.memref_squeeze %dma_wait3A_116 : memref<1x80x64xf32, #tpu.memory_space<vmem>> -> memref<80x64xf32, #tpu.memory_space<vmem>>
    %dma_wait3A_118 = arith.constant 0 : i32
    %dma_wait3A_119 = arith.constant 0 : i32
    %dma_wait3A_120 = tpu.memref_slice %arg5[%dma_wait3A_118, %dma_wait3A_119] : memref<204800x64xf32, #tpu.memory_space<hbm>> -> memref<80x64xf32, #tpu.memory_space<hbm>>
    %dma_wait3A_121 = arith.constant 0 : i32
    %dma_wait3A_122 = arith.constant 0 : i32
    %dma_wait3A_123 = tpu.memref_slice %arg5[%dma_wait3A_121, %dma_wait3A_122] : memref<204800x64xf32, #tpu.memory_space<hbm>> -> memref<80x64xf32, #tpu.memory_space<hbm>>
    %dma_wait3A_124 = arith.constant 0 : i32
    %dma_wait3A_125 = arith.constant 0 : i32
    %dma_wait3A_126 = tpu.memref_slice %arg8[%dma_wait3A_113, %dma_wait3A_124, %dma_wait3A_125] : memref<5x80x64xf32, #tpu.memory_space<vmem>> -> memref<1x80x64xf32, #tpu.memory_space<vmem>>
    %dma_wait3A_127 = tpu.memref_squeeze %dma_wait3A_126 : memref<1x80x64xf32, #tpu.memory_space<vmem>> -> memref<80x64xf32, #tpu.memory_space<vmem>>
    tpu.wait_dma2 semaphore(%arg14 : memref<!tpu.dma_semaphore, #tpu.memory_space<semaphore_mem>>) src(%dma_wait3A_127 : memref<80x64xf32, #tpu.memory_space<vmem>>) dst(%dma_wait3A_123 : memref<80x64xf32, #tpu.memory_space<hbm>>)
    %dma_start3A_128 = arith.constant 5 : i32
    %dma_start3A_129 = arith.constant 0 : i32
    %dma_start3A_130 = arith.constant 0 : i32
    %dma_start3A_131 = arith.constant 0 : i32
    %dma_start3A_132 = tpu.memref_slice %arg8[%dma_start3A_129, %dma_start3A_130, %dma_start3A_131] : memref<5x80x64xf32, #tpu.memory_space<vmem>> -> memref<1x80x64xf32, #tpu.memory_space<vmem>>
    %dma_start3A_133 = tpu.memref_squeeze %dma_start3A_132 : memref<1x80x64xf32, #tpu.memory_space<vmem>> -> memref<80x64xf32, #tpu.memory_space<vmem>>
    %dma_start3A_134 = arith.constant 0 : i32
    %dma_start3A_135 = tpu.memref_slice %arg6[%dma_start3A_128, %dma_start3A_134] : memref<80x80xi32, #tpu.memory_space<vmem>> -> memref<1x80xi32, #tpu.memory_space<vmem>>
    %dma_start3A_136 = tpu.memref_squeeze %dma_start3A_135 : memref<1x80xi32, #tpu.memory_space<vmem>> -> memref<80xi32, #tpu.memory_space<vmem>>
    %dma_start3A_137 = arith.constant 0 : i32
    %dma_start3A_138 = arith.constant 0 : i32
    %dma_start3A_139 = tpu.memref_slice %arg3[%dma_start3A_137, %dma_start3A_138] : memref<1000000x64xf32, #tpu.memory_space<hbm>> -> memref<1000000x64xf32, #tpu.memory_space<hbm>>
    tpu.enqueue_indirect_dma source(%dma_start3A_139 : memref<1000000x64xf32, #tpu.memory_space<hbm>>) target(%dma_start3A_133 : memref<80x64xf32, #tpu.memory_space<vmem>>) offsets(%dma_start3A_136 : memref<80xi32, #tpu.memory_space<vmem>>) semaphore(%arg9 : memref<!tpu.dma_semaphore, #tpu.memory_space<semaphore_mem>>)
    %add3A_140 = arith.constant 1 : i32
    %add3A_141 = arith.addi %mul3A_2, %add3A_140 : i32
    %mul3A_142 = arith.constant 80 : i32
    %mul3A_143 = arith.muli %add3A_141, %mul3A_142 : i32
    %dma_start3A_144 = arith.constant 1 : i32
    %dma_start3A_145 = arith.constant 0 : i32
    %dma_start3A_146 = arith.constant 0 : i32
    %dma_start3A_147 = tpu.memref_slice %arg8[%dma_start3A_144, %dma_start3A_145, %dma_start3A_146] : memref<5x80x64xf32, #tpu.memory_space<vmem>> -> memref<1x80x64xf32, #tpu.memory_space<vmem>>
    %dma_start3A_148 = tpu.memref_squeeze %dma_start3A_147 : memref<1x80x64xf32, #tpu.memory_space<vmem>> -> memref<80x64xf32, #tpu.memory_space<vmem>>
    %dma_start3A_149 = arith.constant 0 : i32
    %dma_start3A_150 = tpu.memref_slice %arg5[%mul3A_143, %dma_start3A_149] : memref<204800x64xf32, #tpu.memory_space<hbm>> -> memref<80x64xf32, #tpu.memory_space<hbm>>
    %dma_start3A_151 = arith.constant 0 : i32
    %dma_start3A_152 = tpu.memref_slice %arg5[%mul3A_143, %dma_start3A_151] : memref<204800x64xf32, #tpu.memory_space<hbm>> -> memref<80x64xf32, #tpu.memory_space<hbm>>
    %dma_start3A_153 = arith.constant 0 : i32
    %dma_start3A_154 = arith.constant 0 : i32
    %dma_start3A_155 = tpu.memref_slice %arg8[%dma_start3A_144, %dma_start3A_153, %dma_start3A_154] : memref<5x80x64xf32, #tpu.memory_space<vmem>> -> memref<1x80x64xf32, #tpu.memory_space<vmem>>
    %dma_start3A_156 = tpu.memref_squeeze %dma_start3A_155 : memref<1x80x64xf32, #tpu.memory_space<vmem>> -> memref<80x64xf32, #tpu.memory_space<vmem>>
    tpu.enqueue_dma source(%dma_start3A_156 : memref<80x64xf32, #tpu.memory_space<vmem>>) target(%dma_start3A_152 : memref<80x64xf32, #tpu.memory_space<hbm>>) target_semaphore(%arg15 : memref<!tpu.dma_semaphore, #tpu.memory_space<semaphore_mem>>)
    %dma_wait3A_157 = arith.constant 0 : i32
    %dma_wait3A_158 = arith.constant 2 : i32
    %dma_wait3A_159 = arith.constant 0 : i32
    %dma_wait3A_160 = arith.constant 0 : i32
    %dma_wait3A_161 = tpu.memref_slice %arg8[%dma_wait3A_158, %dma_wait3A_159, %dma_wait3A_160] : memref<5x80x64xf32, #tpu.memory_space<vmem>> -> memref<1x80x64xf32, #tpu.memory_space<vmem>>
    %dma_wait3A_162 = tpu.memref_squeeze %dma_wait3A_161 : memref<1x80x64xf32, #tpu.memory_space<vmem>> -> memref<80x64xf32, #tpu.memory_space<vmem>>
    %dma_wait3A_163 = arith.constant 0 : i32
    %dma_wait3A_164 = tpu.memref_slice %arg6[%dma_wait3A_157, %dma_wait3A_163] : memref<80x80xi32, #tpu.memory_space<vmem>> -> memref<1x80xi32, #tpu.memory_space<vmem>>
    %dma_wait3A_165 = tpu.memref_squeeze %dma_wait3A_164 : memref<1x80xi32, #tpu.memory_space<vmem>> -> memref<80xi32, #tpu.memory_space<vmem>>
    %dma_wait3A_166 = arith.constant 0 : i32
    %dma_wait3A_167 = arith.constant 0 : i32
    %dma_wait3A_168 = tpu.memref_slice %arg3[%dma_wait3A_166, %dma_wait3A_167] : memref<1000000x64xf32, #tpu.memory_space<hbm>> -> memref<1000000x64xf32, #tpu.memory_space<hbm>>
    tpu.wait_indirect_dma semaphore(%arg11 : memref<!tpu.dma_semaphore, #tpu.memory_space<semaphore_mem>>) src(%dma_wait3A_168 : memref<1000000x64xf32, #tpu.memory_space<hbm>>) dst(%dma_wait3A_162 : memref<80x64xf32, #tpu.memory_space<vmem>>)
    %scan3A_169 = arith.constant 0 : i32
    %scan3A_170 = arith.constant 0 : i32
    %scan3A_171 = arith.constant 80 : i32
    %scan3A_172 = arith.addi %scan3A_170, %scan3A_171 : i32
    %scan3A_173 = arith.constant 2 : i32
    scf.for %scan3A_626 = %scan3A_170 to %scan3A_172 step %scan3A_173  : i32 {
      %get3A = arith.constant 2 : i32
      %get3A_627 = arith.index_cast %get3A : i32 to index
      %get3A_628 = arith.index_cast %scan3A_626 : i32 to index
      %get3A_629 = arith.constant 0 : index
      %get3A_630 = tpu.vector_load %arg8[%get3A_627, %get3A_628, %get3A_629] {strides = array<i32>} : memref<5x80x64xf32, #tpu.memory_space<vmem>>, vector<1x1x16xf32>,
      %get3A_631 = vector.shape_cast %get3A_630 : vector<1x1x16xf32> to vector<16xf32>
      %add3A_632 = arith.constant 160 : i32
      %add3A_633 = arith.addi %add3A_632, %scan3A_626 : i32
      %get3A_634 = arith.index_cast %add3A_633 : i32 to index
      %get3A_635 = arith.constant 0 : index
      %get3A_636 = tpu.vector_load %arg7[%get3A_634, %get3A_635] {strides = array<i32>} : memref<400x64xf32, #tpu.memory_space<vmem>>, vector<1x16xf32>,
      %get3A_637 = vector.shape_cast %get3A_636 : vector<1x16xf32> to vector<16xf32>
      %add3A_638 = arith.addf %get3A_631, %get3A_637 : vector<16xf32>
      %swap3A = arith.constant 2 : i32
      %swap3A_639 = arith.index_cast %swap3A : i32 to index
      %swap3A_640 = arith.index_cast %scan3A_626 : i32 to index
      %swap3A_641 = arith.constant 0 : index
      %swap3A_642 = tpu.vector_load %arg8[%swap3A_639, %swap3A_640, %swap3A_641] {strides = array<i32>} : memref<5x80x64xf32, #tpu.memory_space<vmem>>, vector<1x1x16xf32>,
      %swap3A_643 = vector.shape_cast %swap3A_642 : vector<1x1x16xf32> to vector<16xf32>
      %swap3A_644 = vector.shape_cast %add3A_638 : vector<16xf32> to vector<1x1x16xf32>
      tpu.vector_store %arg8[%swap3A_639, %swap3A_640, %swap3A_641], %swap3A_644 {strides = array<i32>} : memref<5x80x64xf32, #tpu.memory_space<vmem>>, vector<1x1x16xf32>,
      %get3A_645 = arith.constant 2 : i32
      %get3A_646 = arith.index_cast %get3A_645 : i32 to index
      %get3A_647 = arith.index_cast %scan3A_626 : i32 to index
      %get3A_648 = arith.constant 16 : index
      %get3A_649 = tpu.vector_load %arg8[%get3A_646, %get3A_647, %get3A_648] {strides = array<i32>} : memref<5x80x64xf32, #tpu.memory_space<vmem>>, vector<1x1x16xf32>,
      %get3A_650 = vector.shape_cast %get3A_649 : vector<1x1x16xf32> to vector<16xf32>
      %add3A_651 = arith.constant 160 : i32
      %add3A_652 = arith.addi %add3A_651, %scan3A_626 : i32
      %get3A_653 = arith.index_cast %add3A_652 : i32 to index
      %get3A_654 = arith.constant 16 : index
      %get3A_655 = tpu.vector_load %arg7[%get3A_653, %get3A_654] {strides = array<i32>} : memref<400x64xf32, #tpu.memory_space<vmem>>, vector<1x16xf32>,
      %get3A_656 = vector.shape_cast %get3A_655 : vector<1x16xf32> to vector<16xf32>
      %add3A_657 = arith.addf %get3A_650, %get3A_656 : vector<16xf32>
      %swap3A_658 = arith.constant 2 : i32
      %swap3A_659 = arith.index_cast %swap3A_658 : i32 to index
      %swap3A_660 = arith.index_cast %scan3A_626 : i32 to index
      %swap3A_661 = arith.constant 16 : index
      %swap3A_662 = tpu.vector_load %arg8[%swap3A_659, %swap3A_660, %swap3A_661] {strides = array<i32>} : memref<5x80x64xf32, #tpu.memory_space<vmem>>, vector<1x1x16xf32>,
      %swap3A_663 = vector.shape_cast %swap3A_662 : vector<1x1x16xf32> to vector<16xf32>
      %swap3A_664 = vector.shape_cast %add3A_657 : vector<16xf32> to vector<1x1x16xf32>
      tpu.vector_store %arg8[%swap3A_659, %swap3A_660, %swap3A_661], %swap3A_664 {strides = array<i32>} : memref<5x80x64xf32, #tpu.memory_space<vmem>>, vector<1x1x16xf32>,
      %get3A_665 = arith.constant 2 : i32
      %get3A_666 = arith.index_cast %get3A_665 : i32 to index
      %get3A_667 = arith.index_cast %scan3A_626 : i32 to index
      %get3A_668 = arith.constant 32 : index
      %get3A_669 = tpu.vector_load %arg8[%get3A_666, %get3A_667, %get3A_668] {strides = array<i32>} : memref<5x80x64xf32, #tpu.memory_space<vmem>>, vector<1x1x16xf32>,
      %get3A_670 = vector.shape_cast %get3A_669 : vector<1x1x16xf32> to vector<16xf32>
      %add3A_671 = arith.constant 160 : i32
      %add3A_672 = arith.addi %add3A_671, %scan3A_626 : i32
      %get3A_673 = arith.index_cast %add3A_672 : i32 to index
      %get3A_674 = arith.constant 32 : index
      %get3A_675 = tpu.vector_load %arg7[%get3A_673, %get3A_674] {strides = array<i32>} : memref<400x64xf32, #tpu.memory_space<vmem>>, vector<1x16xf32>,
      %get3A_676 = vector.shape_cast %get3A_675 : vector<1x16xf32> to vector<16xf32>
      %add3A_677 = arith.addf %get3A_670, %get3A_676 : vector<16xf32>
      %swap3A_678 = arith.constant 2 : i32
      %swap3A_679 = arith.index_cast %swap3A_678 : i32 to index
      %swap3A_680 = arith.index_cast %scan3A_626 : i32 to index
      %swap3A_681 = arith.constant 32 : index
      %swap3A_682 = tpu.vector_load %arg8[%swap3A_679, %swap3A_680, %swap3A_681] {strides = array<i32>} : memref<5x80x64xf32, #tpu.memory_space<vmem>>, vector<1x1x16xf32>,
      %swap3A_683 = vector.shape_cast %swap3A_682 : vector<1x1x16xf32> to vector<16xf32>
      %swap3A_684 = vector.shape_cast %add3A_677 : vector<16xf32> to vector<1x1x16xf32>
      tpu.vector_store %arg8[%swap3A_679, %swap3A_680, %swap3A_681], %swap3A_684 {strides = array<i32>} : memref<5x80x64xf32, #tpu.memory_space<vmem>>, vector<1x1x16xf32>,
      %get3A_685 = arith.constant 2 : i32
      %get3A_686 = arith.index_cast %get3A_685 : i32 to index
      %get3A_687 = arith.index_cast %scan3A_626 : i32 to index
      %get3A_688 = arith.constant 48 : index
      %get3A_689 = tpu.vector_load %arg8[%get3A_686, %get3A_687, %get3A_688] {strides = array<i32>} : memref<5x80x64xf32, #tpu.memory_space<vmem>>, vector<1x1x16xf32>,
      %get3A_690 = vector.shape_cast %get3A_689 : vector<1x1x16xf32> to vector<16xf32>
      %add3A_691 = arith.constant 160 : i32
      %add3A_692 = arith.addi %add3A_691, %scan3A_626 : i32
      %get3A_693 = arith.index_cast %add3A_692 : i32 to index
      %get3A_694 = arith.constant 48 : index
      %get3A_695 = tpu.vector_load %arg7[%get3A_693, %get3A_694] {strides = array<i32>} : memref<400x64xf32, #tpu.memory_space<vmem>>, vector<1x16xf32>,
      %get3A_696 = vector.shape_cast %get3A_695 : vector<1x16xf32> to vector<16xf32>
      %add3A_697 = arith.addf %get3A_690, %get3A_696 : vector<16xf32>
      %swap3A_698 = arith.constant 2 : i32
      %swap3A_699 = arith.index_cast %swap3A_698 : i32 to index
      %swap3A_700 = arith.index_cast %scan3A_626 : i32 to index
      %swap3A_701 = arith.constant 48 : index
      %swap3A_702 = tpu.vector_load %arg8[%swap3A_699, %swap3A_700, %swap3A_701] {strides = array<i32>} : memref<5x80x64xf32, #tpu.memory_space<vmem>>, vector<1x1x16xf32>,
      %swap3A_703 = vector.shape_cast %swap3A_702 : vector<1x1x16xf32> to vector<16xf32>
      %swap3A_704 = vector.shape_cast %add3A_697 : vector<16xf32> to vector<1x1x16xf32>
      tpu.vector_store %arg8[%swap3A_699, %swap3A_700, %swap3A_701], %swap3A_704 {strides = array<i32>} : memref<5x80x64xf32, #tpu.memory_space<vmem>>, vector<1x1x16xf32>,
      %scan3A_705 = arith.constant 1 : i32
      %scan3A_706 = arith.addi %scan3A_626, %scan3A_705 : i32
      %get3A_707 = arith.constant 2 : i32
      %get3A_708 = arith.index_cast %get3A_707 : i32 to index
      %get3A_709 = arith.index_cast %scan3A_706 : i32 to index
      %get3A_710 = arith.constant 0 : index
      %get3A_711 = tpu.vector_load %arg8[%get3A_708, %get3A_709, %get3A_710] {strides = array<i32>} : memref<5x80x64xf32, #tpu.memory_space<vmem>>, vector<1x1x16xf32>,
      %get3A_712 = vector.shape_cast %get3A_711 : vector<1x1x16xf32> to vector<16xf32>
      %add3A_713 = arith.constant 160 : i32
      %add3A_714 = arith.addi %add3A_713, %scan3A_706 : i32
      %get3A_715 = arith.index_cast %add3A_714 : i32 to index
      %get3A_716 = arith.constant 0 : index
      %get3A_717 = tpu.vector_load %arg7[%get3A_715, %get3A_716] {strides = array<i32>} : memref<400x64xf32, #tpu.memory_space<vmem>>, vector<1x16xf32>,
      %get3A_718 = vector.shape_cast %get3A_717 : vector<1x16xf32> to vector<16xf32>
      %add3A_719 = arith.addf %get3A_712, %get3A_718 : vector<16xf32>
      %swap3A_720 = arith.constant 2 : i32
      %swap3A_721 = arith.index_cast %swap3A_720 : i32 to index
      %swap3A_722 = arith.index_cast %scan3A_706 : i32 to index
      %swap3A_723 = arith.constant 0 : index
      %swap3A_724 = tpu.vector_load %arg8[%swap3A_721, %swap3A_722, %swap3A_723] {strides = array<i32>} : memref<5x80x64xf32, #tpu.memory_space<vmem>>, vector<1x1x16xf32>,
      %swap3A_725 = vector.shape_cast %swap3A_724 : vector<1x1x16xf32> to vector<16xf32>
      %swap3A_726 = vector.shape_cast %add3A_719 : vector<16xf32> to vector<1x1x16xf32>
      tpu.vector_store %arg8[%swap3A_721, %swap3A_722, %swap3A_723], %swap3A_726 {strides = array<i32>} : memref<5x80x64xf32, #tpu.memory_space<vmem>>, vector<1x1x16xf32>,
      %get3A_727 = arith.constant 2 : i32
      %get3A_728 = arith.index_cast %get3A_727 : i32 to index
      %get3A_729 = arith.index_cast %scan3A_706 : i32 to index
      %get3A_730 = arith.constant 16 : index
      %get3A_731 = tpu.vector_load %arg8[%get3A_728, %get3A_729, %get3A_730] {strides = array<i32>} : memref<5x80x64xf32, #tpu.memory_space<vmem>>, vector<1x1x16xf32>,
      %get3A_732 = vector.shape_cast %get3A_731 : vector<1x1x16xf32> to vector<16xf32>
      %add3A_733 = arith.constant 160 : i32
      %add3A_734 = arith.addi %add3A_733, %scan3A_706 : i32
      %get3A_735 = arith.index_cast %add3A_734 : i32 to index
      %get3A_736 = arith.constant 16 : index
      %get3A_737 = tpu.vector_load %arg7[%get3A_735, %get3A_736] {strides = array<i32>} : memref<400x64xf32, #tpu.memory_space<vmem>>, vector<1x16xf32>,
      %get3A_738 = vector.shape_cast %get3A_737 : vector<1x16xf32> to vector<16xf32>
      %add3A_739 = arith.addf %get3A_732, %get3A_738 : vector<16xf32>
      %swap3A_740 = arith.constant 2 : i32
      %swap3A_741 = arith.index_cast %swap3A_740 : i32 to index
      %swap3A_742 = arith.index_cast %scan3A_706 : i32 to index
      %swap3A_743 = arith.constant 16 : index
      %swap3A_744 = tpu.vector_load %arg8[%swap3A_741, %swap3A_742, %swap3A_743] {strides = array<i32>} : memref<5x80x64xf32, #tpu.memory_space<vmem>>, vector<1x1x16xf32>,
      %swap3A_745 = vector.shape_cast %swap3A_744 : vector<1x1x16xf32> to vector<16xf32>
      %swap3A_746 = vector.shape_cast %add3A_739 : vector<16xf32> to vector<1x1x16xf32>
      tpu.vector_store %arg8[%swap3A_741, %swap3A_742, %swap3A_743], %swap3A_746 {strides = array<i32>} : memref<5x80x64xf32, #tpu.memory_space<vmem>>, vector<1x1x16xf32>,
      %get3A_747 = arith.constant 2 : i32
      %get3A_748 = arith.index_cast %get3A_747 : i32 to index
      %get3A_749 = arith.index_cast %scan3A_706 : i32 to index
      %get3A_750 = arith.constant 32 : index
      %get3A_751 = tpu.vector_load %arg8[%get3A_748, %get3A_749, %get3A_750] {strides = array<i32>} : memref<5x80x64xf32, #tpu.memory_space<vmem>>, vector<1x1x16xf32>,
      %get3A_752 = vector.shape_cast %get3A_751 : vector<1x1x16xf32> to vector<16xf32>
      %add3A_753 = arith.constant 160 : i32
      %add3A_754 = arith.addi %add3A_753, %scan3A_706 : i32
      %get3A_755 = arith.index_cast %add3A_754 : i32 to index
      %get3A_756 = arith.constant 32 : index
      %get3A_757 = tpu.vector_load %arg7[%get3A_755, %get3A_756] {strides = array<i32>} : memref<400x64xf32, #tpu.memory_space<vmem>>, vector<1x16xf32>,
      %get3A_758 = vector.shape_cast %get3A_757 : vector<1x16xf32> to vector<16xf32>
      %add3A_759 = arith.addf %get3A_752, %get3A_758 : vector<16xf32>
      %swap3A_760 = arith.constant 2 : i32
      %swap3A_761 = arith.index_cast %swap3A_760 : i32 to index
      %swap3A_762 = arith.index_cast %scan3A_706 : i32 to index
      %swap3A_763 = arith.constant 32 : index
      %swap3A_764 = tpu.vector_load %arg8[%swap3A_761, %swap3A_762, %swap3A_763] {strides = array<i32>} : memref<5x80x64xf32, #tpu.memory_space<vmem>>, vector<1x1x16xf32>,
      %swap3A_765 = vector.shape_cast %swap3A_764 : vector<1x1x16xf32> to vector<16xf32>
      %swap3A_766 = vector.shape_cast %add3A_759 : vector<16xf32> to vector<1x1x16xf32>
      tpu.vector_store %arg8[%swap3A_761, %swap3A_762, %swap3A_763], %swap3A_766 {strides = array<i32>} : memref<5x80x64xf32, #tpu.memory_space<vmem>>, vector<1x1x16xf32>,
      %get3A_767 = arith.constant 2 : i32
      %get3A_768 = arith.index_cast %get3A_767 : i32 to index
      %get3A_769 = arith.index_cast %scan3A_706 : i32 to index
      %get3A_770 = arith.constant 48 : index
      %get3A_771 = tpu.vector_load %arg8[%get3A_768, %get3A_769, %get3A_770] {strides = array<i32>} : memref<5x80x64xf32, #tpu.memory_space<vmem>>, vector<1x1x16xf32>,
      %get3A_772 = vector.shape_cast %get3A_771 : vector<1x1x16xf32> to vector<16xf32>
      %add3A_773 = arith.constant 160 : i32
      %add3A_774 = arith.addi %add3A_773, %scan3A_706 : i32
      %get3A_775 = arith.index_cast %add3A_774 : i32 to index
      %get3A_776 = arith.constant 48 : index
      %get3A_777 = tpu.vector_load %arg7[%get3A_775, %get3A_776] {strides = array<i32>} : memref<400x64xf32, #tpu.memory_space<vmem>>, vector<1x16xf32>,
      %get3A_778 = vector.shape_cast %get3A_777 : vector<1x16xf32> to vector<16xf32>
      %add3A_779 = arith.addf %get3A_772, %get3A_778 : vector<16xf32>
      %swap3A_780 = arith.constant 2 : i32
      %swap3A_781 = arith.index_cast %swap3A_780 : i32 to index
      %swap3A_782 = arith.index_cast %scan3A_706 : i32 to index
      %swap3A_783 = arith.constant 48 : index
      %swap3A_784 = tpu.vector_load %arg8[%swap3A_781, %swap3A_782, %swap3A_783] {strides = array<i32>} : memref<5x80x64xf32, #tpu.memory_space<vmem>>, vector<1x1x16xf32>,
      %swap3A_785 = vector.shape_cast %swap3A_784 : vector<1x1x16xf32> to vector<16xf32>
      %swap3A_786 = vector.shape_cast %add3A_779 : vector<16xf32> to vector<1x1x16xf32>
      tpu.vector_store %arg8[%swap3A_781, %swap3A_782, %swap3A_783], %swap3A_786 {strides = array<i32>} : memref<5x80x64xf32, #tpu.memory_space<vmem>>, vector<1x1x16xf32>,
    }
    %scan3A_174 = arith.constant 80 : i32
    %dma_wait3A_175 = arith.constant 1 : i32
    %dma_wait3A_176 = arith.constant 0 : i32
    %dma_wait3A_177 = arith.constant 0 : i32
    %dma_wait3A_178 = tpu.memref_slice %arg8[%dma_wait3A_175, %dma_wait3A_176, %dma_wait3A_177] : memref<5x80x64xf32, #tpu.memory_space<vmem>> -> memref<1x80x64xf32, #tpu.memory_space<vmem>>
    %dma_wait3A_179 = tpu.memref_squeeze %dma_wait3A_178 : memref<1x80x64xf32, #tpu.memory_space<vmem>> -> memref<80x64xf32, #tpu.memory_space<vmem>>
    %dma_wait3A_180 = arith.constant 0 : i32
    %dma_wait3A_181 = arith.constant 0 : i32
    %dma_wait3A_182 = tpu.memref_slice %arg5[%dma_wait3A_180, %dma_wait3A_181] : memref<204800x64xf32, #tpu.memory_space<hbm>> -> memref<80x64xf32, #tpu.memory_space<hbm>>
    %dma_wait3A_183 = arith.constant 0 : i32
    %dma_wait3A_184 = arith.constant 0 : i32
    %dma_wait3A_185 = tpu.memref_slice %arg5[%dma_wait3A_183, %dma_wait3A_184] : memref<204800x64xf32, #tpu.memory_space<hbm>> -> memref<80x64xf32, #tpu.memory_space<hbm>>
    %dma_wait3A_186 = arith.constant 0 : i32
    %dma_wait3A_187 = arith.constant 0 : i32
    %dma_wait3A_188 = tpu.memref_slice %arg8[%dma_wait3A_175, %dma_wait3A_186, %dma_wait3A_187] : memref<5x80x64xf32, #tpu.memory_space<vmem>> -> memref<1x80x64xf32, #tpu.memory_space<vmem>>
    %dma_wait3A_189 = tpu.memref_squeeze %dma_wait3A_188 : memref<1x80x64xf32, #tpu.memory_space<vmem>> -> memref<80x64xf32, #tpu.memory_space<vmem>>
    tpu.wait_dma2 semaphore(%arg15 : memref<!tpu.dma_semaphore, #tpu.memory_space<semaphore_mem>>) src(%dma_wait3A_189 : memref<80x64xf32, #tpu.memory_space<vmem>>) dst(%dma_wait3A_185 : memref<80x64xf32, #tpu.memory_space<hbm>>)
    %dma_start3A_190 = arith.constant 6 : i32
    %dma_start3A_191 = arith.constant 1 : i32
    %dma_start3A_192 = arith.constant 0 : i32
    %dma_start3A_193 = arith.constant 0 : i32
    %dma_start3A_194 = tpu.memref_slice %arg8[%dma_start3A_191, %dma_start3A_192, %dma_start3A_193] : memref<5x80x64xf32, #tpu.memory_space<vmem>> -> memref<1x80x64xf32, #tpu.memory_space<vmem>>
    %dma_start3A_195 = tpu.memref_squeeze %dma_start3A_194 : memref<1x80x64xf32, #tpu.memory_space<vmem>> -> memref<80x64xf32, #tpu.memory_space<vmem>>
    %dma_start3A_196 = arith.constant 0 : i32
    %dma_start3A_197 = tpu.memref_slice %arg6[%dma_start3A_190, %dma_start3A_196] : memref<80x80xi32, #tpu.memory_space<vmem>> -> memref<1x80xi32, #tpu.memory_space<vmem>>
    %dma_start3A_198 = tpu.memref_squeeze %dma_start3A_197 : memref<1x80xi32, #tpu.memory_space<vmem>> -> memref<80xi32, #tpu.memory_space<vmem>>
    %dma_start3A_199 = arith.constant 0 : i32
    %dma_start3A_200 = arith.constant 0 : i32
    %dma_start3A_201 = tpu.memref_slice %arg3[%dma_start3A_199, %dma_start3A_200] : memref<1000000x64xf32, #tpu.memory_space<hbm>> -> memref<1000000x64xf32, #tpu.memory_space<hbm>>
    tpu.enqueue_indirect_dma source(%dma_start3A_201 : memref<1000000x64xf32, #tpu.memory_space<hbm>>) target(%dma_start3A_195 : memref<80x64xf32, #tpu.memory_space<vmem>>) offsets(%dma_start3A_198 : memref<80xi32, #tpu.memory_space<vmem>>) semaphore(%arg10 : memref<!tpu.dma_semaphore, #tpu.memory_space<semaphore_mem>>)
    %add3A_202 = arith.constant 2 : i32
    %add3A_203 = arith.addi %mul3A_2, %add3A_202 : i32
    %mul3A_204 = arith.constant 80 : i32
    %mul3A_205 = arith.muli %add3A_203, %mul3A_204 : i32
    %dma_start3A_206 = arith.constant 2 : i32
    %dma_start3A_207 = arith.constant 0 : i32
    %dma_start3A_208 = arith.constant 0 : i32
    %dma_start3A_209 = tpu.memref_slice %arg8[%dma_start3A_206, %dma_start3A_207, %dma_start3A_208] : memref<5x80x64xf32, #tpu.memory_space<vmem>> -> memref<1x80x64xf32, #tpu.memory_space<vmem>>
    %dma_start3A_210 = tpu.memref_squeeze %dma_start3A_209 : memref<1x80x64xf32, #tpu.memory_space<vmem>> -> memref<80x64xf32, #tpu.memory_space<vmem>>
    %dma_start3A_211 = arith.constant 0 : i32
    %dma_start3A_212 = tpu.memref_slice %arg5[%mul3A_205, %dma_start3A_211] : memref<204800x64xf32, #tpu.memory_space<hbm>> -> memref<80x64xf32, #tpu.memory_space<hbm>>
    %dma_start3A_213 = arith.constant 0 : i32
    %dma_start3A_214 = tpu.memref_slice %arg5[%mul3A_205, %dma_start3A_213] : memref<204800x64xf32, #tpu.memory_space<hbm>> -> memref<80x64xf32, #tpu.memory_space<hbm>>
    %dma_start3A_215 = arith.constant 0 : i32
    %dma_start3A_216 = arith.constant 0 : i32
    %dma_start3A_217 = tpu.memref_slice %arg8[%dma_start3A_206, %dma_start3A_215, %dma_start3A_216] : memref<5x80x64xf32, #tpu.memory_space<vmem>> -> memref<1x80x64xf32, #tpu.memory_space<vmem>>
    %dma_start3A_218 = tpu.memref_squeeze %dma_start3A_217 : memref<1x80x64xf32, #tpu.memory_space<vmem>> -> memref<80x64xf32, #tpu.memory_space<vmem>>
    tpu.enqueue_dma source(%dma_start3A_218 : memref<80x64xf32, #tpu.memory_space<vmem>>) target(%dma_start3A_214 : memref<80x64xf32, #tpu.memory_space<hbm>>) target_semaphore(%arg16 : memref<!tpu.dma_semaphore, #tpu.memory_space<semaphore_mem>>)
    %dma_wait3A_219 = arith.constant 0 : i32
    %dma_wait3A_220 = arith.constant 3 : i32
    %dma_wait3A_221 = arith.constant 0 : i32
    %dma_wait3A_222 = arith.constant 0 : i32
    %dma_wait3A_223 = tpu.memref_slice %arg8[%dma_wait3A_220, %dma_wait3A_221, %dma_wait3A_222] : memref<5x80x64xf32, #tpu.memory_space<vmem>> -> memref<1x80x64xf32, #tpu.memory_space<vmem>>
    %dma_wait3A_224 = tpu.memref_squeeze %dma_wait3A_223 : memref<1x80x64xf32, #tpu.memory_space<vmem>> -> memref<80x64xf32, #tpu.memory_space<vmem>>
    %dma_wait3A_225 = arith.constant 0 : i32
    %dma_wait3A_226 = tpu.memref_slice %arg6[%dma_wait3A_219, %dma_wait3A_225] : memref<80x80xi32, #tpu.memory_space<vmem>> -> memref<1x80xi32, #tpu.memory_space<vmem>>
    %dma_wait3A_227 = tpu.memref_squeeze %dma_wait3A_226 : memref<1x80xi32, #tpu.memory_space<vmem>> -> memref<80xi32, #tpu.memory_space<vmem>>
    %dma_wait3A_228 = arith.constant 0 : i32
    %dma_wait3A_229 = arith.constant 0 : i32
    %dma_wait3A_230 = tpu.memref_slice %arg3[%dma_wait3A_228, %dma_wait3A_229] : memref<1000000x64xf32, #tpu.memory_space<hbm>> -> memref<1000000x64xf32, #tpu.memory_space<hbm>>
    tpu.wait_indirect_dma semaphore(%arg12 : memref<!tpu.dma_semaphore, #tpu.memory_space<semaphore_mem>>) src(%dma_wait3A_230 : memref<1000000x64xf32, #tpu.memory_space<hbm>>) dst(%dma_wait3A_224 : memref<80x64xf32, #tpu.memory_space<vmem>>)
    %scan3A_231 = arith.constant 0 : i32
    %scan3A_232 = arith.constant 0 : i32
    %scan3A_233 = arith.constant 80 : i32
    %scan3A_234 = arith.addi %scan3A_232, %scan3A_233 : i32
    %scan3A_235 = arith.constant 2 : i32
    scf.for %scan3A_626 = %scan3A_232 to %scan3A_234 step %scan3A_235  : i32 {
      %get3A = arith.constant 3 : i32
      %get3A_627 = arith.index_cast %get3A : i32 to index
      %get3A_628 = arith.index_cast %scan3A_626 : i32 to index
      %get3A_629 = arith.constant 0 : index
      %get3A_630 = tpu.vector_load %arg8[%get3A_627, %get3A_628, %get3A_629] {strides = array<i32>} : memref<5x80x64xf32, #tpu.memory_space<vmem>>, vector<1x1x16xf32>,
      %get3A_631 = vector.shape_cast %get3A_630 : vector<1x1x16xf32> to vector<16xf32>
      %add3A_632 = arith.constant 40 : i32
      %add3A_633 = arith.addi %add3A_632, %scan3A_626 : i32
      %get3A_634 = arith.index_cast %add3A_633 : i32 to index
      %get3A_635 = arith.constant 0 : index
      %get3A_636 = tpu.vector_load %arg7[%get3A_634, %get3A_635] {strides = array<i32>} : memref<400x64xf32, #tpu.memory_space<vmem>>, vector<1x16xf32>,
      %get3A_637 = vector.shape_cast %get3A_636 : vector<1x16xf32> to vector<16xf32>
      %add3A_638 = arith.addf %get3A_631, %get3A_637 : vector<16xf32>
      %swap3A = arith.constant 3 : i32
      %swap3A_639 = arith.index_cast %swap3A : i32 to index
      %swap3A_640 = arith.index_cast %scan3A_626 : i32 to index
      %swap3A_641 = arith.constant 0 : index
      %swap3A_642 = tpu.vector_load %arg8[%swap3A_639, %swap3A_640, %swap3A_641] {strides = array<i32>} : memref<5x80x64xf32, #tpu.memory_space<vmem>>, vector<1x1x16xf32>,
      %swap3A_643 = vector.shape_cast %swap3A_642 : vector<1x1x16xf32> to vector<16xf32>
      %swap3A_644 = vector.shape_cast %add3A_638 : vector<16xf32> to vector<1x1x16xf32>
      tpu.vector_store %arg8[%swap3A_639, %swap3A_640, %swap3A_641], %swap3A_644 {strides = array<i32>} : memref<5x80x64xf32, #tpu.memory_space<vmem>>, vector<1x1x16xf32>,
      %get3A_645 = arith.constant 3 : i32
      %get3A_646 = arith.index_cast %get3A_645 : i32 to index
      %get3A_647 = arith.index_cast %scan3A_626 : i32 to index
      %get3A_648 = arith.constant 16 : index
      %get3A_649 = tpu.vector_load %arg8[%get3A_646, %get3A_647, %get3A_648] {strides = array<i32>} : memref<5x80x64xf32, #tpu.memory_space<vmem>>, vector<1x1x16xf32>,
      %get3A_650 = vector.shape_cast %get3A_649 : vector<1x1x16xf32> to vector<16xf32>
      %add3A_651 = arith.constant 40 : i32
      %add3A_652 = arith.addi %add3A_651, %scan3A_626 : i32
      %get3A_653 = arith.index_cast %add3A_652 : i32 to index
      %get3A_654 = arith.constant 16 : index
      %get3A_655 = tpu.vector_load %arg7[%get3A_653, %get3A_654] {strides = array<i32>} : memref<400x64xf32, #tpu.memory_space<vmem>>, vector<1x16xf32>,
      %get3A_656 = vector.shape_cast %get3A_655 : vector<1x16xf32> to vector<16xf32>
      %add3A_657 = arith.addf %get3A_650, %get3A_656 : vector<16xf32>
      %swap3A_658 = arith.constant 3 : i32
      %swap3A_659 = arith.index_cast %swap3A_658 : i32 to index
      %swap3A_660 = arith.index_cast %scan3A_626 : i32 to index
      %swap3A_661 = arith.constant 16 : index
      %swap3A_662 = tpu.vector_load %arg8[%swap3A_659, %swap3A_660, %swap3A_661] {strides = array<i32>} : memref<5x80x64xf32, #tpu.memory_space<vmem>>, vector<1x1x16xf32>,
      %swap3A_663 = vector.shape_cast %swap3A_662 : vector<1x1x16xf32> to vector<16xf32>
      %swap3A_664 = vector.shape_cast %add3A_657 : vector<16xf32> to vector<1x1x16xf32>
      tpu.vector_store %arg8[%swap3A_659, %swap3A_660, %swap3A_661], %swap3A_664 {strides = array<i32>} : memref<5x80x64xf32, #tpu.memory_space<vmem>>, vector<1x1x16xf32>,
      %get3A_665 = arith.constant 3 : i32
      %get3A_666 = arith.index_cast %get3A_665 : i32 to index
      %get3A_667 = arith.index_cast %scan3A_626 : i32 to index
      %get3A_668 = arith.constant 32 : index
      %get3A_669 = tpu.vector_load %arg8[%get3A_666, %get3A_667, %get3A_668] {strides = array<i32>} : memref<5x80x64xf32, #tpu.memory_space<vmem>>, vector<1x1x16xf32>,
      %get3A_670 = vector.shape_cast %get3A_669 : vector<1x1x16xf32> to vector<16xf32>
      %add3A_671 = arith.constant 40 : i32
      %add3A_672 = arith.addi %add3A_671, %scan3A_626 : i32
      %get3A_673 = arith.index_cast %add3A_672 : i32 to index
      %get3A_674 = arith.constant 32 : index
      %get3A_675 = tpu.vector_load %arg7[%get3A_673, %get3A_674] {strides = array<i32>} : memref<400x64xf32, #tpu.memory_space<vmem>>, vector<1x16xf32>,
      %get3A_676 = vector.shape_cast %get3A_675 : vector<1x16xf32> to vector<16xf32>
      %add3A_677 = arith.addf %get3A_670, %get3A_676 : vector<16xf32>
      %swap3A_678 = arith.constant 3 : i32
      %swap3A_679 = arith.index_cast %swap3A_678 : i32 to index
      %swap3A_680 = arith.index_cast %scan3A_626 : i32 to index
      %swap3A_681 = arith.constant 32 : index
      %swap3A_682 = tpu.vector_load %arg8[%swap3A_679, %swap3A_680, %swap3A_681] {strides = array<i32>} : memref<5x80x64xf32, #tpu.memory_space<vmem>>, vector<1x1x16xf32>,
      %swap3A_683 = vector.shape_cast %swap3A_682 : vector<1x1x16xf32> to vector<16xf32>
      %swap3A_684 = vector.shape_cast %add3A_677 : vector<16xf32> to vector<1x1x16xf32>
      tpu.vector_store %arg8[%swap3A_679, %swap3A_680, %swap3A_681], %swap3A_684 {strides = array<i32>} : memref<5x80x64xf32, #tpu.memory_space<vmem>>, vector<1x1x16xf32>,
      %get3A_685 = arith.constant 3 : i32
      %get3A_686 = arith.index_cast %get3A_685 : i32 to index
      %get3A_687 = arith.index_cast %scan3A_626 : i32 to index
      %get3A_688 = arith.constant 48 : index
      %get3A_689 = tpu.vector_load %arg8[%get3A_686, %get3A_687, %get3A_688] {strides = array<i32>} : memref<5x80x64xf32, #tpu.memory_space<vmem>>, vector<1x1x16xf32>,
      %get3A_690 = vector.shape_cast %get3A_689 : vector<1x1x16xf32> to vector<16xf32>
      %add3A_691 = arith.constant 40 : i32
      %add3A_692 = arith.addi %add3A_691, %scan3A_626 : i32
      %get3A_693 = arith.index_cast %add3A_692 : i32 to index
      %get3A_694 = arith.constant 48 : index
      %get3A_695 = tpu.vector_load %arg7[%get3A_693, %get3A_694] {strides = array<i32>} : memref<400x64xf32, #tpu.memory_space<vmem>>, vector<1x16xf32>,
      %get3A_696 = vector.shape_cast %get3A_695 : vector<1x16xf32> to vector<16xf32>
      %add3A_697 = arith.addf %get3A_690, %get3A_696 : vector<16xf32>
      %swap3A_698 = arith.constant 3 : i32
      %swap3A_699 = arith.index_cast %swap3A_698 : i32 to index
      %swap3A_700 = arith.index_cast %scan3A_626 : i32 to index
      %swap3A_701 = arith.constant 48 : index
      %swap3A_702 = tpu.vector_load %arg8[%swap3A_699, %swap3A_700, %swap3A_701] {strides = array<i32>} : memref<5x80x64xf32, #tpu.memory_space<vmem>>, vector<1x1x16xf32>,
      %swap3A_703 = vector.shape_cast %swap3A_702 : vector<1x1x16xf32> to vector<16xf32>
      %swap3A_704 = vector.shape_cast %add3A_697 : vector<16xf32> to vector<1x1x16xf32>
      tpu.vector_store %arg8[%swap3A_699, %swap3A_700, %swap3A_701], %swap3A_704 {strides = array<i32>} : memref<5x80x64xf32, #tpu.memory_space<vmem>>, vector<1x1x16xf32>,
      %scan3A_705 = arith.constant 1 : i32
      %scan3A_706 = arith.addi %scan3A_626, %scan3A_705 : i32
      %get3A_707 = arith.constant 3 : i32
      %get3A_708 = arith.index_cast %get3A_707 : i32 to index
      %get3A_709 = arith.index_cast %scan3A_706 : i32 to index
      %get3A_710 = arith.constant 0 : index
      %get3A_711 = tpu.vector_load %arg8[%get3A_708, %get3A_709, %get3A_710] {strides = array<i32>} : memref<5x80x64xf32, #tpu.memory_space<vmem>>, vector<1x1x16xf32>,
      %get3A_712 = vector.shape_cast %get3A_711 : vector<1x1x16xf32> to vector<16xf32>
      %add3A_713 = arith.constant 40 : i32
      %add3A_714 = arith.addi %add3A_713, %scan3A_706 : i32
      %get3A_715 = arith.index_cast %add3A_714 : i32 to index
      %get3A_716 = arith.constant 0 : index
      %get3A_717 = tpu.vector_load %arg7[%get3A_715, %get3A_716] {strides = array<i32>} : memref<400x64xf32, #tpu.memory_space<vmem>>, vector<1x16xf32>,
      %get3A_718 = vector.shape_cast %get3A_717 : vector<1x16xf32> to vector<16xf32>
      %add3A_719 = arith.addf %get3A_712, %get3A_718 : vector<16xf32>
      %swap3A_720 = arith.constant 3 : i32
      %swap3A_721 = arith.index_cast %swap3A_720 : i32 to index
      %swap3A_722 = arith.index_cast %scan3A_706 : i32 to index
      %swap3A_723 = arith.constant 0 : index
      %swap3A_724 = tpu.vector_load %arg8[%swap3A_721, %swap3A_722, %swap3A_723] {strides = array<i32>} : memref<5x80x64xf32, #tpu.memory_space<vmem>>, vector<1x1x16xf32>,
      %swap3A_725 = vector.shape_cast %swap3A_724 : vector<1x1x16xf32> to vector<16xf32>
      %swap3A_726 = vector.shape_cast %add3A_719 : vector<16xf32> to vector<1x1x16xf32>
      tpu.vector_store %arg8[%swap3A_721, %swap3A_722, %swap3A_723], %swap3A_726 {strides = array<i32>} : memref<5x80x64xf32, #tpu.memory_space<vmem>>, vector<1x1x16xf32>,
      %get3A_727 = arith.constant 3 : i32
      %get3A_728 = arith.index_cast %get3A_727 : i32 to index
      %get3A_729 = arith.index_cast %scan3A_706 : i32 to index
      %get3A_730 = arith.constant 16 : index
      %get3A_731 = tpu.vector_load %arg8[%get3A_728, %get3A_729, %get3A_730] {strides = array<i32>} : memref<5x80x64xf32, #tpu.memory_space<vmem>>, vector<1x1x16xf32>,
      %get3A_732 = vector.shape_cast %get3A_731 : vector<1x1x16xf32> to vector<16xf32>
      %add3A_733 = arith.constant 40 : i32
      %add3A_734 = arith.addi %add3A_733, %scan3A_706 : i32
      %get3A_735 = arith.index_cast %add3A_734 : i32 to index
      %get3A_736 = arith.constant 16 : index
      %get3A_737 = tpu.vector_load %arg7[%get3A_735, %get3A_736] {strides = array<i32>} : memref<400x64xf32, #tpu.memory_space<vmem>>, vector<1x16xf32>,
      %get3A_738 = vector.shape_cast %get3A_737 : vector<1x16xf32> to vector<16xf32>
      %add3A_739 = arith.addf %get3A_732, %get3A_738 : vector<16xf32>
      %swap3A_740 = arith.constant 3 : i32
      %swap3A_741 = arith.index_cast %swap3A_740 : i32 to index
      %swap3A_742 = arith.index_cast %scan3A_706 : i32 to index
      %swap3A_743 = arith.constant 16 : index
      %swap3A_744 = tpu.vector_load %arg8[%swap3A_741, %swap3A_742, %swap3A_743] {strides = array<i32>} : memref<5x80x64xf32, #tpu.memory_space<vmem>>, vector<1x1x16xf32>,
      %swap3A_745 = vector.shape_cast %swap3A_744 : vector<1x1x16xf32> to vector<16xf32>
      %swap3A_746 = vector.shape_cast %add3A_739 : vector<16xf32> to vector<1x1x16xf32>
      tpu.vector_store %arg8[%swap3A_741, %swap3A_742, %swap3A_743], %swap3A_746 {strides = array<i32>} : memref<5x80x64xf32, #tpu.memory_space<vmem>>, vector<1x1x16xf32>,
      %get3A_747 = arith.constant 3 : i32
      %get3A_748 = arith.index_cast %get3A_747 : i32 to index
      %get3A_749 = arith.index_cast %scan3A_706 : i32 to index
      %get3A_750 = arith.constant 32 : index
      %get3A_751 = tpu.vector_load %arg8[%get3A_748, %get3A_749, %get3A_750] {strides = array<i32>} : memref<5x80x64xf32, #tpu.memory_space<vmem>>, vector<1x1x16xf32>,
      %get3A_752 = vector.shape_cast %get3A_751 : vector<1x1x16xf32> to vector<16xf32>
      %add3A_753 = arith.constant 40 : i32
      %add3A_754 = arith.addi %add3A_753, %scan3A_706 : i32
      %get3A_755 = arith.index_cast %add3A_754 : i32 to index
      %get3A_756 = arith.constant 32 : index
      %get3A_757 = tpu.vector_load %arg7[%get3A_755, %get3A_756] {strides = array<i32>} : memref<400x64xf32, #tpu.memory_space<vmem>>, vector<1x16xf32>,
      %get3A_758 = vector.shape_cast %get3A_757 : vector<1x16xf32> to vector<16xf32>
      %add3A_759 = arith.addf %get3A_752, %get3A_758 : vector<16xf32>
      %swap3A_760 = arith.constant 3 : i32
      %swap3A_761 = arith.index_cast %swap3A_760 : i32 to index
      %swap3A_762 = arith.index_cast %scan3A_706 : i32 to index
      %swap3A_763 = arith.constant 32 : index
      %swap3A_764 = tpu.vector_load %arg8[%swap3A_761, %swap3A_762, %swap3A_763] {strides = array<i32>} : memref<5x80x64xf32, #tpu.memory_space<vmem>>, vector<1x1x16xf32>,
      %swap3A_765 = vector.shape_cast %swap3A_764 : vector<1x1x16xf32> to vector<16xf32>
      %swap3A_766 = vector.shape_cast %add3A_759 : vector<16xf32> to vector<1x1x16xf32>
      tpu.vector_store %arg8[%swap3A_761, %swap3A_762, %swap3A_763], %swap3A_766 {strides = array<i32>} : memref<5x80x64xf32, #tpu.memory_space<vmem>>, vector<1x1x16xf32>,
      %get3A_767 = arith.constant 3 : i32
      %get3A_768 = arith.index_cast %get3A_767 : i32 to index
      %get3A_769 = arith.index_cast %scan3A_706 : i32 to index
      %get3A_770 = arith.constant 48 : index
      %get3A_771 = tpu.vector_load %arg8[%get3A_768, %get3A_769, %get3A_770] {strides = array<i32>} : memref<5x80x64xf32, #tpu.memory_space<vmem>>, vector<1x1x16xf32>,
      %get3A_772 = vector.shape_cast %get3A_771 : vector<1x1x16xf32> to vector<16xf32>
      %add3A_773 = arith.constant 40 : i32
      %add3A_774 = arith.addi %add3A_773, %scan3A_706 : i32
      %get3A_775 = arith.index_cast %add3A_774 : i32 to index
      %get3A_776 = arith.constant 48 : index
      %get3A_777 = tpu.vector_load %arg7[%get3A_775, %get3A_776] {strides = array<i32>} : memref<400x64xf32, #tpu.memory_space<vmem>>, vector<1x16xf32>,
      %get3A_778 = vector.shape_cast %get3A_777 : vector<1x16xf32> to vector<16xf32>
      %add3A_779 = arith.addf %get3A_772, %get3A_778 : vector<16xf32>
      %swap3A_780 = arith.constant 3 : i32
      %swap3A_781 = arith.index_cast %swap3A_780 : i32 to index
      %swap3A_782 = arith.index_cast %scan3A_706 : i32 to index
      %swap3A_783 = arith.constant 48 : index
      %swap3A_784 = tpu.vector_load %arg8[%swap3A_781, %swap3A_782, %swap3A_783] {strides = array<i32>} : memref<5x80x64xf32, #tpu.memory_space<vmem>>, vector<1x1x16xf32>,
      %swap3A_785 = vector.shape_cast %swap3A_784 : vector<1x1x16xf32> to vector<16xf32>
      %swap3A_786 = vector.shape_cast %add3A_779 : vector<16xf32> to vector<1x1x16xf32>
      tpu.vector_store %arg8[%swap3A_781, %swap3A_782, %swap3A_783], %swap3A_786 {strides = array<i32>} : memref<5x80x64xf32, #tpu.memory_space<vmem>>, vector<1x1x16xf32>,
    }
    %scan3A_236 = arith.constant 80 : i32
    %dma_wait3A_237 = arith.constant 2 : i32
    %dma_wait3A_238 = arith.constant 0 : i32
    %dma_wait3A_239 = arith.constant 0 : i32
    %dma_wait3A_240 = tpu.memref_slice %arg8[%dma_wait3A_237, %dma_wait3A_238, %dma_wait3A_239] : memref<5x80x64xf32, #tpu.memory_space<vmem>> -> memref<1x80x64xf32, #tpu.memory_space<vmem>>
    %dma_wait3A_241 = tpu.memref_squeeze %dma_wait3A_240 : memref<1x80x64xf32, #tpu.memory_space<vmem>> -> memref<80x64xf32, #tpu.memory_space<vmem>>
    %dma_wait3A_242 = arith.constant 0 : i32
    %dma_wait3A_243 = arith.constant 0 : i32
    %dma_wait3A_244 = tpu.memref_slice %arg5[%dma_wait3A_242, %dma_wait3A_243] : memref<204800x64xf32, #tpu.memory_space<hbm>> -> memref<80x64xf32, #tpu.memory_space<hbm>>
    %dma_wait3A_245 = arith.constant 0 : i32
    %dma_wait3A_246 = arith.constant 0 : i32
    %dma_wait3A_247 = tpu.memref_slice %arg5[%dma_wait3A_245, %dma_wait3A_246] : memref<204800x64xf32, #tpu.memory_space<hbm>> -> memref<80x64xf32, #tpu.memory_space<hbm>>
    %dma_wait3A_248 = arith.constant 0 : i32
    %dma_wait3A_249 = arith.constant 0 : i32
    %dma_wait3A_250 = tpu.memref_slice %arg8[%dma_wait3A_237, %dma_wait3A_248, %dma_wait3A_249] : memref<5x80x64xf32, #tpu.memory_space<vmem>> -> memref<1x80x64xf32, #tpu.memory_space<vmem>>
    %dma_wait3A_251 = tpu.memref_squeeze %dma_wait3A_250 : memref<1x80x64xf32, #tpu.memory_space<vmem>> -> memref<80x64xf32, #tpu.memory_space<vmem>>
    tpu.wait_dma2 semaphore(%arg16 : memref<!tpu.dma_semaphore, #tpu.memory_space<semaphore_mem>>) src(%dma_wait3A_251 : memref<80x64xf32, #tpu.memory_space<vmem>>) dst(%dma_wait3A_247 : memref<80x64xf32, #tpu.memory_space<hbm>>)
    %dma_start3A_252 = arith.constant 7 : i32
    %dma_start3A_253 = arith.constant 2 : i32
    %dma_start3A_254 = arith.constant 0 : i32
    %dma_start3A_255 = arith.constant 0 : i32
    %dma_start3A_256 = tpu.memref_slice %arg8[%dma_start3A_253, %dma_start3A_254, %dma_start3A_255] : memref<5x80x64xf32, #tpu.memory_space<vmem>> -> memref<1x80x64xf32, #tpu.memory_space<vmem>>
    %dma_start3A_257 = tpu.memref_squeeze %dma_start3A_256 : memref<1x80x64xf32, #tpu.memory_space<vmem>> -> memref<80x64xf32, #tpu.memory_space<vmem>>
    %dma_start3A_258 = arith.constant 0 : i32
    %dma_start3A_259 = tpu.memref_slice %arg6[%dma_start3A_252, %dma_start3A_258] : memref<80x80xi32, #tpu.memory_space<vmem>> -> memref<1x80xi32, #tpu.memory_space<vmem>>
    %dma_start3A_260 = tpu.memref_squeeze %dma_start3A_259 : memref<1x80xi32, #tpu.memory_space<vmem>> -> memref<80xi32, #tpu.memory_space<vmem>>
    %dma_start3A_261 = arith.constant 0 : i32
    %dma_start3A_262 = arith.constant 0 : i32
    %dma_start3A_263 = tpu.memref_slice %arg3[%dma_start3A_261, %dma_start3A_262] : memref<1000000x64xf32, #tpu.memory_space<hbm>> -> memref<1000000x64xf32, #tpu.memory_space<hbm>>
    tpu.enqueue_indirect_dma source(%dma_start3A_263 : memref<1000000x64xf32, #tpu.memory_space<hbm>>) target(%dma_start3A_257 : memref<80x64xf32, #tpu.memory_space<vmem>>) offsets(%dma_start3A_260 : memref<80xi32, #tpu.memory_space<vmem>>) semaphore(%arg11 : memref<!tpu.dma_semaphore, #tpu.memory_space<semaphore_mem>>)
    %add3A_264 = arith.constant 3 : i32
    %add3A_265 = arith.addi %mul3A_2, %add3A_264 : i32
    %mul3A_266 = arith.constant 80 : i32
    %mul3A_267 = arith.muli %add3A_265, %mul3A_266 : i32
    %dma_start3A_268 = arith.constant 3 : i32
    %dma_start3A_269 = arith.constant 0 : i32
    %dma_start3A_270 = arith.constant 0 : i32
    %dma_start3A_271 = tpu.memref_slice %arg8[%dma_start3A_268, %dma_start3A_269, %dma_start3A_270] : memref<5x80x64xf32, #tpu.memory_space<vmem>> -> memref<1x80x64xf32, #tpu.memory_space<vmem>>
    %dma_start3A_272 = tpu.memref_squeeze %dma_start3A_271 : memref<1x80x64xf32, #tpu.memory_space<vmem>> -> memref<80x64xf32, #tpu.memory_space<vmem>>
    %dma_start3A_273 = arith.constant 0 : i32
    %dma_start3A_274 = tpu.memref_slice %arg5[%mul3A_267, %dma_start3A_273] : memref<204800x64xf32, #tpu.memory_space<hbm>> -> memref<80x64xf32, #tpu.memory_space<hbm>>
    %dma_start3A_275 = arith.constant 0 : i32
    %dma_start3A_276 = tpu.memref_slice %arg5[%mul3A_267, %dma_start3A_275] : memref<204800x64xf32, #tpu.memory_space<hbm>> -> memref<80x64xf32, #tpu.memory_space<hbm>>
    %dma_start3A_277 = arith.constant 0 : i32
    %dma_start3A_278 = arith.constant 0 : i32
    %dma_start3A_279 = tpu.memref_slice %arg8[%dma_start3A_268, %dma_start3A_277, %dma_start3A_278] : memref<5x80x64xf32, #tpu.memory_space<vmem>> -> memref<1x80x64xf32, #tpu.memory_space<vmem>>
    %dma_start3A_280 = tpu.memref_squeeze %dma_start3A_279 : memref<1x80x64xf32, #tpu.memory_space<vmem>> -> memref<80x64xf32, #tpu.memory_space<vmem>>
    tpu.enqueue_dma source(%dma_start3A_280 : memref<80x64xf32, #tpu.memory_space<vmem>>) target(%dma_start3A_276 : memref<80x64xf32, #tpu.memory_space<hbm>>) target_semaphore(%arg17 : memref<!tpu.dma_semaphore, #tpu.memory_space<semaphore_mem>>)
    %dma_wait3A_281 = arith.constant 0 : i32
    %dma_wait3A_282 = arith.constant 4 : i32
    %dma_wait3A_283 = arith.constant 0 : i32
    %dma_wait3A_284 = arith.constant 0 : i32
    %dma_wait3A_285 = tpu.memref_slice %arg8[%dma_wait3A_282, %dma_wait3A_283, %dma_wait3A_284] : memref<5x80x64xf32, #tpu.memory_space<vmem>> -> memref<1x80x64xf32, #tpu.memory_space<vmem>>
    %dma_wait3A_286 = tpu.memref_squeeze %dma_wait3A_285 : memref<1x80x64xf32, #tpu.memory_space<vmem>> -> memref<80x64xf32, #tpu.memory_space<vmem>>
    %dma_wait3A_287 = arith.constant 0 : i32
    %dma_wait3A_288 = tpu.memref_slice %arg6[%dma_wait3A_281, %dma_wait3A_287] : memref<80x80xi32, #tpu.memory_space<vmem>> -> memref<1x80xi32, #tpu.memory_space<vmem>>
    %dma_wait3A_289 = tpu.memref_squeeze %dma_wait3A_288 : memref<1x80xi32, #tpu.memory_space<vmem>> -> memref<80xi32, #tpu.memory_space<vmem>>
    %dma_wait3A_290 = arith.constant 0 : i32
    %dma_wait3A_291 = arith.constant 0 : i32
    %dma_wait3A_292 = tpu.memref_slice %arg3[%dma_wait3A_290, %dma_wait3A_291] : memref<1000000x64xf32, #tpu.memory_space<hbm>> -> memref<1000000x64xf32, #tpu.memory_space<hbm>>
    tpu.wait_indirect_dma semaphore(%arg13 : memref<!tpu.dma_semaphore, #tpu.memory_space<semaphore_mem>>) src(%dma_wait3A_292 : memref<1000000x64xf32, #tpu.memory_space<hbm>>) dst(%dma_wait3A_286 : memref<80x64xf32, #tpu.memory_space<vmem>>)
    %scan3A_293 = arith.constant 0 : i32
    %scan3A_294 = arith.constant 0 : i32
    %scan3A_295 = arith.constant 80 : i32
    %scan3A_296 = arith.addi %scan3A_294, %scan3A_295 : i32
    %scan3A_297 = arith.constant 2 : i32
    scf.for %scan3A_626 = %scan3A_294 to %scan3A_296 step %scan3A_297  : i32 {
      %get3A = arith.constant 4 : i32
      %get3A_627 = arith.index_cast %get3A : i32 to index
      %get3A_628 = arith.index_cast %scan3A_626 : i32 to index
      %get3A_629 = arith.constant 0 : index
      %get3A_630 = tpu.vector_load %arg8[%get3A_627, %get3A_628, %get3A_629] {strides = array<i32>} : memref<5x80x64xf32, #tpu.memory_space<vmem>>, vector<1x1x16xf32>,
      %get3A_631 = vector.shape_cast %get3A_630 : vector<1x1x16xf32> to vector<16xf32>
      %add3A_632 = arith.constant 120 : i32
      %add3A_633 = arith.addi %add3A_632, %scan3A_626 : i32
      %get3A_634 = arith.index_cast %add3A_633 : i32 to index
      %get3A_635 = arith.constant 0 : index
      %get3A_636 = tpu.vector_load %arg7[%get3A_634, %get3A_635] {strides = array<i32>} : memref<400x64xf32, #tpu.memory_space<vmem>>, vector<1x16xf32>,
      %get3A_637 = vector.shape_cast %get3A_636 : vector<1x16xf32> to vector<16xf32>
      %add3A_638 = arith.addf %get3A_631, %get3A_637 : vector<16xf32>
      %swap3A = arith.constant 4 : i32
      %swap3A_639 = arith.index_cast %swap3A : i32 to index
      %swap3A_640 = arith.index_cast %scan3A_626 : i32 to index
      %swap3A_641 = arith.constant 0 : index
      %swap3A_642 = tpu.vector_load %arg8[%swap3A_639, %swap3A_640, %swap3A_641] {strides = array<i32>} : memref<5x80x64xf32, #tpu.memory_space<vmem>>, vector<1x1x16xf32>,
      %swap3A_643 = vector.shape_cast %swap3A_642 : vector<1x1x16xf32> to vector<16xf32>
      %swap3A_644 = vector.shape_cast %add3A_638 : vector<16xf32> to vector<1x1x16xf32>
      tpu.vector_store %arg8[%swap3A_639, %swap3A_640, %swap3A_641], %swap3A_644 {strides = array<i32>} : memref<5x80x64xf32, #tpu.memory_space<vmem>>, vector<1x1x16xf32>,
      %get3A_645 = arith.constant 4 : i32
      %get3A_646 = arith.index_cast %get3A_645 : i32 to index
      %get3A_647 = arith.index_cast %scan3A_626 : i32 to index
      %get3A_648 = arith.constant 16 : index
      %get3A_649 = tpu.vector_load %arg8[%get3A_646, %get3A_647, %get3A_648] {strides = array<i32>} : memref<5x80x64xf32, #tpu.memory_space<vmem>>, vector<1x1x16xf32>,
      %get3A_650 = vector.shape_cast %get3A_649 : vector<1x1x16xf32> to vector<16xf32>
      %add3A_651 = arith.constant 120 : i32
      %add3A_652 = arith.addi %add3A_651, %scan3A_626 : i32
      %get3A_653 = arith.index_cast %add3A_652 : i32 to index
      %get3A_654 = arith.constant 16 : index
      %get3A_655 = tpu.vector_load %arg7[%get3A_653, %get3A_654] {strides = array<i32>} : memref<400x64xf32, #tpu.memory_space<vmem>>, vector<1x16xf32>,
      %get3A_656 = vector.shape_cast %get3A_655 : vector<1x16xf32> to vector<16xf32>
      %add3A_657 = arith.addf %get3A_650, %get3A_656 : vector<16xf32>
      %swap3A_658 = arith.constant 4 : i32
      %swap3A_659 = arith.index_cast %swap3A_658 : i32 to index
      %swap3A_660 = arith.index_cast %scan3A_626 : i32 to index
      %swap3A_661 = arith.constant 16 : index
      %swap3A_662 = tpu.vector_load %arg8[%swap3A_659, %swap3A_660, %swap3A_661] {strides = array<i32>} : memref<5x80x64xf32, #tpu.memory_space<vmem>>, vector<1x1x16xf32>,
      %swap3A_663 = vector.shape_cast %swap3A_662 : vector<1x1x16xf32> to vector<16xf32>
      %swap3A_664 = vector.shape_cast %add3A_657 : vector<16xf32> to vector<1x1x16xf32>
      tpu.vector_store %arg8[%swap3A_659, %swap3A_660, %swap3A_661], %swap3A_664 {strides = array<i32>} : memref<5x80x64xf32, #tpu.memory_space<vmem>>, vector<1x1x16xf32>,
      %get3A_665 = arith.constant 4 : i32
      %get3A_666 = arith.index_cast %get3A_665 : i32 to index
      %get3A_667 = arith.index_cast %scan3A_626 : i32 to index
      %get3A_668 = arith.constant 32 : index
      %get3A_669 = tpu.vector_load %arg8[%get3A_666, %get3A_667, %get3A_668] {strides = array<i32>} : memref<5x80x64xf32, #tpu.memory_space<vmem>>, vector<1x1x16xf32>,
      %get3A_670 = vector.shape_cast %get3A_669 : vector<1x1x16xf32> to vector<16xf32>
      %add3A_671 = arith.constant 120 : i32
      %add3A_672 = arith.addi %add3A_671, %scan3A_626 : i32
      %get3A_673 = arith.index_cast %add3A_672 : i32 to index
      %get3A_674 = arith.constant 32 : index
      %get3A_675 = tpu.vector_load %arg7[%get3A_673, %get3A_674] {strides = array<i32>} : memref<400x64xf32, #tpu.memory_space<vmem>>, vector<1x16xf32>,
      %get3A_676 = vector.shape_cast %get3A_675 : vector<1x16xf32> to vector<16xf32>
      %add3A_677 = arith.addf %get3A_670, %get3A_676 : vector<16xf32>
      %swap3A_678 = arith.constant 4 : i32
      %swap3A_679 = arith.index_cast %swap3A_678 : i32 to index
      %swap3A_680 = arith.index_cast %scan3A_626 : i32 to index
      %swap3A_681 = arith.constant 32 : index
      %swap3A_682 = tpu.vector_load %arg8[%swap3A_679, %swap3A_680, %swap3A_681] {strides = array<i32>} : memref<5x80x64xf32, #tpu.memory_space<vmem>>, vector<1x1x16xf32>,
      %swap3A_683 = vector.shape_cast %swap3A_682 : vector<1x1x16xf32> to vector<16xf32>
      %swap3A_684 = vector.shape_cast %add3A_677 : vector<16xf32> to vector<1x1x16xf32>
      tpu.vector_store %arg8[%swap3A_679, %swap3A_680, %swap3A_681], %swap3A_684 {strides = array<i32>} : memref<5x80x64xf32, #tpu.memory_space<vmem>>, vector<1x1x16xf32>,
      %get3A_685 = arith.constant 4 : i32
      %get3A_686 = arith.index_cast %get3A_685 : i32 to index
      %get3A_687 = arith.index_cast %scan3A_626 : i32 to index
      %get3A_688 = arith.constant 48 : index
      %get3A_689 = tpu.vector_load %arg8[%get3A_686, %get3A_687, %get3A_688] {strides = array<i32>} : memref<5x80x64xf32, #tpu.memory_space<vmem>>, vector<1x1x16xf32>,
      %get3A_690 = vector.shape_cast %get3A_689 : vector<1x1x16xf32> to vector<16xf32>
      %add3A_691 = arith.constant 120 : i32
      %add3A_692 = arith.addi %add3A_691, %scan3A_626 : i32
      %get3A_693 = arith.index_cast %add3A_692 : i32 to index
      %get3A_694 = arith.constant 48 : index
      %get3A_695 = tpu.vector_load %arg7[%get3A_693, %get3A_694] {strides = array<i32>} : memref<400x64xf32, #tpu.memory_space<vmem>>, vector<1x16xf32>,
      %get3A_696 = vector.shape_cast %get3A_695 : vector<1x16xf32> to vector<16xf32>
      %add3A_697 = arith.addf %get3A_690, %get3A_696 : vector<16xf32>
      %swap3A_698 = arith.constant 4 : i32
      %swap3A_699 = arith.index_cast %swap3A_698 : i32 to index
      %swap3A_700 = arith.index_cast %scan3A_626 : i32 to index
      %swap3A_701 = arith.constant 48 : index
      %swap3A_702 = tpu.vector_load %arg8[%swap3A_699, %swap3A_700, %swap3A_701] {strides = array<i32>} : memref<5x80x64xf32, #tpu.memory_space<vmem>>, vector<1x1x16xf32>,
      %swap3A_703 = vector.shape_cast %swap3A_702 : vector<1x1x16xf32> to vector<16xf32>
      %swap3A_704 = vector.shape_cast %add3A_697 : vector<16xf32> to vector<1x1x16xf32>
      tpu.vector_store %arg8[%swap3A_699, %swap3A_700, %swap3A_701], %swap3A_704 {strides = array<i32>} : memref<5x80x64xf32, #tpu.memory_space<vmem>>, vector<1x1x16xf32>,
      %scan3A_705 = arith.constant 1 : i32
      %scan3A_706 = arith.addi %scan3A_626, %scan3A_705 : i32
      %get3A_707 = arith.constant 4 : i32
      %get3A_708 = arith.index_cast %get3A_707 : i32 to index
      %get3A_709 = arith.index_cast %scan3A_706 : i32 to index
      %get3A_710 = arith.constant 0 : index
      %get3A_711 = tpu.vector_load %arg8[%get3A_708, %get3A_709, %get3A_710] {strides = array<i32>} : memref<5x80x64xf32, #tpu.memory_space<vmem>>, vector<1x1x16xf32>,
      %get3A_712 = vector.shape_cast %get3A_711 : vector<1x1x16xf32> to vector<16xf32>
      %add3A_713 = arith.constant 120 : i32
      %add3A_714 = arith.addi %add3A_713, %scan3A_706 : i32
      %get3A_715 = arith.index_cast %add3A_714 : i32 to index
      %get3A_716 = arith.constant 0 : index
      %get3A_717 = tpu.vector_load %arg7[%get3A_715, %get3A_716] {strides = array<i32>} : memref<400x64xf32, #tpu.memory_space<vmem>>, vector<1x16xf32>,
      %get3A_718 = vector.shape_cast %get3A_717 : vector<1x16xf32> to vector<16xf32>
      %add3A_719 = arith.addf %get3A_712, %get3A_718 : vector<16xf32>
      %swap3A_720 = arith.constant 4 : i32
      %swap3A_721 = arith.index_cast %swap3A_720 : i32 to index
      %swap3A_722 = arith.index_cast %scan3A_706 : i32 to index
      %swap3A_723 = arith.constant 0 : index
      %swap3A_724 = tpu.vector_load %arg8[%swap3A_721, %swap3A_722, %swap3A_723] {strides = array<i32>} : memref<5x80x64xf32, #tpu.memory_space<vmem>>, vector<1x1x16xf32>,
      %swap3A_725 = vector.shape_cast %swap3A_724 : vector<1x1x16xf32> to vector<16xf32>
      %swap3A_726 = vector.shape_cast %add3A_719 : vector<16xf32> to vector<1x1x16xf32>
      tpu.vector_store %arg8[%swap3A_721, %swap3A_722, %swap3A_723], %swap3A_726 {strides = array<i32>} : memref<5x80x64xf32, #tpu.memory_space<vmem>>, vector<1x1x16xf32>,
      %get3A_727 = arith.constant 4 : i32
      %get3A_728 = arith.index_cast %get3A_727 : i32 to index
      %get3A_729 = arith.index_cast %scan3A_706 : i32 to index
      %get3A_730 = arith.constant 16 : index
      %get3A_731 = tpu.vector_load %arg8[%get3A_728, %get3A_729, %get3A_730] {strides = array<i32>} : memref<5x80x64xf32, #tpu.memory_space<vmem>>, vector<1x1x16xf32>,
      %get3A_732 = vector.shape_cast %get3A_731 : vector<1x1x16xf32> to vector<16xf32>
      %add3A_733 = arith.constant 120 : i32
      %add3A_734 = arith.addi %add3A_733, %scan3A_706 : i32
      %get3A_735 = arith.index_cast %add3A_734 : i32 to index
      %get3A_736 = arith.constant 16 : index
      %get3A_737 = tpu.vector_load %arg7[%get3A_735, %get3A_736] {strides = array<i32>} : memref<400x64xf32, #tpu.memory_space<vmem>>, vector<1x16xf32>,
      %get3A_738 = vector.shape_cast %get3A_737 : vector<1x16xf32> to vector<16xf32>
      %add3A_739 = arith.addf %get3A_732, %get3A_738 : vector<16xf32>
      %swap3A_740 = arith.constant 4 : i32
      %swap3A_741 = arith.index_cast %swap3A_740 : i32 to index
      %swap3A_742 = arith.index_cast %scan3A_706 : i32 to index
      %swap3A_743 = arith.constant 16 : index
      %swap3A_744 = tpu.vector_load %arg8[%swap3A_741, %swap3A_742, %swap3A_743] {strides = array<i32>} : memref<5x80x64xf32, #tpu.memory_space<vmem>>, vector<1x1x16xf32>,
      %swap3A_745 = vector.shape_cast %swap3A_744 : vector<1x1x16xf32> to vector<16xf32>
      %swap3A_746 = vector.shape_cast %add3A_739 : vector<16xf32> to vector<1x1x16xf32>
      tpu.vector_store %arg8[%swap3A_741, %swap3A_742, %swap3A_743], %swap3A_746 {strides = array<i32>} : memref<5x80x64xf32, #tpu.memory_space<vmem>>, vector<1x1x16xf32>,
      %get3A_747 = arith.constant 4 : i32
      %get3A_748 = arith.index_cast %get3A_747 : i32 to index
      %get3A_749 = arith.index_cast %scan3A_706 : i32 to index
      %get3A_750 = arith.constant 32 : index
      %get3A_751 = tpu.vector_load %arg8[%get3A_748, %get3A_749, %get3A_750] {strides = array<i32>} : memref<5x80x64xf32, #tpu.memory_space<vmem>>, vector<1x1x16xf32>,
      %get3A_752 = vector.shape_cast %get3A_751 : vector<1x1x16xf32> to vector<16xf32>
      %add3A_753 = arith.constant 120 : i32
      %add3A_754 = arith.addi %add3A_753, %scan3A_706 : i32
      %get3A_755 = arith.index_cast %add3A_754 : i32 to index
      %get3A_756 = arith.constant 32 : index
      %get3A_757 = tpu.vector_load %arg7[%get3A_755, %get3A_756] {strides = array<i32>} : memref<400x64xf32, #tpu.memory_space<vmem>>, vector<1x16xf32>,
      %get3A_758 = vector.shape_cast %get3A_757 : vector<1x16xf32> to vector<16xf32>
      %add3A_759 = arith.addf %get3A_752, %get3A_758 : vector<16xf32>
      %swap3A_760 = arith.constant 4 : i32
      %swap3A_761 = arith.index_cast %swap3A_760 : i32 to index
      %swap3A_762 = arith.index_cast %scan3A_706 : i32 to index
      %swap3A_763 = arith.constant 32 : index
      %swap3A_764 = tpu.vector_load %arg8[%swap3A_761, %swap3A_762, %swap3A_763] {strides = array<i32>} : memref<5x80x64xf32, #tpu.memory_space<vmem>>, vector<1x1x16xf32>,
      %swap3A_765 = vector.shape_cast %swap3A_764 : vector<1x1x16xf32> to vector<16xf32>
      %swap3A_766 = vector.shape_cast %add3A_759 : vector<16xf32> to vector<1x1x16xf32>
      tpu.vector_store %arg8[%swap3A_761, %swap3A_762, %swap3A_763], %swap3A_766 {strides = array<i32>} : memref<5x80x64xf32, #tpu.memory_space<vmem>>, vector<1x1x16xf32>,
      %get3A_767 = arith.constant 4 : i32
      %get3A_768 = arith.index_cast %get3A_767 : i32 to index
      %get3A_769 = arith.index_cast %scan3A_706 : i32 to index
      %get3A_770 = arith.constant 48 : index
      %get3A_771 = tpu.vector_load %arg8[%get3A_768, %get3A_769, %get3A_770] {strides = array<i32>} : memref<5x80x64xf32, #tpu.memory_space<vmem>>, vector<1x1x16xf32>,
      %get3A_772 = vector.shape_cast %get3A_771 : vector<1x1x16xf32> to vector<16xf32>
      %add3A_773 = arith.constant 120 : i32
      %add3A_774 = arith.addi %add3A_773, %scan3A_706 : i32
      %get3A_775 = arith.index_cast %add3A_774 : i32 to index
      %get3A_776 = arith.constant 48 : index
      %get3A_777 = tpu.vector_load %arg7[%get3A_775, %get3A_776] {strides = array<i32>} : memref<400x64xf32, #tpu.memory_space<vmem>>, vector<1x16xf32>,
      %get3A_778 = vector.shape_cast %get3A_777 : vector<1x16xf32> to vector<16xf32>
      %add3A_779 = arith.addf %get3A_772, %get3A_778 : vector<16xf32>
      %swap3A_780 = arith.constant 4 : i32
      %swap3A_781 = arith.index_cast %swap3A_780 : i32 to index
      %swap3A_782 = arith.index_cast %scan3A_706 : i32 to index
      %swap3A_783 = arith.constant 48 : index
      %swap3A_784 = tpu.vector_load %arg8[%swap3A_781, %swap3A_782, %swap3A_783] {strides = array<i32>} : memref<5x80x64xf32, #tpu.memory_space<vmem>>, vector<1x1x16xf32>,
      %swap3A_785 = vector.shape_cast %swap3A_784 : vector<1x1x16xf32> to vector<16xf32>
      %swap3A_786 = vector.shape_cast %add3A_779 : vector<16xf32> to vector<1x1x16xf32>
      tpu.vector_store %arg8[%swap3A_781, %swap3A_782, %swap3A_783], %swap3A_786 {strides = array<i32>} : memref<5x80x64xf32, #tpu.memory_space<vmem>>, vector<1x1x16xf32>,
    }
    %scan3A_298 = arith.constant 80 : i32
    %dma_wait3A_299 = arith.constant 3 : i32
    %dma_wait3A_300 = arith.constant 0 : i32
    %dma_wait3A_301 = arith.constant 0 : i32
    %dma_wait3A_302 = tpu.memref_slice %arg8[%dma_wait3A_299, %dma_wait3A_300, %dma_wait3A_301] : memref<5x80x64xf32, #tpu.memory_space<vmem>> -> memref<1x80x64xf32, #tpu.memory_space<vmem>>
    %dma_wait3A_303 = tpu.memref_squeeze %dma_wait3A_302 : memref<1x80x64xf32, #tpu.memory_space<vmem>> -> memref<80x64xf32, #tpu.memory_space<vmem>>
    %dma_wait3A_304 = arith.constant 0 : i32
    %dma_wait3A_305 = arith.constant 0 : i32
    %dma_wait3A_306 = tpu.memref_slice %arg5[%dma_wait3A_304, %dma_wait3A_305] : memref<204800x64xf32, #tpu.memory_space<hbm>> -> memref<80x64xf32, #tpu.memory_space<hbm>>
    %dma_wait3A_307 = arith.constant 0 : i32
    %dma_wait3A_308 = arith.constant 0 : i32
    %dma_wait3A_309 = tpu.memref_slice %arg5[%dma_wait3A_307, %dma_wait3A_308] : memref<204800x64xf32, #tpu.memory_space<hbm>> -> memref<80x64xf32, #tpu.memory_space<hbm>>
    %dma_wait3A_310 = arith.constant 0 : i32
    %dma_wait3A_311 = arith.constant 0 : i32
    %dma_wait3A_312 = tpu.memref_slice %arg8[%dma_wait3A_299, %dma_wait3A_310, %dma_wait3A_311] : memref<5x80x64xf32, #tpu.memory_space<vmem>> -> memref<1x80x64xf32, #tpu.memory_space<vmem>>
    %dma_wait3A_313 = tpu.memref_squeeze %dma_wait3A_312 : memref<1x80x64xf32, #tpu.memory_space<vmem>> -> memref<80x64xf32, #tpu.memory_space<vmem>>
    tpu.wait_dma2 semaphore(%arg17 : memref<!tpu.dma_semaphore, #tpu.memory_space<semaphore_mem>>) src(%dma_wait3A_313 : memref<80x64xf32, #tpu.memory_space<vmem>>) dst(%dma_wait3A_309 : memref<80x64xf32, #tpu.memory_space<hbm>>)
    %dma_start3A_314 = arith.constant 8 : i32
    %dma_start3A_315 = arith.constant 3 : i32
    %dma_start3A_316 = arith.constant 0 : i32
    %dma_start3A_317 = arith.constant 0 : i32
    %dma_start3A_318 = tpu.memref_slice %arg8[%dma_start3A_315, %dma_start3A_316, %dma_start3A_317] : memref<5x80x64xf32, #tpu.memory_space<vmem>> -> memref<1x80x64xf32, #tpu.memory_space<vmem>>
    %dma_start3A_319 = tpu.memref_squeeze %dma_start3A_318 : memref<1x80x64xf32, #tpu.memory_space<vmem>> -> memref<80x64xf32, #tpu.memory_space<vmem>>
    %dma_start3A_320 = arith.constant 0 : i32
    %dma_start3A_321 = tpu.memref_slice %arg6[%dma_start3A_314, %dma_start3A_320] : memref<80x80xi32, #tpu.memory_space<vmem>> -> memref<1x80xi32, #tpu.memory_space<vmem>>
    %dma_start3A_322 = tpu.memref_squeeze %dma_start3A_321 : memref<1x80xi32, #tpu.memory_space<vmem>> -> memref<80xi32, #tpu.memory_space<vmem>>
    %dma_start3A_323 = arith.constant 0 : i32
    %dma_start3A_324 = arith.constant 0 : i32
    %dma_start3A_325 = tpu.memref_slice %arg3[%dma_start3A_323, %dma_start3A_324] : memref<1000000x64xf32, #tpu.memory_space<hbm>> -> memref<1000000x64xf32, #tpu.memory_space<hbm>>
    tpu.enqueue_indirect_dma source(%dma_start3A_325 : memref<1000000x64xf32, #tpu.memory_space<hbm>>) target(%dma_start3A_319 : memref<80x64xf32, #tpu.memory_space<vmem>>) offsets(%dma_start3A_322 : memref<80xi32, #tpu.memory_space<vmem>>) semaphore(%arg12 : memref<!tpu.dma_semaphore, #tpu.memory_space<semaphore_mem>>)
    %add3A_326 = arith.constant 4 : i32
    %add3A_327 = arith.addi %mul3A_2, %add3A_326 : i32
    %mul3A_328 = arith.constant 80 : i32
    %mul3A_329 = arith.muli %add3A_327, %mul3A_328 : i32
    %dma_start3A_330 = arith.constant 4 : i32
    %dma_start3A_331 = arith.constant 0 : i32
    %dma_start3A_332 = arith.constant 0 : i32
    %dma_start3A_333 = tpu.memref_slice %arg8[%dma_start3A_330, %dma_start3A_331, %dma_start3A_332] : memref<5x80x64xf32, #tpu.memory_space<vmem>> -> memref<1x80x64xf32, #tpu.memory_space<vmem>>
    %dma_start3A_334 = tpu.memref_squeeze %dma_start3A_333 : memref<1x80x64xf32, #tpu.memory_space<vmem>> -> memref<80x64xf32, #tpu.memory_space<vmem>>
    %dma_start3A_335 = arith.constant 0 : i32
    %dma_start3A_336 = tpu.memref_slice %arg5[%mul3A_329, %dma_start3A_335] : memref<204800x64xf32, #tpu.memory_space<hbm>> -> memref<80x64xf32, #tpu.memory_space<hbm>>
    %dma_start3A_337 = arith.constant 0 : i32
    %dma_start3A_338 = tpu.memref_slice %arg5[%mul3A_329, %dma_start3A_337] : memref<204800x64xf32, #tpu.memory_space<hbm>> -> memref<80x64xf32, #tpu.memory_space<hbm>>
    %dma_start3A_339 = arith.constant 0 : i32
    %dma_start3A_340 = arith.constant 0 : i32
    %dma_start3A_341 = tpu.memref_slice %arg8[%dma_start3A_330, %dma_start3A_339, %dma_start3A_340] : memref<5x80x64xf32, #tpu.memory_space<vmem>> -> memref<1x80x64xf32, #tpu.memory_space<vmem>>
    %dma_start3A_342 = tpu.memref_squeeze %dma_start3A_341 : memref<1x80x64xf32, #tpu.memory_space<vmem>> -> memref<80x64xf32, #tpu.memory_space<vmem>>
    tpu.enqueue_dma source(%dma_start3A_342 : memref<80x64xf32, #tpu.memory_space<vmem>>) target(%dma_start3A_338 : memref<80x64xf32, #tpu.memory_space<hbm>>) target_semaphore(%arg18 : memref<!tpu.dma_semaphore, #tpu.memory_space<semaphore_mem>>)
    %scan3A_343 = arith.constant 0 : i32
    %scan3A_344 = arith.constant 1 : i32
    %scan3A_345 = arith.constant 14 : i32
    %scan3A_346 = arith.addi %scan3A_344, %scan3A_345 : i32
    %scan3A_347 = arith.constant 1 : i32
    scf.for %scan3A_626 = %scan3A_344 to %scan3A_346 step %scan3A_347  : i32 {
      %mul3A_627 = arith.constant 5 : i32
      %mul3A_628 = arith.muli %scan3A_626, %mul3A_627 : i32
      %add3A_629 = arith.constant 0 : i32
      %add3A_630 = arith.addi %mul3A_628, %add3A_629 : i32
      %dma_wait3A_631 = arith.constant 0 : i32
      %dma_wait3A_632 = arith.constant 0 : i32
      %dma_wait3A_633 = arith.constant 0 : i32
      %dma_wait3A_634 = arith.constant 0 : i32
      %dma_wait3A_635 = tpu.memref_slice %arg8[%dma_wait3A_632, %dma_wait3A_633, %dma_wait3A_634] : memref<5x80x64xf32, #tpu.memory_space<vmem>> -> memref<1x80x64xf32, #tpu.memory_space<vmem>>
      %dma_wait3A_636 = tpu.memref_squeeze %dma_wait3A_635 : memref<1x80x64xf32, #tpu.memory_space<vmem>> -> memref<80x64xf32, #tpu.memory_space<vmem>>
      %dma_wait3A_637 = arith.constant 0 : i32
      %dma_wait3A_638 = tpu.memref_slice %arg6[%dma_wait3A_631, %dma_wait3A_637] : memref<80x80xi32, #tpu.memory_space<vmem>> -> memref<1x80xi32, #tpu.memory_space<vmem>>
      %dma_wait3A_639 = tpu.memref_squeeze %dma_wait3A_638 : memref<1x80xi32, #tpu.memory_space<vmem>> -> memref<80xi32, #tpu.memory_space<vmem>>
      %dma_wait3A_640 = arith.constant 0 : i32
      %dma_wait3A_641 = arith.constant 0 : i32
      %dma_wait3A_642 = tpu.memref_slice %arg3[%dma_wait3A_640, %dma_wait3A_641] : memref<1000000x64xf32, #tpu.memory_space<hbm>> -> memref<1000000x64xf32, #tpu.memory_space<hbm>>
      tpu.wait_indirect_dma semaphore(%arg9 : memref<!tpu.dma_semaphore, #tpu.memory_space<semaphore_mem>>) src(%dma_wait3A_642 : memref<1000000x64xf32, #tpu.memory_space<hbm>>) dst(%dma_wait3A_636 : memref<80x64xf32, #tpu.memory_space<vmem>>)
      %scan3A_643 = arith.constant 0 : i32
      %scan3A_644 = arith.constant 0 : i32
      %scan3A_645 = arith.constant 80 : i32
      %scan3A_646 = arith.addi %scan3A_644, %scan3A_645 : i32
      %scan3A_647 = arith.constant 2 : i32
      scf.for %scan3A_949 = %scan3A_644 to %scan3A_646 step %scan3A_647  : i32 {
        %get3A = arith.constant 0 : i32
        %get3A_950 = arith.index_cast %get3A : i32 to index
        %get3A_951 = arith.index_cast %scan3A_949 : i32 to index
        %get3A_952 = arith.constant 0 : index
        %get3A_953 = tpu.vector_load %arg8[%get3A_950, %get3A_951, %get3A_952] {strides = array<i32>} : memref<5x80x64xf32, #tpu.memory_space<vmem>>, vector<1x1x16xf32>,
        %get3A_954 = vector.shape_cast %get3A_953 : vector<1x1x16xf32> to vector<16xf32>
        %add3A_955 = arith.constant 0 : i32
        %add3A_956 = arith.addi %add3A_955, %scan3A_949 : i32
        %get3A_957 = arith.index_cast %add3A_956 : i32 to index
        %get3A_958 = arith.constant 0 : index
        %get3A_959 = tpu.vector_load %arg7[%get3A_957, %get3A_958] {strides = array<i32>} : memref<400x64xf32, #tpu.memory_space<vmem>>, vector<1x16xf32>,
        %get3A_960 = vector.shape_cast %get3A_959 : vector<1x16xf32> to vector<16xf32>
        %add3A_961 = arith.addf %get3A_954, %get3A_960 : vector<16xf32>
        %swap3A = arith.constant 0 : i32
        %swap3A_962 = arith.index_cast %swap3A : i32 to index
        %swap3A_963 = arith.index_cast %scan3A_949 : i32 to index
        %swap3A_964 = arith.constant 0 : index
        %swap3A_965 = tpu.vector_load %arg8[%swap3A_962, %swap3A_963, %swap3A_964] {strides = array<i32>} : memref<5x80x64xf32, #tpu.memory_space<vmem>>, vector<1x1x16xf32>,
        %swap3A_966 = vector.shape_cast %swap3A_965 : vector<1x1x16xf32> to vector<16xf32>
        %swap3A_967 = vector.shape_cast %add3A_961 : vector<16xf32> to vector<1x1x16xf32>
        tpu.vector_store %arg8[%swap3A_962, %swap3A_963, %swap3A_964], %swap3A_967 {strides = array<i32>} : memref<5x80x64xf32, #tpu.memory_space<vmem>>, vector<1x1x16xf32>,
        %get3A_968 = arith.constant 0 : i32
        %get3A_969 = arith.index_cast %get3A_968 : i32 to index
        %get3A_970 = arith.index_cast %scan3A_949 : i32 to index
        %get3A_971 = arith.constant 16 : index
        %get3A_972 = tpu.vector_load %arg8[%get3A_969, %get3A_970, %get3A_971] {strides = array<i32>} : memref<5x80x64xf32, #tpu.memory_space<vmem>>, vector<1x1x16xf32>,
        %get3A_973 = vector.shape_cast %get3A_972 : vector<1x1x16xf32> to vector<16xf32>
        %add3A_974 = arith.constant 0 : i32
        %add3A_975 = arith.addi %add3A_974, %scan3A_949 : i32
        %get3A_976 = arith.index_cast %add3A_975 : i32 to index
        %get3A_977 = arith.constant 16 : index
        %get3A_978 = tpu.vector_load %arg7[%get3A_976, %get3A_977] {strides = array<i32>} : memref<400x64xf32, #tpu.memory_space<vmem>>, vector<1x16xf32>,
        %get3A_979 = vector.shape_cast %get3A_978 : vector<1x16xf32> to vector<16xf32>
        %add3A_980 = arith.addf %get3A_973, %get3A_979 : vector<16xf32>
        %swap3A_981 = arith.constant 0 : i32
        %swap3A_982 = arith.index_cast %swap3A_981 : i32 to index
        %swap3A_983 = arith.index_cast %scan3A_949 : i32 to index
        %swap3A_984 = arith.constant 16 : index
        %swap3A_985 = tpu.vector_load %arg8[%swap3A_982, %swap3A_983, %swap3A_984] {strides = array<i32>} : memref<5x80x64xf32, #tpu.memory_space<vmem>>, vector<1x1x16xf32>,
        %swap3A_986 = vector.shape_cast %swap3A_985 : vector<1x1x16xf32> to vector<16xf32>
        %swap3A_987 = vector.shape_cast %add3A_980 : vector<16xf32> to vector<1x1x16xf32>
        tpu.vector_store %arg8[%swap3A_982, %swap3A_983, %swap3A_984], %swap3A_987 {strides = array<i32>} : memref<5x80x64xf32, #tpu.memory_space<vmem>>, vector<1x1x16xf32>,
        %get3A_988 = arith.constant 0 : i32
        %get3A_989 = arith.index_cast %get3A_988 : i32 to index
        %get3A_990 = arith.index_cast %scan3A_949 : i32 to index
        %get3A_991 = arith.constant 32 : index
        %get3A_992 = tpu.vector_load %arg8[%get3A_989, %get3A_990, %get3A_991] {strides = array<i32>} : memref<5x80x64xf32, #tpu.memory_space<vmem>>, vector<1x1x16xf32>,
        %get3A_993 = vector.shape_cast %get3A_992 : vector<1x1x16xf32> to vector<16xf32>
        %add3A_994 = arith.constant 0 : i32
        %add3A_995 = arith.addi %add3A_994, %scan3A_949 : i32
        %get3A_996 = arith.index_cast %add3A_995 : i32 to index
        %get3A_997 = arith.constant 32 : index
        %get3A_998 = tpu.vector_load %arg7[%get3A_996, %get3A_997] {strides = array<i32>} : memref<400x64xf32, #tpu.memory_space<vmem>>, vector<1x16xf32>,
        %get3A_999 = vector.shape_cast %get3A_998 : vector<1x16xf32> to vector<16xf32>
        %add3A_1000 = arith.addf %get3A_993, %get3A_999 : vector<16xf32>
        %swap3A_1001 = arith.constant 0 : i32
        %swap3A_1002 = arith.index_cast %swap3A_1001 : i32 to index
        %swap3A_1003 = arith.index_cast %scan3A_949 : i32 to index
        %swap3A_1004 = arith.constant 32 : index
        %swap3A_1005 = tpu.vector_load %arg8[%swap3A_1002, %swap3A_1003, %swap3A_1004] {strides = array<i32>} : memref<5x80x64xf32, #tpu.memory_space<vmem>>, vector<1x1x16xf32>,
        %swap3A_1006 = vector.shape_cast %swap3A_1005 : vector<1x1x16xf32> to vector<16xf32>
        %swap3A_1007 = vector.shape_cast %add3A_1000 : vector<16xf32> to vector<1x1x16xf32>
        tpu.vector_store %arg8[%swap3A_1002, %swap3A_1003, %swap3A_1004], %swap3A_1007 {strides = array<i32>} : memref<5x80x64xf32, #tpu.memory_space<vmem>>, vector<1x1x16xf32>,
        %get3A_1008 = arith.constant 0 : i32
        %get3A_1009 = arith.index_cast %get3A_1008 : i32 to index
        %get3A_1010 = arith.index_cast %scan3A_949 : i32 to index
        %get3A_1011 = arith.constant 48 : index
        %get3A_1012 = tpu.vector_load %arg8[%get3A_1009, %get3A_1010, %get3A_1011] {strides = array<i32>} : memref<5x80x64xf32, #tpu.memory_space<vmem>>, vector<1x1x16xf32>,
        %get3A_1013 = vector.shape_cast %get3A_1012 : vector<1x1x16xf32> to vector<16xf32>
        %add3A_1014 = arith.constant 0 : i32
        %add3A_1015 = arith.addi %add3A_1014, %scan3A_949 : i32
        %get3A_1016 = arith.index_cast %add3A_1015 : i32 to index
        %get3A_1017 = arith.constant 48 : index
        %get3A_1018 = tpu.vector_load %arg7[%get3A_1016, %get3A_1017] {strides = array<i32>} : memref<400x64xf32, #tpu.memory_space<vmem>>, vector<1x16xf32>,
        %get3A_1019 = vector.shape_cast %get3A_1018 : vector<1x16xf32> to vector<16xf32>
        %add3A_1020 = arith.addf %get3A_1013, %get3A_1019 : vector<16xf32>
        %swap3A_1021 = arith.constant 0 : i32
        %swap3A_1022 = arith.index_cast %swap3A_1021 : i32 to index
        %swap3A_1023 = arith.index_cast %scan3A_949 : i32 to index
        %swap3A_1024 = arith.constant 48 : index
        %swap3A_1025 = tpu.vector_load %arg8[%swap3A_1022, %swap3A_1023, %swap3A_1024] {strides = array<i32>} : memref<5x80x64xf32, #tpu.memory_space<vmem>>, vector<1x1x16xf32>,
        %swap3A_1026 = vector.shape_cast %swap3A_1025 : vector<1x1x16xf32> to vector<16xf32>
        %swap3A_1027 = vector.shape_cast %add3A_1020 : vector<16xf32> to vector<1x1x16xf32>
        tpu.vector_store %arg8[%swap3A_1022, %swap3A_1023, %swap3A_1024], %swap3A_1027 {strides = array<i32>} : memref<5x80x64xf32, #tpu.memory_space<vmem>>, vector<1x1x16xf32>,
        %scan3A_1028 = arith.constant 1 : i32
        %scan3A_1029 = arith.addi %scan3A_949, %scan3A_1028 : i32
        %get3A_1030 = arith.constant 0 : i32
        %get3A_1031 = arith.index_cast %get3A_1030 : i32 to index
        %get3A_1032 = arith.index_cast %scan3A_1029 : i32 to index
        %get3A_1033 = arith.constant 0 : index
        %get3A_1034 = tpu.vector_load %arg8[%get3A_1031, %get3A_1032, %get3A_1033] {strides = array<i32>} : memref<5x80x64xf32, #tpu.memory_space<vmem>>, vector<1x1x16xf32>,
        %get3A_1035 = vector.shape_cast %get3A_1034 : vector<1x1x16xf32> to vector<16xf32>
        %add3A_1036 = arith.constant 0 : i32
        %add3A_1037 = arith.addi %add3A_1036, %scan3A_1029 : i32
        %get3A_1038 = arith.index_cast %add3A_1037 : i32 to index
        %get3A_1039 = arith.constant 0 : index
        %get3A_1040 = tpu.vector_load %arg7[%get3A_1038, %get3A_1039] {strides = array<i32>} : memref<400x64xf32, #tpu.memory_space<vmem>>, vector<1x16xf32>,
        %get3A_1041 = vector.shape_cast %get3A_1040 : vector<1x16xf32> to vector<16xf32>
        %add3A_1042 = arith.addf %get3A_1035, %get3A_1041 : vector<16xf32>
        %swap3A_1043 = arith.constant 0 : i32
        %swap3A_1044 = arith.index_cast %swap3A_1043 : i32 to index
        %swap3A_1045 = arith.index_cast %scan3A_1029 : i32 to index
        %swap3A_1046 = arith.constant 0 : index
        %swap3A_1047 = tpu.vector_load %arg8[%swap3A_1044, %swap3A_1045, %swap3A_1046] {strides = array<i32>} : memref<5x80x64xf32, #tpu.memory_space<vmem>>, vector<1x1x16xf32>,
        %swap3A_1048 = vector.shape_cast %swap3A_1047 : vector<1x1x16xf32> to vector<16xf32>
        %swap3A_1049 = vector.shape_cast %add3A_1042 : vector<16xf32> to vector<1x1x16xf32>
        tpu.vector_store %arg8[%swap3A_1044, %swap3A_1045, %swap3A_1046], %swap3A_1049 {strides = array<i32>} : memref<5x80x64xf32, #tpu.memory_space<vmem>>, vector<1x1x16xf32>,
        %get3A_1050 = arith.constant 0 : i32
        %get3A_1051 = arith.index_cast %get3A_1050 : i32 to index
        %get3A_1052 = arith.index_cast %scan3A_1029 : i32 to index
        %get3A_1053 = arith.constant 16 : index
        %get3A_1054 = tpu.vector_load %arg8[%get3A_1051, %get3A_1052, %get3A_1053] {strides = array<i32>} : memref<5x80x64xf32, #tpu.memory_space<vmem>>, vector<1x1x16xf32>,
        %get3A_1055 = vector.shape_cast %get3A_1054 : vector<1x1x16xf32> to vector<16xf32>
        %add3A_1056 = arith.constant 0 : i32
        %add3A_1057 = arith.addi %add3A_1056, %scan3A_1029 : i32
        %get3A_1058 = arith.index_cast %add3A_1057 : i32 to index
        %get3A_1059 = arith.constant 16 : index
        %get3A_1060 = tpu.vector_load %arg7[%get3A_1058, %get3A_1059] {strides = array<i32>} : memref<400x64xf32, #tpu.memory_space<vmem>>, vector<1x16xf32>,
        %get3A_1061 = vector.shape_cast %get3A_1060 : vector<1x16xf32> to vector<16xf32>
        %add3A_1062 = arith.addf %get3A_1055, %get3A_1061 : vector<16xf32>
        %swap3A_1063 = arith.constant 0 : i32
        %swap3A_1064 = arith.index_cast %swap3A_1063 : i32 to index
        %swap3A_1065 = arith.index_cast %scan3A_1029 : i32 to index
        %swap3A_1066 = arith.constant 16 : index
        %swap3A_1067 = tpu.vector_load %arg8[%swap3A_1064, %swap3A_1065, %swap3A_1066] {strides = array<i32>} : memref<5x80x64xf32, #tpu.memory_space<vmem>>, vector<1x1x16xf32>,
        %swap3A_1068 = vector.shape_cast %swap3A_1067 : vector<1x1x16xf32> to vector<16xf32>
        %swap3A_1069 = vector.shape_cast %add3A_1062 : vector<16xf32> to vector<1x1x16xf32>
        tpu.vector_store %arg8[%swap3A_1064, %swap3A_1065, %swap3A_1066], %swap3A_1069 {strides = array<i32>} : memref<5x80x64xf32, #tpu.memory_space<vmem>>, vector<1x1x16xf32>,
        %get3A_1070 = arith.constant 0 : i32
        %get3A_1071 = arith.index_cast %get3A_1070 : i32 to index
        %get3A_1072 = arith.index_cast %scan3A_1029 : i32 to index
        %get3A_1073 = arith.constant 32 : index
        %get3A_1074 = tpu.vector_load %arg8[%get3A_1071, %get3A_1072, %get3A_1073] {strides = array<i32>} : memref<5x80x64xf32, #tpu.memory_space<vmem>>, vector<1x1x16xf32>,
        %get3A_1075 = vector.shape_cast %get3A_1074 : vector<1x1x16xf32> to vector<16xf32>
        %add3A_1076 = arith.constant 0 : i32
        %add3A_1077 = arith.addi %add3A_1076, %scan3A_1029 : i32
        %get3A_1078 = arith.index_cast %add3A_1077 : i32 to index
        %get3A_1079 = arith.constant 32 : index
        %get3A_1080 = tpu.vector_load %arg7[%get3A_1078, %get3A_1079] {strides = array<i32>} : memref<400x64xf32, #tpu.memory_space<vmem>>, vector<1x16xf32>,
        %get3A_1081 = vector.shape_cast %get3A_1080 : vector<1x16xf32> to vector<16xf32>
        %add3A_1082 = arith.addf %get3A_1075, %get3A_1081 : vector<16xf32>
        %swap3A_1083 = arith.constant 0 : i32
        %swap3A_1084 = arith.index_cast %swap3A_1083 : i32 to index
        %swap3A_1085 = arith.index_cast %scan3A_1029 : i32 to index
        %swap3A_1086 = arith.constant 32 : index
        %swap3A_1087 = tpu.vector_load %arg8[%swap3A_1084, %swap3A_1085, %swap3A_1086] {strides = array<i32>} : memref<5x80x64xf32, #tpu.memory_space<vmem>>, vector<1x1x16xf32>,
        %swap3A_1088 = vector.shape_cast %swap3A_1087 : vector<1x1x16xf32> to vector<16xf32>
        %swap3A_1089 = vector.shape_cast %add3A_1082 : vector<16xf32> to vector<1x1x16xf32>
        tpu.vector_store %arg8[%swap3A_1084, %swap3A_1085, %swap3A_1086], %swap3A_1089 {strides = array<i32>} : memref<5x80x64xf32, #tpu.memory_space<vmem>>, vector<1x1x16xf32>,
        %get3A_1090 = arith.constant 0 : i32
        %get3A_1091 = arith.index_cast %get3A_1090 : i32 to index
        %get3A_1092 = arith.index_cast %scan3A_1029 : i32 to index
        %get3A_1093 = arith.constant 48 : index
        %get3A_1094 = tpu.vector_load %arg8[%get3A_1091, %get3A_1092, %get3A_1093] {strides = array<i32>} : memref<5x80x64xf32, #tpu.memory_space<vmem>>, vector<1x1x16xf32>,
        %get3A_1095 = vector.shape_cast %get3A_1094 : vector<1x1x16xf32> to vector<16xf32>
        %add3A_1096 = arith.constant 0 : i32
        %add3A_1097 = arith.addi %add3A_1096, %scan3A_1029 : i32
        %get3A_1098 = arith.index_cast %add3A_1097 : i32 to index
        %get3A_1099 = arith.constant 48 : index
        %get3A_1100 = tpu.vector_load %arg7[%get3A_1098, %get3A_1099] {strides = array<i32>} : memref<400x64xf32, #tpu.memory_space<vmem>>, vector<1x16xf32>,
        %get3A_1101 = vector.shape_cast %get3A_1100 : vector<1x16xf32> to vector<16xf32>
        %add3A_1102 = arith.addf %get3A_1095, %get3A_1101 : vector<16xf32>
        %swap3A_1103 = arith.constant 0 : i32
        %swap3A_1104 = arith.index_cast %swap3A_1103 : i32 to index
        %swap3A_1105 = arith.index_cast %scan3A_1029 : i32 to index
        %swap3A_1106 = arith.constant 48 : index
        %swap3A_1107 = tpu.vector_load %arg8[%swap3A_1104, %swap3A_1105, %swap3A_1106] {strides = array<i32>} : memref<5x80x64xf32, #tpu.memory_space<vmem>>, vector<1x1x16xf32>,
        %swap3A_1108 = vector.shape_cast %swap3A_1107 : vector<1x1x16xf32> to vector<16xf32>
        %swap3A_1109 = vector.shape_cast %add3A_1102 : vector<16xf32> to vector<1x1x16xf32>
        tpu.vector_store %arg8[%swap3A_1104, %swap3A_1105, %swap3A_1106], %swap3A_1109 {strides = array<i32>} : memref<5x80x64xf32, #tpu.memory_space<vmem>>, vector<1x1x16xf32>,
      }
      %scan3A_648 = arith.constant 80 : i32
      %dma_wait3A_649 = arith.constant 4 : i32
      %dma_wait3A_650 = arith.constant 0 : i32
      %dma_wait3A_651 = arith.constant 0 : i32
      %dma_wait3A_652 = tpu.memref_slice %arg8[%dma_wait3A_649, %dma_wait3A_650, %dma_wait3A_651] : memref<5x80x64xf32, #tpu.memory_space<vmem>> -> memref<1x80x64xf32, #tpu.memory_space<vmem>>
      %dma_wait3A_653 = tpu.memref_squeeze %dma_wait3A_652 : memref<1x80x64xf32, #tpu.memory_space<vmem>> -> memref<80x64xf32, #tpu.memory_space<vmem>>
      %dma_wait3A_654 = arith.constant 0 : i32
      %dma_wait3A_655 = arith.constant 0 : i32
      %dma_wait3A_656 = tpu.memref_slice %arg5[%dma_wait3A_654, %dma_wait3A_655] : memref<204800x64xf32, #tpu.memory_space<hbm>> -> memref<80x64xf32, #tpu.memory_space<hbm>>
      %dma_wait3A_657 = arith.constant 0 : i32
      %dma_wait3A_658 = arith.constant 0 : i32
      %dma_wait3A_659 = tpu.memref_slice %arg5[%dma_wait3A_657, %dma_wait3A_658] : memref<204800x64xf32, #tpu.memory_space<hbm>> -> memref<80x64xf32, #tpu.memory_space<hbm>>
      %dma_wait3A_660 = arith.constant 0 : i32
      %dma_wait3A_661 = arith.constant 0 : i32
      %dma_wait3A_662 = tpu.memref_slice %arg8[%dma_wait3A_649, %dma_wait3A_660, %dma_wait3A_661] : memref<5x80x64xf32, #tpu.memory_space<vmem>> -> memref<1x80x64xf32, #tpu.memory_space<vmem>>
      %dma_wait3A_663 = tpu.memref_squeeze %dma_wait3A_662 : memref<1x80x64xf32, #tpu.memory_space<vmem>> -> memref<80x64xf32, #tpu.memory_space<vmem>>
      tpu.wait_dma2 semaphore(%arg18 : memref<!tpu.dma_semaphore, #tpu.memory_space<semaphore_mem>>) src(%dma_wait3A_663 : memref<80x64xf32, #tpu.memory_space<vmem>>) dst(%dma_wait3A_659 : memref<80x64xf32, #tpu.memory_space<hbm>>)
      %add3A_664 = arith.constant 4 : i32
      %add3A_665 = arith.addi %add3A_630, %add3A_664 : i32
      %dma_start3A_666 = arith.constant 4 : i32
      %dma_start3A_667 = arith.constant 0 : i32
      %dma_start3A_668 = arith.constant 0 : i32
      %dma_start3A_669 = tpu.memref_slice %arg8[%dma_start3A_666, %dma_start3A_667, %dma_start3A_668] : memref<5x80x64xf32, #tpu.memory_space<vmem>> -> memref<1x80x64xf32, #tpu.memory_space<vmem>>
      %dma_start3A_670 = tpu.memref_squeeze %dma_start3A_669 : memref<1x80x64xf32, #tpu.memory_space<vmem>> -> memref<80x64xf32, #tpu.memory_space<vmem>>
      %dma_start3A_671 = arith.constant 0 : i32
      %dma_start3A_672 = tpu.memref_slice %arg6[%add3A_665, %dma_start3A_671] : memref<80x80xi32, #tpu.memory_space<vmem>> -> memref<1x80xi32, #tpu.memory_space<vmem>>
      %dma_start3A_673 = tpu.memref_squeeze %dma_start3A_672 : memref<1x80xi32, #tpu.memory_space<vmem>> -> memref<80xi32, #tpu.memory_space<vmem>>
      %dma_start3A_674 = arith.constant 0 : i32
      %dma_start3A_675 = arith.constant 0 : i32
      %dma_start3A_676 = tpu.memref_slice %arg3[%dma_start3A_674, %dma_start3A_675] : memref<1000000x64xf32, #tpu.memory_space<hbm>> -> memref<1000000x64xf32, #tpu.memory_space<hbm>>
      tpu.enqueue_indirect_dma source(%dma_start3A_676 : memref<1000000x64xf32, #tpu.memory_space<hbm>>) target(%dma_start3A_670 : memref<80x64xf32, #tpu.memory_space<vmem>>) offsets(%dma_start3A_673 : memref<80xi32, #tpu.memory_space<vmem>>) semaphore(%arg13 : memref<!tpu.dma_semaphore, #tpu.memory_space<semaphore_mem>>)
      %add3A_677 = arith.addi %mul3A_2, %add3A_630 : i32
      %mul3A_678 = arith.constant 80 : i32
      %mul3A_679 = arith.muli %add3A_677, %mul3A_678 : i32
      %dma_start3A_680 = arith.constant 0 : i32
      %dma_start3A_681 = arith.constant 0 : i32
      %dma_start3A_682 = arith.constant 0 : i32
      %dma_start3A_683 = tpu.memref_slice %arg8[%dma_start3A_680, %dma_start3A_681, %dma_start3A_682] : memref<5x80x64xf32, #tpu.memory_space<vmem>> -> memref<1x80x64xf32, #tpu.memory_space<vmem>>
      %dma_start3A_684 = tpu.memref_squeeze %dma_start3A_683 : memref<1x80x64xf32, #tpu.memory_space<vmem>> -> memref<80x64xf32, #tpu.memory_space<vmem>>
      %dma_start3A_685 = arith.constant 0 : i32
      %dma_start3A_686 = tpu.memref_slice %arg5[%mul3A_679, %dma_start3A_685] : memref<204800x64xf32, #tpu.memory_space<hbm>> -> memref<80x64xf32, #tpu.memory_space<hbm>>
      %dma_start3A_687 = arith.constant 0 : i32
      %dma_start3A_688 = tpu.memref_slice %arg5[%mul3A_679, %dma_start3A_687] : memref<204800x64xf32, #tpu.memory_space<hbm>> -> memref<80x64xf32, #tpu.memory_space<hbm>>
      %dma_start3A_689 = arith.constant 0 : i32
      %dma_start3A_690 = arith.constant 0 : i32
      %dma_start3A_691 = tpu.memref_slice %arg8[%dma_start3A_680, %dma_start3A_689, %dma_start3A_690] : memref<5x80x64xf32, #tpu.memory_space<vmem>> -> memref<1x80x64xf32, #tpu.memory_space<vmem>>
      %dma_start3A_692 = tpu.memref_squeeze %dma_start3A_691 : memref<1x80x64xf32, #tpu.memory_space<vmem>> -> memref<80x64xf32, #tpu.memory_space<vmem>>
      tpu.enqueue_dma source(%dma_start3A_692 : memref<80x64xf32, #tpu.memory_space<vmem>>) target(%dma_start3A_688 : memref<80x64xf32, #tpu.memory_space<hbm>>) target_semaphore(%arg14 : memref<!tpu.dma_semaphore, #tpu.memory_space<semaphore_mem>>)
      %add3A_693 = arith.constant 1 : i32
      %add3A_694 = arith.addi %mul3A_628, %add3A_693 : i32
      %dma_wait3A_695 = arith.constant 0 : i32
      %dma_wait3A_696 = arith.constant 1 : i32
      %dma_wait3A_697 = arith.constant 0 : i32
      %dma_wait3A_698 = arith.constant 0 : i32
      %dma_wait3A_699 = tpu.memref_slice %arg8[%dma_wait3A_696, %dma_wait3A_697, %dma_wait3A_698] : memref<5x80x64xf32, #tpu.memory_space<vmem>> -> memref<1x80x64xf32, #tpu.memory_space<vmem>>
      %dma_wait3A_700 = tpu.memref_squeeze %dma_wait3A_699 : memref<1x80x64xf32, #tpu.memory_space<vmem>> -> memref<80x64xf32, #tpu.memory_space<vmem>>
      %dma_wait3A_701 = arith.constant 0 : i32
      %dma_wait3A_702 = tpu.memref_slice %arg6[%dma_wait3A_695, %dma_wait3A_701] : memref<80x80xi32, #tpu.memory_space<vmem>> -> memref<1x80xi32, #tpu.memory_space<vmem>>
      %dma_wait3A_703 = tpu.memref_squeeze %dma_wait3A_702 : memref<1x80xi32, #tpu.memory_space<vmem>> -> memref<80xi32, #tpu.memory_space<vmem>>
      %dma_wait3A_704 = arith.constant 0 : i32
      %dma_wait3A_705 = arith.constant 0 : i32
      %dma_wait3A_706 = tpu.memref_slice %arg3[%dma_wait3A_704, %dma_wait3A_705] : memref<1000000x64xf32, #tpu.memory_space<hbm>> -> memref<1000000x64xf32, #tpu.memory_space<hbm>>
      tpu.wait_indirect_dma semaphore(%arg10 : memref<!tpu.dma_semaphore, #tpu.memory_space<semaphore_mem>>) src(%dma_wait3A_706 : memref<1000000x64xf32, #tpu.memory_space<hbm>>) dst(%dma_wait3A_700 : memref<80x64xf32, #tpu.memory_space<vmem>>)
      %scan3A_707 = arith.constant 0 : i32
      %scan3A_708 = arith.constant 0 : i32
      %scan3A_709 = arith.constant 80 : i32
      %scan3A_710 = arith.addi %scan3A_708, %scan3A_709 : i32
      %scan3A_711 = arith.constant 2 : i32
      scf.for %scan3A_949 = %scan3A_708 to %scan3A_710 step %scan3A_711  : i32 {
        %get3A = arith.constant 1 : i32
        %get3A_950 = arith.index_cast %get3A : i32 to index
        %get3A_951 = arith.index_cast %scan3A_949 : i32 to index
        %get3A_952 = arith.constant 0 : index
        %get3A_953 = tpu.vector_load %arg8[%get3A_950, %get3A_951, %get3A_952] {strides = array<i32>} : memref<5x80x64xf32, #tpu.memory_space<vmem>>, vector<1x1x16xf32>,
        %get3A_954 = vector.shape_cast %get3A_953 : vector<1x1x16xf32> to vector<16xf32>
        %add3A_955 = arith.constant 80 : i32
        %add3A_956 = arith.addi %add3A_955, %scan3A_949 : i32
        %get3A_957 = arith.index_cast %add3A_956 : i32 to index
        %get3A_958 = arith.constant 0 : index
        %get3A_959 = tpu.vector_load %arg7[%get3A_957, %get3A_958] {strides = array<i32>} : memref<400x64xf32, #tpu.memory_space<vmem>>, vector<1x16xf32>,
        %get3A_960 = vector.shape_cast %get3A_959 : vector<1x16xf32> to vector<16xf32>
        %add3A_961 = arith.addf %get3A_954, %get3A_960 : vector<16xf32>
        %swap3A = arith.constant 1 : i32
        %swap3A_962 = arith.index_cast %swap3A : i32 to index
        %swap3A_963 = arith.index_cast %scan3A_949 : i32 to index
        %swap3A_964 = arith.constant 0 : index
        %swap3A_965 = tpu.vector_load %arg8[%swap3A_962, %swap3A_963, %swap3A_964] {strides = array<i32>} : memref<5x80x64xf32, #tpu.memory_space<vmem>>, vector<1x1x16xf32>,
        %swap3A_966 = vector.shape_cast %swap3A_965 : vector<1x1x16xf32> to vector<16xf32>
        %swap3A_967 = vector.shape_cast %add3A_961 : vector<16xf32> to vector<1x1x16xf32>
        tpu.vector_store %arg8[%swap3A_962, %swap3A_963, %swap3A_964], %swap3A_967 {strides = array<i32>} : memref<5x80x64xf32, #tpu.memory_space<vmem>>, vector<1x1x16xf32>,
        %get3A_968 = arith.constant 1 : i32
        %get3A_969 = arith.index_cast %get3A_968 : i32 to index
        %get3A_970 = arith.index_cast %scan3A_949 : i32 to index
        %get3A_971 = arith.constant 16 : index
        %get3A_972 = tpu.vector_load %arg8[%get3A_969, %get3A_970, %get3A_971] {strides = array<i32>} : memref<5x80x64xf32, #tpu.memory_space<vmem>>, vector<1x1x16xf32>,
        %get3A_973 = vector.shape_cast %get3A_972 : vector<1x1x16xf32> to vector<16xf32>
        %add3A_974 = arith.constant 80 : i32
        %add3A_975 = arith.addi %add3A_974, %scan3A_949 : i32
        %get3A_976 = arith.index_cast %add3A_975 : i32 to index
        %get3A_977 = arith.constant 16 : index
        %get3A_978 = tpu.vector_load %arg7[%get3A_976, %get3A_977] {strides = array<i32>} : memref<400x64xf32, #tpu.memory_space<vmem>>, vector<1x16xf32>,
        %get3A_979 = vector.shape_cast %get3A_978 : vector<1x16xf32> to vector<16xf32>
        %add3A_980 = arith.addf %get3A_973, %get3A_979 : vector<16xf32>
        %swap3A_981 = arith.constant 1 : i32
        %swap3A_982 = arith.index_cast %swap3A_981 : i32 to index
        %swap3A_983 = arith.index_cast %scan3A_949 : i32 to index
        %swap3A_984 = arith.constant 16 : index
        %swap3A_985 = tpu.vector_load %arg8[%swap3A_982, %swap3A_983, %swap3A_984] {strides = array<i32>} : memref<5x80x64xf32, #tpu.memory_space<vmem>>, vector<1x1x16xf32>,
        %swap3A_986 = vector.shape_cast %swap3A_985 : vector<1x1x16xf32> to vector<16xf32>
        %swap3A_987 = vector.shape_cast %add3A_980 : vector<16xf32> to vector<1x1x16xf32>
        tpu.vector_store %arg8[%swap3A_982, %swap3A_983, %swap3A_984], %swap3A_987 {strides = array<i32>} : memref<5x80x64xf32, #tpu.memory_space<vmem>>, vector<1x1x16xf32>,
        %get3A_988 = arith.constant 1 : i32
        %get3A_989 = arith.index_cast %get3A_988 : i32 to index
        %get3A_990 = arith.index_cast %scan3A_949 : i32 to index
        %get3A_991 = arith.constant 32 : index
        %get3A_992 = tpu.vector_load %arg8[%get3A_989, %get3A_990, %get3A_991] {strides = array<i32>} : memref<5x80x64xf32, #tpu.memory_space<vmem>>, vector<1x1x16xf32>,
        %get3A_993 = vector.shape_cast %get3A_992 : vector<1x1x16xf32> to vector<16xf32>
        %add3A_994 = arith.constant 80 : i32
        %add3A_995 = arith.addi %add3A_994, %scan3A_949 : i32
        %get3A_996 = arith.index_cast %add3A_995 : i32 to index
        %get3A_997 = arith.constant 32 : index
        %get3A_998 = tpu.vector_load %arg7[%get3A_996, %get3A_997] {strides = array<i32>} : memref<400x64xf32, #tpu.memory_space<vmem>>, vector<1x16xf32>,
        %get3A_999 = vector.shape_cast %get3A_998 : vector<1x16xf32> to vector<16xf32>
        %add3A_1000 = arith.addf %get3A_993, %get3A_999 : vector<16xf32>
        %swap3A_1001 = arith.constant 1 : i32
        %swap3A_1002 = arith.index_cast %swap3A_1001 : i32 to index
        %swap3A_1003 = arith.index_cast %scan3A_949 : i32 to index
        %swap3A_1004 = arith.constant 32 : index
        %swap3A_1005 = tpu.vector_load %arg8[%swap3A_1002, %swap3A_1003, %swap3A_1004] {strides = array<i32>} : memref<5x80x64xf32, #tpu.memory_space<vmem>>, vector<1x1x16xf32>,
        %swap3A_1006 = vector.shape_cast %swap3A_1005 : vector<1x1x16xf32> to vector<16xf32>
        %swap3A_1007 = vector.shape_cast %add3A_1000 : vector<16xf32> to vector<1x1x16xf32>
        tpu.vector_store %arg8[%swap3A_1002, %swap3A_1003, %swap3A_1004], %swap3A_1007 {strides = array<i32>} : memref<5x80x64xf32, #tpu.memory_space<vmem>>, vector<1x1x16xf32>,
        %get3A_1008 = arith.constant 1 : i32
        %get3A_1009 = arith.index_cast %get3A_1008 : i32 to index
        %get3A_1010 = arith.index_cast %scan3A_949 : i32 to index
        %get3A_1011 = arith.constant 48 : index
        %get3A_1012 = tpu.vector_load %arg8[%get3A_1009, %get3A_1010, %get3A_1011] {strides = array<i32>} : memref<5x80x64xf32, #tpu.memory_space<vmem>>, vector<1x1x16xf32>,
        %get3A_1013 = vector.shape_cast %get3A_1012 : vector<1x1x16xf32> to vector<16xf32>
        %add3A_1014 = arith.constant 80 : i32
        %add3A_1015 = arith.addi %add3A_1014, %scan3A_949 : i32
        %get3A_1016 = arith.index_cast %add3A_1015 : i32 to index
        %get3A_1017 = arith.constant 48 : index
        %get3A_1018 = tpu.vector_load %arg7[%get3A_1016, %get3A_1017] {strides = array<i32>} : memref<400x64xf32, #tpu.memory_space<vmem>>, vector<1x16xf32>,
        %get3A_1019 = vector.shape_cast %get3A_1018 : vector<1x16xf32> to vector<16xf32>
        %add3A_1020 = arith.addf %get3A_1013, %get3A_1019 : vector<16xf32>
        %swap3A_1021 = arith.constant 1 : i32
        %swap3A_1022 = arith.index_cast %swap3A_1021 : i32 to index
        %swap3A_1023 = arith.index_cast %scan3A_949 : i32 to index
        %swap3A_1024 = arith.constant 48 : index
        %swap3A_1025 = tpu.vector_load %arg8[%swap3A_1022, %swap3A_1023, %swap3A_1024] {strides = array<i32>} : memref<5x80x64xf32, #tpu.memory_space<vmem>>, vector<1x1x16xf32>,
        %swap3A_1026 = vector.shape_cast %swap3A_1025 : vector<1x1x16xf32> to vector<16xf32>
        %swap3A_1027 = vector.shape_cast %add3A_1020 : vector<16xf32> to vector<1x1x16xf32>
        tpu.vector_store %arg8[%swap3A_1022, %swap3A_1023, %swap3A_1024], %swap3A_1027 {strides = array<i32>} : memref<5x80x64xf32, #tpu.memory_space<vmem>>, vector<1x1x16xf32>,
        %scan3A_1028 = arith.constant 1 : i32
        %scan3A_1029 = arith.addi %scan3A_949, %scan3A_1028 : i32
        %get3A_1030 = arith.constant 1 : i32
        %get3A_1031 = arith.index_cast %get3A_1030 : i32 to index
        %get3A_1032 = arith.index_cast %scan3A_1029 : i32 to index
        %get3A_1033 = arith.constant 0 : index
        %get3A_1034 = tpu.vector_load %arg8[%get3A_1031, %get3A_1032, %get3A_1033] {strides = array<i32>} : memref<5x80x64xf32, #tpu.memory_space<vmem>>, vector<1x1x16xf32>,
        %get3A_1035 = vector.shape_cast %get3A_1034 : vector<1x1x16xf32> to vector<16xf32>
        %add3A_1036 = arith.constant 80 : i32
        %add3A_1037 = arith.addi %add3A_1036, %scan3A_1029 : i32
        %get3A_1038 = arith.index_cast %add3A_1037 : i32 to index
        %get3A_1039 = arith.constant 0 : index
        %get3A_1040 = tpu.vector_load %arg7[%get3A_1038, %get3A_1039] {strides = array<i32>} : memref<400x64xf32, #tpu.memory_space<vmem>>, vector<1x16xf32>,
        %get3A_1041 = vector.shape_cast %get3A_1040 : vector<1x16xf32> to vector<16xf32>
        %add3A_1042 = arith.addf %get3A_1035, %get3A_1041 : vector<16xf32>
        %swap3A_1043 = arith.constant 1 : i32
        %swap3A_1044 = arith.index_cast %swap3A_1043 : i32 to index
        %swap3A_1045 = arith.index_cast %scan3A_1029 : i32 to index
        %swap3A_1046 = arith.constant 0 : index
        %swap3A_1047 = tpu.vector_load %arg8[%swap3A_1044, %swap3A_1045, %swap3A_1046] {strides = array<i32>} : memref<5x80x64xf32, #tpu.memory_space<vmem>>, vector<1x1x16xf32>,
        %swap3A_1048 = vector.shape_cast %swap3A_1047 : vector<1x1x16xf32> to vector<16xf32>
        %swap3A_1049 = vector.shape_cast %add3A_1042 : vector<16xf32> to vector<1x1x16xf32>
        tpu.vector_store %arg8[%swap3A_1044, %swap3A_1045, %swap3A_1046], %swap3A_1049 {strides = array<i32>} : memref<5x80x64xf32, #tpu.memory_space<vmem>>, vector<1x1x16xf32>,
        %get3A_1050 = arith.constant 1 : i32
        %get3A_1051 = arith.index_cast %get3A_1050 : i32 to index
        %get3A_1052 = arith.index_cast %scan3A_1029 : i32 to index
        %get3A_1053 = arith.constant 16 : index
        %get3A_1054 = tpu.vector_load %arg8[%get3A_1051, %get3A_1052, %get3A_1053] {strides = array<i32>} : memref<5x80x64xf32, #tpu.memory_space<vmem>>, vector<1x1x16xf32>,
        %get3A_1055 = vector.shape_cast %get3A_1054 : vector<1x1x16xf32> to vector<16xf32>
        %add3A_1056 = arith.constant 80 : i32
        %add3A_1057 = arith.addi %add3A_1056, %scan3A_1029 : i32
        %get3A_1058 = arith.index_cast %add3A_1057 : i32 to index
        %get3A_1059 = arith.constant 16 : index
        %get3A_1060 = tpu.vector_load %arg7[%get3A_1058, %get3A_1059] {strides = array<i32>} : memref<400x64xf32, #tpu.memory_space<vmem>>, vector<1x16xf32>,
        %get3A_1061 = vector.shape_cast %get3A_1060 : vector<1x16xf32> to vector<16xf32>
        %add3A_1062 = arith.addf %get3A_1055, %get3A_1061 : vector<16xf32>
        %swap3A_1063 = arith.constant 1 : i32
        %swap3A_1064 = arith.index_cast %swap3A_1063 : i32 to index
        %swap3A_1065 = arith.index_cast %scan3A_1029 : i32 to index
        %swap3A_1066 = arith.constant 16 : index
        %swap3A_1067 = tpu.vector_load %arg8[%swap3A_1064, %swap3A_1065, %swap3A_1066] {strides = array<i32>} : memref<5x80x64xf32, #tpu.memory_space<vmem>>, vector<1x1x16xf32>,
        %swap3A_1068 = vector.shape_cast %swap3A_1067 : vector<1x1x16xf32> to vector<16xf32>
        %swap3A_1069 = vector.shape_cast %add3A_1062 : vector<16xf32> to vector<1x1x16xf32>
        tpu.vector_store %arg8[%swap3A_1064, %swap3A_1065, %swap3A_1066], %swap3A_1069 {strides = array<i32>} : memref<5x80x64xf32, #tpu.memory_space<vmem>>, vector<1x1x16xf32>,
        %get3A_1070 = arith.constant 1 : i32
        %get3A_1071 = arith.index_cast %get3A_1070 : i32 to index
        %get3A_1072 = arith.index_cast %scan3A_1029 : i32 to index
        %get3A_1073 = arith.constant 32 : index
        %get3A_1074 = tpu.vector_load %arg8[%get3A_1071, %get3A_1072, %get3A_1073] {strides = array<i32>} : memref<5x80x64xf32, #tpu.memory_space<vmem>>, vector<1x1x16xf32>,
        %get3A_1075 = vector.shape_cast %get3A_1074 : vector<1x1x16xf32> to vector<16xf32>
        %add3A_1076 = arith.constant 80 : i32
        %add3A_1077 = arith.addi %add3A_1076, %scan3A_1029 : i32
        %get3A_1078 = arith.index_cast %add3A_1077 : i32 to index
        %get3A_1079 = arith.constant 32 : index
        %get3A_1080 = tpu.vector_load %arg7[%get3A_1078, %get3A_1079] {strides = array<i32>} : memref<400x64xf32, #tpu.memory_space<vmem>>, vector<1x16xf32>,
        %get3A_1081 = vector.shape_cast %get3A_1080 : vector<1x16xf32> to vector<16xf32>
        %add3A_1082 = arith.addf %get3A_1075, %get3A_1081 : vector<16xf32>
        %swap3A_1083 = arith.constant 1 : i32
        %swap3A_1084 = arith.index_cast %swap3A_1083 : i32 to index
        %swap3A_1085 = arith.index_cast %scan3A_1029 : i32 to index
        %swap3A_1086 = arith.constant 32 : index
        %swap3A_1087 = tpu.vector_load %arg8[%swap3A_1084, %swap3A_1085, %swap3A_1086] {strides = array<i32>} : memref<5x80x64xf32, #tpu.memory_space<vmem>>, vector<1x1x16xf32>,
        %swap3A_1088 = vector.shape_cast %swap3A_1087 : vector<1x1x16xf32> to vector<16xf32>
        %swap3A_1089 = vector.shape_cast %add3A_1082 : vector<16xf32> to vector<1x1x16xf32>
        tpu.vector_store %arg8[%swap3A_1084, %swap3A_1085, %swap3A_1086], %swap3A_1089 {strides = array<i32>} : memref<5x80x64xf32, #tpu.memory_space<vmem>>, vector<1x1x16xf32>,
        %get3A_1090 = arith.constant 1 : i32
        %get3A_1091 = arith.index_cast %get3A_1090 : i32 to index
        %get3A_1092 = arith.index_cast %scan3A_1029 : i32 to index
        %get3A_1093 = arith.constant 48 : index
        %get3A_1094 = tpu.vector_load %arg8[%get3A_1091, %get3A_1092, %get3A_1093] {strides = array<i32>} : memref<5x80x64xf32, #tpu.memory_space<vmem>>, vector<1x1x16xf32>,
        %get3A_1095 = vector.shape_cast %get3A_1094 : vector<1x1x16xf32> to vector<16xf32>
        %add3A_1096 = arith.constant 80 : i32
        %add3A_1097 = arith.addi %add3A_1096, %scan3A_1029 : i32
        %get3A_1098 = arith.index_cast %add3A_1097 : i32 to index
        %get3A_1099 = arith.constant 48 : index
        %get3A_1100 = tpu.vector_load %arg7[%get3A_1098, %get3A_1099] {strides = array<i32>} : memref<400x64xf32, #tpu.memory_space<vmem>>, vector<1x16xf32>,
        %get3A_1101 = vector.shape_cast %get3A_1100 : vector<1x16xf32> to vector<16xf32>
        %add3A_1102 = arith.addf %get3A_1095, %get3A_1101 : vector<16xf32>
        %swap3A_1103 = arith.constant 1 : i32
        %swap3A_1104 = arith.index_cast %swap3A_1103 : i32 to index
        %swap3A_1105 = arith.index_cast %scan3A_1029 : i32 to index
        %swap3A_1106 = arith.constant 48 : index
        %swap3A_1107 = tpu.vector_load %arg8[%swap3A_1104, %swap3A_1105, %swap3A_1106] {strides = array<i32>} : memref<5x80x64xf32, #tpu.memory_space<vmem>>, vector<1x1x16xf32>,
        %swap3A_1108 = vector.shape_cast %swap3A_1107 : vector<1x1x16xf32> to vector<16xf32>
        %swap3A_1109 = vector.shape_cast %add3A_1102 : vector<16xf32> to vector<1x1x16xf32>
        tpu.vector_store %arg8[%swap3A_1104, %swap3A_1105, %swap3A_1106], %swap3A_1109 {strides = array<i32>} : memref<5x80x64xf32, #tpu.memory_space<vmem>>, vector<1x1x16xf32>,
      }
      %scan3A_712 = arith.constant 80 : i32
      %dma_wait3A_713 = arith.constant 0 : i32
      %dma_wait3A_714 = arith.constant 0 : i32
      %dma_wait3A_715 = arith.constant 0 : i32
      %dma_wait3A_716 = tpu.memref_slice %arg8[%dma_wait3A_713, %dma_wait3A_714, %dma_wait3A_715] : memref<5x80x64xf32, #tpu.memory_space<vmem>> -> memref<1x80x64xf32, #tpu.memory_space<vmem>>
      %dma_wait3A_717 = tpu.memref_squeeze %dma_wait3A_716 : memref<1x80x64xf32, #tpu.memory_space<vmem>> -> memref<80x64xf32, #tpu.memory_space<vmem>>
      %dma_wait3A_718 = arith.constant 0 : i32
      %dma_wait3A_719 = arith.constant 0 : i32
      %dma_wait3A_720 = tpu.memref_slice %arg5[%dma_wait3A_718, %dma_wait3A_719] : memref<204800x64xf32, #tpu.memory_space<hbm>> -> memref<80x64xf32, #tpu.memory_space<hbm>>
      %dma_wait3A_721 = arith.constant 0 : i32
      %dma_wait3A_722 = arith.constant 0 : i32
      %dma_wait3A_723 = tpu.memref_slice %arg5[%dma_wait3A_721, %dma_wait3A_722] : memref<204800x64xf32, #tpu.memory_space<hbm>> -> memref<80x64xf32, #tpu.memory_space<hbm>>
      %dma_wait3A_724 = arith.constant 0 : i32
      %dma_wait3A_725 = arith.constant 0 : i32
      %dma_wait3A_726 = tpu.memref_slice %arg8[%dma_wait3A_713, %dma_wait3A_724, %dma_wait3A_725] : memref<5x80x64xf32, #tpu.memory_space<vmem>> -> memref<1x80x64xf32, #tpu.memory_space<vmem>>
      %dma_wait3A_727 = tpu.memref_squeeze %dma_wait3A_726 : memref<1x80x64xf32, #tpu.memory_space<vmem>> -> memref<80x64xf32, #tpu.memory_space<vmem>>
      tpu.wait_dma2 semaphore(%arg14 : memref<!tpu.dma_semaphore, #tpu.memory_space<semaphore_mem>>) src(%dma_wait3A_727 : memref<80x64xf32, #tpu.memory_space<vmem>>) dst(%dma_wait3A_723 : memref<80x64xf32, #tpu.memory_space<hbm>>)
      %add3A_728 = arith.constant 4 : i32
      %add3A_729 = arith.addi %add3A_694, %add3A_728 : i32
      %dma_start3A_730 = arith.constant 0 : i32
      %dma_start3A_731 = arith.constant 0 : i32
      %dma_start3A_732 = arith.constant 0 : i32
      %dma_start3A_733 = tpu.memref_slice %arg8[%dma_start3A_730, %dma_start3A_731, %dma_start3A_732] : memref<5x80x64xf32, #tpu.memory_space<vmem>> -> memref<1x80x64xf32, #tpu.memory_space<vmem>>
      %dma_start3A_734 = tpu.memref_squeeze %dma_start3A_733 : memref<1x80x64xf32, #tpu.memory_space<vmem>> -> memref<80x64xf32, #tpu.memory_space<vmem>>
      %dma_start3A_735 = arith.constant 0 : i32
      %dma_start3A_736 = tpu.memref_slice %arg6[%add3A_729, %dma_start3A_735] : memref<80x80xi32, #tpu.memory_space<vmem>> -> memref<1x80xi32, #tpu.memory_space<vmem>>
      %dma_start3A_737 = tpu.memref_squeeze %dma_start3A_736 : memref<1x80xi32, #tpu.memory_space<vmem>> -> memref<80xi32, #tpu.memory_space<vmem>>
      %dma_start3A_738 = arith.constant 0 : i32
      %dma_start3A_739 = arith.constant 0 : i32
      %dma_start3A_740 = tpu.memref_slice %arg3[%dma_start3A_738, %dma_start3A_739] : memref<1000000x64xf32, #tpu.memory_space<hbm>> -> memref<1000000x64xf32, #tpu.memory_space<hbm>>
      tpu.enqueue_indirect_dma source(%dma_start3A_740 : memref<1000000x64xf32, #tpu.memory_space<hbm>>) target(%dma_start3A_734 : memref<80x64xf32, #tpu.memory_space<vmem>>) offsets(%dma_start3A_737 : memref<80xi32, #tpu.memory_space<vmem>>) semaphore(%arg9 : memref<!tpu.dma_semaphore, #tpu.memory_space<semaphore_mem>>)
      %add3A_741 = arith.addi %mul3A_2, %add3A_694 : i32
      %mul3A_742 = arith.constant 80 : i32
      %mul3A_743 = arith.muli %add3A_741, %mul3A_742 : i32
      %dma_start3A_744 = arith.constant 1 : i32
      %dma_start3A_745 = arith.constant 0 : i32
      %dma_start3A_746 = arith.constant 0 : i32
      %dma_start3A_747 = tpu.memref_slice %arg8[%dma_start3A_744, %dma_start3A_745, %dma_start3A_746] : memref<5x80x64xf32, #tpu.memory_space<vmem>> -> memref<1x80x64xf32, #tpu.memory_space<vmem>>
      %dma_start3A_748 = tpu.memref_squeeze %dma_start3A_747 : memref<1x80x64xf32, #tpu.memory_space<vmem>> -> memref<80x64xf32, #tpu.memory_space<vmem>>
      %dma_start3A_749 = arith.constant 0 : i32
      %dma_start3A_750 = tpu.memref_slice %arg5[%mul3A_743, %dma_start3A_749] : memref<204800x64xf32, #tpu.memory_space<hbm>> -> memref<80x64xf32, #tpu.memory_space<hbm>>
      %dma_start3A_751 = arith.constant 0 : i32
      %dma_start3A_752 = tpu.memref_slice %arg5[%mul3A_743, %dma_start3A_751] : memref<204800x64xf32, #tpu.memory_space<hbm>> -> memref<80x64xf32, #tpu.memory_space<hbm>>
      %dma_start3A_753 = arith.constant 0 : i32
      %dma_start3A_754 = arith.constant 0 : i32
      %dma_start3A_755 = tpu.memref_slice %arg8[%dma_start3A_744, %dma_start3A_753, %dma_start3A_754] : memref<5x80x64xf32, #tpu.memory_space<vmem>> -> memref<1x80x64xf32, #tpu.memory_space<vmem>>
      %dma_start3A_756 = tpu.memref_squeeze %dma_start3A_755 : memref<1x80x64xf32, #tpu.memory_space<vmem>> -> memref<80x64xf32, #tpu.memory_space<vmem>>
      tpu.enqueue_dma source(%dma_start3A_756 : memref<80x64xf32, #tpu.memory_space<vmem>>) target(%dma_start3A_752 : memref<80x64xf32, #tpu.memory_space<hbm>>) target_semaphore(%arg15 : memref<!tpu.dma_semaphore, #tpu.memory_space<semaphore_mem>>)
      %add3A_757 = arith.constant 2 : i32
      %add3A_758 = arith.addi %mul3A_628, %add3A_757 : i32
      %dma_wait3A_759 = arith.constant 0 : i32
      %dma_wait3A_760 = arith.constant 2 : i32
      %dma_wait3A_761 = arith.constant 0 : i32
      %dma_wait3A_762 = arith.constant 0 : i32
      %dma_wait3A_763 = tpu.memref_slice %arg8[%dma_wait3A_760, %dma_wait3A_761, %dma_wait3A_762] : memref<5x80x64xf32, #tpu.memory_space<vmem>> -> memref<1x80x64xf32, #tpu.memory_space<vmem>>
      %dma_wait3A_764 = tpu.memref_squeeze %dma_wait3A_763 : memref<1x80x64xf32, #tpu.memory_space<vmem>> -> memref<80x64xf32, #tpu.memory_space<vmem>>
      %dma_wait3A_765 = arith.constant 0 : i32
      %dma_wait3A_766 = tpu.memref_slice %arg6[%dma_wait3A_759, %dma_wait3A_765] : memref<80x80xi32, #tpu.memory_space<vmem>> -> memref<1x80xi32, #tpu.memory_space<vmem>>
      %dma_wait3A_767 = tpu.memref_squeeze %dma_wait3A_766 : memref<1x80xi32, #tpu.memory_space<vmem>> -> memref<80xi32, #tpu.memory_space<vmem>>
      %dma_wait3A_768 = arith.constant 0 : i32
      %dma_wait3A_769 = arith.constant 0 : i32
      %dma_wait3A_770 = tpu.memref_slice %arg3[%dma_wait3A_768, %dma_wait3A_769] : memref<1000000x64xf32, #tpu.memory_space<hbm>> -> memref<1000000x64xf32, #tpu.memory_space<hbm>>
      tpu.wait_indirect_dma semaphore(%arg11 : memref<!tpu.dma_semaphore, #tpu.memory_space<semaphore_mem>>) src(%dma_wait3A_770 : memref<1000000x64xf32, #tpu.memory_space<hbm>>) dst(%dma_wait3A_764 : memref<80x64xf32, #tpu.memory_space<vmem>>)
      %scan3A_771 = arith.constant 0 : i32
      %scan3A_772 = arith.constant 0 : i32
      %scan3A_773 = arith.constant 80 : i32
      %scan3A_774 = arith.addi %scan3A_772, %scan3A_773 : i32
      %scan3A_775 = arith.constant 2 : i32
      scf.for %scan3A_949 = %scan3A_772 to %scan3A_774 step %scan3A_775  : i32 {
        %get3A = arith.constant 2 : i32
        %get3A_950 = arith.index_cast %get3A : i32 to index
        %get3A_951 = arith.index_cast %scan3A_949 : i32 to index
        %get3A_952 = arith.constant 0 : index
        %get3A_953 = tpu.vector_load %arg8[%get3A_950, %get3A_951, %get3A_952] {strides = array<i32>} : memref<5x80x64xf32, #tpu.memory_space<vmem>>, vector<1x1x16xf32>,
        %get3A_954 = vector.shape_cast %get3A_953 : vector<1x1x16xf32> to vector<16xf32>
        %add3A_955 = arith.constant 160 : i32
        %add3A_956 = arith.addi %add3A_955, %scan3A_949 : i32
        %get3A_957 = arith.index_cast %add3A_956 : i32 to index
        %get3A_958 = arith.constant 0 : index
        %get3A_959 = tpu.vector_load %arg7[%get3A_957, %get3A_958] {strides = array<i32>} : memref<400x64xf32, #tpu.memory_space<vmem>>, vector<1x16xf32>,
        %get3A_960 = vector.shape_cast %get3A_959 : vector<1x16xf32> to vector<16xf32>
        %add3A_961 = arith.addf %get3A_954, %get3A_960 : vector<16xf32>
        %swap3A = arith.constant 2 : i32
        %swap3A_962 = arith.index_cast %swap3A : i32 to index
        %swap3A_963 = arith.index_cast %scan3A_949 : i32 to index
        %swap3A_964 = arith.constant 0 : index
        %swap3A_965 = tpu.vector_load %arg8[%swap3A_962, %swap3A_963, %swap3A_964] {strides = array<i32>} : memref<5x80x64xf32, #tpu.memory_space<vmem>>, vector<1x1x16xf32>,
        %swap3A_966 = vector.shape_cast %swap3A_965 : vector<1x1x16xf32> to vector<16xf32>
        %swap3A_967 = vector.shape_cast %add3A_961 : vector<16xf32> to vector<1x1x16xf32>
        tpu.vector_store %arg8[%swap3A_962, %swap3A_963, %swap3A_964], %swap3A_967 {strides = array<i32>} : memref<5x80x64xf32, #tpu.memory_space<vmem>>, vector<1x1x16xf32>,
        %get3A_968 = arith.constant 2 : i32
        %get3A_969 = arith.index_cast %get3A_968 : i32 to index
        %get3A_970 = arith.index_cast %scan3A_949 : i32 to index
        %get3A_971 = arith.constant 16 : index
        %get3A_972 = tpu.vector_load %arg8[%get3A_969, %get3A_970, %get3A_971] {strides = array<i32>} : memref<5x80x64xf32, #tpu.memory_space<vmem>>, vector<1x1x16xf32>,
        %get3A_973 = vector.shape_cast %get3A_972 : vector<1x1x16xf32> to vector<16xf32>
        %add3A_974 = arith.constant 160 : i32
        %add3A_975 = arith.addi %add3A_974, %scan3A_949 : i32
        %get3A_976 = arith.index_cast %add3A_975 : i32 to index
        %get3A_977 = arith.constant 16 : index
        %get3A_978 = tpu.vector_load %arg7[%get3A_976, %get3A_977] {strides = array<i32>} : memref<400x64xf32, #tpu.memory_space<vmem>>, vector<1x16xf32>,
        %get3A_979 = vector.shape_cast %get3A_978 : vector<1x16xf32> to vector<16xf32>
        %add3A_980 = arith.addf %get3A_973, %get3A_979 : vector<16xf32>
        %swap3A_981 = arith.constant 2 : i32
        %swap3A_982 = arith.index_cast %swap3A_981 : i32 to index
        %swap3A_983 = arith.index_cast %scan3A_949 : i32 to index
        %swap3A_984 = arith.constant 16 : index
        %swap3A_985 = tpu.vector_load %arg8[%swap3A_982, %swap3A_983, %swap3A_984] {strides = array<i32>} : memref<5x80x64xf32, #tpu.memory_space<vmem>>, vector<1x1x16xf32>,
        %swap3A_986 = vector.shape_cast %swap3A_985 : vector<1x1x16xf32> to vector<16xf32>
        %swap3A_987 = vector.shape_cast %add3A_980 : vector<16xf32> to vector<1x1x16xf32>
        tpu.vector_store %arg8[%swap3A_982, %swap3A_983, %swap3A_984], %swap3A_987 {strides = array<i32>} : memref<5x80x64xf32, #tpu.memory_space<vmem>>, vector<1x1x16xf32>,
        %get3A_988 = arith.constant 2 : i32
        %get3A_989 = arith.index_cast %get3A_988 : i32 to index
        %get3A_990 = arith.index_cast %scan3A_949 : i32 to index
        %get3A_991 = arith.constant 32 : index
        %get3A_992 = tpu.vector_load %arg8[%get3A_989, %get3A_990, %get3A_991] {strides = array<i32>} : memref<5x80x64xf32, #tpu.memory_space<vmem>>, vector<1x1x16xf32>,
        %get3A_993 = vector.shape_cast %get3A_992 : vector<1x1x16xf32> to vector<16xf32>
        %add3A_994 = arith.constant 160 : i32
        %add3A_995 = arith.addi %add3A_994, %scan3A_949 : i32
        %get3A_996 = arith.index_cast %add3A_995 : i32 to index
        %get3A_997 = arith.constant 32 : index
        %get3A_998 = tpu.vector_load %arg7[%get3A_996, %get3A_997] {strides = array<i32>} : memref<400x64xf32, #tpu.memory_space<vmem>>, vector<1x16xf32>,
        %get3A_999 = vector.shape_cast %get3A_998 : vector<1x16xf32> to vector<16xf32>
        %add3A_1000 = arith.addf %get3A_993, %get3A_999 : vector<16xf32>
        %swap3A_1001 = arith.constant 2 : i32
        %swap3A_1002 = arith.index_cast %swap3A_1001 : i32 to index
        %swap3A_1003 = arith.index_cast %scan3A_949 : i32 to index
        %swap3A_1004 = arith.constant 32 : index
        %swap3A_1005 = tpu.vector_load %arg8[%swap3A_1002, %swap3A_1003, %swap3A_1004] {strides = array<i32>} : memref<5x80x64xf32, #tpu.memory_space<vmem>>, vector<1x1x16xf32>,
        %swap3A_1006 = vector.shape_cast %swap3A_1005 : vector<1x1x16xf32> to vector<16xf32>
        %swap3A_1007 = vector.shape_cast %add3A_1000 : vector<16xf32> to vector<1x1x16xf32>
        tpu.vector_store %arg8[%swap3A_1002, %swap3A_1003, %swap3A_1004], %swap3A_1007 {strides = array<i32>} : memref<5x80x64xf32, #tpu.memory_space<vmem>>, vector<1x1x16xf32>,
        %get3A_1008 = arith.constant 2 : i32
        %get3A_1009 = arith.index_cast %get3A_1008 : i32 to index
        %get3A_1010 = arith.index_cast %scan3A_949 : i32 to index
        %get3A_1011 = arith.constant 48 : index
        %get3A_1012 = tpu.vector_load %arg8[%get3A_1009, %get3A_1010, %get3A_1011] {strides = array<i32>} : memref<5x80x64xf32, #tpu.memory_space<vmem>>, vector<1x1x16xf32>,
        %get3A_1013 = vector.shape_cast %get3A_1012 : vector<1x1x16xf32> to vector<16xf32>
        %add3A_1014 = arith.constant 160 : i32
        %add3A_1015 = arith.addi %add3A_1014, %scan3A_949 : i32
        %get3A_1016 = arith.index_cast %add3A_1015 : i32 to index
        %get3A_1017 = arith.constant 48 : index
        %get3A_1018 = tpu.vector_load %arg7[%get3A_1016, %get3A_1017] {strides = array<i32>} : memref<400x64xf32, #tpu.memory_space<vmem>>, vector<1x16xf32>,
        %get3A_1019 = vector.shape_cast %get3A_1018 : vector<1x16xf32> to vector<16xf32>
        %add3A_1020 = arith.addf %get3A_1013, %get3A_1019 : vector<16xf32>
        %swap3A_1021 = arith.constant 2 : i32
        %swap3A_1022 = arith.index_cast %swap3A_1021 : i32 to index
        %swap3A_1023 = arith.index_cast %scan3A_949 : i32 to index
        %swap3A_1024 = arith.constant 48 : index
        %swap3A_1025 = tpu.vector_load %arg8[%swap3A_1022, %swap3A_1023, %swap3A_1024] {strides = array<i32>} : memref<5x80x64xf32, #tpu.memory_space<vmem>>, vector<1x1x16xf32>,
        %swap3A_1026 = vector.shape_cast %swap3A_1025 : vector<1x1x16xf32> to vector<16xf32>
        %swap3A_1027 = vector.shape_cast %add3A_1020 : vector<16xf32> to vector<1x1x16xf32>
        tpu.vector_store %arg8[%swap3A_1022, %swap3A_1023, %swap3A_1024], %swap3A_1027 {strides = array<i32>} : memref<5x80x64xf32, #tpu.memory_space<vmem>>, vector<1x1x16xf32>,
        %scan3A_1028 = arith.constant 1 : i32
        %scan3A_1029 = arith.addi %scan3A_949, %scan3A_1028 : i32
        %get3A_1030 = arith.constant 2 : i32
        %get3A_1031 = arith.index_cast %get3A_1030 : i32 to index
        %get3A_1032 = arith.index_cast %scan3A_1029 : i32 to index
        %get3A_1033 = arith.constant 0 : index
        %get3A_1034 = tpu.vector_load %arg8[%get3A_1031, %get3A_1032, %get3A_1033] {strides = array<i32>} : memref<5x80x64xf32, #tpu.memory_space<vmem>>, vector<1x1x16xf32>,
        %get3A_1035 = vector.shape_cast %get3A_1034 : vector<1x1x16xf32> to vector<16xf32>
        %add3A_1036 = arith.constant 160 : i32
        %add3A_1037 = arith.addi %add3A_1036, %scan3A_1029 : i32
        %get3A_1038 = arith.index_cast %add3A_1037 : i32 to index
        %get3A_1039 = arith.constant 0 : index
        %get3A_1040 = tpu.vector_load %arg7[%get3A_1038, %get3A_1039] {strides = array<i32>} : memref<400x64xf32, #tpu.memory_space<vmem>>, vector<1x16xf32>,
        %get3A_1041 = vector.shape_cast %get3A_1040 : vector<1x16xf32> to vector<16xf32>
        %add3A_1042 = arith.addf %get3A_1035, %get3A_1041 : vector<16xf32>
        %swap3A_1043 = arith.constant 2 : i32
        %swap3A_1044 = arith.index_cast %swap3A_1043 : i32 to index
        %swap3A_1045 = arith.index_cast %scan3A_1029 : i32 to index
        %swap3A_1046 = arith.constant 0 : index
        %swap3A_1047 = tpu.vector_load %arg8[%swap3A_1044, %swap3A_1045, %swap3A_1046] {strides = array<i32>} : memref<5x80x64xf32, #tpu.memory_space<vmem>>, vector<1x1x16xf32>,
        %swap3A_1048 = vector.shape_cast %swap3A_1047 : vector<1x1x16xf32> to vector<16xf32>
        %swap3A_1049 = vector.shape_cast %add3A_1042 : vector<16xf32> to vector<1x1x16xf32>
        tpu.vector_store %arg8[%swap3A_1044, %swap3A_1045, %swap3A_1046], %swap3A_1049 {strides = array<i32>} : memref<5x80x64xf32, #tpu.memory_space<vmem>>, vector<1x1x16xf32>,
        %get3A_1050 = arith.constant 2 : i32
        %get3A_1051 = arith.index_cast %get3A_1050 : i32 to index
        %get3A_1052 = arith.index_cast %scan3A_1029 : i32 to index
        %get3A_1053 = arith.constant 16 : index
        %get3A_1054 = tpu.vector_load %arg8[%get3A_1051, %get3A_1052, %get3A_1053] {strides = array<i32>} : memref<5x80x64xf32, #tpu.memory_space<vmem>>, vector<1x1x16xf32>,
        %get3A_1055 = vector.shape_cast %get3A_1054 : vector<1x1x16xf32> to vector<16xf32>
        %add3A_1056 = arith.constant 160 : i32
        %add3A_1057 = arith.addi %add3A_1056, %scan3A_1029 : i32
        %get3A_1058 = arith.index_cast %add3A_1057 : i32 to index
        %get3A_1059 = arith.constant 16 : index
        %get3A_1060 = tpu.vector_load %arg7[%get3A_1058, %get3A_1059] {strides = array<i32>} : memref<400x64xf32, #tpu.memory_space<vmem>>, vector<1x16xf32>,
        %get3A_1061 = vector.shape_cast %get3A_1060 : vector<1x16xf32> to vector<16xf32>
        %add3A_1062 = arith.addf %get3A_1055, %get3A_1061 : vector<16xf32>
        %swap3A_1063 = arith.constant 2 : i32
        %swap3A_1064 = arith.index_cast %swap3A_1063 : i32 to index
        %swap3A_1065 = arith.index_cast %scan3A_1029 : i32 to index
        %swap3A_1066 = arith.constant 16 : index
        %swap3A_1067 = tpu.vector_load %arg8[%swap3A_1064, %swap3A_1065, %swap3A_1066] {strides = array<i32>} : memref<5x80x64xf32, #tpu.memory_space<vmem>>, vector<1x1x16xf32>,
        %swap3A_1068 = vector.shape_cast %swap3A_1067 : vector<1x1x16xf32> to vector<16xf32>
        %swap3A_1069 = vector.shape_cast %add3A_1062 : vector<16xf32> to vector<1x1x16xf32>
        tpu.vector_store %arg8[%swap3A_1064, %swap3A_1065, %swap3A_1066], %swap3A_1069 {strides = array<i32>} : memref<5x80x64xf32, #tpu.memory_space<vmem>>, vector<1x1x16xf32>,
        %get3A_1070 = arith.constant 2 : i32
        %get3A_1071 = arith.index_cast %get3A_1070 : i32 to index
        %get3A_1072 = arith.index_cast %scan3A_1029 : i32 to index
        %get3A_1073 = arith.constant 32 : index
        %get3A_1074 = tpu.vector_load %arg8[%get3A_1071, %get3A_1072, %get3A_1073] {strides = array<i32>} : memref<5x80x64xf32, #tpu.memory_space<vmem>>, vector<1x1x16xf32>,
        %get3A_1075 = vector.shape_cast %get3A_1074 : vector<1x1x16xf32> to vector<16xf32>
        %add3A_1076 = arith.constant 160 : i32
        %add3A_1077 = arith.addi %add3A_1076, %scan3A_1029 : i32
        %get3A_1078 = arith.index_cast %add3A_1077 : i32 to index
        %get3A_1079 = arith.constant 32 : index
        %get3A_1080 = tpu.vector_load %arg7[%get3A_1078, %get3A_1079] {strides = array<i32>} : memref<400x64xf32, #tpu.memory_space<vmem>>, vector<1x16xf32>,
        %get3A_1081 = vector.shape_cast %get3A_1080 : vector<1x16xf32> to vector<16xf32>
        %add3A_1082 = arith.addf %get3A_1075, %get3A_1081 : vector<16xf32>
        %swap3A_1083 = arith.constant 2 : i32
        %swap3A_1084 = arith.index_cast %swap3A_1083 : i32 to index
        %swap3A_1085 = arith.index_cast %scan3A_1029 : i32 to index
        %swap3A_1086 = arith.constant 32 : index
        %swap3A_1087 = tpu.vector_load %arg8[%swap3A_1084, %swap3A_1085, %swap3A_1086] {strides = array<i32>} : memref<5x80x64xf32, #tpu.memory_space<vmem>>, vector<1x1x16xf32>,
        %swap3A_1088 = vector.shape_cast %swap3A_1087 : vector<1x1x16xf32> to vector<16xf32>
        %swap3A_1089 = vector.shape_cast %add3A_1082 : vector<16xf32> to vector<1x1x16xf32>
        tpu.vector_store %arg8[%swap3A_1084, %swap3A_1085, %swap3A_1086], %swap3A_1089 {strides = array<i32>} : memref<5x80x64xf32, #tpu.memory_space<vmem>>, vector<1x1x16xf32>,
        %get3A_1090 = arith.constant 2 : i32
        %get3A_1091 = arith.index_cast %get3A_1090 : i32 to index
        %get3A_1092 = arith.index_cast %scan3A_1029 : i32 to index
        %get3A_1093 = arith.constant 48 : index
        %get3A_1094 = tpu.vector_load %arg8[%get3A_1091, %get3A_1092, %get3A_1093] {strides = array<i32>} : memref<5x80x64xf32, #tpu.memory_space<vmem>>, vector<1x1x16xf32>,
        %get3A_1095 = vector.shape_cast %get3A_1094 : vector<1x1x16xf32> to vector<16xf32>
        %add3A_1096 = arith.constant 160 : i32
        %add3A_1097 = arith.addi %add3A_1096, %scan3A_1029 : i32
        %get3A_1098 = arith.index_cast %add3A_1097 : i32 to index
        %get3A_1099 = arith.constant 48 : index
        %get3A_1100 = tpu.vector_load %arg7[%get3A_1098, %get3A_1099] {strides = array<i32>} : memref<400x64xf32, #tpu.memory_space<vmem>>, vector<1x16xf32>,
        %get3A_1101 = vector.shape_cast %get3A_1100 : vector<1x16xf32> to vector<16xf32>
        %add3A_1102 = arith.addf %get3A_1095, %get3A_1101 : vector<16xf32>
        %swap3A_1103 = arith.constant 2 : i32
        %swap3A_1104 = arith.index_cast %swap3A_1103 : i32 to index
        %swap3A_1105 = arith.index_cast %scan3A_1029 : i32 to index
        %swap3A_1106 = arith.constant 48 : index
        %swap3A_1107 = tpu.vector_load %arg8[%swap3A_1104, %swap3A_1105, %swap3A_1106] {strides = array<i32>} : memref<5x80x64xf32, #tpu.memory_space<vmem>>, vector<1x1x16xf32>,
        %swap3A_1108 = vector.shape_cast %swap3A_1107 : vector<1x1x16xf32> to vector<16xf32>
        %swap3A_1109 = vector.shape_cast %add3A_1102 : vector<16xf32> to vector<1x1x16xf32>
        tpu.vector_store %arg8[%swap3A_1104, %swap3A_1105, %swap3A_1106], %swap3A_1109 {strides = array<i32>} : memref<5x80x64xf32, #tpu.memory_space<vmem>>, vector<1x1x16xf32>,
      }
      %scan3A_776 = arith.constant 80 : i32
      %dma_wait3A_777 = arith.constant 1 : i32
      %dma_wait3A_778 = arith.constant 0 : i32
      %dma_wait3A_779 = arith.constant 0 : i32
      %dma_wait3A_780 = tpu.memref_slice %arg8[%dma_wait3A_777, %dma_wait3A_778, %dma_wait3A_779] : memref<5x80x64xf32, #tpu.memory_space<vmem>> -> memref<1x80x64xf32, #tpu.memory_space<vmem>>
      %dma_wait3A_781 = tpu.memref_squeeze %dma_wait3A_780 : memref<1x80x64xf32, #tpu.memory_space<vmem>> -> memref<80x64xf32, #tpu.memory_space<vmem>>
      %dma_wait3A_782 = arith.constant 0 : i32
      %dma_wait3A_783 = arith.constant 0 : i32
      %dma_wait3A_784 = tpu.memref_slice %arg5[%dma_wait3A_782, %dma_wait3A_783] : memref<204800x64xf32, #tpu.memory_space<hbm>> -> memref<80x64xf32, #tpu.memory_space<hbm>>
      %dma_wait3A_785 = arith.constant 0 : i32
      %dma_wait3A_786 = arith.constant 0 : i32
      %dma_wait3A_787 = tpu.memref_slice %arg5[%dma_wait3A_785, %dma_wait3A_786] : memref<204800x64xf32, #tpu.memory_space<hbm>> -> memref<80x64xf32, #tpu.memory_space<hbm>>
      %dma_wait3A_788 = arith.constant 0 : i32
      %dma_wait3A_789 = arith.constant 0 : i32
      %dma_wait3A_790 = tpu.memref_slice %arg8[%dma_wait3A_777, %dma_wait3A_788, %dma_wait3A_789] : memref<5x80x64xf32, #tpu.memory_space<vmem>> -> memref<1x80x64xf32, #tpu.memory_space<vmem>>
      %dma_wait3A_791 = tpu.memref_squeeze %dma_wait3A_790 : memref<1x80x64xf32, #tpu.memory_space<vmem>> -> memref<80x64xf32, #tpu.memory_space<vmem>>
      tpu.wait_dma2 semaphore(%arg15 : memref<!tpu.dma_semaphore, #tpu.memory_space<semaphore_mem>>) src(%dma_wait3A_791 : memref<80x64xf32, #tpu.memory_space<vmem>>) dst(%dma_wait3A_787 : memref<80x64xf32, #tpu.memory_space<hbm>>)
      %add3A_792 = arith.constant 4 : i32
      %add3A_793 = arith.addi %add3A_758, %add3A_792 : i32
      %dma_start3A_794 = arith.constant 1 : i32
      %dma_start3A_795 = arith.constant 0 : i32
      %dma_start3A_796 = arith.constant 0 : i32
      %dma_start3A_797 = tpu.memref_slice %arg8[%dma_start3A_794, %dma_start3A_795, %dma_start3A_796] : memref<5x80x64xf32, #tpu.memory_space<vmem>> -> memref<1x80x64xf32, #tpu.memory_space<vmem>>
      %dma_start3A_798 = tpu.memref_squeeze %dma_start3A_797 : memref<1x80x64xf32, #tpu.memory_space<vmem>> -> memref<80x64xf32, #tpu.memory_space<vmem>>
      %dma_start3A_799 = arith.constant 0 : i32
      %dma_start3A_800 = tpu.memref_slice %arg6[%add3A_793, %dma_start3A_799] : memref<80x80xi32, #tpu.memory_space<vmem>> -> memref<1x80xi32, #tpu.memory_space<vmem>>
      %dma_start3A_801 = tpu.memref_squeeze %dma_start3A_800 : memref<1x80xi32, #tpu.memory_space<vmem>> -> memref<80xi32, #tpu.memory_space<vmem>>
      %dma_start3A_802 = arith.constant 0 : i32
      %dma_start3A_803 = arith.constant 0 : i32
      %dma_start3A_804 = tpu.memref_slice %arg3[%dma_start3A_802, %dma_start3A_803] : memref<1000000x64xf32, #tpu.memory_space<hbm>> -> memref<1000000x64xf32, #tpu.memory_space<hbm>>
      tpu.enqueue_indirect_dma source(%dma_start3A_804 : memref<1000000x64xf32, #tpu.memory_space<hbm>>) target(%dma_start3A_798 : memref<80x64xf32, #tpu.memory_space<vmem>>) offsets(%dma_start3A_801 : memref<80xi32, #tpu.memory_space<vmem>>) semaphore(%arg10 : memref<!tpu.dma_semaphore, #tpu.memory_space<semaphore_mem>>)
      %add3A_805 = arith.addi %mul3A_2, %add3A_758 : i32
      %mul3A_806 = arith.constant 80 : i32
      %mul3A_807 = arith.muli %add3A_805, %mul3A_806 : i32
      %dma_start3A_808 = arith.constant 2 : i32
      %dma_start3A_809 = arith.constant 0 : i32
      %dma_start3A_810 = arith.constant 0 : i32
      %dma_start3A_811 = tpu.memref_slice %arg8[%dma_start3A_808, %dma_start3A_809, %dma_start3A_810] : memref<5x80x64xf32, #tpu.memory_space<vmem>> -> memref<1x80x64xf32, #tpu.memory_space<vmem>>
      %dma_start3A_812 = tpu.memref_squeeze %dma_start3A_811 : memref<1x80x64xf32, #tpu.memory_space<vmem>> -> memref<80x64xf32, #tpu.memory_space<vmem>>
      %dma_start3A_813 = arith.constant 0 : i32
      %dma_start3A_814 = tpu.memref_slice %arg5[%mul3A_807, %dma_start3A_813] : memref<204800x64xf32, #tpu.memory_space<hbm>> -> memref<80x64xf32, #tpu.memory_space<hbm>>
      %dma_start3A_815 = arith.constant 0 : i32
      %dma_start3A_816 = tpu.memref_slice %arg5[%mul3A_807, %dma_start3A_815] : memref<204800x64xf32, #tpu.memory_space<hbm>> -> memref<80x64xf32, #tpu.memory_space<hbm>>
      %dma_start3A_817 = arith.constant 0 : i32
      %dma_start3A_818 = arith.constant 0 : i32
      %dma_start3A_819 = tpu.memref_slice %arg8[%dma_start3A_808, %dma_start3A_817, %dma_start3A_818] : memref<5x80x64xf32, #tpu.memory_space<vmem>> -> memref<1x80x64xf32, #tpu.memory_space<vmem>>
      %dma_start3A_820 = tpu.memref_squeeze %dma_start3A_819 : memref<1x80x64xf32, #tpu.memory_space<vmem>> -> memref<80x64xf32, #tpu.memory_space<vmem>>
      tpu.enqueue_dma source(%dma_start3A_820 : memref<80x64xf32, #tpu.memory_space<vmem>>) target(%dma_start3A_816 : memref<80x64xf32, #tpu.memory_space<hbm>>) target_semaphore(%arg16 : memref<!tpu.dma_semaphore, #tpu.memory_space<semaphore_mem>>)
      %add3A_821 = arith.constant 3 : i32
      %add3A_822 = arith.addi %mul3A_628, %add3A_821 : i32
      %dma_wait3A_823 = arith.constant 0 : i32
      %dma_wait3A_824 = arith.constant 3 : i32
      %dma_wait3A_825 = arith.constant 0 : i32
      %dma_wait3A_826 = arith.constant 0 : i32
      %dma_wait3A_827 = tpu.memref_slice %arg8[%dma_wait3A_824, %dma_wait3A_825, %dma_wait3A_826] : memref<5x80x64xf32, #tpu.memory_space<vmem>> -> memref<1x80x64xf32, #tpu.memory_space<vmem>>
      %dma_wait3A_828 = tpu.memref_squeeze %dma_wait3A_827 : memref<1x80x64xf32, #tpu.memory_space<vmem>> -> memref<80x64xf32, #tpu.memory_space<vmem>>
      %dma_wait3A_829 = arith.constant 0 : i32
      %dma_wait3A_830 = tpu.memref_slice %arg6[%dma_wait3A_823, %dma_wait3A_829] : memref<80x80xi32, #tpu.memory_space<vmem>> -> memref<1x80xi32, #tpu.memory_space<vmem>>
      %dma_wait3A_831 = tpu.memref_squeeze %dma_wait3A_830 : memref<1x80xi32, #tpu.memory_space<vmem>> -> memref<80xi32, #tpu.memory_space<vmem>>
      %dma_wait3A_832 = arith.constant 0 : i32
      %dma_wait3A_833 = arith.constant 0 : i32
      %dma_wait3A_834 = tpu.memref_slice %arg3[%dma_wait3A_832, %dma_wait3A_833] : memref<1000000x64xf32, #tpu.memory_space<hbm>> -> memref<1000000x64xf32, #tpu.memory_space<hbm>>
      tpu.wait_indirect_dma semaphore(%arg12 : memref<!tpu.dma_semaphore, #tpu.memory_space<semaphore_mem>>) src(%dma_wait3A_834 : memref<1000000x64xf32, #tpu.memory_space<hbm>>) dst(%dma_wait3A_828 : memref<80x64xf32, #tpu.memory_space<vmem>>)
      %scan3A_835 = arith.constant 0 : i32
      %scan3A_836 = arith.constant 0 : i32
      %scan3A_837 = arith.constant 80 : i32
      %scan3A_838 = arith.addi %scan3A_836, %scan3A_837 : i32
      %scan3A_839 = arith.constant 2 : i32
      scf.for %scan3A_949 = %scan3A_836 to %scan3A_838 step %scan3A_839  : i32 {
        %get3A = arith.constant 3 : i32
        %get3A_950 = arith.index_cast %get3A : i32 to index
        %get3A_951 = arith.index_cast %scan3A_949 : i32 to index
        %get3A_952 = arith.constant 0 : index
        %get3A_953 = tpu.vector_load %arg8[%get3A_950, %get3A_951, %get3A_952] {strides = array<i32>} : memref<5x80x64xf32, #tpu.memory_space<vmem>>, vector<1x1x16xf32>,
        %get3A_954 = vector.shape_cast %get3A_953 : vector<1x1x16xf32> to vector<16xf32>
        %add3A_955 = arith.constant 40 : i32
        %add3A_956 = arith.addi %add3A_955, %scan3A_949 : i32
        %get3A_957 = arith.index_cast %add3A_956 : i32 to index
        %get3A_958 = arith.constant 0 : index
        %get3A_959 = tpu.vector_load %arg7[%get3A_957, %get3A_958] {strides = array<i32>} : memref<400x64xf32, #tpu.memory_space<vmem>>, vector<1x16xf32>,
        %get3A_960 = vector.shape_cast %get3A_959 : vector<1x16xf32> to vector<16xf32>
        %add3A_961 = arith.addf %get3A_954, %get3A_960 : vector<16xf32>
        %swap3A = arith.constant 3 : i32
        %swap3A_962 = arith.index_cast %swap3A : i32 to index
        %swap3A_963 = arith.index_cast %scan3A_949 : i32 to index
        %swap3A_964 = arith.constant 0 : index
        %swap3A_965 = tpu.vector_load %arg8[%swap3A_962, %swap3A_963, %swap3A_964] {strides = array<i32>} : memref<5x80x64xf32, #tpu.memory_space<vmem>>, vector<1x1x16xf32>,
        %swap3A_966 = vector.shape_cast %swap3A_965 : vector<1x1x16xf32> to vector<16xf32>
        %swap3A_967 = vector.shape_cast %add3A_961 : vector<16xf32> to vector<1x1x16xf32>
        tpu.vector_store %arg8[%swap3A_962, %swap3A_963, %swap3A_964], %swap3A_967 {strides = array<i32>} : memref<5x80x64xf32, #tpu.memory_space<vmem>>, vector<1x1x16xf32>,
        %get3A_968 = arith.constant 3 : i32
        %get3A_969 = arith.index_cast %get3A_968 : i32 to index
        %get3A_970 = arith.index_cast %scan3A_949 : i32 to index
        %get3A_971 = arith.constant 16 : index
        %get3A_972 = tpu.vector_load %arg8[%get3A_969, %get3A_970, %get3A_971] {strides = array<i32>} : memref<5x80x64xf32, #tpu.memory_space<vmem>>, vector<1x1x16xf32>,
        %get3A_973 = vector.shape_cast %get3A_972 : vector<1x1x16xf32> to vector<16xf32>
        %add3A_974 = arith.constant 40 : i32
        %add3A_975 = arith.addi %add3A_974, %scan3A_949 : i32
        %get3A_976 = arith.index_cast %add3A_975 : i32 to index
        %get3A_977 = arith.constant 16 : index
        %get3A_978 = tpu.vector_load %arg7[%get3A_976, %get3A_977] {strides = array<i32>} : memref<400x64xf32, #tpu.memory_space<vmem>>, vector<1x16xf32>,
        %get3A_979 = vector.shape_cast %get3A_978 : vector<1x16xf32> to vector<16xf32>
        %add3A_980 = arith.addf %get3A_973, %get3A_979 : vector<16xf32>
        %swap3A_981 = arith.constant 3 : i32
        %swap3A_982 = arith.index_cast %swap3A_981 : i32 to index
        %swap3A_983 = arith.index_cast %scan3A_949 : i32 to index
        %swap3A_984 = arith.constant 16 : index
        %swap3A_985 = tpu.vector_load %arg8[%swap3A_982, %swap3A_983, %swap3A_984] {strides = array<i32>} : memref<5x80x64xf32, #tpu.memory_space<vmem>>, vector<1x1x16xf32>,
        %swap3A_986 = vector.shape_cast %swap3A_985 : vector<1x1x16xf32> to vector<16xf32>
        %swap3A_987 = vector.shape_cast %add3A_980 : vector<16xf32> to vector<1x1x16xf32>
        tpu.vector_store %arg8[%swap3A_982, %swap3A_983, %swap3A_984], %swap3A_987 {strides = array<i32>} : memref<5x80x64xf32, #tpu.memory_space<vmem>>, vector<1x1x16xf32>,
        %get3A_988 = arith.constant 3 : i32
        %get3A_989 = arith.index_cast %get3A_988 : i32 to index
        %get3A_990 = arith.index_cast %scan3A_949 : i32 to index
        %get3A_991 = arith.constant 32 : index
        %get3A_992 = tpu.vector_load %arg8[%get3A_989, %get3A_990, %get3A_991] {strides = array<i32>} : memref<5x80x64xf32, #tpu.memory_space<vmem>>, vector<1x1x16xf32>,
        %get3A_993 = vector.shape_cast %get3A_992 : vector<1x1x16xf32> to vector<16xf32>
        %add3A_994 = arith.constant 40 : i32
        %add3A_995 = arith.addi %add3A_994, %scan3A_949 : i32
        %get3A_996 = arith.index_cast %add3A_995 : i32 to index
        %get3A_997 = arith.constant 32 : index
        %get3A_998 = tpu.vector_load %arg7[%get3A_996, %get3A_997] {strides = array<i32>} : memref<400x64xf32, #tpu.memory_space<vmem>>, vector<1x16xf32>,
        %get3A_999 = vector.shape_cast %get3A_998 : vector<1x16xf32> to vector<16xf32>
        %add3A_1000 = arith.addf %get3A_993, %get3A_999 : vector<16xf32>
        %swap3A_1001 = arith.constant 3 : i32
        %swap3A_1002 = arith.index_cast %swap3A_1001 : i32 to index
        %swap3A_1003 = arith.index_cast %scan3A_949 : i32 to index
        %swap3A_1004 = arith.constant 32 : index
        %swap3A_1005 = tpu.vector_load %arg8[%swap3A_1002, %swap3A_1003, %swap3A_1004] {strides = array<i32>} : memref<5x80x64xf32, #tpu.memory_space<vmem>>, vector<1x1x16xf32>,
        %swap3A_1006 = vector.shape_cast %swap3A_1005 : vector<1x1x16xf32> to vector<16xf32>
        %swap3A_1007 = vector.shape_cast %add3A_1000 : vector<16xf32> to vector<1x1x16xf32>
        tpu.vector_store %arg8[%swap3A_1002, %swap3A_1003, %swap3A_1004], %swap3A_1007 {strides = array<i32>} : memref<5x80x64xf32, #tpu.memory_space<vmem>>, vector<1x1x16xf32>,
        %get3A_1008 = arith.constant 3 : i32
        %get3A_1009 = arith.index_cast %get3A_1008 : i32 to index
        %get3A_1010 = arith.index_cast %scan3A_949 : i32 to index
        %get3A_1011 = arith.constant 48 : index
        %get3A_1012 = tpu.vector_load %arg8[%get3A_1009, %get3A_1010, %get3A_1011] {strides = array<i32>} : memref<5x80x64xf32, #tpu.memory_space<vmem>>, vector<1x1x16xf32>,
        %get3A_1013 = vector.shape_cast %get3A_1012 : vector<1x1x16xf32> to vector<16xf32>
        %add3A_1014 = arith.constant 40 : i32
        %add3A_1015 = arith.addi %add3A_1014, %scan3A_949 : i32
        %get3A_1016 = arith.index_cast %add3A_1015 : i32 to index
        %get3A_1017 = arith.constant 48 : index
        %get3A_1018 = tpu.vector_load %arg7[%get3A_1016, %get3A_1017] {strides = array<i32>} : memref<400x64xf32, #tpu.memory_space<vmem>>, vector<1x16xf32>,
        %get3A_1019 = vector.shape_cast %get3A_1018 : vector<1x16xf32> to vector<16xf32>
        %add3A_1020 = arith.addf %get3A_1013, %get3A_1019 : vector<16xf32>
        %swap3A_1021 = arith.constant 3 : i32
        %swap3A_1022 = arith.index_cast %swap3A_1021 : i32 to index
        %swap3A_1023 = arith.index_cast %scan3A_949 : i32 to index
        %swap3A_1024 = arith.constant 48 : index
        %swap3A_1025 = tpu.vector_load %arg8[%swap3A_1022, %swap3A_1023, %swap3A_1024] {strides = array<i32>} : memref<5x80x64xf32, #tpu.memory_space<vmem>>, vector<1x1x16xf32>,
        %swap3A_1026 = vector.shape_cast %swap3A_1025 : vector<1x1x16xf32> to vector<16xf32>
        %swap3A_1027 = vector.shape_cast %add3A_1020 : vector<16xf32> to vector<1x1x16xf32>
        tpu.vector_store %arg8[%swap3A_1022, %swap3A_1023, %swap3A_1024], %swap3A_1027 {strides = array<i32>} : memref<5x80x64xf32, #tpu.memory_space<vmem>>, vector<1x1x16xf32>,
        %scan3A_1028 = arith.constant 1 : i32
        %scan3A_1029 = arith.addi %scan3A_949, %scan3A_1028 : i32
        %get3A_1030 = arith.constant 3 : i32
        %get3A_1031 = arith.index_cast %get3A_1030 : i32 to index
        %get3A_1032 = arith.index_cast %scan3A_1029 : i32 to index
        %get3A_1033 = arith.constant 0 : index
        %get3A_1034 = tpu.vector_load %arg8[%get3A_1031, %get3A_1032, %get3A_1033] {strides = array<i32>} : memref<5x80x64xf32, #tpu.memory_space<vmem>>, vector<1x1x16xf32>,
        %get3A_1035 = vector.shape_cast %get3A_1034 : vector<1x1x16xf32> to vector<16xf32>
        %add3A_1036 = arith.constant 40 : i32
        %add3A_1037 = arith.addi %add3A_1036, %scan3A_1029 : i32
        %get3A_1038 = arith.index_cast %add3A_1037 : i32 to index
        %get3A_1039 = arith.constant 0 : index
        %get3A_1040 = tpu.vector_load %arg7[%get3A_1038, %get3A_1039] {strides = array<i32>} : memref<400x64xf32, #tpu.memory_space<vmem>>, vector<1x16xf32>,
        %get3A_1041 = vector.shape_cast %get3A_1040 : vector<1x16xf32> to vector<16xf32>
        %add3A_1042 = arith.addf %get3A_1035, %get3A_1041 : vector<16xf32>
        %swap3A_1043 = arith.constant 3 : i32
        %swap3A_1044 = arith.index_cast %swap3A_1043 : i32 to index
        %swap3A_1045 = arith.index_cast %scan3A_1029 : i32 to index
        %swap3A_1046 = arith.constant 0 : index
        %swap3A_1047 = tpu.vector_load %arg8[%swap3A_1044, %swap3A_1045, %swap3A_1046] {strides = array<i32>} : memref<5x80x64xf32, #tpu.memory_space<vmem>>, vector<1x1x16xf32>,
        %swap3A_1048 = vector.shape_cast %swap3A_1047 : vector<1x1x16xf32> to vector<16xf32>
        %swap3A_1049 = vector.shape_cast %add3A_1042 : vector<16xf32> to vector<1x1x16xf32>
        tpu.vector_store %arg8[%swap3A_1044, %swap3A_1045, %swap3A_1046], %swap3A_1049 {strides = array<i32>} : memref<5x80x64xf32, #tpu.memory_space<vmem>>, vector<1x1x16xf32>,
        %get3A_1050 = arith.constant 3 : i32
        %get3A_1051 = arith.index_cast %get3A_1050 : i32 to index
        %get3A_1052 = arith.index_cast %scan3A_1029 : i32 to index
        %get3A_1053 = arith.constant 16 : index
        %get3A_1054 = tpu.vector_load %arg8[%get3A_1051, %get3A_1052, %get3A_1053] {strides = array<i32>} : memref<5x80x64xf32, #tpu.memory_space<vmem>>, vector<1x1x16xf32>,
        %get3A_1055 = vector.shape_cast %get3A_1054 : vector<1x1x16xf32> to vector<16xf32>
        %add3A_1056 = arith.constant 40 : i32
        %add3A_1057 = arith.addi %add3A_1056, %scan3A_1029 : i32
        %get3A_1058 = arith.index_cast %add3A_1057 : i32 to index
        %get3A_1059 = arith.constant 16 : index
        %get3A_1060 = tpu.vector_load %arg7[%get3A_1058, %get3A_1059] {strides = array<i32>} : memref<400x64xf32, #tpu.memory_space<vmem>>, vector<1x16xf32>,
        %get3A_1061 = vector.shape_cast %get3A_1060 : vector<1x16xf32> to vector<16xf32>
        %add3A_1062 = arith.addf %get3A_1055, %get3A_1061 : vector<16xf32>
        %swap3A_1063 = arith.constant 3 : i32
        %swap3A_1064 = arith.index_cast %swap3A_1063 : i32 to index
        %swap3A_1065 = arith.index_cast %scan3A_1029 : i32 to index
        %swap3A_1066 = arith.constant 16 : index
        %swap3A_1067 = tpu.vector_load %arg8[%swap3A_1064, %swap3A_1065, %swap3A_1066] {strides = array<i32>} : memref<5x80x64xf32, #tpu.memory_space<vmem>>, vector<1x1x16xf32>,
        %swap3A_1068 = vector.shape_cast %swap3A_1067 : vector<1x1x16xf32> to vector<16xf32>
        %swap3A_1069 = vector.shape_cast %add3A_1062 : vector<16xf32> to vector<1x1x16xf32>
        tpu.vector_store %arg8[%swap3A_1064, %swap3A_1065, %swap3A_1066], %swap3A_1069 {strides = array<i32>} : memref<5x80x64xf32, #tpu.memory_space<vmem>>, vector<1x1x16xf32>,
        %get3A_1070 = arith.constant 3 : i32
        %get3A_1071 = arith.index_cast %get3A_1070 : i32 to index
        %get3A_1072 = arith.index_cast %scan3A_1029 : i32 to index
        %get3A_1073 = arith.constant 32 : index
        %get3A_1074 = tpu.vector_load %arg8[%get3A_1071, %get3A_1072, %get3A_1073] {strides = array<i32>} : memref<5x80x64xf32, #tpu.memory_space<vmem>>, vector<1x1x16xf32>,
        %get3A_1075 = vector.shape_cast %get3A_1074 : vector<1x1x16xf32> to vector<16xf32>
        %add3A_1076 = arith.constant 40 : i32
        %add3A_1077 = arith.addi %add3A_1076, %scan3A_1029 : i32
        %get3A_1078 = arith.index_cast %add3A_1077 : i32 to index
        %get3A_1079 = arith.constant 32 : index
        %get3A_1080 = tpu.vector_load %arg7[%get3A_1078, %get3A_1079] {strides = array<i32>} : memref<400x64xf32, #tpu.memory_space<vmem>>, vector<1x16xf32>,
        %get3A_1081 = vector.shape_cast %get3A_1080 : vector<1x16xf32> to vector<16xf32>
        %add3A_1082 = arith.addf %get3A_1075, %get3A_1081 : vector<16xf32>
        %swap3A_1083 = arith.constant 3 : i32
        %swap3A_1084 = arith.index_cast %swap3A_1083 : i32 to index
        %swap3A_1085 = arith.index_cast %scan3A_1029 : i32 to index
        %swap3A_1086 = arith.constant 32 : index
        %swap3A_1087 = tpu.vector_load %arg8[%swap3A_1084, %swap3A_1085, %swap3A_1086] {strides = array<i32>} : memref<5x80x64xf32, #tpu.memory_space<vmem>>, vector<1x1x16xf32>,
        %swap3A_1088 = vector.shape_cast %swap3A_1087 : vector<1x1x16xf32> to vector<16xf32>
        %swap3A_1089 = vector.shape_cast %add3A_1082 : vector<16xf32> to vector<1x1x16xf32>
        tpu.vector_store %arg8[%swap3A_1084, %swap3A_1085, %swap3A_1086], %swap3A_1089 {strides = array<i32>} : memref<5x80x64xf32, #tpu.memory_space<vmem>>, vector<1x1x16xf32>,
        %get3A_1090 = arith.constant 3 : i32
        %get3A_1091 = arith.index_cast %get3A_1090 : i32 to index
        %get3A_1092 = arith.index_cast %scan3A_1029 : i32 to index
        %get3A_1093 = arith.constant 48 : index
        %get3A_1094 = tpu.vector_load %arg8[%get3A_1091, %get3A_1092, %get3A_1093] {strides = array<i32>} : memref<5x80x64xf32, #tpu.memory_space<vmem>>, vector<1x1x16xf32>,
        %get3A_1095 = vector.shape_cast %get3A_1094 : vector<1x1x16xf32> to vector<16xf32>
        %add3A_1096 = arith.constant 40 : i32
        %add3A_1097 = arith.addi %add3A_1096, %scan3A_1029 : i32
        %get3A_1098 = arith.index_cast %add3A_1097 : i32 to index
        %get3A_1099 = arith.constant 48 : index
        %get3A_1100 = tpu.vector_load %arg7[%get3A_1098, %get3A_1099] {strides = array<i32>} : memref<400x64xf32, #tpu.memory_space<vmem>>, vector<1x16xf32>,
        %get3A_1101 = vector.shape_cast %get3A_1100 : vector<1x16xf32> to vector<16xf32>
        %add3A_1102 = arith.addf %get3A_1095, %get3A_1101 : vector<16xf32>
        %swap3A_1103 = arith.constant 3 : i32
        %swap3A_1104 = arith.index_cast %swap3A_1103 : i32 to index
        %swap3A_1105 = arith.index_cast %scan3A_1029 : i32 to index
        %swap3A_1106 = arith.constant 48 : index
        %swap3A_1107 = tpu.vector_load %arg8[%swap3A_1104, %swap3A_1105, %swap3A_1106] {strides = array<i32>} : memref<5x80x64xf32, #tpu.memory_space<vmem>>, vector<1x1x16xf32>,
        %swap3A_1108 = vector.shape_cast %swap3A_1107 : vector<1x1x16xf32> to vector<16xf32>
        %swap3A_1109 = vector.shape_cast %add3A_1102 : vector<16xf32> to vector<1x1x16xf32>
        tpu.vector_store %arg8[%swap3A_1104, %swap3A_1105, %swap3A_1106], %swap3A_1109 {strides = array<i32>} : memref<5x80x64xf32, #tpu.memory_space<vmem>>, vector<1x1x16xf32>,
      }
      %scan3A_840 = arith.constant 80 : i32
      %dma_wait3A_841 = arith.constant 2 : i32
      %dma_wait3A_842 = arith.constant 0 : i32
      %dma_wait3A_843 = arith.constant 0 : i32
      %dma_wait3A_844 = tpu.memref_slice %arg8[%dma_wait3A_841, %dma_wait3A_842, %dma_wait3A_843] : memref<5x80x64xf32, #tpu.memory_space<vmem>> -> memref<1x80x64xf32, #tpu.memory_space<vmem>>
      %dma_wait3A_845 = tpu.memref_squeeze %dma_wait3A_844 : memref<1x80x64xf32, #tpu.memory_space<vmem>> -> memref<80x64xf32, #tpu.memory_space<vmem>>
      %dma_wait3A_846 = arith.constant 0 : i32
      %dma_wait3A_847 = arith.constant 0 : i32
      %dma_wait3A_848 = tpu.memref_slice %arg5[%dma_wait3A_846, %dma_wait3A_847] : memref<204800x64xf32, #tpu.memory_space<hbm>> -> memref<80x64xf32, #tpu.memory_space<hbm>>
      %dma_wait3A_849 = arith.constant 0 : i32
      %dma_wait3A_850 = arith.constant 0 : i32
      %dma_wait3A_851 = tpu.memref_slice %arg5[%dma_wait3A_849, %dma_wait3A_850] : memref<204800x64xf32, #tpu.memory_space<hbm>> -> memref<80x64xf32, #tpu.memory_space<hbm>>
      %dma_wait3A_852 = arith.constant 0 : i32
      %dma_wait3A_853 = arith.constant 0 : i32
      %dma_wait3A_854 = tpu.memref_slice %arg8[%dma_wait3A_841, %dma_wait3A_852, %dma_wait3A_853] : memref<5x80x64xf32, #tpu.memory_space<vmem>> -> memref<1x80x64xf32, #tpu.memory_space<vmem>>
      %dma_wait3A_855 = tpu.memref_squeeze %dma_wait3A_854 : memref<1x80x64xf32, #tpu.memory_space<vmem>> -> memref<80x64xf32, #tpu.memory_space<vmem>>
      tpu.wait_dma2 semaphore(%arg16 : memref<!tpu.dma_semaphore, #tpu.memory_space<semaphore_mem>>) src(%dma_wait3A_855 : memref<80x64xf32, #tpu.memory_space<vmem>>) dst(%dma_wait3A_851 : memref<80x64xf32, #tpu.memory_space<hbm>>)
      %add3A_856 = arith.constant 4 : i32
      %add3A_857 = arith.addi %add3A_822, %add3A_856 : i32
      %dma_start3A_858 = arith.constant 2 : i32
      %dma_start3A_859 = arith.constant 0 : i32
      %dma_start3A_860 = arith.constant 0 : i32
      %dma_start3A_861 = tpu.memref_slice %arg8[%dma_start3A_858, %dma_start3A_859, %dma_start3A_860] : memref<5x80x64xf32, #tpu.memory_space<vmem>> -> memref<1x80x64xf32, #tpu.memory_space<vmem>>
      %dma_start3A_862 = tpu.memref_squeeze %dma_start3A_861 : memref<1x80x64xf32, #tpu.memory_space<vmem>> -> memref<80x64xf32, #tpu.memory_space<vmem>>
      %dma_start3A_863 = arith.constant 0 : i32
      %dma_start3A_864 = tpu.memref_slice %arg6[%add3A_857, %dma_start3A_863] : memref<80x80xi32, #tpu.memory_space<vmem>> -> memref<1x80xi32, #tpu.memory_space<vmem>>
      %dma_start3A_865 = tpu.memref_squeeze %dma_start3A_864 : memref<1x80xi32, #tpu.memory_space<vmem>> -> memref<80xi32, #tpu.memory_space<vmem>>
      %dma_start3A_866 = arith.constant 0 : i32
      %dma_start3A_867 = arith.constant 0 : i32
      %dma_start3A_868 = tpu.memref_slice %arg3[%dma_start3A_866, %dma_start3A_867] : memref<1000000x64xf32, #tpu.memory_space<hbm>> -> memref<1000000x64xf32, #tpu.memory_space<hbm>>
      tpu.enqueue_indirect_dma source(%dma_start3A_868 : memref<1000000x64xf32, #tpu.memory_space<hbm>>) target(%dma_start3A_862 : memref<80x64xf32, #tpu.memory_space<vmem>>) offsets(%dma_start3A_865 : memref<80xi32, #tpu.memory_space<vmem>>) semaphore(%arg11 : memref<!tpu.dma_semaphore, #tpu.memory_space<semaphore_mem>>)
      %add3A_869 = arith.addi %mul3A_2, %add3A_822 : i32
      %mul3A_870 = arith.constant 80 : i32
      %mul3A_871 = arith.muli %add3A_869, %mul3A_870 : i32
      %dma_start3A_872 = arith.constant 3 : i32
      %dma_start3A_873 = arith.constant 0 : i32
      %dma_start3A_874 = arith.constant 0 : i32
      %dma_start3A_875 = tpu.memref_slice %arg8[%dma_start3A_872, %dma_start3A_873, %dma_start3A_874] : memref<5x80x64xf32, #tpu.memory_space<vmem>> -> memref<1x80x64xf32, #tpu.memory_space<vmem>>
      %dma_start3A_876 = tpu.memref_squeeze %dma_start3A_875 : memref<1x80x64xf32, #tpu.memory_space<vmem>> -> memref<80x64xf32, #tpu.memory_space<vmem>>
      %dma_start3A_877 = arith.constant 0 : i32
      %dma_start3A_878 = tpu.memref_slice %arg5[%mul3A_871, %dma_start3A_877] : memref<204800x64xf32, #tpu.memory_space<hbm>> -> memref<80x64xf32, #tpu.memory_space<hbm>>
      %dma_start3A_879 = arith.constant 0 : i32
      %dma_start3A_880 = tpu.memref_slice %arg5[%mul3A_871, %dma_start3A_879] : memref<204800x64xf32, #tpu.memory_space<hbm>> -> memref<80x64xf32, #tpu.memory_space<hbm>>
      %dma_start3A_881 = arith.constant 0 : i32
      %dma_start3A_882 = arith.constant 0 : i32
      %dma_start3A_883 = tpu.memref_slice %arg8[%dma_start3A_872, %dma_start3A_881, %dma_start3A_882] : memref<5x80x64xf32, #tpu.memory_space<vmem>> -> memref<1x80x64xf32, #tpu.memory_space<vmem>>
      %dma_start3A_884 = tpu.memref_squeeze %dma_start3A_883 : memref<1x80x64xf32, #tpu.memory_space<vmem>> -> memref<80x64xf32, #tpu.memory_space<vmem>>
      tpu.enqueue_dma source(%dma_start3A_884 : memref<80x64xf32, #tpu.memory_space<vmem>>) target(%dma_start3A_880 : memref<80x64xf32, #tpu.memory_space<hbm>>) target_semaphore(%arg17 : memref<!tpu.dma_semaphore, #tpu.memory_space<semaphore_mem>>)
      %add3A_885 = arith.constant 4 : i32
      %add3A_886 = arith.addi %mul3A_628, %add3A_885 : i32
      %dma_wait3A_887 = arith.constant 0 : i32
      %dma_wait3A_888 = arith.constant 4 : i32
      %dma_wait3A_889 = arith.constant 0 : i32
      %dma_wait3A_890 = arith.constant 0 : i32
      %dma_wait3A_891 = tpu.memref_slice %arg8[%dma_wait3A_888, %dma_wait3A_889, %dma_wait3A_890] : memref<5x80x64xf32, #tpu.memory_space<vmem>> -> memref<1x80x64xf32, #tpu.memory_space<vmem>>
      %dma_wait3A_892 = tpu.memref_squeeze %dma_wait3A_891 : memref<1x80x64xf32, #tpu.memory_space<vmem>> -> memref<80x64xf32, #tpu.memory_space<vmem>>
      %dma_wait3A_893 = arith.constant 0 : i32
      %dma_wait3A_894 = tpu.memref_slice %arg6[%dma_wait3A_887, %dma_wait3A_893] : memref<80x80xi32, #tpu.memory_space<vmem>> -> memref<1x80xi32, #tpu.memory_space<vmem>>
      %dma_wait3A_895 = tpu.memref_squeeze %dma_wait3A_894 : memref<1x80xi32, #tpu.memory_space<vmem>> -> memref<80xi32, #tpu.memory_space<vmem>>
      %dma_wait3A_896 = arith.constant 0 : i32
      %dma_wait3A_897 = arith.constant 0 : i32
      %dma_wait3A_898 = tpu.memref_slice %arg3[%dma_wait3A_896, %dma_wait3A_897] : memref<1000000x64xf32, #tpu.memory_space<hbm>> -> memref<1000000x64xf32, #tpu.memory_space<hbm>>
      tpu.wait_indirect_dma semaphore(%arg13 : memref<!tpu.dma_semaphore, #tpu.memory_space<semaphore_mem>>) src(%dma_wait3A_898 : memref<1000000x64xf32, #tpu.memory_space<hbm>>) dst(%dma_wait3A_892 : memref<80x64xf32, #tpu.memory_space<vmem>>)
      %scan3A_899 = arith.constant 0 : i32
      %scan3A_900 = arith.constant 0 : i32
      %scan3A_901 = arith.constant 80 : i32
      %scan3A_902 = arith.addi %scan3A_900, %scan3A_901 : i32
      %scan3A_903 = arith.constant 2 : i32
      scf.for %scan3A_949 = %scan3A_900 to %scan3A_902 step %scan3A_903  : i32 {
        %get3A = arith.constant 4 : i32
        %get3A_950 = arith.index_cast %get3A : i32 to index
        %get3A_951 = arith.index_cast %scan3A_949 : i32 to index
        %get3A_952 = arith.constant 0 : index
        %get3A_953 = tpu.vector_load %arg8[%get3A_950, %get3A_951, %get3A_952] {strides = array<i32>} : memref<5x80x64xf32, #tpu.memory_space<vmem>>, vector<1x1x16xf32>,
        %get3A_954 = vector.shape_cast %get3A_953 : vector<1x1x16xf32> to vector<16xf32>
        %add3A_955 = arith.constant 120 : i32
        %add3A_956 = arith.addi %add3A_955, %scan3A_949 : i32
        %get3A_957 = arith.index_cast %add3A_956 : i32 to index
        %get3A_958 = arith.constant 0 : index
        %get3A_959 = tpu.vector_load %arg7[%get3A_957, %get3A_958] {strides = array<i32>} : memref<400x64xf32, #tpu.memory_space<vmem>>, vector<1x16xf32>,
        %get3A_960 = vector.shape_cast %get3A_959 : vector<1x16xf32> to vector<16xf32>
        %add3A_961 = arith.addf %get3A_954, %get3A_960 : vector<16xf32>
        %swap3A = arith.constant 4 : i32
        %swap3A_962 = arith.index_cast %swap3A : i32 to index
        %swap3A_963 = arith.index_cast %scan3A_949 : i32 to index
        %swap3A_964 = arith.constant 0 : index
        %swap3A_965 = tpu.vector_load %arg8[%swap3A_962, %swap3A_963, %swap3A_964] {strides = array<i32>} : memref<5x80x64xf32, #tpu.memory_space<vmem>>, vector<1x1x16xf32>,
        %swap3A_966 = vector.shape_cast %swap3A_965 : vector<1x1x16xf32> to vector<16xf32>
        %swap3A_967 = vector.shape_cast %add3A_961 : vector<16xf32> to vector<1x1x16xf32>
        tpu.vector_store %arg8[%swap3A_962, %swap3A_963, %swap3A_964], %swap3A_967 {strides = array<i32>} : memref<5x80x64xf32, #tpu.memory_space<vmem>>, vector<1x1x16xf32>,
        %get3A_968 = arith.constant 4 : i32
        %get3A_969 = arith.index_cast %get3A_968 : i32 to index
        %get3A_970 = arith.index_cast %scan3A_949 : i32 to index
        %get3A_971 = arith.constant 16 : index
        %get3A_972 = tpu.vector_load %arg8[%get3A_969, %get3A_970, %get3A_971] {strides = array<i32>} : memref<5x80x64xf32, #tpu.memory_space<vmem>>, vector<1x1x16xf32>,
        %get3A_973 = vector.shape_cast %get3A_972 : vector<1x1x16xf32> to vector<16xf32>
        %add3A_974 = arith.constant 120 : i32
        %add3A_975 = arith.addi %add3A_974, %scan3A_949 : i32
        %get3A_976 = arith.index_cast %add3A_975 : i32 to index
        %get3A_977 = arith.constant 16 : index
        %get3A_978 = tpu.vector_load %arg7[%get3A_976, %get3A_977] {strides = array<i32>} : memref<400x64xf32, #tpu.memory_space<vmem>>, vector<1x16xf32>,
        %get3A_979 = vector.shape_cast %get3A_978 : vector<1x16xf32> to vector<16xf32>
        %add3A_980 = arith.addf %get3A_973, %get3A_979 : vector<16xf32>
        %swap3A_981 = arith.constant 4 : i32
        %swap3A_982 = arith.index_cast %swap3A_981 : i32 to index
        %swap3A_983 = arith.index_cast %scan3A_949 : i32 to index
        %swap3A_984 = arith.constant 16 : index
        %swap3A_985 = tpu.vector_load %arg8[%swap3A_982, %swap3A_983, %swap3A_984] {strides = array<i32>} : memref<5x80x64xf32, #tpu.memory_space<vmem>>, vector<1x1x16xf32>,
        %swap3A_986 = vector.shape_cast %swap3A_985 : vector<1x1x16xf32> to vector<16xf32>
        %swap3A_987 = vector.shape_cast %add3A_980 : vector<16xf32> to vector<1x1x16xf32>
        tpu.vector_store %arg8[%swap3A_982, %swap3A_983, %swap3A_984], %swap3A_987 {strides = array<i32>} : memref<5x80x64xf32, #tpu.memory_space<vmem>>, vector<1x1x16xf32>,
        %get3A_988 = arith.constant 4 : i32
        %get3A_989 = arith.index_cast %get3A_988 : i32 to index
        %get3A_990 = arith.index_cast %scan3A_949 : i32 to index
        %get3A_991 = arith.constant 32 : index
        %get3A_992 = tpu.vector_load %arg8[%get3A_989, %get3A_990, %get3A_991] {strides = array<i32>} : memref<5x80x64xf32, #tpu.memory_space<vmem>>, vector<1x1x16xf32>,
        %get3A_993 = vector.shape_cast %get3A_992 : vector<1x1x16xf32> to vector<16xf32>
        %add3A_994 = arith.constant 120 : i32
        %add3A_995 = arith.addi %add3A_994, %scan3A_949 : i32
        %get3A_996 = arith.index_cast %add3A_995 : i32 to index
        %get3A_997 = arith.constant 32 : index
        %get3A_998 = tpu.vector_load %arg7[%get3A_996, %get3A_997] {strides = array<i32>} : memref<400x64xf32, #tpu.memory_space<vmem>>, vector<1x16xf32>,
        %get3A_999 = vector.shape_cast %get3A_998 : vector<1x16xf32> to vector<16xf32>
        %add3A_1000 = arith.addf %get3A_993, %get3A_999 : vector<16xf32>
        %swap3A_1001 = arith.constant 4 : i32
        %swap3A_1002 = arith.index_cast %swap3A_1001 : i32 to index
        %swap3A_1003 = arith.index_cast %scan3A_949 : i32 to index
        %swap3A_1004 = arith.constant 32 : index
        %swap3A_1005 = tpu.vector_load %arg8[%swap3A_1002, %swap3A_1003, %swap3A_1004] {strides = array<i32>} : memref<5x80x64xf32, #tpu.memory_space<vmem>>, vector<1x1x16xf32>,
        %swap3A_1006 = vector.shape_cast %swap3A_1005 : vector<1x1x16xf32> to vector<16xf32>
        %swap3A_1007 = vector.shape_cast %add3A_1000 : vector<16xf32> to vector<1x1x16xf32>
        tpu.vector_store %arg8[%swap3A_1002, %swap3A_1003, %swap3A_1004], %swap3A_1007 {strides = array<i32>} : memref<5x80x64xf32, #tpu.memory_space<vmem>>, vector<1x1x16xf32>,
        %get3A_1008 = arith.constant 4 : i32
        %get3A_1009 = arith.index_cast %get3A_1008 : i32 to index
        %get3A_1010 = arith.index_cast %scan3A_949 : i32 to index
        %get3A_1011 = arith.constant 48 : index
        %get3A_1012 = tpu.vector_load %arg8[%get3A_1009, %get3A_1010, %get3A_1011] {strides = array<i32>} : memref<5x80x64xf32, #tpu.memory_space<vmem>>, vector<1x1x16xf32>,
        %get3A_1013 = vector.shape_cast %get3A_1012 : vector<1x1x16xf32> to vector<16xf32>
        %add3A_1014 = arith.constant 120 : i32
        %add3A_1015 = arith.addi %add3A_1014, %scan3A_949 : i32
        %get3A_1016 = arith.index_cast %add3A_1015 : i32 to index
        %get3A_1017 = arith.constant 48 : index
        %get3A_1018 = tpu.vector_load %arg7[%get3A_1016, %get3A_1017] {strides = array<i32>} : memref<400x64xf32, #tpu.memory_space<vmem>>, vector<1x16xf32>,
        %get3A_1019 = vector.shape_cast %get3A_1018 : vector<1x16xf32> to vector<16xf32>
        %add3A_1020 = arith.addf %get3A_1013, %get3A_1019 : vector<16xf32>
        %swap3A_1021 = arith.constant 4 : i32
        %swap3A_1022 = arith.index_cast %swap3A_1021 : i32 to index
        %swap3A_1023 = arith.index_cast %scan3A_949 : i32 to index
        %swap3A_1024 = arith.constant 48 : index
        %swap3A_1025 = tpu.vector_load %arg8[%swap3A_1022, %swap3A_1023, %swap3A_1024] {strides = array<i32>} : memref<5x80x64xf32, #tpu.memory_space<vmem>>, vector<1x1x16xf32>,
        %swap3A_1026 = vector.shape_cast %swap3A_1025 : vector<1x1x16xf32> to vector<16xf32>
        %swap3A_1027 = vector.shape_cast %add3A_1020 : vector<16xf32> to vector<1x1x16xf32>
        tpu.vector_store %arg8[%swap3A_1022, %swap3A_1023, %swap3A_1024], %swap3A_1027 {strides = array<i32>} : memref<5x80x64xf32, #tpu.memory_space<vmem>>, vector<1x1x16xf32>,
        %scan3A_1028 = arith.constant 1 : i32
        %scan3A_1029 = arith.addi %scan3A_949, %scan3A_1028 : i32
        %get3A_1030 = arith.constant 4 : i32
        %get3A_1031 = arith.index_cast %get3A_1030 : i32 to index
        %get3A_1032 = arith.index_cast %scan3A_1029 : i32 to index
        %get3A_1033 = arith.constant 0 : index
        %get3A_1034 = tpu.vector_load %arg8[%get3A_1031, %get3A_1032, %get3A_1033] {strides = array<i32>} : memref<5x80x64xf32, #tpu.memory_space<vmem>>, vector<1x1x16xf32>,
        %get3A_1035 = vector.shape_cast %get3A_1034 : vector<1x1x16xf32> to vector<16xf32>
        %add3A_1036 = arith.constant 120 : i32
        %add3A_1037 = arith.addi %add3A_1036, %scan3A_1029 : i32
        %get3A_1038 = arith.index_cast %add3A_1037 : i32 to index
        %get3A_1039 = arith.constant 0 : index
        %get3A_1040 = tpu.vector_load %arg7[%get3A_1038, %get3A_1039] {strides = array<i32>} : memref<400x64xf32, #tpu.memory_space<vmem>>, vector<1x16xf32>,
        %get3A_1041 = vector.shape_cast %get3A_1040 : vector<1x16xf32> to vector<16xf32>
        %add3A_1042 = arith.addf %get3A_1035, %get3A_1041 : vector<16xf32>
        %swap3A_1043 = arith.constant 4 : i32
        %swap3A_1044 = arith.index_cast %swap3A_1043 : i32 to index
        %swap3A_1045 = arith.index_cast %scan3A_1029 : i32 to index
        %swap3A_1046 = arith.constant 0 : index
        %swap3A_1047 = tpu.vector_load %arg8[%swap3A_1044, %swap3A_1045, %swap3A_1046] {strides = array<i32>} : memref<5x80x64xf32, #tpu.memory_space<vmem>>, vector<1x1x16xf32>,
        %swap3A_1048 = vector.shape_cast %swap3A_1047 : vector<1x1x16xf32> to vector<16xf32>
        %swap3A_1049 = vector.shape_cast %add3A_1042 : vector<16xf32> to vector<1x1x16xf32>
        tpu.vector_store %arg8[%swap3A_1044, %swap3A_1045, %swap3A_1046], %swap3A_1049 {strides = array<i32>} : memref<5x80x64xf32, #tpu.memory_space<vmem>>, vector<1x1x16xf32>,
        %get3A_1050 = arith.constant 4 : i32
        %get3A_1051 = arith.index_cast %get3A_1050 : i32 to index
        %get3A_1052 = arith.index_cast %scan3A_1029 : i32 to index
        %get3A_1053 = arith.constant 16 : index
        %get3A_1054 = tpu.vector_load %arg8[%get3A_1051, %get3A_1052, %get3A_1053] {strides = array<i32>} : memref<5x80x64xf32, #tpu.memory_space<vmem>>, vector<1x1x16xf32>,
        %get3A_1055 = vector.shape_cast %get3A_1054 : vector<1x1x16xf32> to vector<16xf32>
        %add3A_1056 = arith.constant 120 : i32
        %add3A_1057 = arith.addi %add3A_1056, %scan3A_1029 : i32
        %get3A_1058 = arith.index_cast %add3A_1057 : i32 to index
        %get3A_1059 = arith.constant 16 : index
        %get3A_1060 = tpu.vector_load %arg7[%get3A_1058, %get3A_1059] {strides = array<i32>} : memref<400x64xf32, #tpu.memory_space<vmem>>, vector<1x16xf32>,
        %get3A_1061 = vector.shape_cast %get3A_1060 : vector<1x16xf32> to vector<16xf32>
        %add3A_1062 = arith.addf %get3A_1055, %get3A_1061 : vector<16xf32>
        %swap3A_1063 = arith.constant 4 : i32
        %swap3A_1064 = arith.index_cast %swap3A_1063 : i32 to index
        %swap3A_1065 = arith.index_cast %scan3A_1029 : i32 to index
        %swap3A_1066 = arith.constant 16 : index
        %swap3A_1067 = tpu.vector_load %arg8[%swap3A_1064, %swap3A_1065, %swap3A_1066] {strides = array<i32>} : memref<5x80x64xf32, #tpu.memory_space<vmem>>, vector<1x1x16xf32>,
        %swap3A_1068 = vector.shape_cast %swap3A_1067 : vector<1x1x16xf32> to vector<16xf32>
        %swap3A_1069 = vector.shape_cast %add3A_1062 : vector<16xf32> to vector<1x1x16xf32>
        tpu.vector_store %arg8[%swap3A_1064, %swap3A_1065, %swap3A_1066], %swap3A_1069 {strides = array<i32>} : memref<5x80x64xf32, #tpu.memory_space<vmem>>, vector<1x1x16xf32>,
        %get3A_1070 = arith.constant 4 : i32
        %get3A_1071 = arith.index_cast %get3A_1070 : i32 to index
        %get3A_1072 = arith.index_cast %scan3A_1029 : i32 to index
        %get3A_1073 = arith.constant 32 : index
        %get3A_1074 = tpu.vector_load %arg8[%get3A_1071, %get3A_1072, %get3A_1073] {strides = array<i32>} : memref<5x80x64xf32, #tpu.memory_space<vmem>>, vector<1x1x16xf32>,
        %get3A_1075 = vector.shape_cast %get3A_1074 : vector<1x1x16xf32> to vector<16xf32>
        %add3A_1076 = arith.constant 120 : i32
        %add3A_1077 = arith.addi %add3A_1076, %scan3A_1029 : i32
        %get3A_1078 = arith.index_cast %add3A_1077 : i32 to index
        %get3A_1079 = arith.constant 32 : index
        %get3A_1080 = tpu.vector_load %arg7[%get3A_1078, %get3A_1079] {strides = array<i32>} : memref<400x64xf32, #tpu.memory_space<vmem>>, vector<1x16xf32>,
        %get3A_1081 = vector.shape_cast %get3A_1080 : vector<1x16xf32> to vector<16xf32>
        %add3A_1082 = arith.addf %get3A_1075, %get3A_1081 : vector<16xf32>
        %swap3A_1083 = arith.constant 4 : i32
        %swap3A_1084 = arith.index_cast %swap3A_1083 : i32 to index
        %swap3A_1085 = arith.index_cast %scan3A_1029 : i32 to index
        %swap3A_1086 = arith.constant 32 : index
        %swap3A_1087 = tpu.vector_load %arg8[%swap3A_1084, %swap3A_1085, %swap3A_1086] {strides = array<i32>} : memref<5x80x64xf32, #tpu.memory_space<vmem>>, vector<1x1x16xf32>,
        %swap3A_1088 = vector.shape_cast %swap3A_1087 : vector<1x1x16xf32> to vector<16xf32>
        %swap3A_1089 = vector.shape_cast %add3A_1082 : vector<16xf32> to vector<1x1x16xf32>
        tpu.vector_store %arg8[%swap3A_1084, %swap3A_1085, %swap3A_1086], %swap3A_1089 {strides = array<i32>} : memref<5x80x64xf32, #tpu.memory_space<vmem>>, vector<1x1x16xf32>,
        %get3A_1090 = arith.constant 4 : i32
        %get3A_1091 = arith.index_cast %get3A_1090 : i32 to index
        %get3A_1092 = arith.index_cast %scan3A_1029 : i32 to index
        %get3A_1093 = arith.constant 48 : index
        %get3A_1094 = tpu.vector_load %arg8[%get3A_1091, %get3A_1092, %get3A_1093] {strides = array<i32>} : memref<5x80x64xf32, #tpu.memory_space<vmem>>, vector<1x1x16xf32>,
        %get3A_1095 = vector.shape_cast %get3A_1094 : vector<1x1x16xf32> to vector<16xf32>
        %add3A_1096 = arith.constant 120 : i32
        %add3A_1097 = arith.addi %add3A_1096, %scan3A_1029 : i32
        %get3A_1098 = arith.index_cast %add3A_1097 : i32 to index
        %get3A_1099 = arith.constant 48 : index
        %get3A_1100 = tpu.vector_load %arg7[%get3A_1098, %get3A_1099] {strides = array<i32>} : memref<400x64xf32, #tpu.memory_space<vmem>>, vector<1x16xf32>,
        %get3A_1101 = vector.shape_cast %get3A_1100 : vector<1x16xf32> to vector<16xf32>
        %add3A_1102 = arith.addf %get3A_1095, %get3A_1101 : vector<16xf32>
        %swap3A_1103 = arith.constant 4 : i32
        %swap3A_1104 = arith.index_cast %swap3A_1103 : i32 to index
        %swap3A_1105 = arith.index_cast %scan3A_1029 : i32 to index
        %swap3A_1106 = arith.constant 48 : index
        %swap3A_1107 = tpu.vector_load %arg8[%swap3A_1104, %swap3A_1105, %swap3A_1106] {strides = array<i32>} : memref<5x80x64xf32, #tpu.memory_space<vmem>>, vector<1x1x16xf32>,
        %swap3A_1108 = vector.shape_cast %swap3A_1107 : vector<1x1x16xf32> to vector<16xf32>
        %swap3A_1109 = vector.shape_cast %add3A_1102 : vector<16xf32> to vector<1x1x16xf32>
        tpu.vector_store %arg8[%swap3A_1104, %swap3A_1105, %swap3A_1106], %swap3A_1109 {strides = array<i32>} : memref<5x80x64xf32, #tpu.memory_space<vmem>>, vector<1x1x16xf32>,
      }
      %scan3A_904 = arith.constant 80 : i32
      %dma_wait3A_905 = arith.constant 3 : i32
      %dma_wait3A_906 = arith.constant 0 : i32
      %dma_wait3A_907 = arith.constant 0 : i32
      %dma_wait3A_908 = tpu.memref_slice %arg8[%dma_wait3A_905, %dma_wait3A_906, %dma_wait3A_907] : memref<5x80x64xf32, #tpu.memory_space<vmem>> -> memref<1x80x64xf32, #tpu.memory_space<vmem>>
      %dma_wait3A_909 = tpu.memref_squeeze %dma_wait3A_908 : memref<1x80x64xf32, #tpu.memory_space<vmem>> -> memref<80x64xf32, #tpu.memory_space<vmem>>
      %dma_wait3A_910 = arith.constant 0 : i32
      %dma_wait3A_911 = arith.constant 0 : i32
      %dma_wait3A_912 = tpu.memref_slice %arg5[%dma_wait3A_910, %dma_wait3A_911] : memref<204800x64xf32, #tpu.memory_space<hbm>> -> memref<80x64xf32, #tpu.memory_space<hbm>>
      %dma_wait3A_913 = arith.constant 0 : i32
      %dma_wait3A_914 = arith.constant 0 : i32
      %dma_wait3A_915 = tpu.memref_slice %arg5[%dma_wait3A_913, %dma_wait3A_914] : memref<204800x64xf32, #tpu.memory_space<hbm>> -> memref<80x64xf32, #tpu.memory_space<hbm>>
      %dma_wait3A_916 = arith.constant 0 : i32
      %dma_wait3A_917 = arith.constant 0 : i32
      %dma_wait3A_918 = tpu.memref_slice %arg8[%dma_wait3A_905, %dma_wait3A_916, %dma_wait3A_917] : memref<5x80x64xf32, #tpu.memory_space<vmem>> -> memref<1x80x64xf32, #tpu.memory_space<vmem>>
      %dma_wait3A_919 = tpu.memref_squeeze %dma_wait3A_918 : memref<1x80x64xf32, #tpu.memory_space<vmem>> -> memref<80x64xf32, #tpu.memory_space<vmem>>
      tpu.wait_dma2 semaphore(%arg17 : memref<!tpu.dma_semaphore, #tpu.memory_space<semaphore_mem>>) src(%dma_wait3A_919 : memref<80x64xf32, #tpu.memory_space<vmem>>) dst(%dma_wait3A_915 : memref<80x64xf32, #tpu.memory_space<hbm>>)
      %add3A_920 = arith.constant 4 : i32
      %add3A_921 = arith.addi %add3A_886, %add3A_920 : i32
      %dma_start3A_922 = arith.constant 3 : i32
      %dma_start3A_923 = arith.constant 0 : i32
      %dma_start3A_924 = arith.constant 0 : i32
      %dma_start3A_925 = tpu.memref_slice %arg8[%dma_start3A_922, %dma_start3A_923, %dma_start3A_924] : memref<5x80x64xf32, #tpu.memory_space<vmem>> -> memref<1x80x64xf32, #tpu.memory_space<vmem>>
      %dma_start3A_926 = tpu.memref_squeeze %dma_start3A_925 : memref<1x80x64xf32, #tpu.memory_space<vmem>> -> memref<80x64xf32, #tpu.memory_space<vmem>>
      %dma_start3A_927 = arith.constant 0 : i32
      %dma_start3A_928 = tpu.memref_slice %arg6[%add3A_921, %dma_start3A_927] : memref<80x80xi32, #tpu.memory_space<vmem>> -> memref<1x80xi32, #tpu.memory_space<vmem>>
      %dma_start3A_929 = tpu.memref_squeeze %dma_start3A_928 : memref<1x80xi32, #tpu.memory_space<vmem>> -> memref<80xi32, #tpu.memory_space<vmem>>
      %dma_start3A_930 = arith.constant 0 : i32
      %dma_start3A_931 = arith.constant 0 : i32
      %dma_start3A_932 = tpu.memref_slice %arg3[%dma_start3A_930, %dma_start3A_931] : memref<1000000x64xf32, #tpu.memory_space<hbm>> -> memref<1000000x64xf32, #tpu.memory_space<hbm>>
      tpu.enqueue_indirect_dma source(%dma_start3A_932 : memref<1000000x64xf32, #tpu.memory_space<hbm>>) target(%dma_start3A_926 : memref<80x64xf32, #tpu.memory_space<vmem>>) offsets(%dma_start3A_929 : memref<80xi32, #tpu.memory_space<vmem>>) semaphore(%arg12 : memref<!tpu.dma_semaphore, #tpu.memory_space<semaphore_mem>>)
      %add3A_933 = arith.addi %mul3A_2, %add3A_886 : i32
      %mul3A_934 = arith.constant 80 : i32
      %mul3A_935 = arith.muli %add3A_933, %mul3A_934 : i32
      %dma_start3A_936 = arith.constant 4 : i32
      %dma_start3A_937 = arith.constant 0 : i32
      %dma_start3A_938 = arith.constant 0 : i32
      %dma_start3A_939 = tpu.memref_slice %arg8[%dma_start3A_936, %dma_start3A_937, %dma_start3A_938] : memref<5x80x64xf32, #tpu.memory_space<vmem>> -> memref<1x80x64xf32, #tpu.memory_space<vmem>>
      %dma_start3A_940 = tpu.memref_squeeze %dma_start3A_939 : memref<1x80x64xf32, #tpu.memory_space<vmem>> -> memref<80x64xf32, #tpu.memory_space<vmem>>
      %dma_start3A_941 = arith.constant 0 : i32
      %dma_start3A_942 = tpu.memref_slice %arg5[%mul3A_935, %dma_start3A_941] : memref<204800x64xf32, #tpu.memory_space<hbm>> -> memref<80x64xf32, #tpu.memory_space<hbm>>
      %dma_start3A_943 = arith.constant 0 : i32
      %dma_start3A_944 = tpu.memref_slice %arg5[%mul3A_935, %dma_start3A_943] : memref<204800x64xf32, #tpu.memory_space<hbm>> -> memref<80x64xf32, #tpu.memory_space<hbm>>
      %dma_start3A_945 = arith.constant 0 : i32
      %dma_start3A_946 = arith.constant 0 : i32
      %dma_start3A_947 = tpu.memref_slice %arg8[%dma_start3A_936, %dma_start3A_945, %dma_start3A_946] : memref<5x80x64xf32, #tpu.memory_space<vmem>> -> memref<1x80x64xf32, #tpu.memory_space<vmem>>
      %dma_start3A_948 = tpu.memref_squeeze %dma_start3A_947 : memref<1x80x64xf32, #tpu.memory_space<vmem>> -> memref<80x64xf32, #tpu.memory_space<vmem>>
      tpu.enqueue_dma source(%dma_start3A_948 : memref<80x64xf32, #tpu.memory_space<vmem>>) target(%dma_start3A_944 : memref<80x64xf32, #tpu.memory_space<hbm>>) target_semaphore(%arg18 : memref<!tpu.dma_semaphore, #tpu.memory_space<semaphore_mem>>)
    }
    %scan3A_348 = arith.constant 14 : i32
    %dma_wait3A_349 = arith.constant 0 : i32
    %dma_wait3A_350 = arith.constant 0 : i32
    %dma_wait3A_351 = arith.constant 0 : i32
    %dma_wait3A_352 = arith.constant 0 : i32
    %dma_wait3A_353 = tpu.memref_slice %arg8[%dma_wait3A_350, %dma_wait3A_351, %dma_wait3A_352] : memref<5x80x64xf32, #tpu.memory_space<vmem>> -> memref<1x80x64xf32, #tpu.memory_space<vmem>>
    %dma_wait3A_354 = tpu.memref_squeeze %dma_wait3A_353 : memref<1x80x64xf32, #tpu.memory_space<vmem>> -> memref<80x64xf32, #tpu.memory_space<vmem>>
    %dma_wait3A_355 = arith.constant 0 : i32
    %dma_wait3A_356 = tpu.memref_slice %arg6[%dma_wait3A_349, %dma_wait3A_355] : memref<80x80xi32, #tpu.memory_space<vmem>> -> memref<1x80xi32, #tpu.memory_space<vmem>>
    %dma_wait3A_357 = tpu.memref_squeeze %dma_wait3A_356 : memref<1x80xi32, #tpu.memory_space<vmem>> -> memref<80xi32, #tpu.memory_space<vmem>>
    %dma_wait3A_358 = arith.constant 0 : i32
    %dma_wait3A_359 = arith.constant 0 : i32
    %dma_wait3A_360 = tpu.memref_slice %arg3[%dma_wait3A_358, %dma_wait3A_359] : memref<1000000x64xf32, #tpu.memory_space<hbm>> -> memref<1000000x64xf32, #tpu.memory_space<hbm>>
    tpu.wait_indirect_dma semaphore(%arg9 : memref<!tpu.dma_semaphore, #tpu.memory_space<semaphore_mem>>) src(%dma_wait3A_360 : memref<1000000x64xf32, #tpu.memory_space<hbm>>) dst(%dma_wait3A_354 : memref<80x64xf32, #tpu.memory_space<vmem>>)
    %scan3A_361 = arith.constant 0 : i32
    %scan3A_362 = arith.constant 0 : i32
    %scan3A_363 = arith.constant 80 : i32
    %scan3A_364 = arith.addi %scan3A_362, %scan3A_363 : i32
    %scan3A_365 = arith.constant 2 : i32
    scf.for %scan3A_626 = %scan3A_362 to %scan3A_364 step %scan3A_365  : i32 {
      %get3A = arith.constant 0 : i32
      %get3A_627 = arith.index_cast %get3A : i32 to index
      %get3A_628 = arith.index_cast %scan3A_626 : i32 to index
      %get3A_629 = arith.constant 0 : index
      %get3A_630 = tpu.vector_load %arg8[%get3A_627, %get3A_628, %get3A_629] {strides = array<i32>} : memref<5x80x64xf32, #tpu.memory_space<vmem>>, vector<1x1x16xf32>,
      %get3A_631 = vector.shape_cast %get3A_630 : vector<1x1x16xf32> to vector<16xf32>
      %add3A_632 = arith.constant 0 : i32
      %add3A_633 = arith.addi %add3A_632, %scan3A_626 : i32
      %get3A_634 = arith.index_cast %add3A_633 : i32 to index
      %get3A_635 = arith.constant 0 : index
      %get3A_636 = tpu.vector_load %arg7[%get3A_634, %get3A_635] {strides = array<i32>} : memref<400x64xf32, #tpu.memory_space<vmem>>, vector<1x16xf32>,
      %get3A_637 = vector.shape_cast %get3A_636 : vector<1x16xf32> to vector<16xf32>
      %add3A_638 = arith.addf %get3A_631, %get3A_637 : vector<16xf32>
      %swap3A = arith.constant 0 : i32
      %swap3A_639 = arith.index_cast %swap3A : i32 to index
      %swap3A_640 = arith.index_cast %scan3A_626 : i32 to index
      %swap3A_641 = arith.constant 0 : index
      %swap3A_642 = tpu.vector_load %arg8[%swap3A_639, %swap3A_640, %swap3A_641] {strides = array<i32>} : memref<5x80x64xf32, #tpu.memory_space<vmem>>, vector<1x1x16xf32>,
      %swap3A_643 = vector.shape_cast %swap3A_642 : vector<1x1x16xf32> to vector<16xf32>
      %swap3A_644 = vector.shape_cast %add3A_638 : vector<16xf32> to vector<1x1x16xf32>
      tpu.vector_store %arg8[%swap3A_639, %swap3A_640, %swap3A_641], %swap3A_644 {strides = array<i32>} : memref<5x80x64xf32, #tpu.memory_space<vmem>>, vector<1x1x16xf32>,
      %get3A_645 = arith.constant 0 : i32
      %get3A_646 = arith.index_cast %get3A_645 : i32 to index
      %get3A_647 = arith.index_cast %scan3A_626 : i32 to index
      %get3A_648 = arith.constant 16 : index
      %get3A_649 = tpu.vector_load %arg8[%get3A_646, %get3A_647, %get3A_648] {strides = array<i32>} : memref<5x80x64xf32, #tpu.memory_space<vmem>>, vector<1x1x16xf32>,
      %get3A_650 = vector.shape_cast %get3A_649 : vector<1x1x16xf32> to vector<16xf32>
      %add3A_651 = arith.constant 0 : i32
      %add3A_652 = arith.addi %add3A_651, %scan3A_626 : i32
      %get3A_653 = arith.index_cast %add3A_652 : i32 to index
      %get3A_654 = arith.constant 16 : index
      %get3A_655 = tpu.vector_load %arg7[%get3A_653, %get3A_654] {strides = array<i32>} : memref<400x64xf32, #tpu.memory_space<vmem>>, vector<1x16xf32>,
      %get3A_656 = vector.shape_cast %get3A_655 : vector<1x16xf32> to vector<16xf32>
      %add3A_657 = arith.addf %get3A_650, %get3A_656 : vector<16xf32>
      %swap3A_658 = arith.constant 0 : i32
      %swap3A_659 = arith.index_cast %swap3A_658 : i32 to index
      %swap3A_660 = arith.index_cast %scan3A_626 : i32 to index
      %swap3A_661 = arith.constant 16 : index
      %swap3A_662 = tpu.vector_load %arg8[%swap3A_659, %swap3A_660, %swap3A_661] {strides = array<i32>} : memref<5x80x64xf32, #tpu.memory_space<vmem>>, vector<1x1x16xf32>,
      %swap3A_663 = vector.shape_cast %swap3A_662 : vector<1x1x16xf32> to vector<16xf32>
      %swap3A_664 = vector.shape_cast %add3A_657 : vector<16xf32> to vector<1x1x16xf32>
      tpu.vector_store %arg8[%swap3A_659, %swap3A_660, %swap3A_661], %swap3A_664 {strides = array<i32>} : memref<5x80x64xf32, #tpu.memory_space<vmem>>, vector<1x1x16xf32>,
      %get3A_665 = arith.constant 0 : i32
      %get3A_666 = arith.index_cast %get3A_665 : i32 to index
      %get3A_667 = arith.index_cast %scan3A_626 : i32 to index
      %get3A_668 = arith.constant 32 : index
      %get3A_669 = tpu.vector_load %arg8[%get3A_666, %get3A_667, %get3A_668] {strides = array<i32>} : memref<5x80x64xf32, #tpu.memory_space<vmem>>, vector<1x1x16xf32>,
      %get3A_670 = vector.shape_cast %get3A_669 : vector<1x1x16xf32> to vector<16xf32>
      %add3A_671 = arith.constant 0 : i32
      %add3A_672 = arith.addi %add3A_671, %scan3A_626 : i32
      %get3A_673 = arith.index_cast %add3A_672 : i32 to index
      %get3A_674 = arith.constant 32 : index
      %get3A_675 = tpu.vector_load %arg7[%get3A_673, %get3A_674] {strides = array<i32>} : memref<400x64xf32, #tpu.memory_space<vmem>>, vector<1x16xf32>,
      %get3A_676 = vector.shape_cast %get3A_675 : vector<1x16xf32> to vector<16xf32>
      %add3A_677 = arith.addf %get3A_670, %get3A_676 : vector<16xf32>
      %swap3A_678 = arith.constant 0 : i32
      %swap3A_679 = arith.index_cast %swap3A_678 : i32 to index
      %swap3A_680 = arith.index_cast %scan3A_626 : i32 to index
      %swap3A_681 = arith.constant 32 : index
      %swap3A_682 = tpu.vector_load %arg8[%swap3A_679, %swap3A_680, %swap3A_681] {strides = array<i32>} : memref<5x80x64xf32, #tpu.memory_space<vmem>>, vector<1x1x16xf32>,
      %swap3A_683 = vector.shape_cast %swap3A_682 : vector<1x1x16xf32> to vector<16xf32>
      %swap3A_684 = vector.shape_cast %add3A_677 : vector<16xf32> to vector<1x1x16xf32>
      tpu.vector_store %arg8[%swap3A_679, %swap3A_680, %swap3A_681], %swap3A_684 {strides = array<i32>} : memref<5x80x64xf32, #tpu.memory_space<vmem>>, vector<1x1x16xf32>,
      %get3A_685 = arith.constant 0 : i32
      %get3A_686 = arith.index_cast %get3A_685 : i32 to index
      %get3A_687 = arith.index_cast %scan3A_626 : i32 to index
      %get3A_688 = arith.constant 48 : index
      %get3A_689 = tpu.vector_load %arg8[%get3A_686, %get3A_687, %get3A_688] {strides = array<i32>} : memref<5x80x64xf32, #tpu.memory_space<vmem>>, vector<1x1x16xf32>,
      %get3A_690 = vector.shape_cast %get3A_689 : vector<1x1x16xf32> to vector<16xf32>
      %add3A_691 = arith.constant 0 : i32
      %add3A_692 = arith.addi %add3A_691, %scan3A_626 : i32
      %get3A_693 = arith.index_cast %add3A_692 : i32 to index
      %get3A_694 = arith.constant 48 : index
      %get3A_695 = tpu.vector_load %arg7[%get3A_693, %get3A_694] {strides = array<i32>} : memref<400x64xf32, #tpu.memory_space<vmem>>, vector<1x16xf32>,
      %get3A_696 = vector.shape_cast %get3A_695 : vector<1x16xf32> to vector<16xf32>
      %add3A_697 = arith.addf %get3A_690, %get3A_696 : vector<16xf32>
      %swap3A_698 = arith.constant 0 : i32
      %swap3A_699 = arith.index_cast %swap3A_698 : i32 to index
      %swap3A_700 = arith.index_cast %scan3A_626 : i32 to index
      %swap3A_701 = arith.constant 48 : index
      %swap3A_702 = tpu.vector_load %arg8[%swap3A_699, %swap3A_700, %swap3A_701] {strides = array<i32>} : memref<5x80x64xf32, #tpu.memory_space<vmem>>, vector<1x1x16xf32>,
      %swap3A_703 = vector.shape_cast %swap3A_702 : vector<1x1x16xf32> to vector<16xf32>
      %swap3A_704 = vector.shape_cast %add3A_697 : vector<16xf32> to vector<1x1x16xf32>
      tpu.vector_store %arg8[%swap3A_699, %swap3A_700, %swap3A_701], %swap3A_704 {strides = array<i32>} : memref<5x80x64xf32, #tpu.memory_space<vmem>>, vector<1x1x16xf32>,
      %scan3A_705 = arith.constant 1 : i32
      %scan3A_706 = arith.addi %scan3A_626, %scan3A_705 : i32
      %get3A_707 = arith.constant 0 : i32
      %get3A_708 = arith.index_cast %get3A_707 : i32 to index
      %get3A_709 = arith.index_cast %scan3A_706 : i32 to index
      %get3A_710 = arith.constant 0 : index
      %get3A_711 = tpu.vector_load %arg8[%get3A_708, %get3A_709, %get3A_710] {strides = array<i32>} : memref<5x80x64xf32, #tpu.memory_space<vmem>>, vector<1x1x16xf32>,
      %get3A_712 = vector.shape_cast %get3A_711 : vector<1x1x16xf32> to vector<16xf32>
      %add3A_713 = arith.constant 0 : i32
      %add3A_714 = arith.addi %add3A_713, %scan3A_706 : i32
      %get3A_715 = arith.index_cast %add3A_714 : i32 to index
      %get3A_716 = arith.constant 0 : index
      %get3A_717 = tpu.vector_load %arg7[%get3A_715, %get3A_716] {strides = array<i32>} : memref<400x64xf32, #tpu.memory_space<vmem>>, vector<1x16xf32>,
      %get3A_718 = vector.shape_cast %get3A_717 : vector<1x16xf32> to vector<16xf32>
      %add3A_719 = arith.addf %get3A_712, %get3A_718 : vector<16xf32>
      %swap3A_720 = arith.constant 0 : i32
      %swap3A_721 = arith.index_cast %swap3A_720 : i32 to index
      %swap3A_722 = arith.index_cast %scan3A_706 : i32 to index
      %swap3A_723 = arith.constant 0 : index
      %swap3A_724 = tpu.vector_load %arg8[%swap3A_721, %swap3A_722, %swap3A_723] {strides = array<i32>} : memref<5x80x64xf32, #tpu.memory_space<vmem>>, vector<1x1x16xf32>,
      %swap3A_725 = vector.shape_cast %swap3A_724 : vector<1x1x16xf32> to vector<16xf32>
      %swap3A_726 = vector.shape_cast %add3A_719 : vector<16xf32> to vector<1x1x16xf32>
      tpu.vector_store %arg8[%swap3A_721, %swap3A_722, %swap3A_723], %swap3A_726 {strides = array<i32>} : memref<5x80x64xf32, #tpu.memory_space<vmem>>, vector<1x1x16xf32>,
      %get3A_727 = arith.constant 0 : i32
      %get3A_728 = arith.index_cast %get3A_727 : i32 to index
      %get3A_729 = arith.index_cast %scan3A_706 : i32 to index
      %get3A_730 = arith.constant 16 : index
      %get3A_731 = tpu.vector_load %arg8[%get3A_728, %get3A_729, %get3A_730] {strides = array<i32>} : memref<5x80x64xf32, #tpu.memory_space<vmem>>, vector<1x1x16xf32>,
      %get3A_732 = vector.shape_cast %get3A_731 : vector<1x1x16xf32> to vector<16xf32>
      %add3A_733 = arith.constant 0 : i32
      %add3A_734 = arith.addi %add3A_733, %scan3A_706 : i32
      %get3A_735 = arith.index_cast %add3A_734 : i32 to index
      %get3A_736 = arith.constant 16 : index
      %get3A_737 = tpu.vector_load %arg7[%get3A_735, %get3A_736] {strides = array<i32>} : memref<400x64xf32, #tpu.memory_space<vmem>>, vector<1x16xf32>,
      %get3A_738 = vector.shape_cast %get3A_737 : vector<1x16xf32> to vector<16xf32>
      %add3A_739 = arith.addf %get3A_732, %get3A_738 : vector<16xf32>
      %swap3A_740 = arith.constant 0 : i32
      %swap3A_741 = arith.index_cast %swap3A_740 : i32 to index
      %swap3A_742 = arith.index_cast %scan3A_706 : i32 to index
      %swap3A_743 = arith.constant 16 : index
      %swap3A_744 = tpu.vector_load %arg8[%swap3A_741, %swap3A_742, %swap3A_743] {strides = array<i32>} : memref<5x80x64xf32, #tpu.memory_space<vmem>>, vector<1x1x16xf32>,
      %swap3A_745 = vector.shape_cast %swap3A_744 : vector<1x1x16xf32> to vector<16xf32>
      %swap3A_746 = vector.shape_cast %add3A_739 : vector<16xf32> to vector<1x1x16xf32>
      tpu.vector_store %arg8[%swap3A_741, %swap3A_742, %swap3A_743], %swap3A_746 {strides = array<i32>} : memref<5x80x64xf32, #tpu.memory_space<vmem>>, vector<1x1x16xf32>,
      %get3A_747 = arith.constant 0 : i32
      %get3A_748 = arith.index_cast %get3A_747 : i32 to index
      %get3A_749 = arith.index_cast %scan3A_706 : i32 to index
      %get3A_750 = arith.constant 32 : index
      %get3A_751 = tpu.vector_load %arg8[%get3A_748, %get3A_749, %get3A_750] {strides = array<i32>} : memref<5x80x64xf32, #tpu.memory_space<vmem>>, vector<1x1x16xf32>,
      %get3A_752 = vector.shape_cast %get3A_751 : vector<1x1x16xf32> to vector<16xf32>
      %add3A_753 = arith.constant 0 : i32
      %add3A_754 = arith.addi %add3A_753, %scan3A_706 : i32
      %get3A_755 = arith.index_cast %add3A_754 : i32 to index
      %get3A_756 = arith.constant 32 : index
      %get3A_757 = tpu.vector_load %arg7[%get3A_755, %get3A_756] {strides = array<i32>} : memref<400x64xf32, #tpu.memory_space<vmem>>, vector<1x16xf32>,
      %get3A_758 = vector.shape_cast %get3A_757 : vector<1x16xf32> to vector<16xf32>
      %add3A_759 = arith.addf %get3A_752, %get3A_758 : vector<16xf32>
      %swap3A_760 = arith.constant 0 : i32
      %swap3A_761 = arith.index_cast %swap3A_760 : i32 to index
      %swap3A_762 = arith.index_cast %scan3A_706 : i32 to index
      %swap3A_763 = arith.constant 32 : index
      %swap3A_764 = tpu.vector_load %arg8[%swap3A_761, %swap3A_762, %swap3A_763] {strides = array<i32>} : memref<5x80x64xf32, #tpu.memory_space<vmem>>, vector<1x1x16xf32>,
      %swap3A_765 = vector.shape_cast %swap3A_764 : vector<1x1x16xf32> to vector<16xf32>
      %swap3A_766 = vector.shape_cast %add3A_759 : vector<16xf32> to vector<1x1x16xf32>
      tpu.vector_store %arg8[%swap3A_761, %swap3A_762, %swap3A_763], %swap3A_766 {strides = array<i32>} : memref<5x80x64xf32, #tpu.memory_space<vmem>>, vector<1x1x16xf32>,
      %get3A_767 = arith.constant 0 : i32
      %get3A_768 = arith.index_cast %get3A_767 : i32 to index
      %get3A_769 = arith.index_cast %scan3A_706 : i32 to index
      %get3A_770 = arith.constant 48 : index
      %get3A_771 = tpu.vector_load %arg8[%get3A_768, %get3A_769, %get3A_770] {strides = array<i32>} : memref<5x80x64xf32, #tpu.memory_space<vmem>>, vector<1x1x16xf32>,
      %get3A_772 = vector.shape_cast %get3A_771 : vector<1x1x16xf32> to vector<16xf32>
      %add3A_773 = arith.constant 0 : i32
      %add3A_774 = arith.addi %add3A_773, %scan3A_706 : i32
      %get3A_775 = arith.index_cast %add3A_774 : i32 to index
      %get3A_776 = arith.constant 48 : index
      %get3A_777 = tpu.vector_load %arg7[%get3A_775, %get3A_776] {strides = array<i32>} : memref<400x64xf32, #tpu.memory_space<vmem>>, vector<1x16xf32>,
      %get3A_778 = vector.shape_cast %get3A_777 : vector<1x16xf32> to vector<16xf32>
      %add3A_779 = arith.addf %get3A_772, %get3A_778 : vector<16xf32>
      %swap3A_780 = arith.constant 0 : i32
      %swap3A_781 = arith.index_cast %swap3A_780 : i32 to index
      %swap3A_782 = arith.index_cast %scan3A_706 : i32 to index
      %swap3A_783 = arith.constant 48 : index
      %swap3A_784 = tpu.vector_load %arg8[%swap3A_781, %swap3A_782, %swap3A_783] {strides = array<i32>} : memref<5x80x64xf32, #tpu.memory_space<vmem>>, vector<1x1x16xf32>,
      %swap3A_785 = vector.shape_cast %swap3A_784 : vector<1x1x16xf32> to vector<16xf32>
      %swap3A_786 = vector.shape_cast %add3A_779 : vector<16xf32> to vector<1x1x16xf32>
      tpu.vector_store %arg8[%swap3A_781, %swap3A_782, %swap3A_783], %swap3A_786 {strides = array<i32>} : memref<5x80x64xf32, #tpu.memory_space<vmem>>, vector<1x1x16xf32>,
    }
    %scan3A_366 = arith.constant 80 : i32
    %dma_wait3A_367 = arith.constant 4 : i32
    %dma_wait3A_368 = arith.constant 0 : i32
    %dma_wait3A_369 = arith.constant 0 : i32
    %dma_wait3A_370 = tpu.memref_slice %arg8[%dma_wait3A_367, %dma_wait3A_368, %dma_wait3A_369] : memref<5x80x64xf32, #tpu.memory_space<vmem>> -> memref<1x80x64xf32, #tpu.memory_space<vmem>>
    %dma_wait3A_371 = tpu.memref_squeeze %dma_wait3A_370 : memref<1x80x64xf32, #tpu.memory_space<vmem>> -> memref<80x64xf32, #tpu.memory_space<vmem>>
    %dma_wait3A_372 = arith.constant 0 : i32
    %dma_wait3A_373 = arith.constant 0 : i32
    %dma_wait3A_374 = tpu.memref_slice %arg5[%dma_wait3A_372, %dma_wait3A_373] : memref<204800x64xf32, #tpu.memory_space<hbm>> -> memref<80x64xf32, #tpu.memory_space<hbm>>
    %dma_wait3A_375 = arith.constant 0 : i32
    %dma_wait3A_376 = arith.constant 0 : i32
    %dma_wait3A_377 = tpu.memref_slice %arg5[%dma_wait3A_375, %dma_wait3A_376] : memref<204800x64xf32, #tpu.memory_space<hbm>> -> memref<80x64xf32, #tpu.memory_space<hbm>>
    %dma_wait3A_378 = arith.constant 0 : i32
    %dma_wait3A_379 = arith.constant 0 : i32
    %dma_wait3A_380 = tpu.memref_slice %arg8[%dma_wait3A_367, %dma_wait3A_378, %dma_wait3A_379] : memref<5x80x64xf32, #tpu.memory_space<vmem>> -> memref<1x80x64xf32, #tpu.memory_space<vmem>>
    %dma_wait3A_381 = tpu.memref_squeeze %dma_wait3A_380 : memref<1x80x64xf32, #tpu.memory_space<vmem>> -> memref<80x64xf32, #tpu.memory_space<vmem>>
    tpu.wait_dma2 semaphore(%arg18 : memref<!tpu.dma_semaphore, #tpu.memory_space<semaphore_mem>>) src(%dma_wait3A_381 : memref<80x64xf32, #tpu.memory_space<vmem>>) dst(%dma_wait3A_377 : memref<80x64xf32, #tpu.memory_space<hbm>>)
    %dma_start3A_382 = arith.constant 79 : i32
    %dma_start3A_383 = arith.constant 4 : i32
    %dma_start3A_384 = arith.constant 0 : i32
    %dma_start3A_385 = arith.constant 0 : i32
    %dma_start3A_386 = tpu.memref_slice %arg8[%dma_start3A_383, %dma_start3A_384, %dma_start3A_385] : memref<5x80x64xf32, #tpu.memory_space<vmem>> -> memref<1x80x64xf32, #tpu.memory_space<vmem>>
    %dma_start3A_387 = tpu.memref_squeeze %dma_start3A_386 : memref<1x80x64xf32, #tpu.memory_space<vmem>> -> memref<80x64xf32, #tpu.memory_space<vmem>>
    %dma_start3A_388 = arith.constant 0 : i32
    %dma_start3A_389 = tpu.memref_slice %arg6[%dma_start3A_382, %dma_start3A_388] : memref<80x80xi32, #tpu.memory_space<vmem>> -> memref<1x80xi32, #tpu.memory_space<vmem>>
    %dma_start3A_390 = tpu.memref_squeeze %dma_start3A_389 : memref<1x80xi32, #tpu.memory_space<vmem>> -> memref<80xi32, #tpu.memory_space<vmem>>
    %dma_start3A_391 = arith.constant 0 : i32
    %dma_start3A_392 = arith.constant 0 : i32
    %dma_start3A_393 = tpu.memref_slice %arg3[%dma_start3A_391, %dma_start3A_392] : memref<1000000x64xf32, #tpu.memory_space<hbm>> -> memref<1000000x64xf32, #tpu.memory_space<hbm>>
    tpu.enqueue_indirect_dma source(%dma_start3A_393 : memref<1000000x64xf32, #tpu.memory_space<hbm>>) target(%dma_start3A_387 : memref<80x64xf32, #tpu.memory_space<vmem>>) offsets(%dma_start3A_390 : memref<80xi32, #tpu.memory_space<vmem>>) semaphore(%arg13 : memref<!tpu.dma_semaphore, #tpu.memory_space<semaphore_mem>>)
    %add3A_394 = arith.constant 75 : i32
    %add3A_395 = arith.addi %mul3A_2, %add3A_394 : i32
    %mul3A_396 = arith.constant 80 : i32
    %mul3A_397 = arith.muli %add3A_395, %mul3A_396 : i32
    %dma_start3A_398 = arith.constant 0 : i32
    %dma_start3A_399 = arith.constant 0 : i32
    %dma_start3A_400 = arith.constant 0 : i32
    %dma_start3A_401 = tpu.memref_slice %arg8[%dma_start3A_398, %dma_start3A_399, %dma_start3A_400] : memref<5x80x64xf32, #tpu.memory_space<vmem>> -> memref<1x80x64xf32, #tpu.memory_space<vmem>>
    %dma_start3A_402 = tpu.memref_squeeze %dma_start3A_401 : memref<1x80x64xf32, #tpu.memory_space<vmem>> -> memref<80x64xf32, #tpu.memory_space<vmem>>
    %dma_start3A_403 = arith.constant 0 : i32
    %dma_start3A_404 = tpu.memref_slice %arg5[%mul3A_397, %dma_start3A_403] : memref<204800x64xf32, #tpu.memory_space<hbm>> -> memref<80x64xf32, #tpu.memory_space<hbm>>
    %dma_start3A_405 = arith.constant 0 : i32
    %dma_start3A_406 = tpu.memref_slice %arg5[%mul3A_397, %dma_start3A_405] : memref<204800x64xf32, #tpu.memory_space<hbm>> -> memref<80x64xf32, #tpu.memory_space<hbm>>
    %dma_start3A_407 = arith.constant 0 : i32
    %dma_start3A_408 = arith.constant 0 : i32
    %dma_start3A_409 = tpu.memref_slice %arg8[%dma_start3A_398, %dma_start3A_407, %dma_start3A_408] : memref<5x80x64xf32, #tpu.memory_space<vmem>> -> memref<1x80x64xf32, #tpu.memory_space<vmem>>
    %dma_start3A_410 = tpu.memref_squeeze %dma_start3A_409 : memref<1x80x64xf32, #tpu.memory_space<vmem>> -> memref<80x64xf32, #tpu.memory_space<vmem>>
    tpu.enqueue_dma source(%dma_start3A_410 : memref<80x64xf32, #tpu.memory_space<vmem>>) target(%dma_start3A_406 : memref<80x64xf32, #tpu.memory_space<hbm>>) target_semaphore(%arg14 : memref<!tpu.dma_semaphore, #tpu.memory_space<semaphore_mem>>)
    %dma_wait3A_411 = arith.constant 0 : i32
    %dma_wait3A_412 = arith.constant 1 : i32
    %dma_wait3A_413 = arith.constant 0 : i32
    %dma_wait3A_414 = arith.constant 0 : i32
    %dma_wait3A_415 = tpu.memref_slice %arg8[%dma_wait3A_412, %dma_wait3A_413, %dma_wait3A_414] : memref<5x80x64xf32, #tpu.memory_space<vmem>> -> memref<1x80x64xf32, #tpu.memory_space<vmem>>
    %dma_wait3A_416 = tpu.memref_squeeze %dma_wait3A_415 : memref<1x80x64xf32, #tpu.memory_space<vmem>> -> memref<80x64xf32, #tpu.memory_space<vmem>>
    %dma_wait3A_417 = arith.constant 0 : i32
    %dma_wait3A_418 = tpu.memref_slice %arg6[%dma_wait3A_411, %dma_wait3A_417] : memref<80x80xi32, #tpu.memory_space<vmem>> -> memref<1x80xi32, #tpu.memory_space<vmem>>
    %dma_wait3A_419 = tpu.memref_squeeze %dma_wait3A_418 : memref<1x80xi32, #tpu.memory_space<vmem>> -> memref<80xi32, #tpu.memory_space<vmem>>
    %dma_wait3A_420 = arith.constant 0 : i32
    %dma_wait3A_421 = arith.constant 0 : i32
    %dma_wait3A_422 = tpu.memref_slice %arg3[%dma_wait3A_420, %dma_wait3A_421] : memref<1000000x64xf32, #tpu.memory_space<hbm>> -> memref<1000000x64xf32, #tpu.memory_space<hbm>>
    tpu.wait_indirect_dma semaphore(%arg10 : memref<!tpu.dma_semaphore, #tpu.memory_space<semaphore_mem>>) src(%dma_wait3A_422 : memref<1000000x64xf32, #tpu.memory_space<hbm>>) dst(%dma_wait3A_416 : memref<80x64xf32, #tpu.memory_space<vmem>>)
    %scan3A_423 = arith.constant 0 : i32
    %scan3A_424 = arith.constant 0 : i32
    %scan3A_425 = arith.constant 80 : i32
    %scan3A_426 = arith.addi %scan3A_424, %scan3A_425 : i32
    %scan3A_427 = arith.constant 2 : i32
    scf.for %scan3A_626 = %scan3A_424 to %scan3A_426 step %scan3A_427  : i32 {
      %get3A = arith.constant 1 : i32
      %get3A_627 = arith.index_cast %get3A : i32 to index
      %get3A_628 = arith.index_cast %scan3A_626 : i32 to index
      %get3A_629 = arith.constant 0 : index
      %get3A_630 = tpu.vector_load %arg8[%get3A_627, %get3A_628, %get3A_629] {strides = array<i32>} : memref<5x80x64xf32, #tpu.memory_space<vmem>>, vector<1x1x16xf32>,
      %get3A_631 = vector.shape_cast %get3A_630 : vector<1x1x16xf32> to vector<16xf32>
      %add3A_632 = arith.constant 80 : i32
      %add3A_633 = arith.addi %add3A_632, %scan3A_626 : i32
      %get3A_634 = arith.index_cast %add3A_633 : i32 to index
      %get3A_635 = arith.constant 0 : index
      %get3A_636 = tpu.vector_load %arg7[%get3A_634, %get3A_635] {strides = array<i32>} : memref<400x64xf32, #tpu.memory_space<vmem>>, vector<1x16xf32>,
      %get3A_637 = vector.shape_cast %get3A_636 : vector<1x16xf32> to vector<16xf32>
      %add3A_638 = arith.addf %get3A_631, %get3A_637 : vector<16xf32>
      %swap3A = arith.constant 1 : i32
      %swap3A_639 = arith.index_cast %swap3A : i32 to index
      %swap3A_640 = arith.index_cast %scan3A_626 : i32 to index
      %swap3A_641 = arith.constant 0 : index
      %swap3A_642 = tpu.vector_load %arg8[%swap3A_639, %swap3A_640, %swap3A_641] {strides = array<i32>} : memref<5x80x64xf32, #tpu.memory_space<vmem>>, vector<1x1x16xf32>,
      %swap3A_643 = vector.shape_cast %swap3A_642 : vector<1x1x16xf32> to vector<16xf32>
      %swap3A_644 = vector.shape_cast %add3A_638 : vector<16xf32> to vector<1x1x16xf32>
      tpu.vector_store %arg8[%swap3A_639, %swap3A_640, %swap3A_641], %swap3A_644 {strides = array<i32>} : memref<5x80x64xf32, #tpu.memory_space<vmem>>, vector<1x1x16xf32>,
      %get3A_645 = arith.constant 1 : i32
      %get3A_646 = arith.index_cast %get3A_645 : i32 to index
      %get3A_647 = arith.index_cast %scan3A_626 : i32 to index
      %get3A_648 = arith.constant 16 : index
      %get3A_649 = tpu.vector_load %arg8[%get3A_646, %get3A_647, %get3A_648] {strides = array<i32>} : memref<5x80x64xf32, #tpu.memory_space<vmem>>, vector<1x1x16xf32>,
      %get3A_650 = vector.shape_cast %get3A_649 : vector<1x1x16xf32> to vector<16xf32>
      %add3A_651 = arith.constant 80 : i32
      %add3A_652 = arith.addi %add3A_651, %scan3A_626 : i32
      %get3A_653 = arith.index_cast %add3A_652 : i32 to index
      %get3A_654 = arith.constant 16 : index
      %get3A_655 = tpu.vector_load %arg7[%get3A_653, %get3A_654] {strides = array<i32>} : memref<400x64xf32, #tpu.memory_space<vmem>>, vector<1x16xf32>,
      %get3A_656 = vector.shape_cast %get3A_655 : vector<1x16xf32> to vector<16xf32>
      %add3A_657 = arith.addf %get3A_650, %get3A_656 : vector<16xf32>
      %swap3A_658 = arith.constant 1 : i32
      %swap3A_659 = arith.index_cast %swap3A_658 : i32 to index
      %swap3A_660 = arith.index_cast %scan3A_626 : i32 to index
      %swap3A_661 = arith.constant 16 : index
      %swap3A_662 = tpu.vector_load %arg8[%swap3A_659, %swap3A_660, %swap3A_661] {strides = array<i32>} : memref<5x80x64xf32, #tpu.memory_space<vmem>>, vector<1x1x16xf32>,
      %swap3A_663 = vector.shape_cast %swap3A_662 : vector<1x1x16xf32> to vector<16xf32>
      %swap3A_664 = vector.shape_cast %add3A_657 : vector<16xf32> to vector<1x1x16xf32>
      tpu.vector_store %arg8[%swap3A_659, %swap3A_660, %swap3A_661], %swap3A_664 {strides = array<i32>} : memref<5x80x64xf32, #tpu.memory_space<vmem>>, vector<1x1x16xf32>,
      %get3A_665 = arith.constant 1 : i32
      %get3A_666 = arith.index_cast %get3A_665 : i32 to index
      %get3A_667 = arith.index_cast %scan3A_626 : i32 to index
      %get3A_668 = arith.constant 32 : index
      %get3A_669 = tpu.vector_load %arg8[%get3A_666, %get3A_667, %get3A_668] {strides = array<i32>} : memref<5x80x64xf32, #tpu.memory_space<vmem>>, vector<1x1x16xf32>,
      %get3A_670 = vector.shape_cast %get3A_669 : vector<1x1x16xf32> to vector<16xf32>
      %add3A_671 = arith.constant 80 : i32
      %add3A_672 = arith.addi %add3A_671, %scan3A_626 : i32
      %get3A_673 = arith.index_cast %add3A_672 : i32 to index
      %get3A_674 = arith.constant 32 : index
      %get3A_675 = tpu.vector_load %arg7[%get3A_673, %get3A_674] {strides = array<i32>} : memref<400x64xf32, #tpu.memory_space<vmem>>, vector<1x16xf32>,
      %get3A_676 = vector.shape_cast %get3A_675 : vector<1x16xf32> to vector<16xf32>
      %add3A_677 = arith.addf %get3A_670, %get3A_676 : vector<16xf32>
      %swap3A_678 = arith.constant 1 : i32
      %swap3A_679 = arith.index_cast %swap3A_678 : i32 to index
      %swap3A_680 = arith.index_cast %scan3A_626 : i32 to index
      %swap3A_681 = arith.constant 32 : index
      %swap3A_682 = tpu.vector_load %arg8[%swap3A_679, %swap3A_680, %swap3A_681] {strides = array<i32>} : memref<5x80x64xf32, #tpu.memory_space<vmem>>, vector<1x1x16xf32>,
      %swap3A_683 = vector.shape_cast %swap3A_682 : vector<1x1x16xf32> to vector<16xf32>
      %swap3A_684 = vector.shape_cast %add3A_677 : vector<16xf32> to vector<1x1x16xf32>
      tpu.vector_store %arg8[%swap3A_679, %swap3A_680, %swap3A_681], %swap3A_684 {strides = array<i32>} : memref<5x80x64xf32, #tpu.memory_space<vmem>>, vector<1x1x16xf32>,
      %get3A_685 = arith.constant 1 : i32
      %get3A_686 = arith.index_cast %get3A_685 : i32 to index
      %get3A_687 = arith.index_cast %scan3A_626 : i32 to index
      %get3A_688 = arith.constant 48 : index
      %get3A_689 = tpu.vector_load %arg8[%get3A_686, %get3A_687, %get3A_688] {strides = array<i32>} : memref<5x80x64xf32, #tpu.memory_space<vmem>>, vector<1x1x16xf32>,
      %get3A_690 = vector.shape_cast %get3A_689 : vector<1x1x16xf32> to vector<16xf32>
      %add3A_691 = arith.constant 80 : i32
      %add3A_692 = arith.addi %add3A_691, %scan3A_626 : i32
      %get3A_693 = arith.index_cast %add3A_692 : i32 to index
      %get3A_694 = arith.constant 48 : index
      %get3A_695 = tpu.vector_load %arg7[%get3A_693, %get3A_694] {strides = array<i32>} : memref<400x64xf32, #tpu.memory_space<vmem>>, vector<1x16xf32>,
      %get3A_696 = vector.shape_cast %get3A_695 : vector<1x16xf32> to vector<16xf32>
      %add3A_697 = arith.addf %get3A_690, %get3A_696 : vector<16xf32>
      %swap3A_698 = arith.constant 1 : i32
      %swap3A_699 = arith.index_cast %swap3A_698 : i32 to index
      %swap3A_700 = arith.index_cast %scan3A_626 : i32 to index
      %swap3A_701 = arith.constant 48 : index
      %swap3A_702 = tpu.vector_load %arg8[%swap3A_699, %swap3A_700, %swap3A_701] {strides = array<i32>} : memref<5x80x64xf32, #tpu.memory_space<vmem>>, vector<1x1x16xf32>,
      %swap3A_703 = vector.shape_cast %swap3A_702 : vector<1x1x16xf32> to vector<16xf32>
      %swap3A_704 = vector.shape_cast %add3A_697 : vector<16xf32> to vector<1x1x16xf32>
      tpu.vector_store %arg8[%swap3A_699, %swap3A_700, %swap3A_701], %swap3A_704 {strides = array<i32>} : memref<5x80x64xf32, #tpu.memory_space<vmem>>, vector<1x1x16xf32>,
      %scan3A_705 = arith.constant 1 : i32
      %scan3A_706 = arith.addi %scan3A_626, %scan3A_705 : i32
      %get3A_707 = arith.constant 1 : i32
      %get3A_708 = arith.index_cast %get3A_707 : i32 to index
      %get3A_709 = arith.index_cast %scan3A_706 : i32 to index
      %get3A_710 = arith.constant 0 : index
      %get3A_711 = tpu.vector_load %arg8[%get3A_708, %get3A_709, %get3A_710] {strides = array<i32>} : memref<5x80x64xf32, #tpu.memory_space<vmem>>, vector<1x1x16xf32>,
      %get3A_712 = vector.shape_cast %get3A_711 : vector<1x1x16xf32> to vector<16xf32>
      %add3A_713 = arith.constant 80 : i32
      %add3A_714 = arith.addi %add3A_713, %scan3A_706 : i32
      %get3A_715 = arith.index_cast %add3A_714 : i32 to index
      %get3A_716 = arith.constant 0 : index
      %get3A_717 = tpu.vector_load %arg7[%get3A_715, %get3A_716] {strides = array<i32>} : memref<400x64xf32, #tpu.memory_space<vmem>>, vector<1x16xf32>,
      %get3A_718 = vector.shape_cast %get3A_717 : vector<1x16xf32> to vector<16xf32>
      %add3A_719 = arith.addf %get3A_712, %get3A_718 : vector<16xf32>
      %swap3A_720 = arith.constant 1 : i32
      %swap3A_721 = arith.index_cast %swap3A_720 : i32 to index
      %swap3A_722 = arith.index_cast %scan3A_706 : i32 to index
      %swap3A_723 = arith.constant 0 : index
      %swap3A_724 = tpu.vector_load %arg8[%swap3A_721, %swap3A_722, %swap3A_723] {strides = array<i32>} : memref<5x80x64xf32, #tpu.memory_space<vmem>>, vector<1x1x16xf32>,
      %swap3A_725 = vector.shape_cast %swap3A_724 : vector<1x1x16xf32> to vector<16xf32>
      %swap3A_726 = vector.shape_cast %add3A_719 : vector<16xf32> to vector<1x1x16xf32>
      tpu.vector_store %arg8[%swap3A_721, %swap3A_722, %swap3A_723], %swap3A_726 {strides = array<i32>} : memref<5x80x64xf32, #tpu.memory_space<vmem>>, vector<1x1x16xf32>,
      %get3A_727 = arith.constant 1 : i32
      %get3A_728 = arith.index_cast %get3A_727 : i32 to index
      %get3A_729 = arith.index_cast %scan3A_706 : i32 to index
      %get3A_730 = arith.constant 16 : index
      %get3A_731 = tpu.vector_load %arg8[%get3A_728, %get3A_729, %get3A_730] {strides = array<i32>} : memref<5x80x64xf32, #tpu.memory_space<vmem>>, vector<1x1x16xf32>,
      %get3A_732 = vector.shape_cast %get3A_731 : vector<1x1x16xf32> to vector<16xf32>
      %add3A_733 = arith.constant 80 : i32
      %add3A_734 = arith.addi %add3A_733, %scan3A_706 : i32
      %get3A_735 = arith.index_cast %add3A_734 : i32 to index
      %get3A_736 = arith.constant 16 : index
      %get3A_737 = tpu.vector_load %arg7[%get3A_735, %get3A_736] {strides = array<i32>} : memref<400x64xf32, #tpu.memory_space<vmem>>, vector<1x16xf32>,
      %get3A_738 = vector.shape_cast %get3A_737 : vector<1x16xf32> to vector<16xf32>
      %add3A_739 = arith.addf %get3A_732, %get3A_738 : vector<16xf32>
      %swap3A_740 = arith.constant 1 : i32
      %swap3A_741 = arith.index_cast %swap3A_740 : i32 to index
      %swap3A_742 = arith.index_cast %scan3A_706 : i32 to index
      %swap3A_743 = arith.constant 16 : index
      %swap3A_744 = tpu.vector_load %arg8[%swap3A_741, %swap3A_742, %swap3A_743] {strides = array<i32>} : memref<5x80x64xf32, #tpu.memory_space<vmem>>, vector<1x1x16xf32>,
      %swap3A_745 = vector.shape_cast %swap3A_744 : vector<1x1x16xf32> to vector<16xf32>
      %swap3A_746 = vector.shape_cast %add3A_739 : vector<16xf32> to vector<1x1x16xf32>
      tpu.vector_store %arg8[%swap3A_741, %swap3A_742, %swap3A_743], %swap3A_746 {strides = array<i32>} : memref<5x80x64xf32, #tpu.memory_space<vmem>>, vector<1x1x16xf32>,
      %get3A_747 = arith.constant 1 : i32
      %get3A_748 = arith.index_cast %get3A_747 : i32 to index
      %get3A_749 = arith.index_cast %scan3A_706 : i32 to index
      %get3A_750 = arith.constant 32 : index
      %get3A_751 = tpu.vector_load %arg8[%get3A_748, %get3A_749, %get3A_750] {strides = array<i32>} : memref<5x80x64xf32, #tpu.memory_space<vmem>>, vector<1x1x16xf32>,
      %get3A_752 = vector.shape_cast %get3A_751 : vector<1x1x16xf32> to vector<16xf32>
      %add3A_753 = arith.constant 80 : i32
      %add3A_754 = arith.addi %add3A_753, %scan3A_706 : i32
      %get3A_755 = arith.index_cast %add3A_754 : i32 to index
      %get3A_756 = arith.constant 32 : index
      %get3A_757 = tpu.vector_load %arg7[%get3A_755, %get3A_756] {strides = array<i32>} : memref<400x64xf32, #tpu.memory_space<vmem>>, vector<1x16xf32>,
      %get3A_758 = vector.shape_cast %get3A_757 : vector<1x16xf32> to vector<16xf32>
      %add3A_759 = arith.addf %get3A_752, %get3A_758 : vector<16xf32>
      %swap3A_760 = arith.constant 1 : i32
      %swap3A_761 = arith.index_cast %swap3A_760 : i32 to index
      %swap3A_762 = arith.index_cast %scan3A_706 : i32 to index
      %swap3A_763 = arith.constant 32 : index
      %swap3A_764 = tpu.vector_load %arg8[%swap3A_761, %swap3A_762, %swap3A_763] {strides = array<i32>} : memref<5x80x64xf32, #tpu.memory_space<vmem>>, vector<1x1x16xf32>,
      %swap3A_765 = vector.shape_cast %swap3A_764 : vector<1x1x16xf32> to vector<16xf32>
      %swap3A_766 = vector.shape_cast %add3A_759 : vector<16xf32> to vector<1x1x16xf32>
      tpu.vector_store %arg8[%swap3A_761, %swap3A_762, %swap3A_763], %swap3A_766 {strides = array<i32>} : memref<5x80x64xf32, #tpu.memory_space<vmem>>, vector<1x1x16xf32>,
      %get3A_767 = arith.constant 1 : i32
      %get3A_768 = arith.index_cast %get3A_767 : i32 to index
      %get3A_769 = arith.index_cast %scan3A_706 : i32 to index
      %get3A_770 = arith.constant 48 : index
      %get3A_771 = tpu.vector_load %arg8[%get3A_768, %get3A_769, %get3A_770] {strides = array<i32>} : memref<5x80x64xf32, #tpu.memory_space<vmem>>, vector<1x1x16xf32>,
      %get3A_772 = vector.shape_cast %get3A_771 : vector<1x1x16xf32> to vector<16xf32>
      %add3A_773 = arith.constant 80 : i32
      %add3A_774 = arith.addi %add3A_773, %scan3A_706 : i32
      %get3A_775 = arith.index_cast %add3A_774 : i32 to index
      %get3A_776 = arith.constant 48 : index
      %get3A_777 = tpu.vector_load %arg7[%get3A_775, %get3A_776] {strides = array<i32>} : memref<400x64xf32, #tpu.memory_space<vmem>>, vector<1x16xf32>,
      %get3A_778 = vector.shape_cast %get3A_777 : vector<1x16xf32> to vector<16xf32>
      %add3A_779 = arith.addf %get3A_772, %get3A_778 : vector<16xf32>
      %swap3A_780 = arith.constant 1 : i32
      %swap3A_781 = arith.index_cast %swap3A_780 : i32 to index
      %swap3A_782 = arith.index_cast %scan3A_706 : i32 to index
      %swap3A_783 = arith.constant 48 : index
      %swap3A_784 = tpu.vector_load %arg8[%swap3A_781, %swap3A_782, %swap3A_783] {strides = array<i32>} : memref<5x80x64xf32, #tpu.memory_space<vmem>>, vector<1x1x16xf32>,
      %swap3A_785 = vector.shape_cast %swap3A_784 : vector<1x1x16xf32> to vector<16xf32>
      %swap3A_786 = vector.shape_cast %add3A_779 : vector<16xf32> to vector<1x1x16xf32>
      tpu.vector_store %arg8[%swap3A_781, %swap3A_782, %swap3A_783], %swap3A_786 {strides = array<i32>} : memref<5x80x64xf32, #tpu.memory_space<vmem>>, vector<1x1x16xf32>,
    }
    %scan3A_428 = arith.constant 80 : i32
    %add3A_429 = arith.constant 76 : i32
    %add3A_430 = arith.addi %mul3A_2, %add3A_429 : i32
    %mul3A_431 = arith.constant 80 : i32
    %mul3A_432 = arith.muli %add3A_430, %mul3A_431 : i32
    %dma_start3A_433 = arith.constant 1 : i32
    %dma_start3A_434 = arith.constant 0 : i32
    %dma_start3A_435 = arith.constant 0 : i32
    %dma_start3A_436 = tpu.memref_slice %arg8[%dma_start3A_433, %dma_start3A_434, %dma_start3A_435] : memref<5x80x64xf32, #tpu.memory_space<vmem>> -> memref<1x80x64xf32, #tpu.memory_space<vmem>>
    %dma_start3A_437 = tpu.memref_squeeze %dma_start3A_436 : memref<1x80x64xf32, #tpu.memory_space<vmem>> -> memref<80x64xf32, #tpu.memory_space<vmem>>
    %dma_start3A_438 = arith.constant 0 : i32
    %dma_start3A_439 = tpu.memref_slice %arg5[%mul3A_432, %dma_start3A_438] : memref<204800x64xf32, #tpu.memory_space<hbm>> -> memref<80x64xf32, #tpu.memory_space<hbm>>
    %dma_start3A_440 = arith.constant 0 : i32
    %dma_start3A_441 = tpu.memref_slice %arg5[%mul3A_432, %dma_start3A_440] : memref<204800x64xf32, #tpu.memory_space<hbm>> -> memref<80x64xf32, #tpu.memory_space<hbm>>
    %dma_start3A_442 = arith.constant 0 : i32
    %dma_start3A_443 = arith.constant 0 : i32
    %dma_start3A_444 = tpu.memref_slice %arg8[%dma_start3A_433, %dma_start3A_442, %dma_start3A_443] : memref<5x80x64xf32, #tpu.memory_space<vmem>> -> memref<1x80x64xf32, #tpu.memory_space<vmem>>
    %dma_start3A_445 = tpu.memref_squeeze %dma_start3A_444 : memref<1x80x64xf32, #tpu.memory_space<vmem>> -> memref<80x64xf32, #tpu.memory_space<vmem>>
    tpu.enqueue_dma source(%dma_start3A_445 : memref<80x64xf32, #tpu.memory_space<vmem>>) target(%dma_start3A_441 : memref<80x64xf32, #tpu.memory_space<hbm>>) target_semaphore(%arg15 : memref<!tpu.dma_semaphore, #tpu.memory_space<semaphore_mem>>)
    %dma_wait3A_446 = arith.constant 0 : i32
    %dma_wait3A_447 = arith.constant 2 : i32
    %dma_wait3A_448 = arith.constant 0 : i32
    %dma_wait3A_449 = arith.constant 0 : i32
    %dma_wait3A_450 = tpu.memref_slice %arg8[%dma_wait3A_447, %dma_wait3A_448, %dma_wait3A_449] : memref<5x80x64xf32, #tpu.memory_space<vmem>> -> memref<1x80x64xf32, #tpu.memory_space<vmem>>
    %dma_wait3A_451 = tpu.memref_squeeze %dma_wait3A_450 : memref<1x80x64xf32, #tpu.memory_space<vmem>> -> memref<80x64xf32, #tpu.memory_space<vmem>>
    %dma_wait3A_452 = arith.constant 0 : i32
    %dma_wait3A_453 = tpu.memref_slice %arg6[%dma_wait3A_446, %dma_wait3A_452] : memref<80x80xi32, #tpu.memory_space<vmem>> -> memref<1x80xi32, #tpu.memory_space<vmem>>
    %dma_wait3A_454 = tpu.memref_squeeze %dma_wait3A_453 : memref<1x80xi32, #tpu.memory_space<vmem>> -> memref<80xi32, #tpu.memory_space<vmem>>
    %dma_wait3A_455 = arith.constant 0 : i32
    %dma_wait3A_456 = arith.constant 0 : i32
    %dma_wait3A_457 = tpu.memref_slice %arg3[%dma_wait3A_455, %dma_wait3A_456] : memref<1000000x64xf32, #tpu.memory_space<hbm>> -> memref<1000000x64xf32, #tpu.memory_space<hbm>>
    tpu.wait_indirect_dma semaphore(%arg11 : memref<!tpu.dma_semaphore, #tpu.memory_space<semaphore_mem>>) src(%dma_wait3A_457 : memref<1000000x64xf32, #tpu.memory_space<hbm>>) dst(%dma_wait3A_451 : memref<80x64xf32, #tpu.memory_space<vmem>>)
    %scan3A_458 = arith.constant 0 : i32
    %scan3A_459 = arith.constant 0 : i32
    %scan3A_460 = arith.constant 80 : i32
    %scan3A_461 = arith.addi %scan3A_459, %scan3A_460 : i32
    %scan3A_462 = arith.constant 2 : i32
    scf.for %scan3A_626 = %scan3A_459 to %scan3A_461 step %scan3A_462  : i32 {
      %get3A = arith.constant 2 : i32
      %get3A_627 = arith.index_cast %get3A : i32 to index
      %get3A_628 = arith.index_cast %scan3A_626 : i32 to index
      %get3A_629 = arith.constant 0 : index
      %get3A_630 = tpu.vector_load %arg8[%get3A_627, %get3A_628, %get3A_629] {strides = array<i32>} : memref<5x80x64xf32, #tpu.memory_space<vmem>>, vector<1x1x16xf32>,
      %get3A_631 = vector.shape_cast %get3A_630 : vector<1x1x16xf32> to vector<16xf32>
      %add3A_632 = arith.constant 160 : i32
      %add3A_633 = arith.addi %add3A_632, %scan3A_626 : i32
      %get3A_634 = arith.index_cast %add3A_633 : i32 to index
      %get3A_635 = arith.constant 0 : index
      %get3A_636 = tpu.vector_load %arg7[%get3A_634, %get3A_635] {strides = array<i32>} : memref<400x64xf32, #tpu.memory_space<vmem>>, vector<1x16xf32>,
      %get3A_637 = vector.shape_cast %get3A_636 : vector<1x16xf32> to vector<16xf32>
      %add3A_638 = arith.addf %get3A_631, %get3A_637 : vector<16xf32>
      %swap3A = arith.constant 2 : i32
      %swap3A_639 = arith.index_cast %swap3A : i32 to index
      %swap3A_640 = arith.index_cast %scan3A_626 : i32 to index
      %swap3A_641 = arith.constant 0 : index
      %swap3A_642 = tpu.vector_load %arg8[%swap3A_639, %swap3A_640, %swap3A_641] {strides = array<i32>} : memref<5x80x64xf32, #tpu.memory_space<vmem>>, vector<1x1x16xf32>,
      %swap3A_643 = vector.shape_cast %swap3A_642 : vector<1x1x16xf32> to vector<16xf32>
      %swap3A_644 = vector.shape_cast %add3A_638 : vector<16xf32> to vector<1x1x16xf32>
      tpu.vector_store %arg8[%swap3A_639, %swap3A_640, %swap3A_641], %swap3A_644 {strides = array<i32>} : memref<5x80x64xf32, #tpu.memory_space<vmem>>, vector<1x1x16xf32>,
      %get3A_645 = arith.constant 2 : i32
      %get3A_646 = arith.index_cast %get3A_645 : i32 to index
      %get3A_647 = arith.index_cast %scan3A_626 : i32 to index
      %get3A_648 = arith.constant 16 : index
      %get3A_649 = tpu.vector_load %arg8[%get3A_646, %get3A_647, %get3A_648] {strides = array<i32>} : memref<5x80x64xf32, #tpu.memory_space<vmem>>, vector<1x1x16xf32>,
      %get3A_650 = vector.shape_cast %get3A_649 : vector<1x1x16xf32> to vector<16xf32>
      %add3A_651 = arith.constant 160 : i32
      %add3A_652 = arith.addi %add3A_651, %scan3A_626 : i32
      %get3A_653 = arith.index_cast %add3A_652 : i32 to index
      %get3A_654 = arith.constant 16 : index
      %get3A_655 = tpu.vector_load %arg7[%get3A_653, %get3A_654] {strides = array<i32>} : memref<400x64xf32, #tpu.memory_space<vmem>>, vector<1x16xf32>,
      %get3A_656 = vector.shape_cast %get3A_655 : vector<1x16xf32> to vector<16xf32>
      %add3A_657 = arith.addf %get3A_650, %get3A_656 : vector<16xf32>
      %swap3A_658 = arith.constant 2 : i32
      %swap3A_659 = arith.index_cast %swap3A_658 : i32 to index
      %swap3A_660 = arith.index_cast %scan3A_626 : i32 to index
      %swap3A_661 = arith.constant 16 : index
      %swap3A_662 = tpu.vector_load %arg8[%swap3A_659, %swap3A_660, %swap3A_661] {strides = array<i32>} : memref<5x80x64xf32, #tpu.memory_space<vmem>>, vector<1x1x16xf32>,
      %swap3A_663 = vector.shape_cast %swap3A_662 : vector<1x1x16xf32> to vector<16xf32>
      %swap3A_664 = vector.shape_cast %add3A_657 : vector<16xf32> to vector<1x1x16xf32>
      tpu.vector_store %arg8[%swap3A_659, %swap3A_660, %swap3A_661], %swap3A_664 {strides = array<i32>} : memref<5x80x64xf32, #tpu.memory_space<vmem>>, vector<1x1x16xf32>,
      %get3A_665 = arith.constant 2 : i32
      %get3A_666 = arith.index_cast %get3A_665 : i32 to index
      %get3A_667 = arith.index_cast %scan3A_626 : i32 to index
      %get3A_668 = arith.constant 32 : index
      %get3A_669 = tpu.vector_load %arg8[%get3A_666, %get3A_667, %get3A_668] {strides = array<i32>} : memref<5x80x64xf32, #tpu.memory_space<vmem>>, vector<1x1x16xf32>,
      %get3A_670 = vector.shape_cast %get3A_669 : vector<1x1x16xf32> to vector<16xf32>
      %add3A_671 = arith.constant 160 : i32
      %add3A_672 = arith.addi %add3A_671, %scan3A_626 : i32
      %get3A_673 = arith.index_cast %add3A_672 : i32 to index
      %get3A_674 = arith.constant 32 : index
      %get3A_675 = tpu.vector_load %arg7[%get3A_673, %get3A_674] {strides = array<i32>} : memref<400x64xf32, #tpu.memory_space<vmem>>, vector<1x16xf32>,
      %get3A_676 = vector.shape_cast %get3A_675 : vector<1x16xf32> to vector<16xf32>
      %add3A_677 = arith.addf %get3A_670, %get3A_676 : vector<16xf32>
      %swap3A_678 = arith.constant 2 : i32
      %swap3A_679 = arith.index_cast %swap3A_678 : i32 to index
      %swap3A_680 = arith.index_cast %scan3A_626 : i32 to index
      %swap3A_681 = arith.constant 32 : index
      %swap3A_682 = tpu.vector_load %arg8[%swap3A_679, %swap3A_680, %swap3A_681] {strides = array<i32>} : memref<5x80x64xf32, #tpu.memory_space<vmem>>, vector<1x1x16xf32>,
      %swap3A_683 = vector.shape_cast %swap3A_682 : vector<1x1x16xf32> to vector<16xf32>
      %swap3A_684 = vector.shape_cast %add3A_677 : vector<16xf32> to vector<1x1x16xf32>
      tpu.vector_store %arg8[%swap3A_679, %swap3A_680, %swap3A_681], %swap3A_684 {strides = array<i32>} : memref<5x80x64xf32, #tpu.memory_space<vmem>>, vector<1x1x16xf32>,
      %get3A_685 = arith.constant 2 : i32
      %get3A_686 = arith.index_cast %get3A_685 : i32 to index
      %get3A_687 = arith.index_cast %scan3A_626 : i32 to index
      %get3A_688 = arith.constant 48 : index
      %get3A_689 = tpu.vector_load %arg8[%get3A_686, %get3A_687, %get3A_688] {strides = array<i32>} : memref<5x80x64xf32, #tpu.memory_space<vmem>>, vector<1x1x16xf32>,
      %get3A_690 = vector.shape_cast %get3A_689 : vector<1x1x16xf32> to vector<16xf32>
      %add3A_691 = arith.constant 160 : i32
      %add3A_692 = arith.addi %add3A_691, %scan3A_626 : i32
      %get3A_693 = arith.index_cast %add3A_692 : i32 to index
      %get3A_694 = arith.constant 48 : index
      %get3A_695 = tpu.vector_load %arg7[%get3A_693, %get3A_694] {strides = array<i32>} : memref<400x64xf32, #tpu.memory_space<vmem>>, vector<1x16xf32>,
      %get3A_696 = vector.shape_cast %get3A_695 : vector<1x16xf32> to vector<16xf32>
      %add3A_697 = arith.addf %get3A_690, %get3A_696 : vector<16xf32>
      %swap3A_698 = arith.constant 2 : i32
      %swap3A_699 = arith.index_cast %swap3A_698 : i32 to index
      %swap3A_700 = arith.index_cast %scan3A_626 : i32 to index
      %swap3A_701 = arith.constant 48 : index
      %swap3A_702 = tpu.vector_load %arg8[%swap3A_699, %swap3A_700, %swap3A_701] {strides = array<i32>} : memref<5x80x64xf32, #tpu.memory_space<vmem>>, vector<1x1x16xf32>,
      %swap3A_703 = vector.shape_cast %swap3A_702 : vector<1x1x16xf32> to vector<16xf32>
      %swap3A_704 = vector.shape_cast %add3A_697 : vector<16xf32> to vector<1x1x16xf32>
      tpu.vector_store %arg8[%swap3A_699, %swap3A_700, %swap3A_701], %swap3A_704 {strides = array<i32>} : memref<5x80x64xf32, #tpu.memory_space<vmem>>, vector<1x1x16xf32>,
      %scan3A_705 = arith.constant 1 : i32
      %scan3A_706 = arith.addi %scan3A_626, %scan3A_705 : i32
      %get3A_707 = arith.constant 2 : i32
      %get3A_708 = arith.index_cast %get3A_707 : i32 to index
      %get3A_709 = arith.index_cast %scan3A_706 : i32 to index
      %get3A_710 = arith.constant 0 : index
      %get3A_711 = tpu.vector_load %arg8[%get3A_708, %get3A_709, %get3A_710] {strides = array<i32>} : memref<5x80x64xf32, #tpu.memory_space<vmem>>, vector<1x1x16xf32>,
      %get3A_712 = vector.shape_cast %get3A_711 : vector<1x1x16xf32> to vector<16xf32>
      %add3A_713 = arith.constant 160 : i32
      %add3A_714 = arith.addi %add3A_713, %scan3A_706 : i32
      %get3A_715 = arith.index_cast %add3A_714 : i32 to index
      %get3A_716 = arith.constant 0 : index
      %get3A_717 = tpu.vector_load %arg7[%get3A_715, %get3A_716] {strides = array<i32>} : memref<400x64xf32, #tpu.memory_space<vmem>>, vector<1x16xf32>,
      %get3A_718 = vector.shape_cast %get3A_717 : vector<1x16xf32> to vector<16xf32>
      %add3A_719 = arith.addf %get3A_712, %get3A_718 : vector<16xf32>
      %swap3A_720 = arith.constant 2 : i32
      %swap3A_721 = arith.index_cast %swap3A_720 : i32 to index
      %swap3A_722 = arith.index_cast %scan3A_706 : i32 to index
      %swap3A_723 = arith.constant 0 : index
      %swap3A_724 = tpu.vector_load %arg8[%swap3A_721, %swap3A_722, %swap3A_723] {strides = array<i32>} : memref<5x80x64xf32, #tpu.memory_space<vmem>>, vector<1x1x16xf32>,
      %swap3A_725 = vector.shape_cast %swap3A_724 : vector<1x1x16xf32> to vector<16xf32>
      %swap3A_726 = vector.shape_cast %add3A_719 : vector<16xf32> to vector<1x1x16xf32>
      tpu.vector_store %arg8[%swap3A_721, %swap3A_722, %swap3A_723], %swap3A_726 {strides = array<i32>} : memref<5x80x64xf32, #tpu.memory_space<vmem>>, vector<1x1x16xf32>,
      %get3A_727 = arith.constant 2 : i32
      %get3A_728 = arith.index_cast %get3A_727 : i32 to index
      %get3A_729 = arith.index_cast %scan3A_706 : i32 to index
      %get3A_730 = arith.constant 16 : index
      %get3A_731 = tpu.vector_load %arg8[%get3A_728, %get3A_729, %get3A_730] {strides = array<i32>} : memref<5x80x64xf32, #tpu.memory_space<vmem>>, vector<1x1x16xf32>,
      %get3A_732 = vector.shape_cast %get3A_731 : vector<1x1x16xf32> to vector<16xf32>
      %add3A_733 = arith.constant 160 : i32
      %add3A_734 = arith.addi %add3A_733, %scan3A_706 : i32
      %get3A_735 = arith.index_cast %add3A_734 : i32 to index
      %get3A_736 = arith.constant 16 : index
      %get3A_737 = tpu.vector_load %arg7[%get3A_735, %get3A_736] {strides = array<i32>} : memref<400x64xf32, #tpu.memory_space<vmem>>, vector<1x16xf32>,
      %get3A_738 = vector.shape_cast %get3A_737 : vector<1x16xf32> to vector<16xf32>
      %add3A_739 = arith.addf %get3A_732, %get3A_738 : vector<16xf32>
      %swap3A_740 = arith.constant 2 : i32
      %swap3A_741 = arith.index_cast %swap3A_740 : i32 to index
      %swap3A_742 = arith.index_cast %scan3A_706 : i32 to index
      %swap3A_743 = arith.constant 16 : index
      %swap3A_744 = tpu.vector_load %arg8[%swap3A_741, %swap3A_742, %swap3A_743] {strides = array<i32>} : memref<5x80x64xf32, #tpu.memory_space<vmem>>, vector<1x1x16xf32>,
      %swap3A_745 = vector.shape_cast %swap3A_744 : vector<1x1x16xf32> to vector<16xf32>
      %swap3A_746 = vector.shape_cast %add3A_739 : vector<16xf32> to vector<1x1x16xf32>
      tpu.vector_store %arg8[%swap3A_741, %swap3A_742, %swap3A_743], %swap3A_746 {strides = array<i32>} : memref<5x80x64xf32, #tpu.memory_space<vmem>>, vector<1x1x16xf32>,
      %get3A_747 = arith.constant 2 : i32
      %get3A_748 = arith.index_cast %get3A_747 : i32 to index
      %get3A_749 = arith.index_cast %scan3A_706 : i32 to index
      %get3A_750 = arith.constant 32 : index
      %get3A_751 = tpu.vector_load %arg8[%get3A_748, %get3A_749, %get3A_750] {strides = array<i32>} : memref<5x80x64xf32, #tpu.memory_space<vmem>>, vector<1x1x16xf32>,
      %get3A_752 = vector.shape_cast %get3A_751 : vector<1x1x16xf32> to vector<16xf32>
      %add3A_753 = arith.constant 160 : i32
      %add3A_754 = arith.addi %add3A_753, %scan3A_706 : i32
      %get3A_755 = arith.index_cast %add3A_754 : i32 to index
      %get3A_756 = arith.constant 32 : index
      %get3A_757 = tpu.vector_load %arg7[%get3A_755, %get3A_756] {strides = array<i32>} : memref<400x64xf32, #tpu.memory_space<vmem>>, vector<1x16xf32>,
      %get3A_758 = vector.shape_cast %get3A_757 : vector<1x16xf32> to vector<16xf32>
      %add3A_759 = arith.addf %get3A_752, %get3A_758 : vector<16xf32>
      %swap3A_760 = arith.constant 2 : i32
      %swap3A_761 = arith.index_cast %swap3A_760 : i32 to index
      %swap3A_762 = arith.index_cast %scan3A_706 : i32 to index
      %swap3A_763 = arith.constant 32 : index
      %swap3A_764 = tpu.vector_load %arg8[%swap3A_761, %swap3A_762, %swap3A_763] {strides = array<i32>} : memref<5x80x64xf32, #tpu.memory_space<vmem>>, vector<1x1x16xf32>,
      %swap3A_765 = vector.shape_cast %swap3A_764 : vector<1x1x16xf32> to vector<16xf32>
      %swap3A_766 = vector.shape_cast %add3A_759 : vector<16xf32> to vector<1x1x16xf32>
      tpu.vector_store %arg8[%swap3A_761, %swap3A_762, %swap3A_763], %swap3A_766 {strides = array<i32>} : memref<5x80x64xf32, #tpu.memory_space<vmem>>, vector<1x1x16xf32>,
      %get3A_767 = arith.constant 2 : i32
      %get3A_768 = arith.index_cast %get3A_767 : i32 to index
      %get3A_769 = arith.index_cast %scan3A_706 : i32 to index
      %get3A_770 = arith.constant 48 : index
      %get3A_771 = tpu.vector_load %arg8[%get3A_768, %get3A_769, %get3A_770] {strides = array<i32>} : memref<5x80x64xf32, #tpu.memory_space<vmem>>, vector<1x1x16xf32>,
      %get3A_772 = vector.shape_cast %get3A_771 : vector<1x1x16xf32> to vector<16xf32>
      %add3A_773 = arith.constant 160 : i32
      %add3A_774 = arith.addi %add3A_773, %scan3A_706 : i32
      %get3A_775 = arith.index_cast %add3A_774 : i32 to index
      %get3A_776 = arith.constant 48 : index
      %get3A_777 = tpu.vector_load %arg7[%get3A_775, %get3A_776] {strides = array<i32>} : memref<400x64xf32, #tpu.memory_space<vmem>>, vector<1x16xf32>,
      %get3A_778 = vector.shape_cast %get3A_777 : vector<1x16xf32> to vector<16xf32>
      %add3A_779 = arith.addf %get3A_772, %get3A_778 : vector<16xf32>
      %swap3A_780 = arith.constant 2 : i32
      %swap3A_781 = arith.index_cast %swap3A_780 : i32 to index
      %swap3A_782 = arith.index_cast %scan3A_706 : i32 to index
      %swap3A_783 = arith.constant 48 : index
      %swap3A_784 = tpu.vector_load %arg8[%swap3A_781, %swap3A_782, %swap3A_783] {strides = array<i32>} : memref<5x80x64xf32, #tpu.memory_space<vmem>>, vector<1x1x16xf32>,
      %swap3A_785 = vector.shape_cast %swap3A_784 : vector<1x1x16xf32> to vector<16xf32>
      %swap3A_786 = vector.shape_cast %add3A_779 : vector<16xf32> to vector<1x1x16xf32>
      tpu.vector_store %arg8[%swap3A_781, %swap3A_782, %swap3A_783], %swap3A_786 {strides = array<i32>} : memref<5x80x64xf32, #tpu.memory_space<vmem>>, vector<1x1x16xf32>,
    }
    %scan3A_463 = arith.constant 80 : i32
    %add3A_464 = arith.constant 77 : i32
    %add3A_465 = arith.addi %mul3A_2, %add3A_464 : i32
    %mul3A_466 = arith.constant 80 : i32
    %mul3A_467 = arith.muli %add3A_465, %mul3A_466 : i32
    %dma_start3A_468 = arith.constant 2 : i32
    %dma_start3A_469 = arith.constant 0 : i32
    %dma_start3A_470 = arith.constant 0 : i32
    %dma_start3A_471 = tpu.memref_slice %arg8[%dma_start3A_468, %dma_start3A_469, %dma_start3A_470] : memref<5x80x64xf32, #tpu.memory_space<vmem>> -> memref<1x80x64xf32, #tpu.memory_space<vmem>>
    %dma_start3A_472 = tpu.memref_squeeze %dma_start3A_471 : memref<1x80x64xf32, #tpu.memory_space<vmem>> -> memref<80x64xf32, #tpu.memory_space<vmem>>
    %dma_start3A_473 = arith.constant 0 : i32
    %dma_start3A_474 = tpu.memref_slice %arg5[%mul3A_467, %dma_start3A_473] : memref<204800x64xf32, #tpu.memory_space<hbm>> -> memref<80x64xf32, #tpu.memory_space<hbm>>
    %dma_start3A_475 = arith.constant 0 : i32
    %dma_start3A_476 = tpu.memref_slice %arg5[%mul3A_467, %dma_start3A_475] : memref<204800x64xf32, #tpu.memory_space<hbm>> -> memref<80x64xf32, #tpu.memory_space<hbm>>
    %dma_start3A_477 = arith.constant 0 : i32
    %dma_start3A_478 = arith.constant 0 : i32
    %dma_start3A_479 = tpu.memref_slice %arg8[%dma_start3A_468, %dma_start3A_477, %dma_start3A_478] : memref<5x80x64xf32, #tpu.memory_space<vmem>> -> memref<1x80x64xf32, #tpu.memory_space<vmem>>
    %dma_start3A_480 = tpu.memref_squeeze %dma_start3A_479 : memref<1x80x64xf32, #tpu.memory_space<vmem>> -> memref<80x64xf32, #tpu.memory_space<vmem>>
    tpu.enqueue_dma source(%dma_start3A_480 : memref<80x64xf32, #tpu.memory_space<vmem>>) target(%dma_start3A_476 : memref<80x64xf32, #tpu.memory_space<hbm>>) target_semaphore(%arg16 : memref<!tpu.dma_semaphore, #tpu.memory_space<semaphore_mem>>)
    %dma_wait3A_481 = arith.constant 0 : i32
    %dma_wait3A_482 = arith.constant 3 : i32
    %dma_wait3A_483 = arith.constant 0 : i32
    %dma_wait3A_484 = arith.constant 0 : i32
    %dma_wait3A_485 = tpu.memref_slice %arg8[%dma_wait3A_482, %dma_wait3A_483, %dma_wait3A_484] : memref<5x80x64xf32, #tpu.memory_space<vmem>> -> memref<1x80x64xf32, #tpu.memory_space<vmem>>
    %dma_wait3A_486 = tpu.memref_squeeze %dma_wait3A_485 : memref<1x80x64xf32, #tpu.memory_space<vmem>> -> memref<80x64xf32, #tpu.memory_space<vmem>>
    %dma_wait3A_487 = arith.constant 0 : i32
    %dma_wait3A_488 = tpu.memref_slice %arg6[%dma_wait3A_481, %dma_wait3A_487] : memref<80x80xi32, #tpu.memory_space<vmem>> -> memref<1x80xi32, #tpu.memory_space<vmem>>
    %dma_wait3A_489 = tpu.memref_squeeze %dma_wait3A_488 : memref<1x80xi32, #tpu.memory_space<vmem>> -> memref<80xi32, #tpu.memory_space<vmem>>
    %dma_wait3A_490 = arith.constant 0 : i32
    %dma_wait3A_491 = arith.constant 0 : i32
    %dma_wait3A_492 = tpu.memref_slice %arg3[%dma_wait3A_490, %dma_wait3A_491] : memref<1000000x64xf32, #tpu.memory_space<hbm>> -> memref<1000000x64xf32, #tpu.memory_space<hbm>>
    tpu.wait_indirect_dma semaphore(%arg12 : memref<!tpu.dma_semaphore, #tpu.memory_space<semaphore_mem>>) src(%dma_wait3A_492 : memref<1000000x64xf32, #tpu.memory_space<hbm>>) dst(%dma_wait3A_486 : memref<80x64xf32, #tpu.memory_space<vmem>>)
    %scan3A_493 = arith.constant 0 : i32
    %scan3A_494 = arith.constant 0 : i32
    %scan3A_495 = arith.constant 80 : i32
    %scan3A_496 = arith.addi %scan3A_494, %scan3A_495 : i32
    %scan3A_497 = arith.constant 2 : i32
    scf.for %scan3A_626 = %scan3A_494 to %scan3A_496 step %scan3A_497  : i32 {
      %get3A = arith.constant 3 : i32
      %get3A_627 = arith.index_cast %get3A : i32 to index
      %get3A_628 = arith.index_cast %scan3A_626 : i32 to index
      %get3A_629 = arith.constant 0 : index
      %get3A_630 = tpu.vector_load %arg8[%get3A_627, %get3A_628, %get3A_629] {strides = array<i32>} : memref<5x80x64xf32, #tpu.memory_space<vmem>>, vector<1x1x16xf32>,
      %get3A_631 = vector.shape_cast %get3A_630 : vector<1x1x16xf32> to vector<16xf32>
      %add3A_632 = arith.constant 40 : i32
      %add3A_633 = arith.addi %add3A_632, %scan3A_626 : i32
      %get3A_634 = arith.index_cast %add3A_633 : i32 to index
      %get3A_635 = arith.constant 0 : index
      %get3A_636 = tpu.vector_load %arg7[%get3A_634, %get3A_635] {strides = array<i32>} : memref<400x64xf32, #tpu.memory_space<vmem>>, vector<1x16xf32>,
      %get3A_637 = vector.shape_cast %get3A_636 : vector<1x16xf32> to vector<16xf32>
      %add3A_638 = arith.addf %get3A_631, %get3A_637 : vector<16xf32>
      %swap3A = arith.constant 3 : i32
      %swap3A_639 = arith.index_cast %swap3A : i32 to index
      %swap3A_640 = arith.index_cast %scan3A_626 : i32 to index
      %swap3A_641 = arith.constant 0 : index
      %swap3A_642 = tpu.vector_load %arg8[%swap3A_639, %swap3A_640, %swap3A_641] {strides = array<i32>} : memref<5x80x64xf32, #tpu.memory_space<vmem>>, vector<1x1x16xf32>,
      %swap3A_643 = vector.shape_cast %swap3A_642 : vector<1x1x16xf32> to vector<16xf32>
      %swap3A_644 = vector.shape_cast %add3A_638 : vector<16xf32> to vector<1x1x16xf32>
      tpu.vector_store %arg8[%swap3A_639, %swap3A_640, %swap3A_641], %swap3A_644 {strides = array<i32>} : memref<5x80x64xf32, #tpu.memory_space<vmem>>, vector<1x1x16xf32>,
      %get3A_645 = arith.constant 3 : i32
      %get3A_646 = arith.index_cast %get3A_645 : i32 to index
      %get3A_647 = arith.index_cast %scan3A_626 : i32 to index
      %get3A_648 = arith.constant 16 : index
      %get3A_649 = tpu.vector_load %arg8[%get3A_646, %get3A_647, %get3A_648] {strides = array<i32>} : memref<5x80x64xf32, #tpu.memory_space<vmem>>, vector<1x1x16xf32>,
      %get3A_650 = vector.shape_cast %get3A_649 : vector<1x1x16xf32> to vector<16xf32>
      %add3A_651 = arith.constant 40 : i32
      %add3A_652 = arith.addi %add3A_651, %scan3A_626 : i32
      %get3A_653 = arith.index_cast %add3A_652 : i32 to index
      %get3A_654 = arith.constant 16 : index
      %get3A_655 = tpu.vector_load %arg7[%get3A_653, %get3A_654] {strides = array<i32>} : memref<400x64xf32, #tpu.memory_space<vmem>>, vector<1x16xf32>,
      %get3A_656 = vector.shape_cast %get3A_655 : vector<1x16xf32> to vector<16xf32>
      %add3A_657 = arith.addf %get3A_650, %get3A_656 : vector<16xf32>
      %swap3A_658 = arith.constant 3 : i32
      %swap3A_659 = arith.index_cast %swap3A_658 : i32 to index
      %swap3A_660 = arith.index_cast %scan3A_626 : i32 to index
      %swap3A_661 = arith.constant 16 : index
      %swap3A_662 = tpu.vector_load %arg8[%swap3A_659, %swap3A_660, %swap3A_661] {strides = array<i32>} : memref<5x80x64xf32, #tpu.memory_space<vmem>>, vector<1x1x16xf32>,
      %swap3A_663 = vector.shape_cast %swap3A_662 : vector<1x1x16xf32> to vector<16xf32>
      %swap3A_664 = vector.shape_cast %add3A_657 : vector<16xf32> to vector<1x1x16xf32>
      tpu.vector_store %arg8[%swap3A_659, %swap3A_660, %swap3A_661], %swap3A_664 {strides = array<i32>} : memref<5x80x64xf32, #tpu.memory_space<vmem>>, vector<1x1x16xf32>,
      %get3A_665 = arith.constant 3 : i32
      %get3A_666 = arith.index_cast %get3A_665 : i32 to index
      %get3A_667 = arith.index_cast %scan3A_626 : i32 to index
      %get3A_668 = arith.constant 32 : index
      %get3A_669 = tpu.vector_load %arg8[%get3A_666, %get3A_667, %get3A_668] {strides = array<i32>} : memref<5x80x64xf32, #tpu.memory_space<vmem>>, vector<1x1x16xf32>,
      %get3A_670 = vector.shape_cast %get3A_669 : vector<1x1x16xf32> to vector<16xf32>
      %add3A_671 = arith.constant 40 : i32
      %add3A_672 = arith.addi %add3A_671, %scan3A_626 : i32
      %get3A_673 = arith.index_cast %add3A_672 : i32 to index
      %get3A_674 = arith.constant 32 : index
      %get3A_675 = tpu.vector_load %arg7[%get3A_673, %get3A_674] {strides = array<i32>} : memref<400x64xf32, #tpu.memory_space<vmem>>, vector<1x16xf32>,
      %get3A_676 = vector.shape_cast %get3A_675 : vector<1x16xf32> to vector<16xf32>
      %add3A_677 = arith.addf %get3A_670, %get3A_676 : vector<16xf32>
      %swap3A_678 = arith.constant 3 : i32
      %swap3A_679 = arith.index_cast %swap3A_678 : i32 to index
      %swap3A_680 = arith.index_cast %scan3A_626 : i32 to index
      %swap3A_681 = arith.constant 32 : index
      %swap3A_682 = tpu.vector_load %arg8[%swap3A_679, %swap3A_680, %swap3A_681] {strides = array<i32>} : memref<5x80x64xf32, #tpu.memory_space<vmem>>, vector<1x1x16xf32>,
      %swap3A_683 = vector.shape_cast %swap3A_682 : vector<1x1x16xf32> to vector<16xf32>
      %swap3A_684 = vector.shape_cast %add3A_677 : vector<16xf32> to vector<1x1x16xf32>
      tpu.vector_store %arg8[%swap3A_679, %swap3A_680, %swap3A_681], %swap3A_684 {strides = array<i32>} : memref<5x80x64xf32, #tpu.memory_space<vmem>>, vector<1x1x16xf32>,
      %get3A_685 = arith.constant 3 : i32
      %get3A_686 = arith.index_cast %get3A_685 : i32 to index
      %get3A_687 = arith.index_cast %scan3A_626 : i32 to index
      %get3A_688 = arith.constant 48 : index
      %get3A_689 = tpu.vector_load %arg8[%get3A_686, %get3A_687, %get3A_688] {strides = array<i32>} : memref<5x80x64xf32, #tpu.memory_space<vmem>>, vector<1x1x16xf32>,
      %get3A_690 = vector.shape_cast %get3A_689 : vector<1x1x16xf32> to vector<16xf32>
      %add3A_691 = arith.constant 40 : i32
      %add3A_692 = arith.addi %add3A_691, %scan3A_626 : i32
      %get3A_693 = arith.index_cast %add3A_692 : i32 to index
      %get3A_694 = arith.constant 48 : index
      %get3A_695 = tpu.vector_load %arg7[%get3A_693, %get3A_694] {strides = array<i32>} : memref<400x64xf32, #tpu.memory_space<vmem>>, vector<1x16xf32>,
      %get3A_696 = vector.shape_cast %get3A_695 : vector<1x16xf32> to vector<16xf32>
      %add3A_697 = arith.addf %get3A_690, %get3A_696 : vector<16xf32>
      %swap3A_698 = arith.constant 3 : i32
      %swap3A_699 = arith.index_cast %swap3A_698 : i32 to index
      %swap3A_700 = arith.index_cast %scan3A_626 : i32 to index
      %swap3A_701 = arith.constant 48 : index
      %swap3A_702 = tpu.vector_load %arg8[%swap3A_699, %swap3A_700, %swap3A_701] {strides = array<i32>} : memref<5x80x64xf32, #tpu.memory_space<vmem>>, vector<1x1x16xf32>,
      %swap3A_703 = vector.shape_cast %swap3A_702 : vector<1x1x16xf32> to vector<16xf32>
      %swap3A_704 = vector.shape_cast %add3A_697 : vector<16xf32> to vector<1x1x16xf32>
      tpu.vector_store %arg8[%swap3A_699, %swap3A_700, %swap3A_701], %swap3A_704 {strides = array<i32>} : memref<5x80x64xf32, #tpu.memory_space<vmem>>, vector<1x1x16xf32>,
      %scan3A_705 = arith.constant 1 : i32
      %scan3A_706 = arith.addi %scan3A_626, %scan3A_705 : i32
      %get3A_707 = arith.constant 3 : i32
      %get3A_708 = arith.index_cast %get3A_707 : i32 to index
      %get3A_709 = arith.index_cast %scan3A_706 : i32 to index
      %get3A_710 = arith.constant 0 : index
      %get3A_711 = tpu.vector_load %arg8[%get3A_708, %get3A_709, %get3A_710] {strides = array<i32>} : memref<5x80x64xf32, #tpu.memory_space<vmem>>, vector<1x1x16xf32>,
      %get3A_712 = vector.shape_cast %get3A_711 : vector<1x1x16xf32> to vector<16xf32>
      %add3A_713 = arith.constant 40 : i32
      %add3A_714 = arith.addi %add3A_713, %scan3A_706 : i32
      %get3A_715 = arith.index_cast %add3A_714 : i32 to index
      %get3A_716 = arith.constant 0 : index
      %get3A_717 = tpu.vector_load %arg7[%get3A_715, %get3A_716] {strides = array<i32>} : memref<400x64xf32, #tpu.memory_space<vmem>>, vector<1x16xf32>,
      %get3A_718 = vector.shape_cast %get3A_717 : vector<1x16xf32> to vector<16xf32>
      %add3A_719 = arith.addf %get3A_712, %get3A_718 : vector<16xf32>
      %swap3A_720 = arith.constant 3 : i32
      %swap3A_721 = arith.index_cast %swap3A_720 : i32 to index
      %swap3A_722 = arith.index_cast %scan3A_706 : i32 to index
      %swap3A_723 = arith.constant 0 : index
      %swap3A_724 = tpu.vector_load %arg8[%swap3A_721, %swap3A_722, %swap3A_723] {strides = array<i32>} : memref<5x80x64xf32, #tpu.memory_space<vmem>>, vector<1x1x16xf32>,
      %swap3A_725 = vector.shape_cast %swap3A_724 : vector<1x1x16xf32> to vector<16xf32>
      %swap3A_726 = vector.shape_cast %add3A_719 : vector<16xf32> to vector<1x1x16xf32>
      tpu.vector_store %arg8[%swap3A_721, %swap3A_722, %swap3A_723], %swap3A_726 {strides = array<i32>} : memref<5x80x64xf32, #tpu.memory_space<vmem>>, vector<1x1x16xf32>,
      %get3A_727 = arith.constant 3 : i32
      %get3A_728 = arith.index_cast %get3A_727 : i32 to index
      %get3A_729 = arith.index_cast %scan3A_706 : i32 to index
      %get3A_730 = arith.constant 16 : index
      %get3A_731 = tpu.vector_load %arg8[%get3A_728, %get3A_729, %get3A_730] {strides = array<i32>} : memref<5x80x64xf32, #tpu.memory_space<vmem>>, vector<1x1x16xf32>,
      %get3A_732 = vector.shape_cast %get3A_731 : vector<1x1x16xf32> to vector<16xf32>
      %add3A_733 = arith.constant 40 : i32
      %add3A_734 = arith.addi %add3A_733, %scan3A_706 : i32
      %get3A_735 = arith.index_cast %add3A_734 : i32 to index
      %get3A_736 = arith.constant 16 : index
      %get3A_737 = tpu.vector_load %arg7[%get3A_735, %get3A_736] {strides = array<i32>} : memref<400x64xf32, #tpu.memory_space<vmem>>, vector<1x16xf32>,
      %get3A_738 = vector.shape_cast %get3A_737 : vector<1x16xf32> to vector<16xf32>
      %add3A_739 = arith.addf %get3A_732, %get3A_738 : vector<16xf32>
      %swap3A_740 = arith.constant 3 : i32
      %swap3A_741 = arith.index_cast %swap3A_740 : i32 to index
      %swap3A_742 = arith.index_cast %scan3A_706 : i32 to index
      %swap3A_743 = arith.constant 16 : index
      %swap3A_744 = tpu.vector_load %arg8[%swap3A_741, %swap3A_742, %swap3A_743] {strides = array<i32>} : memref<5x80x64xf32, #tpu.memory_space<vmem>>, vector<1x1x16xf32>,
      %swap3A_745 = vector.shape_cast %swap3A_744 : vector<1x1x16xf32> to vector<16xf32>
      %swap3A_746 = vector.shape_cast %add3A_739 : vector<16xf32> to vector<1x1x16xf32>
      tpu.vector_store %arg8[%swap3A_741, %swap3A_742, %swap3A_743], %swap3A_746 {strides = array<i32>} : memref<5x80x64xf32, #tpu.memory_space<vmem>>, vector<1x1x16xf32>,
      %get3A_747 = arith.constant 3 : i32
      %get3A_748 = arith.index_cast %get3A_747 : i32 to index
      %get3A_749 = arith.index_cast %scan3A_706 : i32 to index
      %get3A_750 = arith.constant 32 : index
      %get3A_751 = tpu.vector_load %arg8[%get3A_748, %get3A_749, %get3A_750] {strides = array<i32>} : memref<5x80x64xf32, #tpu.memory_space<vmem>>, vector<1x1x16xf32>,
      %get3A_752 = vector.shape_cast %get3A_751 : vector<1x1x16xf32> to vector<16xf32>
      %add3A_753 = arith.constant 40 : i32
      %add3A_754 = arith.addi %add3A_753, %scan3A_706 : i32
      %get3A_755 = arith.index_cast %add3A_754 : i32 to index
      %get3A_756 = arith.constant 32 : index
      %get3A_757 = tpu.vector_load %arg7[%get3A_755, %get3A_756] {strides = array<i32>} : memref<400x64xf32, #tpu.memory_space<vmem>>, vector<1x16xf32>,
      %get3A_758 = vector.shape_cast %get3A_757 : vector<1x16xf32> to vector<16xf32>
      %add3A_759 = arith.addf %get3A_752, %get3A_758 : vector<16xf32>
      %swap3A_760 = arith.constant 3 : i32
      %swap3A_761 = arith.index_cast %swap3A_760 : i32 to index
      %swap3A_762 = arith.index_cast %scan3A_706 : i32 to index
      %swap3A_763 = arith.constant 32 : index
      %swap3A_764 = tpu.vector_load %arg8[%swap3A_761, %swap3A_762, %swap3A_763] {strides = array<i32>} : memref<5x80x64xf32, #tpu.memory_space<vmem>>, vector<1x1x16xf32>,
      %swap3A_765 = vector.shape_cast %swap3A_764 : vector<1x1x16xf32> to vector<16xf32>
      %swap3A_766 = vector.shape_cast %add3A_759 : vector<16xf32> to vector<1x1x16xf32>
      tpu.vector_store %arg8[%swap3A_761, %swap3A_762, %swap3A_763], %swap3A_766 {strides = array<i32>} : memref<5x80x64xf32, #tpu.memory_space<vmem>>, vector<1x1x16xf32>,
      %get3A_767 = arith.constant 3 : i32
      %get3A_768 = arith.index_cast %get3A_767 : i32 to index
      %get3A_769 = arith.index_cast %scan3A_706 : i32 to index
      %get3A_770 = arith.constant 48 : index
      %get3A_771 = tpu.vector_load %arg8[%get3A_768, %get3A_769, %get3A_770] {strides = array<i32>} : memref<5x80x64xf32, #tpu.memory_space<vmem>>, vector<1x1x16xf32>,
      %get3A_772 = vector.shape_cast %get3A_771 : vector<1x1x16xf32> to vector<16xf32>
      %add3A_773 = arith.constant 40 : i32
      %add3A_774 = arith.addi %add3A_773, %scan3A_706 : i32
      %get3A_775 = arith.index_cast %add3A_774 : i32 to index
      %get3A_776 = arith.constant 48 : index
      %get3A_777 = tpu.vector_load %arg7[%get3A_775, %get3A_776] {strides = array<i32>} : memref<400x64xf32, #tpu.memory_space<vmem>>, vector<1x16xf32>,
      %get3A_778 = vector.shape_cast %get3A_777 : vector<1x16xf32> to vector<16xf32>
      %add3A_779 = arith.addf %get3A_772, %get3A_778 : vector<16xf32>
      %swap3A_780 = arith.constant 3 : i32
      %swap3A_781 = arith.index_cast %swap3A_780 : i32 to index
      %swap3A_782 = arith.index_cast %scan3A_706 : i32 to index
      %swap3A_783 = arith.constant 48 : index
      %swap3A_784 = tpu.vector_load %arg8[%swap3A_781, %swap3A_782, %swap3A_783] {strides = array<i32>} : memref<5x80x64xf32, #tpu.memory_space<vmem>>, vector<1x1x16xf32>,
      %swap3A_785 = vector.shape_cast %swap3A_784 : vector<1x1x16xf32> to vector<16xf32>
      %swap3A_786 = vector.shape_cast %add3A_779 : vector<16xf32> to vector<1x1x16xf32>
      tpu.vector_store %arg8[%swap3A_781, %swap3A_782, %swap3A_783], %swap3A_786 {strides = array<i32>} : memref<5x80x64xf32, #tpu.memory_space<vmem>>, vector<1x1x16xf32>,
    }
    %scan3A_498 = arith.constant 80 : i32
    %add3A_499 = arith.constant 78 : i32
    %add3A_500 = arith.addi %mul3A_2, %add3A_499 : i32
    %mul3A_501 = arith.constant 80 : i32
    %mul3A_502 = arith.muli %add3A_500, %mul3A_501 : i32
    %dma_start3A_503 = arith.constant 3 : i32
    %dma_start3A_504 = arith.constant 0 : i32
    %dma_start3A_505 = arith.constant 0 : i32
    %dma_start3A_506 = tpu.memref_slice %arg8[%dma_start3A_503, %dma_start3A_504, %dma_start3A_505] : memref<5x80x64xf32, #tpu.memory_space<vmem>> -> memref<1x80x64xf32, #tpu.memory_space<vmem>>
    %dma_start3A_507 = tpu.memref_squeeze %dma_start3A_506 : memref<1x80x64xf32, #tpu.memory_space<vmem>> -> memref<80x64xf32, #tpu.memory_space<vmem>>
    %dma_start3A_508 = arith.constant 0 : i32
    %dma_start3A_509 = tpu.memref_slice %arg5[%mul3A_502, %dma_start3A_508] : memref<204800x64xf32, #tpu.memory_space<hbm>> -> memref<80x64xf32, #tpu.memory_space<hbm>>
    %dma_start3A_510 = arith.constant 0 : i32
    %dma_start3A_511 = tpu.memref_slice %arg5[%mul3A_502, %dma_start3A_510] : memref<204800x64xf32, #tpu.memory_space<hbm>> -> memref<80x64xf32, #tpu.memory_space<hbm>>
    %dma_start3A_512 = arith.constant 0 : i32
    %dma_start3A_513 = arith.constant 0 : i32
    %dma_start3A_514 = tpu.memref_slice %arg8[%dma_start3A_503, %dma_start3A_512, %dma_start3A_513] : memref<5x80x64xf32, #tpu.memory_space<vmem>> -> memref<1x80x64xf32, #tpu.memory_space<vmem>>
    %dma_start3A_515 = tpu.memref_squeeze %dma_start3A_514 : memref<1x80x64xf32, #tpu.memory_space<vmem>> -> memref<80x64xf32, #tpu.memory_space<vmem>>
    tpu.enqueue_dma source(%dma_start3A_515 : memref<80x64xf32, #tpu.memory_space<vmem>>) target(%dma_start3A_511 : memref<80x64xf32, #tpu.memory_space<hbm>>) target_semaphore(%arg17 : memref<!tpu.dma_semaphore, #tpu.memory_space<semaphore_mem>>)
    %dma_wait3A_516 = arith.constant 0 : i32
    %dma_wait3A_517 = arith.constant 4 : i32
    %dma_wait3A_518 = arith.constant 0 : i32
    %dma_wait3A_519 = arith.constant 0 : i32
    %dma_wait3A_520 = tpu.memref_slice %arg8[%dma_wait3A_517, %dma_wait3A_518, %dma_wait3A_519] : memref<5x80x64xf32, #tpu.memory_space<vmem>> -> memref<1x80x64xf32, #tpu.memory_space<vmem>>
    %dma_wait3A_521 = tpu.memref_squeeze %dma_wait3A_520 : memref<1x80x64xf32, #tpu.memory_space<vmem>> -> memref<80x64xf32, #tpu.memory_space<vmem>>
    %dma_wait3A_522 = arith.constant 0 : i32
    %dma_wait3A_523 = tpu.memref_slice %arg6[%dma_wait3A_516, %dma_wait3A_522] : memref<80x80xi32, #tpu.memory_space<vmem>> -> memref<1x80xi32, #tpu.memory_space<vmem>>
    %dma_wait3A_524 = tpu.memref_squeeze %dma_wait3A_523 : memref<1x80xi32, #tpu.memory_space<vmem>> -> memref<80xi32, #tpu.memory_space<vmem>>
    %dma_wait3A_525 = arith.constant 0 : i32
    %dma_wait3A_526 = arith.constant 0 : i32
    %dma_wait3A_527 = tpu.memref_slice %arg3[%dma_wait3A_525, %dma_wait3A_526] : memref<1000000x64xf32, #tpu.memory_space<hbm>> -> memref<1000000x64xf32, #tpu.memory_space<hbm>>
    tpu.wait_indirect_dma semaphore(%arg13 : memref<!tpu.dma_semaphore, #tpu.memory_space<semaphore_mem>>) src(%dma_wait3A_527 : memref<1000000x64xf32, #tpu.memory_space<hbm>>) dst(%dma_wait3A_521 : memref<80x64xf32, #tpu.memory_space<vmem>>)
    %scan3A_528 = arith.constant 0 : i32
    %scan3A_529 = arith.constant 0 : i32
    %scan3A_530 = arith.constant 80 : i32
    %scan3A_531 = arith.addi %scan3A_529, %scan3A_530 : i32
    %scan3A_532 = arith.constant 2 : i32
    scf.for %scan3A_626 = %scan3A_529 to %scan3A_531 step %scan3A_532  : i32 {
      %get3A = arith.constant 4 : i32
      %get3A_627 = arith.index_cast %get3A : i32 to index
      %get3A_628 = arith.index_cast %scan3A_626 : i32 to index
      %get3A_629 = arith.constant 0 : index
      %get3A_630 = tpu.vector_load %arg8[%get3A_627, %get3A_628, %get3A_629] {strides = array<i32>} : memref<5x80x64xf32, #tpu.memory_space<vmem>>, vector<1x1x16xf32>,
      %get3A_631 = vector.shape_cast %get3A_630 : vector<1x1x16xf32> to vector<16xf32>
      %add3A_632 = arith.constant 120 : i32
      %add3A_633 = arith.addi %add3A_632, %scan3A_626 : i32
      %get3A_634 = arith.index_cast %add3A_633 : i32 to index
      %get3A_635 = arith.constant 0 : index
      %get3A_636 = tpu.vector_load %arg7[%get3A_634, %get3A_635] {strides = array<i32>} : memref<400x64xf32, #tpu.memory_space<vmem>>, vector<1x16xf32>,
      %get3A_637 = vector.shape_cast %get3A_636 : vector<1x16xf32> to vector<16xf32>
      %add3A_638 = arith.addf %get3A_631, %get3A_637 : vector<16xf32>
      %swap3A = arith.constant 4 : i32
      %swap3A_639 = arith.index_cast %swap3A : i32 to index
      %swap3A_640 = arith.index_cast %scan3A_626 : i32 to index
      %swap3A_641 = arith.constant 0 : index
      %swap3A_642 = tpu.vector_load %arg8[%swap3A_639, %swap3A_640, %swap3A_641] {strides = array<i32>} : memref<5x80x64xf32, #tpu.memory_space<vmem>>, vector<1x1x16xf32>,
      %swap3A_643 = vector.shape_cast %swap3A_642 : vector<1x1x16xf32> to vector<16xf32>
      %swap3A_644 = vector.shape_cast %add3A_638 : vector<16xf32> to vector<1x1x16xf32>
      tpu.vector_store %arg8[%swap3A_639, %swap3A_640, %swap3A_641], %swap3A_644 {strides = array<i32>} : memref<5x80x64xf32, #tpu.memory_space<vmem>>, vector<1x1x16xf32>,
      %get3A_645 = arith.constant 4 : i32
      %get3A_646 = arith.index_cast %get3A_645 : i32 to index
      %get3A_647 = arith.index_cast %scan3A_626 : i32 to index
      %get3A_648 = arith.constant 16 : index
      %get3A_649 = tpu.vector_load %arg8[%get3A_646, %get3A_647, %get3A_648] {strides = array<i32>} : memref<5x80x64xf32, #tpu.memory_space<vmem>>, vector<1x1x16xf32>,
      %get3A_650 = vector.shape_cast %get3A_649 : vector<1x1x16xf32> to vector<16xf32>
      %add3A_651 = arith.constant 120 : i32
      %add3A_652 = arith.addi %add3A_651, %scan3A_626 : i32
      %get3A_653 = arith.index_cast %add3A_652 : i32 to index
      %get3A_654 = arith.constant 16 : index
      %get3A_655 = tpu.vector_load %arg7[%get3A_653, %get3A_654] {strides = array<i32>} : memref<400x64xf32, #tpu.memory_space<vmem>>, vector<1x16xf32>,
      %get3A_656 = vector.shape_cast %get3A_655 : vector<1x16xf32> to vector<16xf32>
      %add3A_657 = arith.addf %get3A_650, %get3A_656 : vector<16xf32>
      %swap3A_658 = arith.constant 4 : i32
      %swap3A_659 = arith.index_cast %swap3A_658 : i32 to index
      %swap3A_660 = arith.index_cast %scan3A_626 : i32 to index
      %swap3A_661 = arith.constant 16 : index
      %swap3A_662 = tpu.vector_load %arg8[%swap3A_659, %swap3A_660, %swap3A_661] {strides = array<i32>} : memref<5x80x64xf32, #tpu.memory_space<vmem>>, vector<1x1x16xf32>,
      %swap3A_663 = vector.shape_cast %swap3A_662 : vector<1x1x16xf32> to vector<16xf32>
      %swap3A_664 = vector.shape_cast %add3A_657 : vector<16xf32> to vector<1x1x16xf32>
      tpu.vector_store %arg8[%swap3A_659, %swap3A_660, %swap3A_661], %swap3A_664 {strides = array<i32>} : memref<5x80x64xf32, #tpu.memory_space<vmem>>, vector<1x1x16xf32>,
      %get3A_665 = arith.constant 4 : i32
      %get3A_666 = arith.index_cast %get3A_665 : i32 to index
      %get3A_667 = arith.index_cast %scan3A_626 : i32 to index
      %get3A_668 = arith.constant 32 : index
      %get3A_669 = tpu.vector_load %arg8[%get3A_666, %get3A_667, %get3A_668] {strides = array<i32>} : memref<5x80x64xf32, #tpu.memory_space<vmem>>, vector<1x1x16xf32>,
      %get3A_670 = vector.shape_cast %get3A_669 : vector<1x1x16xf32> to vector<16xf32>
      %add3A_671 = arith.constant 120 : i32
      %add3A_672 = arith.addi %add3A_671, %scan3A_626 : i32
      %get3A_673 = arith.index_cast %add3A_672 : i32 to index
      %get3A_674 = arith.constant 32 : index
      %get3A_675 = tpu.vector_load %arg7[%get3A_673, %get3A_674] {strides = array<i32>} : memref<400x64xf32, #tpu.memory_space<vmem>>, vector<1x16xf32>,
      %get3A_676 = vector.shape_cast %get3A_675 : vector<1x16xf32> to vector<16xf32>
      %add3A_677 = arith.addf %get3A_670, %get3A_676 : vector<16xf32>
      %swap3A_678 = arith.constant 4 : i32
      %swap3A_679 = arith.index_cast %swap3A_678 : i32 to index
      %swap3A_680 = arith.index_cast %scan3A_626 : i32 to index
      %swap3A_681 = arith.constant 32 : index
      %swap3A_682 = tpu.vector_load %arg8[%swap3A_679, %swap3A_680, %swap3A_681] {strides = array<i32>} : memref<5x80x64xf32, #tpu.memory_space<vmem>>, vector<1x1x16xf32>,
      %swap3A_683 = vector.shape_cast %swap3A_682 : vector<1x1x16xf32> to vector<16xf32>
      %swap3A_684 = vector.shape_cast %add3A_677 : vector<16xf32> to vector<1x1x16xf32>
      tpu.vector_store %arg8[%swap3A_679, %swap3A_680, %swap3A_681], %swap3A_684 {strides = array<i32>} : memref<5x80x64xf32, #tpu.memory_space<vmem>>, vector<1x1x16xf32>,
      %get3A_685 = arith.constant 4 : i32
      %get3A_686 = arith.index_cast %get3A_685 : i32 to index
      %get3A_687 = arith.index_cast %scan3A_626 : i32 to index
      %get3A_688 = arith.constant 48 : index
      %get3A_689 = tpu.vector_load %arg8[%get3A_686, %get3A_687, %get3A_688] {strides = array<i32>} : memref<5x80x64xf32, #tpu.memory_space<vmem>>, vector<1x1x16xf32>,
      %get3A_690 = vector.shape_cast %get3A_689 : vector<1x1x16xf32> to vector<16xf32>
      %add3A_691 = arith.constant 120 : i32
      %add3A_692 = arith.addi %add3A_691, %scan3A_626 : i32
      %get3A_693 = arith.index_cast %add3A_692 : i32 to index
      %get3A_694 = arith.constant 48 : index
      %get3A_695 = tpu.vector_load %arg7[%get3A_693, %get3A_694] {strides = array<i32>} : memref<400x64xf32, #tpu.memory_space<vmem>>, vector<1x16xf32>,
      %get3A_696 = vector.shape_cast %get3A_695 : vector<1x16xf32> to vector<16xf32>
      %add3A_697 = arith.addf %get3A_690, %get3A_696 : vector<16xf32>
      %swap3A_698 = arith.constant 4 : i32
      %swap3A_699 = arith.index_cast %swap3A_698 : i32 to index
      %swap3A_700 = arith.index_cast %scan3A_626 : i32 to index
      %swap3A_701 = arith.constant 48 : index
      %swap3A_702 = tpu.vector_load %arg8[%swap3A_699, %swap3A_700, %swap3A_701] {strides = array<i32>} : memref<5x80x64xf32, #tpu.memory_space<vmem>>, vector<1x1x16xf32>,
      %swap3A_703 = vector.shape_cast %swap3A_702 : vector<1x1x16xf32> to vector<16xf32>
      %swap3A_704 = vector.shape_cast %add3A_697 : vector<16xf32> to vector<1x1x16xf32>
      tpu.vector_store %arg8[%swap3A_699, %swap3A_700, %swap3A_701], %swap3A_704 {strides = array<i32>} : memref<5x80x64xf32, #tpu.memory_space<vmem>>, vector<1x1x16xf32>,
      %scan3A_705 = arith.constant 1 : i32
      %scan3A_706 = arith.addi %scan3A_626, %scan3A_705 : i32
      %get3A_707 = arith.constant 4 : i32
      %get3A_708 = arith.index_cast %get3A_707 : i32 to index
      %get3A_709 = arith.index_cast %scan3A_706 : i32 to index
      %get3A_710 = arith.constant 0 : index
      %get3A_711 = tpu.vector_load %arg8[%get3A_708, %get3A_709, %get3A_710] {strides = array<i32>} : memref<5x80x64xf32, #tpu.memory_space<vmem>>, vector<1x1x16xf32>,
      %get3A_712 = vector.shape_cast %get3A_711 : vector<1x1x16xf32> to vector<16xf32>
      %add3A_713 = arith.constant 120 : i32
      %add3A_714 = arith.addi %add3A_713, %scan3A_706 : i32
      %get3A_715 = arith.index_cast %add3A_714 : i32 to index
      %get3A_716 = arith.constant 0 : index
      %get3A_717 = tpu.vector_load %arg7[%get3A_715, %get3A_716] {strides = array<i32>} : memref<400x64xf32, #tpu.memory_space<vmem>>, vector<1x16xf32>,
      %get3A_718 = vector.shape_cast %get3A_717 : vector<1x16xf32> to vector<16xf32>
      %add3A_719 = arith.addf %get3A_712, %get3A_718 : vector<16xf32>
      %swap3A_720 = arith.constant 4 : i32
      %swap3A_721 = arith.index_cast %swap3A_720 : i32 to index
      %swap3A_722 = arith.index_cast %scan3A_706 : i32 to index
      %swap3A_723 = arith.constant 0 : index
      %swap3A_724 = tpu.vector_load %arg8[%swap3A_721, %swap3A_722, %swap3A_723] {strides = array<i32>} : memref<5x80x64xf32, #tpu.memory_space<vmem>>, vector<1x1x16xf32>,
      %swap3A_725 = vector.shape_cast %swap3A_724 : vector<1x1x16xf32> to vector<16xf32>
      %swap3A_726 = vector.shape_cast %add3A_719 : vector<16xf32> to vector<1x1x16xf32>
      tpu.vector_store %arg8[%swap3A_721, %swap3A_722, %swap3A_723], %swap3A_726 {strides = array<i32>} : memref<5x80x64xf32, #tpu.memory_space<vmem>>, vector<1x1x16xf32>,
      %get3A_727 = arith.constant 4 : i32
      %get3A_728 = arith.index_cast %get3A_727 : i32 to index
      %get3A_729 = arith.index_cast %scan3A_706 : i32 to index
      %get3A_730 = arith.constant 16 : index
      %get3A_731 = tpu.vector_load %arg8[%get3A_728, %get3A_729, %get3A_730] {strides = array<i32>} : memref<5x80x64xf32, #tpu.memory_space<vmem>>, vector<1x1x16xf32>,
      %get3A_732 = vector.shape_cast %get3A_731 : vector<1x1x16xf32> to vector<16xf32>
      %add3A_733 = arith.constant 120 : i32
      %add3A_734 = arith.addi %add3A_733, %scan3A_706 : i32
      %get3A_735 = arith.index_cast %add3A_734 : i32 to index
      %get3A_736 = arith.constant 16 : index
      %get3A_737 = tpu.vector_load %arg7[%get3A_735, %get3A_736] {strides = array<i32>} : memref<400x64xf32, #tpu.memory_space<vmem>>, vector<1x16xf32>,
      %get3A_738 = vector.shape_cast %get3A_737 : vector<1x16xf32> to vector<16xf32>
      %add3A_739 = arith.addf %get3A_732, %get3A_738 : vector<16xf32>
      %swap3A_740 = arith.constant 4 : i32
      %swap3A_741 = arith.index_cast %swap3A_740 : i32 to index
      %swap3A_742 = arith.index_cast %scan3A_706 : i32 to index
      %swap3A_743 = arith.constant 16 : index
      %swap3A_744 = tpu.vector_load %arg8[%swap3A_741, %swap3A_742, %swap3A_743] {strides = array<i32>} : memref<5x80x64xf32, #tpu.memory_space<vmem>>, vector<1x1x16xf32>,
      %swap3A_745 = vector.shape_cast %swap3A_744 : vector<1x1x16xf32> to vector<16xf32>
      %swap3A_746 = vector.shape_cast %add3A_739 : vector<16xf32> to vector<1x1x16xf32>
      tpu.vector_store %arg8[%swap3A_741, %swap3A_742, %swap3A_743], %swap3A_746 {strides = array<i32>} : memref<5x80x64xf32, #tpu.memory_space<vmem>>, vector<1x1x16xf32>,
      %get3A_747 = arith.constant 4 : i32
      %get3A_748 = arith.index_cast %get3A_747 : i32 to index
      %get3A_749 = arith.index_cast %scan3A_706 : i32 to index
      %get3A_750 = arith.constant 32 : index
      %get3A_751 = tpu.vector_load %arg8[%get3A_748, %get3A_749, %get3A_750] {strides = array<i32>} : memref<5x80x64xf32, #tpu.memory_space<vmem>>, vector<1x1x16xf32>,
      %get3A_752 = vector.shape_cast %get3A_751 : vector<1x1x16xf32> to vector<16xf32>
      %add3A_753 = arith.constant 120 : i32
      %add3A_754 = arith.addi %add3A_753, %scan3A_706 : i32
      %get3A_755 = arith.index_cast %add3A_754 : i32 to index
      %get3A_756 = arith.constant 32 : index
      %get3A_757 = tpu.vector_load %arg7[%get3A_755, %get3A_756] {strides = array<i32>} : memref<400x64xf32, #tpu.memory_space<vmem>>, vector<1x16xf32>,
      %get3A_758 = vector.shape_cast %get3A_757 : vector<1x16xf32> to vector<16xf32>
      %add3A_759 = arith.addf %get3A_752, %get3A_758 : vector<16xf32>
      %swap3A_760 = arith.constant 4 : i32
      %swap3A_761 = arith.index_cast %swap3A_760 : i32 to index
      %swap3A_762 = arith.index_cast %scan3A_706 : i32 to index
      %swap3A_763 = arith.constant 32 : index
      %swap3A_764 = tpu.vector_load %arg8[%swap3A_761, %swap3A_762, %swap3A_763] {strides = array<i32>} : memref<5x80x64xf32, #tpu.memory_space<vmem>>, vector<1x1x16xf32>,
      %swap3A_765 = vector.shape_cast %swap3A_764 : vector<1x1x16xf32> to vector<16xf32>
      %swap3A_766 = vector.shape_cast %add3A_759 : vector<16xf32> to vector<1x1x16xf32>
      tpu.vector_store %arg8[%swap3A_761, %swap3A_762, %swap3A_763], %swap3A_766 {strides = array<i32>} : memref<5x80x64xf32, #tpu.memory_space<vmem>>, vector<1x1x16xf32>,
      %get3A_767 = arith.constant 4 : i32
      %get3A_768 = arith.index_cast %get3A_767 : i32 to index
      %get3A_769 = arith.index_cast %scan3A_706 : i32 to index
      %get3A_770 = arith.constant 48 : index
      %get3A_771 = tpu.vector_load %arg8[%get3A_768, %get3A_769, %get3A_770] {strides = array<i32>} : memref<5x80x64xf32, #tpu.memory_space<vmem>>, vector<1x1x16xf32>,
      %get3A_772 = vector.shape_cast %get3A_771 : vector<1x1x16xf32> to vector<16xf32>
      %add3A_773 = arith.constant 120 : i32
      %add3A_774 = arith.addi %add3A_773, %scan3A_706 : i32
      %get3A_775 = arith.index_cast %add3A_774 : i32 to index
      %get3A_776 = arith.constant 48 : index
      %get3A_777 = tpu.vector_load %arg7[%get3A_775, %get3A_776] {strides = array<i32>} : memref<400x64xf32, #tpu.memory_space<vmem>>, vector<1x16xf32>,
      %get3A_778 = vector.shape_cast %get3A_777 : vector<1x16xf32> to vector<16xf32>
      %add3A_779 = arith.addf %get3A_772, %get3A_778 : vector<16xf32>
      %swap3A_780 = arith.constant 4 : i32
      %swap3A_781 = arith.index_cast %swap3A_780 : i32 to index
      %swap3A_782 = arith.index_cast %scan3A_706 : i32 to index
      %swap3A_783 = arith.constant 48 : index
      %swap3A_784 = tpu.vector_load %arg8[%swap3A_781, %swap3A_782, %swap3A_783] {strides = array<i32>} : memref<5x80x64xf32, #tpu.memory_space<vmem>>, vector<1x1x16xf32>,
      %swap3A_785 = vector.shape_cast %swap3A_784 : vector<1x1x16xf32> to vector<16xf32>
      %swap3A_786 = vector.shape_cast %add3A_779 : vector<16xf32> to vector<1x1x16xf32>
      tpu.vector_store %arg8[%swap3A_781, %swap3A_782, %swap3A_783], %swap3A_786 {strides = array<i32>} : memref<5x80x64xf32, #tpu.memory_space<vmem>>, vector<1x1x16xf32>,
    }
    %scan3A_533 = arith.constant 80 : i32
    %add3A_534 = arith.constant 79 : i32
    %add3A_535 = arith.addi %mul3A_2, %add3A_534 : i32
    %mul3A_536 = arith.constant 80 : i32
    %mul3A_537 = arith.muli %add3A_535, %mul3A_536 : i32
    %dma_start3A_538 = arith.constant 4 : i32
    %dma_start3A_539 = arith.constant 0 : i32
    %dma_start3A_540 = arith.constant 0 : i32
    %dma_start3A_541 = tpu.memref_slice %arg8[%dma_start3A_538, %dma_start3A_539, %dma_start3A_540] : memref<5x80x64xf32, #tpu.memory_space<vmem>> -> memref<1x80x64xf32, #tpu.memory_space<vmem>>
    %dma_start3A_542 = tpu.memref_squeeze %dma_start3A_541 : memref<1x80x64xf32, #tpu.memory_space<vmem>> -> memref<80x64xf32, #tpu.memory_space<vmem>>
    %dma_start3A_543 = arith.constant 0 : i32
    %dma_start3A_544 = tpu.memref_slice %arg5[%mul3A_537, %dma_start3A_543] : memref<204800x64xf32, #tpu.memory_space<hbm>> -> memref<80x64xf32, #tpu.memory_space<hbm>>
    %dma_start3A_545 = arith.constant 0 : i32
    %dma_start3A_546 = tpu.memref_slice %arg5[%mul3A_537, %dma_start3A_545] : memref<204800x64xf32, #tpu.memory_space<hbm>> -> memref<80x64xf32, #tpu.memory_space<hbm>>
    %dma_start3A_547 = arith.constant 0 : i32
    %dma_start3A_548 = arith.constant 0 : i32
    %dma_start3A_549 = tpu.memref_slice %arg8[%dma_start3A_538, %dma_start3A_547, %dma_start3A_548] : memref<5x80x64xf32, #tpu.memory_space<vmem>> -> memref<1x80x64xf32, #tpu.memory_space<vmem>>
    %dma_start3A_550 = tpu.memref_squeeze %dma_start3A_549 : memref<1x80x64xf32, #tpu.memory_space<vmem>> -> memref<80x64xf32, #tpu.memory_space<vmem>>
    tpu.enqueue_dma source(%dma_start3A_550 : memref<80x64xf32, #tpu.memory_space<vmem>>) target(%dma_start3A_546 : memref<80x64xf32, #tpu.memory_space<hbm>>) target_semaphore(%arg18 : memref<!tpu.dma_semaphore, #tpu.memory_space<semaphore_mem>>)
    %dma_wait3A_551 = arith.constant 0 : i32
    %dma_wait3A_552 = arith.constant 0 : i32
    %dma_wait3A_553 = arith.constant 0 : i32
    %dma_wait3A_554 = tpu.memref_slice %arg8[%dma_wait3A_551, %dma_wait3A_552, %dma_wait3A_553] : memref<5x80x64xf32, #tpu.memory_space<vmem>> -> memref<1x80x64xf32, #tpu.memory_space<vmem>>
    %dma_wait3A_555 = tpu.memref_squeeze %dma_wait3A_554 : memref<1x80x64xf32, #tpu.memory_space<vmem>> -> memref<80x64xf32, #tpu.memory_space<vmem>>
    %dma_wait3A_556 = arith.constant 0 : i32
    %dma_wait3A_557 = arith.constant 0 : i32
    %dma_wait3A_558 = tpu.memref_slice %arg5[%dma_wait3A_556, %dma_wait3A_557] : memref<204800x64xf32, #tpu.memory_space<hbm>> -> memref<80x64xf32, #tpu.memory_space<hbm>>
    %dma_wait3A_559 = arith.constant 0 : i32
    %dma_wait3A_560 = arith.constant 0 : i32
    %dma_wait3A_561 = tpu.memref_slice %arg5[%dma_wait3A_559, %dma_wait3A_560] : memref<204800x64xf32, #tpu.memory_space<hbm>> -> memref<80x64xf32, #tpu.memory_space<hbm>>
    %dma_wait3A_562 = arith.constant 0 : i32
    %dma_wait3A_563 = arith.constant 0 : i32
    %dma_wait3A_564 = tpu.memref_slice %arg8[%dma_wait3A_551, %dma_wait3A_562, %dma_wait3A_563] : memref<5x80x64xf32, #tpu.memory_space<vmem>> -> memref<1x80x64xf32, #tpu.memory_space<vmem>>
    %dma_wait3A_565 = tpu.memref_squeeze %dma_wait3A_564 : memref<1x80x64xf32, #tpu.memory_space<vmem>> -> memref<80x64xf32, #tpu.memory_space<vmem>>
    tpu.wait_dma2 semaphore(%arg14 : memref<!tpu.dma_semaphore, #tpu.memory_space<semaphore_mem>>) src(%dma_wait3A_565 : memref<80x64xf32, #tpu.memory_space<vmem>>) dst(%dma_wait3A_561 : memref<80x64xf32, #tpu.memory_space<hbm>>)
    %dma_wait3A_566 = arith.constant 1 : i32
    %dma_wait3A_567 = arith.constant 0 : i32
    %dma_wait3A_568 = arith.constant 0 : i32
    %dma_wait3A_569 = tpu.memref_slice %arg8[%dma_wait3A_566, %dma_wait3A_567, %dma_wait3A_568] : memref<5x80x64xf32, #tpu.memory_space<vmem>> -> memref<1x80x64xf32, #tpu.memory_space<vmem>>
    %dma_wait3A_570 = tpu.memref_squeeze %dma_wait3A_569 : memref<1x80x64xf32, #tpu.memory_space<vmem>> -> memref<80x64xf32, #tpu.memory_space<vmem>>
    %dma_wait3A_571 = arith.constant 0 : i32
    %dma_wait3A_572 = arith.constant 0 : i32
    %dma_wait3A_573 = tpu.memref_slice %arg5[%dma_wait3A_571, %dma_wait3A_572] : memref<204800x64xf32, #tpu.memory_space<hbm>> -> memref<80x64xf32, #tpu.memory_space<hbm>>
    %dma_wait3A_574 = arith.constant 0 : i32
    %dma_wait3A_575 = arith.constant 0 : i32
    %dma_wait3A_576 = tpu.memref_slice %arg5[%dma_wait3A_574, %dma_wait3A_575] : memref<204800x64xf32, #tpu.memory_space<hbm>> -> memref<80x64xf32, #tpu.memory_space<hbm>>
    %dma_wait3A_577 = arith.constant 0 : i32
    %dma_wait3A_578 = arith.constant 0 : i32
    %dma_wait3A_579 = tpu.memref_slice %arg8[%dma_wait3A_566, %dma_wait3A_577, %dma_wait3A_578] : memref<5x80x64xf32, #tpu.memory_space<vmem>> -> memref<1x80x64xf32, #tpu.memory_space<vmem>>
    %dma_wait3A_580 = tpu.memref_squeeze %dma_wait3A_579 : memref<1x80x64xf32, #tpu.memory_space<vmem>> -> memref<80x64xf32, #tpu.memory_space<vmem>>
    tpu.wait_dma2 semaphore(%arg15 : memref<!tpu.dma_semaphore, #tpu.memory_space<semaphore_mem>>) src(%dma_wait3A_580 : memref<80x64xf32, #tpu.memory_space<vmem>>) dst(%dma_wait3A_576 : memref<80x64xf32, #tpu.memory_space<hbm>>)
    %dma_wait3A_581 = arith.constant 2 : i32
    %dma_wait3A_582 = arith.constant 0 : i32
    %dma_wait3A_583 = arith.constant 0 : i32
    %dma_wait3A_584 = tpu.memref_slice %arg8[%dma_wait3A_581, %dma_wait3A_582, %dma_wait3A_583] : memref<5x80x64xf32, #tpu.memory_space<vmem>> -> memref<1x80x64xf32, #tpu.memory_space<vmem>>
    %dma_wait3A_585 = tpu.memref_squeeze %dma_wait3A_584 : memref<1x80x64xf32, #tpu.memory_space<vmem>> -> memref<80x64xf32, #tpu.memory_space<vmem>>
    %dma_wait3A_586 = arith.constant 0 : i32
    %dma_wait3A_587 = arith.constant 0 : i32
    %dma_wait3A_588 = tpu.memref_slice %arg5[%dma_wait3A_586, %dma_wait3A_587] : memref<204800x64xf32, #tpu.memory_space<hbm>> -> memref<80x64xf32, #tpu.memory_space<hbm>>
    %dma_wait3A_589 = arith.constant 0 : i32
    %dma_wait3A_590 = arith.constant 0 : i32
    %dma_wait3A_591 = tpu.memref_slice %arg5[%dma_wait3A_589, %dma_wait3A_590] : memref<204800x64xf32, #tpu.memory_space<hbm>> -> memref<80x64xf32, #tpu.memory_space<hbm>>
    %dma_wait3A_592 = arith.constant 0 : i32
    %dma_wait3A_593 = arith.constant 0 : i32
    %dma_wait3A_594 = tpu.memref_slice %arg8[%dma_wait3A_581, %dma_wait3A_592, %dma_wait3A_593] : memref<5x80x64xf32, #tpu.memory_space<vmem>> -> memref<1x80x64xf32, #tpu.memory_space<vmem>>
    %dma_wait3A_595 = tpu.memref_squeeze %dma_wait3A_594 : memref<1x80x64xf32, #tpu.memory_space<vmem>> -> memref<80x64xf32, #tpu.memory_space<vmem>>
    tpu.wait_dma2 semaphore(%arg16 : memref<!tpu.dma_semaphore, #tpu.memory_space<semaphore_mem>>) src(%dma_wait3A_595 : memref<80x64xf32, #tpu.memory_space<vmem>>) dst(%dma_wait3A_591 : memref<80x64xf32, #tpu.memory_space<hbm>>)
    %dma_wait3A_596 = arith.constant 3 : i32
    %dma_wait3A_597 = arith.constant 0 : i32
    %dma_wait3A_598 = arith.constant 0 : i32
    %dma_wait3A_599 = tpu.memref_slice %arg8[%dma_wait3A_596, %dma_wait3A_597, %dma_wait3A_598] : memref<5x80x64xf32, #tpu.memory_space<vmem>> -> memref<1x80x64xf32, #tpu.memory_space<vmem>>
    %dma_wait3A_600 = tpu.memref_squeeze %dma_wait3A_599 : memref<1x80x64xf32, #tpu.memory_space<vmem>> -> memref<80x64xf32, #tpu.memory_space<vmem>>
    %dma_wait3A_601 = arith.constant 0 : i32
    %dma_wait3A_602 = arith.constant 0 : i32
    %dma_wait3A_603 = tpu.memref_slice %arg5[%dma_wait3A_601, %dma_wait3A_602] : memref<204800x64xf32, #tpu.memory_space<hbm>> -> memref<80x64xf32, #tpu.memory_space<hbm>>
    %dma_wait3A_604 = arith.constant 0 : i32
    %dma_wait3A_605 = arith.constant 0 : i32
    %dma_wait3A_606 = tpu.memref_slice %arg5[%dma_wait3A_604, %dma_wait3A_605] : memref<204800x64xf32, #tpu.memory_space<hbm>> -> memref<80x64xf32, #tpu.memory_space<hbm>>
    %dma_wait3A_607 = arith.constant 0 : i32
    %dma_wait3A_608 = arith.constant 0 : i32
    %dma_wait3A_609 = tpu.memref_slice %arg8[%dma_wait3A_596, %dma_wait3A_607, %dma_wait3A_608] : memref<5x80x64xf32, #tpu.memory_space<vmem>> -> memref<1x80x64xf32, #tpu.memory_space<vmem>>
    %dma_wait3A_610 = tpu.memref_squeeze %dma_wait3A_609 : memref<1x80x64xf32, #tpu.memory_space<vmem>> -> memref<80x64xf32, #tpu.memory_space<vmem>>
    tpu.wait_dma2 semaphore(%arg17 : memref<!tpu.dma_semaphore, #tpu.memory_space<semaphore_mem>>) src(%dma_wait3A_610 : memref<80x64xf32, #tpu.memory_space<vmem>>) dst(%dma_wait3A_606 : memref<80x64xf32, #tpu.memory_space<hbm>>)
    %dma_wait3A_611 = arith.constant 4 : i32
    %dma_wait3A_612 = arith.constant 0 : i32
    %dma_wait3A_613 = arith.constant 0 : i32
    %dma_wait3A_614 = tpu.memref_slice %arg8[%dma_wait3A_611, %dma_wait3A_612, %dma_wait3A_613] : memref<5x80x64xf32, #tpu.memory_space<vmem>> -> memref<1x80x64xf32, #tpu.memory_space<vmem>>
    %dma_wait3A_615 = tpu.memref_squeeze %dma_wait3A_614 : memref<1x80x64xf32, #tpu.memory_space<vmem>> -> memref<80x64xf32, #tpu.memory_space<vmem>>
    %dma_wait3A_616 = arith.constant 0 : i32
    %dma_wait3A_617 = arith.constant 0 : i32
    %dma_wait3A_618 = tpu.memref_slice %arg5[%dma_wait3A_616, %dma_wait3A_617] : memref<204800x64xf32, #tpu.memory_space<hbm>> -> memref<80x64xf32, #tpu.memory_space<hbm>>
    %dma_wait3A_619 = arith.constant 0 : i32
    %dma_wait3A_620 = arith.constant 0 : i32
    %dma_wait3A_621 = tpu.memref_slice %arg5[%dma_wait3A_619, %dma_wait3A_620] : memref<204800x64xf32, #tpu.memory_space<hbm>> -> memref<80x64xf32, #tpu.memory_space<hbm>>
    %dma_wait3A_622 = arith.constant 0 : i32
    %dma_wait3A_623 = arith.constant 0 : i32
    %dma_wait3A_624 = tpu.memref_slice %arg8[%dma_wait3A_611, %dma_wait3A_622, %dma_wait3A_623] : memref<5x80x64xf32, #tpu.memory_space<vmem>> -> memref<1x80x64xf32, #tpu.memory_space<vmem>>
    %dma_wait3A_625 = tpu.memref_squeeze %dma_wait3A_624 : memref<1x80x64xf32, #tpu.memory_space<vmem>> -> memref<80x64xf32, #tpu.memory_space<vmem>>
    tpu.wait_dma2 semaphore(%arg18 : memref<!tpu.dma_semaphore, #tpu.memory_space<semaphore_mem>>) src(%dma_wait3A_625 : memref<80x64xf32, #tpu.memory_space<vmem>>) dst(%dma_wait3A_621 : memref<80x64xf32, #tpu.memory_space<hbm>>)
    return
  }
}

</mosaic_0001>

<sc_bundles>
// kernel: kernel.3.cloned.1.call-start
scs
__scs_entry_jumppad:
0x0: {  	(pc) =	sbr.rel $0x88, $3  }
0x1: {  	(tag) =	ssettag $0x0;
	lr =	simm.s32 $0x1  }
0x2: {  	[smem:$0x3F9E] =	sst lr;
	_ =	strace $0xD0000000  }
0x3: {  	_ = 	snop  }
0x4: {  	_ = 	snop  }
0x5: {  	_ = 	snop  }
0x6: {  	_ = 	snop  }
0x7: {  	_ = 	snop  }
__scs_overlays_trampoline_lowered:
0x8: {  	[smem:$0x3FAD] =	sst s0  }
0x9: {  	[smem:$0x3FAE] =	sst s1  }
0xa: {  	[smem:$0x3FAF] =	sst s2  }
0xb: {  	[smem:$0x3FB0] =	sst s3  }
0xc: {  	[smem:$0x3FB1] =	sst s4  }
0xd: {  	[smem:$0x3FB2] =	sst s5  }
0xe: {  	[smem:$0x3FB3] =	sst s6  }
0xf: {  	[smem:$0x3FB4] =	sst s7  }
0x10: {  	[smem:$0x3FB5] =	sst s8  }
0x11: {  	[smem:$0x3FB6] =	sst s9;
	s0 =	simm.s32 @!p0 $0x0  }
0x12: {  	s1 =	sld [smem:$0x3F9C];
	s0 =	simm.s32 @p0 $0x1  }
0x13: {  	[smem:$0x3FB7] =	sst s0;
	s0 =	simm.s32 @!p1 $0x0  }
0x14: {  	s2 =	sld [smem:$0x3F9B];
	s0 =	simm.s32 @p1 $0x1  }
0x15: {  	[smem:$0x3FB8] =	sst s0;
	s0 =	simm.s32 @!p2 $0x0  }
0x16: {  	s3 =	sld [smem:$0x3FDB];
	s0 =	simm.s32 @p2 $0x1  }
0x17: {  	s4 =	simm.s32 $0x1BF5;
	[smem:$0x3FBA] =	sst s0  }
0x18: {  	s0 =	sld [smem:$0x3F9D];
	_ =	swait.ge [sflag:s4], $0x0  }
0x19: {  	s7 =	sld [smem:$0x3F9E]  }
0x1a: {  	s8 =	sadd.s32 $0xFFFFE003, lr  }
0x1b: {  	s9 =	sadd.s32 $0xFFFFFEF7, lr;
	s5 =	simm.s32 $0xFFFFFFFF;
	p2 =	slt.u32 s8, $0xFFFFF086  }
0x1c: {  	p1 =	slt.u32 s9, $0xF7A;
	s5 =	simm.s32 @!p2 $0x0  }
0x1d: {  	s5 =	simm.s32 @p1 $0x1;
	p0 =	seq.s32 s7, s2  }
0x1e: {  	s7 =	smul.u32 @!p0 $0xF7A, s2;
	p2 =	seq.s32 @!p0 s5, $0x0  }
0x1f: {  	s9 =	smul.u32 $0xF7A, s1;
	s8 =	simm.s32 @!p0 $0x1BF5;
	p2 =	por !p2, p0  }
0x20: {  	[sflag:s8] =	ssyncset.s32 @!p0 $0xFFFFF086;
	s6 =	sadd.s32 @!p0 s3, s7;
	s7 =	simm.s32 @!p0 $0x108  }
0x21: {  	s3 =	sadd.s32 s3, s9;
	s6 =	sadd.s32 @!p0 $0x88, s6;
	s7 =	simm.s32 @p2 $0x1082  }
0x22: {  	[simem:s7], [sflag:s8] =	dma.local @!p0 [hbm:s6], $0xF7A  }
0x23: {  	s9 =	sor.u32 $0xD0000000, s2;
	s6 =	simm.s32 $0x108;
	_ =	swait.ge @!p0 [sflag:s8], $0x0  }
0x24: {  	s3 =	sadd.s32 $0x88, s3;
	s6 =	simm.s32 @!p1 $0x1082;
	[sflag:s4] =	ssyncset.s32 $0xFFFFF086  }
0x25: {  	[simem:s6], [sflag:s4] =	dma.local [hbm:s3], $0xF7A  }
0x26: {  	[smem:$0x3F9E] =	sst s1;
	(tag) =	ssettag s2;
	_ =	strace s9  }
0x27: {  	s1 =	sld [smem:$0x3FAE]  }
0x28: {  	s2 =	sld [smem:$0x3FAF]  }
0x29: {  	s4 =	sld [smem:$0x3FB1]  }
0x2a: {  	p0 =	seq.s32 s5, $0x0;
	s5 =	sld [smem:$0x3FB2]  }
0x2b: {  	s6 =	sld [smem:$0x3FB3]  }
0x2c: {  	s7 =	sld [smem:$0x3FB4]  }
0x2d: {  	s3 =	simm.s32 $0x108;
	s8 =	sld [smem:$0x3FB5]  }
0x2e: {  	s3 =	simm.s32 @!p0 $0x1082;
	s9 =	sld [smem:$0x3FB6]  }
0x2f: {  	lr =	sadd.s32 s0, s3;
	s0 =	sld [smem:$0x3FAD]  }
0x30: {  	s3 =	sld [smem:$0x3FB0]  }
0x31: {  	[smem:$0x3FB9] =	sst s10  }
0x32: {  	s10 =	sld [smem:$0x3FB7];
	_ =	sdelay $0x3  }
0x33: {  	p0 =	seq.s32 s10, $0x1;
	s10 =	sld [smem:$0x3FB9];
	_ =	sdelay $0x3  }
0x34: {  	[smem:$0x3FB9] =	sst s10  }
0x35: {  	s10 =	sld [smem:$0x3FB8];
	_ =	sdelay $0x3  }
0x36: {  	p1 =	seq.s32 s10, $0x1;
	s10 =	sld [smem:$0x3FB9];
	_ =	sdelay $0x3  }
0x37: {  	[smem:$0x3FB9] =	sst s10  }
0x38: {  	s10 =	sld [smem:$0x3FBA]  }
0x39: {  	_ = 	snop;
	(pc) =	sbr.ind lr, $3  }
0x3a: {  	_ = 	snop  }
0x3b: {  	_ = 	snop  }
0x3c: {  	p2 =	seq.s32 s10, $0x1;
	s10 =	sld [smem:$0x3FB9]  }
0x3d: {  	_ =	shalt  }
0x3e: {  	_ =	shalt  }
0x3f: {  	_ =	shalt  }
0x40: {  	_ =	shalt  }
0x41: {  	_ =	shalt  }
0x42: {  	_ =	shalt  }
0x43: {  	_ =	shalt  }
0x44: {  	_ =	shalt  }
0x45: {  	_ =	shalt  }
0x46: {  	_ =	shalt  }
0x47: {  	_ =	shalt  }
0x48: {  	_ =	shalt  }
0x49: {  	_ =	shalt  }
0x4a: {  	_ =	shalt  }
0x4b: {  	_ =	shalt  }
0x4c: {  	_ =	shalt  }
0x4d: {  	_ =	shalt  }
0x4e: {  	_ =	shalt  }
0x4f: {  	_ =	shalt  }
0x50: {  	_ =	shalt  }
0x51: {  	_ =	shalt  }
0x52: {  	_ =	shalt  }
0x53: {  	_ =	shalt  }
0x54: {  	_ =	shalt  }
0x55: {  	_ =	shalt  }
0x56: {  	_ =	shalt  }
0x57: {  	_ =	shalt  }
0x58: {  	_ =	shalt  }
0x59: {  	_ =	shalt  }
0x5a: {  	_ =	shalt  }
0x5b: {  	_ =	shalt  }
0x5c: {  	_ =	shalt  }
0x5d: {  	_ =	shalt  }
0x5e: {  	_ =	shalt  }
0x5f: {  	_ =	shalt  }
0x60: {  	_ =	shalt  }
0x61: {  	_ =	shalt  }
0x62: {  	_ =	shalt  }
0x63: {  	_ =	shalt  }
0x64: {  	_ =	shalt  }
0x65: {  	_ =	shalt  }
0x66: {  	_ =	shalt  }
0x67: {  	_ =	shalt  }
0x68: {  	_ =	shalt  }
0x69: {  	_ =	shalt  }
0x6a: {  	_ =	shalt  }
0x6b: {  	_ =	shalt  }
0x6c: {  	_ =	shalt  }
0x6d: {  	_ =	shalt  }
0x6e: {  	_ =	shalt  }
0x6f: {  	_ =	shalt  }
0x70: {  	_ =	shalt  }
0x71: {  	_ =	shalt  }
0x72: {  	_ =	shalt  }
0x73: {  	_ =	shalt  }
0x74: {  	_ =	shalt  }
0x75: {  	_ =	shalt  }
0x76: {  	_ =	shalt  }
0x77: {  	_ =	shalt  }
0x78: {  	_ =	shalt  }
0x79: {  	_ =	shalt  }
0x7a: {  	_ =	shalt  }
0x7b: {  	_ =	shalt  }
0x7c: {  	_ =	shalt  }
0x7d: {  	_ =	shalt  }
0x7e: {  	_ =	shalt  }
0x7f: {  	_ =	shalt  }
0x80: {  	_ =	shalt  }
0x81: {  	_ =	shalt  }
0x82: {  	_ =	shalt  }
0x83: {  	_ =	shalt  }
0x84: {  	_ =	shalt  }
0x85: {  	_ =	shalt  }
0x86: {  	_ =	shalt  }
0x87: {  	_ =	shalt  }
.Lfunc_end0:
.L_simem_size_0:
called_computation.1_lowered:
.L_overlay_start_0:
0x88: {  	s2 =	sld [smem:$0x3FD9]  }
0x89: {  	s3 =	sld [smem:$0x3FFE];
	_ =	sdelay $0x1  }
0x8a: {  	s1 =	srdreg.scid  }
0x8b: {  	s0 =	sand.u32 $0x1, s1  }
0x8c: {  	s17 =	sshll.u32 s0, $0xA;
	s2 =	sadd.s32 s3, s2  }
0x8d: {  	s2 =	sadd.s32 s2, s17  }
0x8e: {  	[smem:$0x3FC5] =	sst s2  }
0x8f: {  	_ = 	snop  }
0x90: {  	s2 =	sld [smem:$0x3FD0];
	(tm) =	ssettm $0x1  }
0x91: {  	s18 =	sld [smem:$0x3FFB];
	_ =	sdelay $0x3  }
0x92: {  	_ =	strace s18  }
0x93: {  	s3 =	sld [smem:$0x3FFC];
	_ =	sdelay $0x3  }
0x94: {  	_ =	strace s3  }
0x95: {  	s3 =	sld [smem:$0x3FFD];
	_ =	sdelay $0x3  }
0x96: {  	_ =	strace s3  }
0x97: {  	_ =	strace $0x8FFFFFFF  }
0x98: {  	s19 =	sld [smem:$0x3FDB];
	_ =	sdelay $0x1  }
0x99: {  	s4 =	simm.s32 $_scs_section_size  }
0x9a: {  	s5 =	simm.s32 $_size__tile_overlayer_lowered;
	s6 =	simm.s32 $_tile_overlayer_lowered  }
0x9b: {  	s22 =	simm.s32 $0x1BFF;
	s21 =	sshll.u32 s6, $0x1;
	s3 =	sadd.s32 s4, s19  }
0x9c: {  	s7 =	simm.s32 $0x0;
	s20 =	sshll.u32 s5, $0x1;
	s5 =	sadd.s32 s21, s3  }
0x9d: {  	[timem:s7], [sflag:s22] =	dma.local [hbm:s5], s20  }
0x9e: {  	_ =	swait.ge [sflag:s22], s20  }
0x9f: {  	s4 =	ssub.s32 $0x0, s20;
	[sflag:s22] =	ssyncset.done $0x0  }
0xa0: {  	[sflag:s22] =	ssyncadd.s32 s4;
	_ =	sdelay $0x1  }
0xa1: {  	s23 =	simm.s32 $0x1B8B  }
0xa2: {  	_ =	swait.ge [sflag:s23], $0x1  }
0xa3: {  	[sflag:s23] =	ssyncset.done $0x0  }
0xa4: {  	s25 =	simm.s32 $0x1B8E;
	s24 =	sld [smem:$0x3FFE];
	[sflag:s23] =	ssyncadd.s32 $0xFFFFFFFF  }
0xa5: {  	s26 =	simm.s32 $execute0_lowered;
	[smem:$0x3FD2] =	sst s25  }
0xa6: {  	s5 =	sshll.u32 s26, $0x1;
	_ =	strace $0x80000046;
	[dreg:$0x1] =	wrdreg $0xFFFFFFFF  }
0xa7: {  	s28 =	simm.s32 $_size_execute0_lowered;
	s3 =	sadd.s32 s3, s5;
	[dreg:$0x0] =	wrdreg $0x0  }
0xa8: {  	s5 =	sshll.u32 s28, $0x1;
	[dreg:$0x2] =	wrdreg s3  }
0xa9: {  	[dreg:$0x3] =	wrdreg s5  }
0xaa: {  	[dreg:$0x4] =	wrdreg $0xC0  }
0xab: {  	_ =	task [dreg:s7], $0x5FFFF  }
0xac: {  	[dreg:$0x1] =	wrdreg $0xFFFFFFFF  }
0xad: {  	[dreg:$0x0] =	wrdreg $0x60  }
0xae: {  	[dreg:$0x2] =	wrdreg s24  }
0xaf: {  	[dreg:$0x3] =	wrdreg s2  }
0xb0: {  	[dreg:$0x4] =	wrdreg $0x9  }
0xb1: {  	_ =	task.clear_ibuf [dreg:s7], $0x5FFFF;
	_ =	strace $0x90000046  }
0xb2: {  	s29 =	simm.s32 $0x9;
	_ =	strace $0x80000048  }
0xb3: {  	_ =	swait.ge [sflag:s29], $0x1  }
0xb4: {  	[sflag:s29] =	ssyncadd.s32 $0xFFFFFFFF  }
0xb5: {  	_ =	strace $0x90000048  }
0xb6: {  	_ =	sfence  }
0xb7: {  	s30 =	sld [smem:$0x0];
	_ =	sdelay $0x2  }
0xb8: {  	s31 =	sshll.u32 s1, $0xD;
	s1 =	sshrl.u32 s1, $0x2  }
0xb9: {  	s3 =	sand.u32 $0x4000, s31;
	s1 =	sadd.s32 s1, s30  }
0xba: {  	s0 =	sor.u32 s3, s0;
	s1 =	sshll.u32 s1, $0x11  }
0xbb: {  	s0 =	sor.u32 s1, s0  }
0xbc: {  	s0 =	sadd.s32 $0x8F2B, s0  }
0xbd: {  	[sflag:s0] =	ssyncadd.remote.s32 $0x1  }
0xbe: {  	_ =	sfence.sel $0xFFFF  }
0xbf: {  	[dreg:$0x0] =	wrdreg $0xFFFFFFFF;
	(pc) =	sbr.abs _section_cstart, $3  }
0xc0: {  	[dreg:$0x1] =	wrdreg $0xFFFFFFFF  }
0xc1: {  	_ =	task.clear_ibuf [dreg:s7], $0x2FFFF;
	_ =	strace $0x9FFFFFFF  }
0xc2: {  	(tm) =	ssettm $0x7FFFFFFF  }
0xc3: {  	_ =	shalt  }
tec
execute0_lowered:
.L_overlay_start_1:
0x0: {  	(tag) =	ssettag $0x1  }
0x1: {  	s0 =	rddreg [dreg:$0x0];
	s1 =	srdreg.scid  }
0x2: {  	s3 =	stileid.u32;
	s2 =	rddreg [dreg:$0x1]  }
0x3: {  	s29 =	simm.s32 $0xA500;
	s31 =	simm.s32 $0xB900;
	s28 =	simm.s32 $0x2  }
0x4: {  	s30 =	simm.s32 $0x6;
	s1 =	sand.u32 $0x1, s1;
	s4 =	sshll.u32 s3, $0x1  }
0x5: {  	s10 =	simm.s32 $0x5;
	s11 =	simm.s32 $0x9;
	s5 =	sor.u32 s1, s4  }
0x6: {  	s12 =	simm.s32 $0xA;
	s3 =	simm.s32 $0x0;
	s4 =	smul.u32 $0x320, s5  }
0x7: {  	[smem:$0x7FF] =	sst s3;
	s1 =	ssub.s32 $0x2, s1;
	s7 =	smul.u32 $0xC800, s5  }
0x8: {  	_ =	strace $0x80000047;
	s6 =	sshrl.u32 s1, $0x1;
	s9 =	smul.u32 $0x64000, s5  }
0x9: {  	s8 =	sadd.s32 s4, s0;
	s4 =	sadd.s32 $0xF43000, s0;
	s0 =	sadd.s32 $0x7000, s0  }
0xa: {  	s16 =	ssub.s32 s1, s6;
	s17 =	sadd.s32 s2, s7;
	[dreg:$0x3] =	wrdreg s0  }
0xb: {  	s6 =	smul.u32 $0x50, s5;
	s19 =	sadd.s32 $0xC00, s8;
	[dreg:$0x4] =	wrdreg s17  }
0xc: {  	s18 =	sshrl.u32 s9, $0x3;
	s20 =	sadd.s32 $0x280, s17;
	[dreg:$0x5] =	wrdreg s19  }
0xd: {  	s9 =	simm.s32 $0x8;
	s21 =	sadd.s32 $0x500, s17;
	[dreg:$0x6] =	wrdreg s20  }
0xe: {  	s1 =	sadd.s32 s2, s18;
	s5 =	sadd.s32 $0x780, s17;
	[dreg:$0x7] =	wrdreg s21  }
0xf: {  	s13 =	sor.u32 $0x1, s6;
	s0 =	smax.u32 s16, $0x1;
	[dreg:$0x8] =	wrdreg s5  }
0x10: {  	s14 =	sor.u32 $0x2, s6;
	s22 =	sadd.s32 $0xA00, s1;
	[dreg:$0xf] =	wrdreg s0  }
0x11: {  	s15 =	sor.u32 $0x3, s6;
	s23 =	sadd.s32 $0xBB80, s1;
	[dreg:$0x9] =	wrdreg s22  }
0x12: {  	s8 =	simm.s32 $0x4;
	s24 =	sadd.s32 $0xBE00, s1;
	[dreg:$0xa] =	wrdreg s23  }
0x13: {  	s16 =	simm.s32 $0x0;
	s25 =	sadd.s32 $0xC080, s1;
	[dreg:$0xb] =	wrdreg s24  }
0x14: {  	s26 =	sadd.s32 $0xC300, s1;
	s1 =	sadd.s32 $0xC580, s1;
	[dreg:$0xc] =	wrdreg s25  }
0x15: {  	s0 =	simm.s32 $0x3;
	s5 =	simm.s32 $0x7;
	[dreg:$0xd] =	wrdreg s26  }
0x16: {  	[dreg:$0xe] =	wrdreg s1;
	s24 =	simm.s32 $0x50;
	s25 =	simm.s32 $0x7D00  }
0x17: {  	s26 =	simm.s32 $0x9100;
	s1 =	simm.s32 $0x1;
	s23 =	simm.s32 $0xCD00  }
.LBB2_1:
0x18: {  	[dreg:$0x10] =	wrdreg s16  }
0x19: {  	s7 =	rddreg [dreg:$0x5];
	s19 =	simm.s32 $0xB  }
0x1a: {  	[tilespmem:s3], [sflag:$0xB] =	stream.linear.gather [hbm4b:s7+s3], $0x1900, $0x38;
	[tilespmem:$0xE100] =	vst v63  }
0x1b: {  	_ =	swait.ge [sflag:s19], $0x1900  }
0x1c: {  	[sflag:s19] =	ssyncset.done $0x0  }
0x1d: {  	s17 =	simm.s32 $0x1900;
	s20 =	rddreg [dreg:$0x3];
	[sflag:s19] =	ssyncadd.s32 $0xFFFFE700  }
0x1e: {  	[tilespmem:s17], [sflag:$0xB] =	stream.linear.gather [hbm4b:s20+s3], $0x6400, $0x38;
	[tilespmem:$0xE100] =	vst v63  }
0x1f: {  	_ =	swait.ge [sflag:s19], $0x6400  }
0x20: {  	[sflag:s19] =	ssyncset.done $0x0  }
0x21: {  	[sflag:s19] =	ssyncadd.s32 $0xFFFF9C00  }
0x22: {  	[tilespmem:s25], [sflag:$0x1] =	stream.indirect.gather [hbm4b:s4+s24], $0x40, s3, s24, $0xb8;
	[tilespmem:$0xE100] =	vst v63  }
0x23: {  	_ = 	snop  }
0x24: {  	[tilespmem:s26], [sflag:$0x2] =	stream.indirect.gather [hbm4b:s4+s24], $0x40, s24, s24, $0xb8;
	[tilespmem:$0xE100] =	vst v63  }
0x25: {  	s21 =	simm.s32 $0xA0  }
0x26: {  	[tilespmem:s29], [sflag:$0x3] =	stream.indirect.gather [hbm4b:s4+s24], $0x40, s21, s24, $0xb8;
	[tilespmem:$0xE100] =	vst v63  }
0x27: {  	s22 =	simm.s32 $0xF0  }
0x28: {  	[tilespmem:s31], [sflag:$0x4] =	stream.indirect.gather [hbm4b:s4+s24], $0x40, s22, s24, $0xb8;
	[tilespmem:$0xE100] =	vst v63  }
0x29: {  	_ =	swait.ge [sflag:s1], $0x1400  }
0x2a: {  	[sflag:s1] =	ssyncset.done $0x0  }
0x2b: {  	s17 =	simm.s32 $0x7D40;
	[sflag:s1] =	ssyncadd.s32 $0xFFFFEC00  }
0x2c: {  	s18 =	simm.s32 $0x1940;
	v0 =	vld [tilespmem:s17+$0xFFFFFFC0]  }
0x2d: {  	v1 =	vld [tilespmem:s18+$0xFFFFFFC0];
	_ =	sdelay $0x4  }
0x2e: {  	v0 =	vadd.f32 v1, v0;
	_ =	sdelay $0x1  }
0x2f: {  	[tilespmem:s17+$0xFFFFFFC0] =	vst v0;
	v0 =	vld [tilespmem:s17+$0xFFFFFFD0]  }
0x30: {  	v1 =	vld [tilespmem:s18+$0xFFFFFFD0];
	_ =	sdelay $0x4  }
0x31: {  	v0 =	vadd.f32 v1, v0;
	_ =	sdelay $0x1  }
0x32: {  	[tilespmem:s17+$0xFFFFFFD0] =	vst v0;
	v0 =	vld [tilespmem:s17+$0xFFFFFFE0]  }
0x33: {  	v1 =	vld [tilespmem:s18+$0xFFFFFFE0];
	_ =	sdelay $0x4  }
0x34: {  	v0 =	vadd.f32 v1, v0;
	_ =	sdelay $0x1  }
0x35: {  	[tilespmem:s17+$0xFFFFFFE0] =	vst v0;
	v0 =	vld [tilespmem:s17+$0xFFFFFFF0]  }
0x36: {  	v1 =	vld [tilespmem:s18+$0xFFFFFFF0];
	_ =	sdelay $0x4  }
0x37: {  	v0 =	vadd.f32 v1, v0;
	_ =	sdelay $0x1  }
0x38: {  	[tilespmem:s17+$0xFFFFFFF0] =	vst v0;
	v0 =	vld [tilespmem:s17+$0x0]  }
0x39: {  	v1 =	vld [tilespmem:s18+$0x0];
	_ =	sdelay $0x4  }
0x3a: {  	v0 =	vadd.f32 v1, v0;
	_ =	sdelay $0x1  }
0x3b: {  	[tilespmem:s17+$0x0] =	vst v0;
	v0 =	vld [tilespmem:s17+$0x10]  }
0x3c: {  	v1 =	vld [tilespmem:s18+$0x10];
	_ =	sdelay $0x4  }
0x3d: {  	v0 =	vadd.f32 v1, v0;
	_ =	sdelay $0x1  }
0x3e: {  	[tilespmem:s17+$0x10] =	vst v0;
	v0 =	vld [tilespmem:s17+$0x20]  }
0x3f: {  	v1 =	vld [tilespmem:s18+$0x20];
	_ =	sdelay $0x4  }
0x40: {  	v0 =	vadd.f32 v1, v0;
	_ =	sdelay $0x1  }
0x41: {  	[tilespmem:s17+$0x20] =	vst v0;
	v0 =	vld [tilespmem:s17+$0x30]  }
0x42: {  	v1 =	vld [tilespmem:s18+$0x30];
	_ =	sdelay $0x4  }
0x43: {  	v0 =	vadd.f32 v1, v0  }
0x44: {  	s7 =	simm.s32 $0x0;
	s19 =	simm.s32 $0x7DC0  }
.LBB2_2:
0x45: {  	v1 =	vld [tilespmem:s19+$0xFFFFFFC0];
	[tilespmem:s17+$0x30] =	vst v0;
	s18 =	sadd.s32 $0x80, s18;
	s17 =	smov.u32 s19  }
0x46: {  	s7 =	sadd.s32 $0x2, s7;
	v0 =	vld [tilespmem:s18+$0xFFFFFFC0]  }
0x47: {  	p0 =	slt.u32 s7, $0x4E;
	_ =	sdelay $0x3  }
0x48: {  	v0 =	vadd.f32 v0, v1;
	_ =	sdelay $0x1  }
0x49: {  	[tilespmem:s19+$0xFFFFFFC0] =	vst v0;
	v0 =	vld [tilespmem:s19+$0xFFFFFFD0]  }
0x4a: {  	v1 =	vld [tilespmem:s18+$0xFFFFFFD0];
	_ =	sdelay $0x4  }
0x4b: {  	v0 =	vadd.f32 v1, v0;
	_ =	sdelay $0x1  }
0x4c: {  	[tilespmem:s19+$0xFFFFFFD0] =	vst v0;
	v0 =	vld [tilespmem:s19+$0xFFFFFFE0]  }
0x4d: {  	v1 =	vld [tilespmem:s18+$0xFFFFFFE0];
	_ =	sdelay $0x4  }
0x4e: {  	v0 =	vadd.f32 v1, v0;
	_ =	sdelay $0x1  }
0x4f: {  	[tilespmem:s19+$0xFFFFFFE0] =	vst v0;
	v0 =	vld [tilespmem:s19+$0xFFFFFFF0]  }
0x50: {  	v1 =	vld [tilespmem:s18+$0xFFFFFFF0];
	_ =	sdelay $0x4  }
0x51: {  	v0 =	vadd.f32 v1, v0;
	_ =	sdelay $0x1  }
0x52: {  	[tilespmem:s19+$0xFFFFFFF0] =	vst v0;
	v0 =	vld [tilespmem:s19+$0x0]  }
0x53: {  	v1 =	vld [tilespmem:s18+$0x0];
	_ =	sdelay $0x4  }
0x54: {  	v0 =	vadd.f32 v1, v0;
	_ =	sdelay $0x1  }
0x55: {  	[tilespmem:s19+$0x0] =	vst v0;
	v0 =	vld [tilespmem:s19+$0x10]  }
0x56: {  	v1 =	vld [tilespmem:s18+$0x10];
	_ =	sdelay $0x4  }
0x57: {  	v0 =	vadd.f32 v1, v0;
	_ =	sdelay $0x1  }
0x58: {  	[tilespmem:s19+$0x10] =	vst v0;
	v0 =	vld [tilespmem:s19+$0x20]  }
0x59: {  	v1 =	vld [tilespmem:s18+$0x20];
	_ =	sdelay $0x4  }
0x5a: {  	v0 =	vadd.f32 v1, v0;
	_ =	sdelay $0x1  }
0x5b: {  	[tilespmem:s19+$0x20] =	vst v0;
	v0 =	vld [tilespmem:s19+$0x30]  }
0x5c: {  	v1 =	vld [tilespmem:s18+$0x30];
	_ =	sdelay $0x1  }
.Ltmp0:
0x5d: {  	(pc) =	sbr.rel @p0 .LBB2_2-.Ltmp0, $3  }
0x5e: {  	_ =	sdelay $0x1  }
0x5f: {  	v0 =	vadd.f32 v1, v0  }
0x60: {  	s19 =	sadd.s32 $0x80, s19  }
0x61: {  	[tilespmem:s17+$0x30] =	vst v0;
	s7 =	simm.s32 $0x140  }
0x62: {  	[tilespmem:s23], [sflag:$0x5] =	stream.indirect.gather [hbm4b:s4+s24], $0x40, s7, s24, $0xb8;
	[tilespmem:$0xE100] =	vst v63  }
0x63: {  	s22 =	rddreg [dreg:$0x4]  }
0x64: {  	[hbm4b:s22+s3] =	stream.linear.scatter [tilespmem:s25], [sflag:$0x6], $0x1400, $0x38;
	[tilespmem:$0xE100] =	vst v63  }
0x65: {  	_ =	swait.ge [sflag:s28], $0x1400  }
0x66: {  	[sflag:s28] =	ssyncset.done $0x0  }
0x67: {  	s17 =	simm.s32 $0x9170;
	[sflag:s28] =	ssyncadd.s32 $0xFFFFEC00  }
0x68: {  	s18 =	simm.s32 $0x2D70;
	v0 =	vld [tilespmem:s17+$0xFFFFFF90]  }
0x69: {  	v1 =	vld [tilespmem:s18+$0xFFFFFF90];
	_ =	sdelay $0x4  }
0x6a: {  	v0 =	vadd.f32 v1, v0;
	_ =	sdelay $0x1  }
0x6b: {  	[tilespmem:s17+$0xFFFFFF90] =	vst v0;
	v0 =	vld [tilespmem:s17+$0xFFFFFFA0]  }
0x6c: {  	v1 =	vld [tilespmem:s18+$0xFFFFFFA0];
	_ =	sdelay $0x4  }
0x6d: {  	v0 =	vadd.f32 v1, v0;
	_ =	sdelay $0x1  }
0x6e: {  	[tilespmem:s17+$0xFFFFFFA0] =	vst v0;
	v0 =	vld [tilespmem:s17+$0xFFFFFFB0]  }
0x6f: {  	v1 =	vld [tilespmem:s18+$0xFFFFFFB0];
	_ =	sdelay $0x4  }
0x70: {  	v0 =	vadd.f32 v1, v0;
	_ =	sdelay $0x1  }
0x71: {  	[tilespmem:s17+$0xFFFFFFB0] =	vst v0;
	v0 =	vld [tilespmem:s17+$0xFFFFFFC0]  }
0x72: {  	v1 =	vld [tilespmem:s18+$0xFFFFFFC0];
	_ =	sdelay $0x4  }
0x73: {  	v0 =	vadd.f32 v1, v0;
	_ =	sdelay $0x1  }
0x74: {  	[tilespmem:s17+$0xFFFFFFC0] =	vst v0;
	v0 =	vld [tilespmem:s17+$0xFFFFFFD0]  }
0x75: {  	v1 =	vld [tilespmem:s18+$0xFFFFFFD0];
	_ =	sdelay $0x4  }
0x76: {  	v0 =	vadd.f32 v1, v0;
	_ =	sdelay $0x1  }
0x77: {  	[tilespmem:s17+$0xFFFFFFD0] =	vst v0;
	v0 =	vld [tilespmem:s17+$0xFFFFFFE0]  }
0x78: {  	v1 =	vld [tilespmem:s18+$0xFFFFFFE0];
	_ =	sdelay $0x4  }
0x79: {  	v0 =	vadd.f32 v1, v0;
	_ =	sdelay $0x1  }
0x7a: {  	[tilespmem:s17+$0xFFFFFFE0] =	vst v0;
	v0 =	vld [tilespmem:s17+$0xFFFFFFF0]  }
0x7b: {  	v1 =	vld [tilespmem:s18+$0xFFFFFFF0];
	_ =	sdelay $0x4  }
0x7c: {  	v0 =	vadd.f32 v1, v0;
	_ =	sdelay $0x1  }
0x7d: {  	[tilespmem:s17+$0xFFFFFFF0] =	vst v0;
	v0 =	vld [tilespmem:s17+$0x0]  }
0x7e: {  	v1 =	vld [tilespmem:s18+$0x0];
	_ =	sdelay $0x4  }
0x7f: {  	v0 =	vadd.f32 v1, v0  }
0x80: {  	s19 =	simm.s32 $0x91F0;
	s7 =	simm.s32 $0x0  }
.LBB2_4:
0x81: {  	v1 =	vld [tilespmem:s19+$0xFFFFFF90];
	[tilespmem:s17+$0x0] =	vst v0;
	s18 =	sadd.s32 $0x80, s18;
	s17 =	smov.u32 s19  }
0x82: {  	s7 =	sadd.s32 $0x2, s7;
	v0 =	vld [tilespmem:s18+$0xFFFFFF90]  }
0x83: {  	p0 =	slt.u32 s7, $0x4E;
	_ =	sdelay $0x3  }
0x84: {  	v0 =	vadd.f32 v0, v1;
	_ =	sdelay $0x1  }
0x85: {  	[tilespmem:s19+$0xFFFFFF90] =	vst v0;
	v0 =	vld [tilespmem:s19+$0xFFFFFFA0]  }
0x86: {  	v1 =	vld [tilespmem:s18+$0xFFFFFFA0];
	_ =	sdelay $0x4  }
0x87: {  	v0 =	vadd.f32 v1, v0;
	_ =	sdelay $0x1  }
0x88: {  	[tilespmem:s19+$0xFFFFFFA0] =	vst v0;
	v0 =	vld [tilespmem:s19+$0xFFFFFFB0]  }
0x89: {  	v1 =	vld [tilespmem:s18+$0xFFFFFFB0];
	_ =	sdelay $0x4  }
0x8a: {  	v0 =	vadd.f32 v1, v0;
	_ =	sdelay $0x1  }
0x8b: {  	[tilespmem:s19+$0xFFFFFFB0] =	vst v0;
	v0 =	vld [tilespmem:s19+$0xFFFFFFC0]  }
0x8c: {  	v1 =	vld [tilespmem:s18+$0xFFFFFFC0];
	_ =	sdelay $0x4  }
0x8d: {  	v0 =	vadd.f32 v1, v0;
	_ =	sdelay $0x1  }
0x8e: {  	[tilespmem:s19+$0xFFFFFFC0] =	vst v0;
	v0 =	vld [tilespmem:s19+$0xFFFFFFD0]  }
0x8f: {  	v1 =	vld [tilespmem:s18+$0xFFFFFFD0];
	_ =	sdelay $0x4  }
0x90: {  	v0 =	vadd.f32 v1, v0;
	_ =	sdelay $0x1  }
0x91: {  	[tilespmem:s19+$0xFFFFFFD0] =	vst v0;
	v0 =	vld [tilespmem:s19+$0xFFFFFFE0]  }
0x92: {  	v1 =	vld [tilespmem:s18+$0xFFFFFFE0];
	_ =	sdelay $0x4  }
0x93: {  	v0 =	vadd.f32 v1, v0;
	_ =	sdelay $0x1  }
0x94: {  	[tilespmem:s19+$0xFFFFFFE0] =	vst v0;
	v0 =	vld [tilespmem:s19+$0xFFFFFFF0]  }
0x95: {  	v1 =	vld [tilespmem:s18+$0xFFFFFFF0];
	_ =	sdelay $0x4  }
0x96: {  	v0 =	vadd.f32 v1, v0;
	_ =	sdelay $0x1  }
0x97: {  	[tilespmem:s19+$0xFFFFFFF0] =	vst v0;
	v0 =	vld [tilespmem:s19+$0x0]  }
0x98: {  	v1 =	vld [tilespmem:s18+$0x0];
	_ =	sdelay $0x1  }
.Ltmp1:
0x99: {  	(pc) =	sbr.rel @p0 .LBB2_4-.Ltmp1, $3  }
0x9a: {  	_ =	sdelay $0x1  }
0x9b: {  	v0 =	vadd.f32 v1, v0  }
0x9c: {  	s19 =	sadd.s32 $0x80, s19  }
0x9d: {  	[tilespmem:s17+$0x0] =	vst v0  }
0x9e: {  	_ =	swait.ge [sflag:s30], $0x1400  }
0x9f: {  	[sflag:s30] =	ssyncset.done $0x0  }
0xa0: {  	s7 =	simm.s32 $0x190;
	[sflag:s30] =	ssyncadd.s32 $0xFFFFEC00  }
0xa1: {  	[tilespmem:s25], [sflag:$0x1] =	stream.indirect.gather [hbm4b:s4+s24], $0x40, s7, s24, $0xb8;
	[tilespmem:$0xE100] =	vst v63  }
0xa2: {  	s22 =	rddreg [dreg:$0x6]  }
0xa3: {  	[hbm4b:s22+s3] =	stream.linear.scatter [tilespmem:s26], [sflag:$0x7], $0x1400, $0x38;
	[tilespmem:$0xE100] =	vst v63  }
0xa4: {  	_ =	swait.ge [sflag:s0], $0x1400  }
0xa5: {  	[sflag:s0] =	ssyncset.done $0x0  }
0xa6: {  	s17 =	simm.s32 $0xA570;
	[sflag:s0] =	ssyncadd.s32 $0xFFFFEC00  }
0xa7: {  	s18 =	simm.s32 $0x4170;
	v0 =	vld [tilespmem:s17+$0xFFFFFF90]  }
0xa8: {  	v1 =	vld [tilespmem:s18+$0xFFFFFF90];
	_ =	sdelay $0x4  }
0xa9: {  	v0 =	vadd.f32 v1, v0;
	_ =	sdelay $0x1  }
0xaa: {  	[tilespmem:s17+$0xFFFFFF90] =	vst v0;
	v0 =	vld [tilespmem:s17+$0xFFFFFFA0]  }
0xab: {  	v1 =	vld [tilespmem:s18+$0xFFFFFFA0];
	_ =	sdelay $0x4  }
0xac: {  	v0 =	vadd.f32 v1, v0;
	_ =	sdelay $0x1  }
0xad: {  	[tilespmem:s17+$0xFFFFFFA0] =	vst v0;
	v0 =	vld [tilespmem:s17+$0xFFFFFFB0]  }
0xae: {  	v1 =	vld [tilespmem:s18+$0xFFFFFFB0];
	_ =	sdelay $0x4  }
0xaf: {  	v0 =	vadd.f32 v1, v0;
	_ =	sdelay $0x1  }
0xb0: {  	[tilespmem:s17+$0xFFFFFFB0] =	vst v0;
	v0 =	vld [tilespmem:s17+$0xFFFFFFC0]  }
0xb1: {  	v1 =	vld [tilespmem:s18+$0xFFFFFFC0];
	_ =	sdelay $0x4  }
0xb2: {  	v0 =	vadd.f32 v1, v0;
	_ =	sdelay $0x1  }
0xb3: {  	[tilespmem:s17+$0xFFFFFFC0] =	vst v0;
	v0 =	vld [tilespmem:s17+$0xFFFFFFD0]  }
0xb4: {  	v1 =	vld [tilespmem:s18+$0xFFFFFFD0];
	_ =	sdelay $0x4  }
0xb5: {  	v0 =	vadd.f32 v1, v0;
	_ =	sdelay $0x1  }
0xb6: {  	[tilespmem:s17+$0xFFFFFFD0] =	vst v0;
	v0 =	vld [tilespmem:s17+$0xFFFFFFE0]  }
0xb7: {  	v1 =	vld [tilespmem:s18+$0xFFFFFFE0];
	_ =	sdelay $0x4  }
0xb8: {  	v0 =	vadd.f32 v1, v0;
	_ =	sdelay $0x1  }
0xb9: {  	[tilespmem:s17+$0xFFFFFFE0] =	vst v0;
	v0 =	vld [tilespmem:s17+$0xFFFFFFF0]  }
0xba: {  	v1 =	vld [tilespmem:s18+$0xFFFFFFF0];
	_ =	sdelay $0x4  }
0xbb: {  	v0 =	vadd.f32 v1, v0;
	_ =	sdelay $0x1  }
0xbc: {  	[tilespmem:s17+$0xFFFFFFF0] =	vst v0;
	v0 =	vld [tilespmem:s17+$0x0]  }
0xbd: {  	v1 =	vld [tilespmem:s18+$0x0];
	_ =	sdelay $0x4  }
0xbe: {  	v0 =	vadd.f32 v1, v0  }
0xbf: {  	s19 =	simm.s32 $0xA5F0;
	s7 =	simm.s32 $0x0  }
.LBB2_6:
0xc0: {  	v1 =	vld [tilespmem:s19+$0xFFFFFF90];
	[tilespmem:s17+$0x0] =	vst v0;
	s18 =	sadd.s32 $0x80, s18;
	s17 =	smov.u32 s19  }
0xc1: {  	s7 =	sadd.s32 $0x2, s7;
	v0 =	vld [tilespmem:s18+$0xFFFFFF90]  }
0xc2: {  	p0 =	slt.u32 s7, $0x4E;
	_ =	sdelay $0x3  }
0xc3: {  	v0 =	vadd.f32 v0, v1;
	_ =	sdelay $0x1  }
0xc4: {  	[tilespmem:s19+$0xFFFFFF90] =	vst v0;
	v0 =	vld [tilespmem:s19+$0xFFFFFFA0]  }
0xc5: {  	v1 =	vld [tilespmem:s18+$0xFFFFFFA0];
	_ =	sdelay $0x4  }
0xc6: {  	v0 =	vadd.f32 v1, v0;
	_ =	sdelay $0x1  }
0xc7: {  	[tilespmem:s19+$0xFFFFFFA0] =	vst v0;
	v0 =	vld [tilespmem:s19+$0xFFFFFFB0]  }
0xc8: {  	v1 =	vld [tilespmem:s18+$0xFFFFFFB0];
	_ =	sdelay $0x4  }
0xc9: {  	v0 =	vadd.f32 v1, v0;
	_ =	sdelay $0x1  }
0xca: {  	[tilespmem:s19+$0xFFFFFFB0] =	vst v0;
	v0 =	vld [tilespmem:s19+$0xFFFFFFC0]  }
0xcb: {  	v1 =	vld [tilespmem:s18+$0xFFFFFFC0];
	_ =	sdelay $0x4  }
0xcc: {  	v0 =	vadd.f32 v1, v0;
	_ =	sdelay $0x1  }
0xcd: {  	[tilespmem:s19+$0xFFFFFFC0] =	vst v0;
	v0 =	vld [tilespmem:s19+$0xFFFFFFD0]  }
0xce: {  	v1 =	vld [tilespmem:s18+$0xFFFFFFD0];
	_ =	sdelay $0x4  }
0xcf: {  	v0 =	vadd.f32 v1, v0;
	_ =	sdelay $0x1  }
0xd0: {  	[tilespmem:s19+$0xFFFFFFD0] =	vst v0;
	v0 =	vld [tilespmem:s19+$0xFFFFFFE0]  }
0xd1: {  	v1 =	vld [tilespmem:s18+$0xFFFFFFE0];
	_ =	sdelay $0x4  }
0xd2: {  	v0 =	vadd.f32 v1, v0;
	_ =	sdelay $0x1  }
0xd3: {  	[tilespmem:s19+$0xFFFFFFE0] =	vst v0;
	v0 =	vld [tilespmem:s19+$0xFFFFFFF0]  }
0xd4: {  	v1 =	vld [tilespmem:s18+$0xFFFFFFF0];
	_ =	sdelay $0x4  }
0xd5: {  	v0 =	vadd.f32 v1, v0;
	_ =	sdelay $0x1  }
0xd6: {  	[tilespmem:s19+$0xFFFFFFF0] =	vst v0;
	v0 =	vld [tilespmem:s19+$0x0]  }
0xd7: {  	v1 =	vld [tilespmem:s18+$0x0];
	_ =	sdelay $0x1  }
.Ltmp2:
0xd8: {  	(pc) =	sbr.rel @p0 .LBB2_6-.Ltmp2, $3  }
0xd9: {  	_ =	sdelay $0x1  }
0xda: {  	v0 =	vadd.f32 v1, v0  }
0xdb: {  	s19 =	sadd.s32 $0x80, s19  }
0xdc: {  	[tilespmem:s17+$0x0] =	vst v0  }
0xdd: {  	_ =	swait.ge [sflag:s5], $0x1400  }
0xde: {  	[sflag:s5] =	ssyncset.done $0x0  }
0xdf: {  	s7 =	simm.s32 $0x1E0;
	[sflag:s5] =	ssyncadd.s32 $0xFFFFEC00  }
0xe0: {  	[tilespmem:s26], [sflag:$0x2] =	stream.indirect.gather [hbm4b:s4+s24], $0x40, s7, s24, $0xb8;
	[tilespmem:$0xE100] =	vst v63  }
0xe1: {  	s22 =	rddreg [dreg:$0x7]  }
0xe2: {  	[hbm4b:s22+s3] =	stream.linear.scatter [tilespmem:s29], [sflag:$0x8], $0x1400, $0x38;
	[tilespmem:$0xE100] =	vst v63  }
0xe3: {  	_ =	swait.ge [sflag:s8], $0x1400  }
0xe4: {  	[sflag:s8] =	ssyncset.done $0x0  }
0xe5: {  	s17 =	simm.s32 $0xB970;
	[sflag:s8] =	ssyncadd.s32 $0xFFFFEC00  }
0xe6: {  	s18 =	simm.s32 $0x2370;
	v0 =	vld [tilespmem:s17+$0xFFFFFF90]  }
0xe7: {  	v1 =	vld [tilespmem:s18+$0xFFFFFF90];
	_ =	sdelay $0x4  }
0xe8: {  	v0 =	vadd.f32 v1, v0;
	_ =	sdelay $0x1  }
0xe9: {  	[tilespmem:s17+$0xFFFFFF90] =	vst v0;
	v0 =	vld [tilespmem:s17+$0xFFFFFFA0]  }
0xea: {  	v1 =	vld [tilespmem:s18+$0xFFFFFFA0];
	_ =	sdelay $0x4  }
0xeb: {  	v0 =	vadd.f32 v1, v0;
	_ =	sdelay $0x1  }
0xec: {  	[tilespmem:s17+$0xFFFFFFA0] =	vst v0;
	v0 =	vld [tilespmem:s17+$0xFFFFFFB0]  }
0xed: {  	v1 =	vld [tilespmem:s18+$0xFFFFFFB0];
	_ =	sdelay $0x4  }
0xee: {  	v0 =	vadd.f32 v1, v0;
	_ =	sdelay $0x1  }
0xef: {  	[tilespmem:s17+$0xFFFFFFB0] =	vst v0;
	v0 =	vld [tilespmem:s17+$0xFFFFFFC0]  }
0xf0: {  	v1 =	vld [tilespmem:s18+$0xFFFFFFC0];
	_ =	sdelay $0x4  }
0xf1: {  	v0 =	vadd.f32 v1, v0;
	_ =	sdelay $0x1  }
0xf2: {  	[tilespmem:s17+$0xFFFFFFC0] =	vst v0;
	v0 =	vld [tilespmem:s17+$0xFFFFFFD0]  }
0xf3: {  	v1 =	vld [tilespmem:s18+$0xFFFFFFD0];
	_ =	sdelay $0x4  }
0xf4: {  	v0 =	vadd.f32 v1, v0;
	_ =	sdelay $0x1  }
0xf5: {  	[tilespmem:s17+$0xFFFFFFD0] =	vst v0;
	v0 =	vld [tilespmem:s17+$0xFFFFFFE0]  }
0xf6: {  	v1 =	vld [tilespmem:s18+$0xFFFFFFE0];
	_ =	sdelay $0x4  }
0xf7: {  	v0 =	vadd.f32 v1, v0;
	_ =	sdelay $0x1  }
0xf8: {  	[tilespmem:s17+$0xFFFFFFE0] =	vst v0;
	v0 =	vld [tilespmem:s17+$0xFFFFFFF0]  }
0xf9: {  	v1 =	vld [tilespmem:s18+$0xFFFFFFF0];
	_ =	sdelay $0x4  }
0xfa: {  	v0 =	vadd.f32 v1, v0;
	_ =	sdelay $0x1  }
0xfb: {  	[tilespmem:s17+$0xFFFFFFF0] =	vst v0;
	v0 =	vld [tilespmem:s17+$0x0]  }
0xfc: {  	v1 =	vld [tilespmem:s18+$0x0];
	_ =	sdelay $0x4  }
0xfd: {  	v0 =	vadd.f32 v1, v0  }
0xfe: {  	s19 =	simm.s32 $0xB9F0;
	s7 =	simm.s32 $0x0  }
.LBB2_8:
0xff: {  	v1 =	vld [tilespmem:s19+$0xFFFFFF90];
	[tilespmem:s17+$0x0] =	vst v0;
	s18 =	sadd.s32 $0x80, s18;
	s17 =	smov.u32 s19  }
0x100: {  	s7 =	sadd.s32 $0x2, s7;
	v0 =	vld [tilespmem:s18+$0xFFFFFF90]  }
0x101: {  	p0 =	slt.u32 s7, $0x4E;
	_ =	sdelay $0x3  }
0x102: {  	v0 =	vadd.f32 v0, v1;
	_ =	sdelay $0x1  }
0x103: {  	[tilespmem:s19+$0xFFFFFF90] =	vst v0;
	v0 =	vld [tilespmem:s19+$0xFFFFFFA0]  }
0x104: {  	v1 =	vld [tilespmem:s18+$0xFFFFFFA0];
	_ =	sdelay $0x4  }
0x105: {  	v0 =	vadd.f32 v1, v0;
	_ =	sdelay $0x1  }
0x106: {  	[tilespmem:s19+$0xFFFFFFA0] =	vst v0;
	v0 =	vld [tilespmem:s19+$0xFFFFFFB0]  }
0x107: {  	v1 =	vld [tilespmem:s18+$0xFFFFFFB0];
	_ =	sdelay $0x4  }
0x108: {  	v0 =	vadd.f32 v1, v0;
	_ =	sdelay $0x1  }
0x109: {  	[tilespmem:s19+$0xFFFFFFB0] =	vst v0;
	v0 =	vld [tilespmem:s19+$0xFFFFFFC0]  }
0x10a: {  	v1 =	vld [tilespmem:s18+$0xFFFFFFC0];
	_ =	sdelay $0x4  }
0x10b: {  	v0 =	vadd.f32 v1, v0;
	_ =	sdelay $0x1  }
0x10c: {  	[tilespmem:s19+$0xFFFFFFC0] =	vst v0;
	v0 =	vld [tilespmem:s19+$0xFFFFFFD0]  }
0x10d: {  	v1 =	vld [tilespmem:s18+$0xFFFFFFD0];
	_ =	sdelay $0x4  }
0x10e: {  	v0 =	vadd.f32 v1, v0;
	_ =	sdelay $0x1  }
0x10f: {  	[tilespmem:s19+$0xFFFFFFD0] =	vst v0;
	v0 =	vld [tilespmem:s19+$0xFFFFFFE0]  }
0x110: {  	v1 =	vld [tilespmem:s18+$0xFFFFFFE0];
	_ =	sdelay $0x4  }
0x111: {  	v0 =	vadd.f32 v1, v0;
	_ =	sdelay $0x1  }
0x112: {  	[tilespmem:s19+$0xFFFFFFE0] =	vst v0;
	v0 =	vld [tilespmem:s19+$0xFFFFFFF0]  }
0x113: {  	v1 =	vld [tilespmem:s18+$0xFFFFFFF0];
	_ =	sdelay $0x4  }
0x114: {  	v0 =	vadd.f32 v1, v0;
	_ =	sdelay $0x1  }
0x115: {  	[tilespmem:s19+$0xFFFFFFF0] =	vst v0;
	v0 =	vld [tilespmem:s19+$0x0]  }
0x116: {  	v1 =	vld [tilespmem:s18+$0x0];
	_ =	sdelay $0x1  }
.Ltmp3:
0x117: {  	(pc) =	sbr.rel @p0 .LBB2_8-.Ltmp3, $3  }
0x118: {  	_ =	sdelay $0x1  }
0x119: {  	v0 =	vadd.f32 v1, v0  }
0x11a: {  	s19 =	sadd.s32 $0x80, s19  }
0x11b: {  	[tilespmem:s17+$0x0] =	vst v0  }
0x11c: {  	_ =	swait.ge [sflag:s9], $0x1400  }
0x11d: {  	[sflag:s9] =	ssyncset.done $0x0  }
0x11e: {  	s7 =	simm.s32 $0x230;
	[sflag:s9] =	ssyncadd.s32 $0xFFFFEC00  }
0x11f: {  	[tilespmem:s29], [sflag:$0x3] =	stream.indirect.gather [hbm4b:s4+s24], $0x40, s7, s24, $0xb8;
	[tilespmem:$0xE100] =	vst v63  }
0x120: {  	s22 =	simm.s32 $0x0;
	s16 =	rddreg [dreg:$0x8]  }
0x121: {  	[hbm4b:s16+s22] =	stream.linear.scatter [tilespmem:s31], [sflag:$0x9], $0x1400, $0x38;
	[tilespmem:$0xE100] =	vst v63  }
0x122: {  	_ =	swait.ge [sflag:s10], $0x1400  }
0x123: {  	[sflag:s10] =	ssyncset.done $0x0  }
0x124: {  	s7 =	simm.s32 $0x0;
	[sflag:s10] =	ssyncadd.s32 $0xFFFFEC00  }
0x125: {  	v3 =	vld [tilespmem:s7+$0xCD50]  }
0x126: {  	v1 =	vld [tilespmem:s7+$0x3770]  }
0x127: {  	v2 =	vld [tilespmem:s7+$0xCD70]  }
0x128: {  	v4 =	vld [tilespmem:s7+$0x3760]  }
0x129: {  	v5 =	vld [tilespmem:s7+$0xCD60]  }
0x12a: {  	v6 =	vld [tilespmem:s7+$0x3750]  }
0x12b: {  	v0 =	vld [tilespmem:s7+$0xCD40]  }
0x12c: {  	v7 =	vld [tilespmem:s7+$0x3730]  }
0x12d: {  	v8 =	vld [tilespmem:s7+$0xCD30]  }
0x12e: {  	v2 =	vadd.f32 v1, v2;
	v1 =	vld [tilespmem:s7+$0x3720]  }
0x12f: {  	v5 =	vadd.f32 v4, v5;
	v4 =	vld [tilespmem:s7+$0x3710]  }
0x130: {  	v6 =	vadd.f32 v6, v3;
	v3 =	vld [tilespmem:s7+$0x3700]  }
0x131: {  	[tilespmem:s7+$0xCD70] =	vst v2;
	v2 =	vld [tilespmem:s7+$0xCD20]  }
0x132: {  	[tilespmem:s7+$0xCD50] =	vst v6;
	v6 =	vld [tilespmem:s7+$0xCD10]  }
0x133: {  	s17 =	simm.s32 $0x200;
	s16 =	simm.s32 $0x0;
	v7 =	vadd.f32 v7, v8;
	[tilespmem:s7+$0xCD60] =	vst v5;
	v5 =	vld [tilespmem:s7+$0x3740]  }
.LBB2_10:
0x134: {  	s18 =	sshra.s32 s17, $0x2;
	s16 =	sadd.s32 $0x2, s16;
	v8 =	vld [tilespmem:s7+$0xCD00]  }
0x135: {  	v9 =	vld [tilespmem:s18+$0xCD50];
	p0 =	slt.u32 s16, $0x4E  }
0x136: {  	v10 =	vld [tilespmem:s18+$0x3770]  }
0x137: {  	v11 =	vld [tilespmem:s18+$0xCD70];
	v4 =	vadd.f32 v4, v6;
	[tilespmem:s7+$0xCD30] =	vst v7  }
0x138: {  	v1 =	vadd.f32 v1, v2;
	v6 =	vld [tilespmem:s18+$0x3760];
	v0 =	vadd.f32 v5, v0  }
0x139: {  	v2 =	vld [tilespmem:s18+$0xCD60];
	v3 =	vadd.f32 v3, v8;
	[tilespmem:s7+$0xCD10] =	vst v4  }
0x13a: {  	v4 =	vld [tilespmem:s18+$0x3750];
	[tilespmem:s7+$0xCD40] =	vst v0  }
0x13b: {  	v0 =	vld [tilespmem:s18+$0xCD40];
	[tilespmem:s7+$0xCD20] =	vst v1  }
0x13c: {  	v5 =	vld [tilespmem:s18+$0x3730];
	v7 =	vadd.f32 v10, v11;
	[tilespmem:s7+$0xCD00] =	vst v3;
	s7 =	smov.u32 s18  }
0x13d: {  	v8 =	vld [tilespmem:s7+$0xCD30]  }
0x13e: {  	v1 =	vld [tilespmem:s7+$0x3720];
	v3 =	vadd.f32 v6, v2;
	[tilespmem:s7+$0xCD70] =	vst v7  }
.Ltmp4:
0x13f: {  	v2 =	vld [tilespmem:s7+$0xCD20];
	v6 =	vadd.f32 v4, v9;
	(pc) =	sbr.rel @p0 .LBB2_10-.Ltmp4, $4  }
0x140: {  	v4 =	vld [tilespmem:s7+$0x3710];
	[tilespmem:s7+$0xCD60] =	vst v3  }
0x141: {  	v3 =	vld [tilespmem:s7+$0x3700];
	[tilespmem:s7+$0xCD50] =	vst v6  }
0x142: {  	v6 =	vld [tilespmem:s7+$0xCD10];
	v7 =	vadd.f32 v5, v8  }
0x143: {  	s17 =	sadd.s32 $0x200, s17;
	v5 =	vld [tilespmem:s7+$0x3740]  }
0x144: {  	v8 =	vld [tilespmem:s7+$0xCD00];
	_ =	sdelay $0x1  }
0x145: {  	v1 =	vadd.f32 v1, v2  }
0x146: {  	[tilespmem:s7+$0xCD30] =	vst v7;
	v4 =	vadd.f32 v4, v6  }
0x147: {  	[tilespmem:s7+$0xCD20] =	vst v1;
	v0 =	vadd.f32 v5, v0  }
0x148: {  	[tilespmem:s7+$0xCD10] =	vst v4;
	v63 =	vadd.f32 v3, v8  }
0x149: {  	[tilespmem:s7+$0xCD40] =	vst v0  }
0x14a: {  	[tilespmem:s7+$0xCD00] =	vst v63  }
0x14b: {  	_ =	swait.ge [sflag:s11], $0x1400  }
0x14c: {  	[sflag:s11] =	ssyncset.done $0x0  }
0x14d: {  	s21 =	simm.s32 $0x280;
	[sflag:s11] =	ssyncadd.s32 $0xFFFFEC00  }
0x14e: {  	[tilespmem:s31], [sflag:$0x4] =	stream.indirect.gather [hbm4b:s4+s24], $0x40, s21, s24, $0xb8;
	[tilespmem:$0xE100] =	vst v63  }
0x14f: {  	s17 =	simm.s32 $0x1;
	s22 =	rddreg [dreg:$0x9]  }
0x150: {  	[hbm4b:s22+s3] =	stream.linear.scatter [tilespmem:s23], [sflag:$0xA], $0x1400, $0x38;
	[tilespmem:$0xE100] =	vst v63  }
.LBB2_12:
0x151: {  	_ =	swait.ge [sflag:s1], $0x1400  }
0x152: {  	[sflag:s1] =	ssyncset.done $0x0  }
0x153: {  	s18 =	simm.s32 $0x7D40;
	[sflag:s1] =	ssyncadd.s32 $0xFFFFEC00  }
0x154: {  	s19 =	simm.s32 $0x1940;
	v0 =	vld [tilespmem:s18+$0xFFFFFFC0]  }
0x155: {  	v1 =	vld [tilespmem:s19+$0xFFFFFFC0];
	_ =	sdelay $0x4  }
0x156: {  	v0 =	vadd.f32 v1, v0;
	_ =	sdelay $0x1  }
0x157: {  	[tilespmem:s18+$0xFFFFFFC0] =	vst v0;
	v0 =	vld [tilespmem:s18+$0xFFFFFFD0]  }
0x158: {  	v1 =	vld [tilespmem:s19+$0xFFFFFFD0];
	_ =	sdelay $0x4  }
0x159: {  	v0 =	vadd.f32 v1, v0;
	_ =	sdelay $0x1  }
0x15a: {  	[tilespmem:s18+$0xFFFFFFD0] =	vst v0;
	v0 =	vld [tilespmem:s18+$0xFFFFFFE0]  }
0x15b: {  	v1 =	vld [tilespmem:s19+$0xFFFFFFE0];
	_ =	sdelay $0x4  }
0x15c: {  	v0 =	vadd.f32 v1, v0;
	_ =	sdelay $0x1  }
0x15d: {  	[tilespmem:s18+$0xFFFFFFE0] =	vst v0;
	v0 =	vld [tilespmem:s18+$0xFFFFFFF0]  }
0x15e: {  	v1 =	vld [tilespmem:s19+$0xFFFFFFF0];
	_ =	sdelay $0x4  }
0x15f: {  	v0 =	vadd.f32 v1, v0;
	_ =	sdelay $0x1  }
0x160: {  	[tilespmem:s18+$0xFFFFFFF0] =	vst v0;
	v0 =	vld [tilespmem:s18+$0x0]  }
0x161: {  	v1 =	vld [tilespmem:s19+$0x0];
	_ =	sdelay $0x4  }
0x162: {  	v0 =	vadd.f32 v1, v0;
	_ =	sdelay $0x1  }
0x163: {  	[tilespmem:s18+$0x0] =	vst v0;
	v0 =	vld [tilespmem:s18+$0x10]  }
0x164: {  	v1 =	vld [tilespmem:s19+$0x10];
	_ =	sdelay $0x4  }
0x165: {  	v0 =	vadd.f32 v1, v0;
	_ =	sdelay $0x1  }
0x166: {  	[tilespmem:s18+$0x10] =	vst v0;
	v0 =	vld [tilespmem:s18+$0x20]  }
0x167: {  	v1 =	vld [tilespmem:s19+$0x20];
	_ =	sdelay $0x4  }
0x168: {  	v0 =	vadd.f32 v1, v0;
	_ =	sdelay $0x1  }
0x169: {  	[tilespmem:s18+$0x20] =	vst v0;
	v0 =	vld [tilespmem:s18+$0x30]  }
0x16a: {  	v1 =	vld [tilespmem:s19+$0x30];
	_ =	sdelay $0x4  }
0x16b: {  	v0 =	vadd.f32 v1, v0  }
0x16c: {  	s7 =	simm.s32 $0x0;
	s20 =	simm.s32 $0x7DC0  }
.LBB2_13:
0x16d: {  	v1 =	vld [tilespmem:s20+$0xFFFFFFC0];
	[tilespmem:s18+$0x30] =	vst v0;
	s19 =	sadd.s32 $0x80, s19;
	s18 =	smov.u32 s20  }
0x16e: {  	s7 =	sadd.s32 $0x2, s7;
	v0 =	vld [tilespmem:s19+$0xFFFFFFC0]  }
0x16f: {  	p0 =	slt.u32 s7, $0x4E;
	_ =	sdelay $0x3  }
0x170: {  	v0 =	vadd.f32 v0, v1;
	_ =	sdelay $0x1  }
0x171: {  	[tilespmem:s20+$0xFFFFFFC0] =	vst v0;
	v0 =	vld [tilespmem:s20+$0xFFFFFFD0]  }
0x172: {  	v1 =	vld [tilespmem:s19+$0xFFFFFFD0];
	_ =	sdelay $0x4  }
0x173: {  	v0 =	vadd.f32 v1, v0;
	_ =	sdelay $0x1  }
0x174: {  	[tilespmem:s20+$0xFFFFFFD0] =	vst v0;
	v0 =	vld [tilespmem:s20+$0xFFFFFFE0]  }
0x175: {  	v1 =	vld [tilespmem:s19+$0xFFFFFFE0];
	_ =	sdelay $0x4  }
0x176: {  	v0 =	vadd.f32 v1, v0;
	_ =	sdelay $0x1  }
0x177: {  	[tilespmem:s20+$0xFFFFFFE0] =	vst v0;
	v0 =	vld [tilespmem:s20+$0xFFFFFFF0]  }
0x178: {  	v1 =	vld [tilespmem:s19+$0xFFFFFFF0];
	_ =	sdelay $0x4  }
0x179: {  	v0 =	vadd.f32 v1, v0;
	_ =	sdelay $0x1  }
0x17a: {  	[tilespmem:s20+$0xFFFFFFF0] =	vst v0;
	v0 =	vld [tilespmem:s20+$0x0]  }
0x17b: {  	v1 =	vld [tilespmem:s19+$0x0];
	_ =	sdelay $0x4  }
0x17c: {  	v0 =	vadd.f32 v1, v0;
	_ =	sdelay $0x1  }
0x17d: {  	[tilespmem:s20+$0x0] =	vst v0;
	v0 =	vld [tilespmem:s20+$0x10]  }
0x17e: {  	v1 =	vld [tilespmem:s19+$0x10];
	_ =	sdelay $0x4  }
0x17f: {  	v0 =	vadd.f32 v1, v0;
	_ =	sdelay $0x1  }
0x180: {  	[tilespmem:s20+$0x10] =	vst v0;
	v0 =	vld [tilespmem:s20+$0x20]  }
0x181: {  	v1 =	vld [tilespmem:s19+$0x20];
	_ =	sdelay $0x4  }
0x182: {  	v0 =	vadd.f32 v1, v0;
	_ =	sdelay $0x1  }
0x183: {  	[tilespmem:s20+$0x20] =	vst v0;
	v0 =	vld [tilespmem:s20+$0x30]  }
0x184: {  	v1 =	vld [tilespmem:s19+$0x30];
	_ =	sdelay $0x1  }
.Ltmp5:
0x185: {  	(pc) =	sbr.rel @p0 .LBB2_13-.Ltmp5, $3  }
0x186: {  	_ =	sdelay $0x1  }
0x187: {  	v0 =	vadd.f32 v1, v0  }
0x188: {  	s20 =	sadd.s32 $0x80, s20  }
0x189: {  	s19 =	smul.u32 $0x5, s17;
	_ =	sdelay $0x1  }
0x18a: {  	[tilespmem:s18+$0x30] =	vst v0;
	s18 =	sadd.s32 $0x4, s19  }
0x18b: {  	_ =	swait.ge [sflag:s12], $0x1400;
	s7 =	smul.u32 $0x140, s18  }
0x18c: {  	[sflag:s12] =	ssyncset.done $0x0;
	s16 =	sadd.s32 s6, s19  }
0x18d: {  	[sflag:s12] =	ssyncadd.s32 $0xFFFFEC00;
	s16 =	smul.u32 $0x280, s16;
	s7 =	sshra.s32 s7, $0x2  }
0x18e: {  	[tilespmem:s23], [sflag:$0x5] =	stream.indirect.gather [hbm4b:s4+s24], $0x40, s7, s24, $0xb8;
	[tilespmem:$0xE100] =	vst v63  }
0x18f: {  	s22 =	sadd.s32 s2, s16  }
0x190: {  	[hbm4b:s22+s3] =	stream.linear.scatter [tilespmem:s25], [sflag:$0x6], $0x1400, $0x38;
	[tilespmem:$0xE100] =	vst v63  }
0x191: {  	_ =	swait.ge [sflag:s28], $0x1400  }
0x192: {  	[sflag:s28] =	ssyncset.done $0x0  }
0x193: {  	s20 =	simm.s32 $0x9170;
	[sflag:s28] =	ssyncadd.s32 $0xFFFFEC00  }
0x194: {  	s21 =	simm.s32 $0x2D70;
	v0 =	vld [tilespmem:s20+$0xFFFFFF90]  }
0x195: {  	v1 =	vld [tilespmem:s21+$0xFFFFFF90];
	_ =	sdelay $0x4  }
0x196: {  	v0 =	vadd.f32 v1, v0;
	_ =	sdelay $0x1  }
0x197: {  	[tilespmem:s20+$0xFFFFFF90] =	vst v0;
	v0 =	vld [tilespmem:s20+$0xFFFFFFA0]  }
0x198: {  	v1 =	vld [tilespmem:s21+$0xFFFFFFA0];
	_ =	sdelay $0x4  }
0x199: {  	v0 =	vadd.f32 v1, v0;
	_ =	sdelay $0x1  }
0x19a: {  	[tilespmem:s20+$0xFFFFFFA0] =	vst v0;
	v0 =	vld [tilespmem:s20+$0xFFFFFFB0]  }
0x19b: {  	v1 =	vld [tilespmem:s21+$0xFFFFFFB0];
	_ =	sdelay $0x4  }
0x19c: {  	v0 =	vadd.f32 v1, v0;
	_ =	sdelay $0x1  }
0x19d: {  	[tilespmem:s20+$0xFFFFFFB0] =	vst v0;
	v0 =	vld [tilespmem:s20+$0xFFFFFFC0]  }
0x19e: {  	v1 =	vld [tilespmem:s21+$0xFFFFFFC0];
	_ =	sdelay $0x4  }
0x19f: {  	v0 =	vadd.f32 v1, v0;
	_ =	sdelay $0x1  }
0x1a0: {  	[tilespmem:s20+$0xFFFFFFC0] =	vst v0;
	v0 =	vld [tilespmem:s20+$0xFFFFFFD0]  }
0x1a1: {  	v1 =	vld [tilespmem:s21+$0xFFFFFFD0];
	_ =	sdelay $0x4  }
0x1a2: {  	v0 =	vadd.f32 v1, v0;
	_ =	sdelay $0x1  }
0x1a3: {  	[tilespmem:s20+$0xFFFFFFD0] =	vst v0;
	v0 =	vld [tilespmem:s20+$0xFFFFFFE0]  }
0x1a4: {  	v1 =	vld [tilespmem:s21+$0xFFFFFFE0];
	_ =	sdelay $0x4  }
0x1a5: {  	v0 =	vadd.f32 v1, v0;
	_ =	sdelay $0x1  }
0x1a6: {  	[tilespmem:s20+$0xFFFFFFE0] =	vst v0;
	v0 =	vld [tilespmem:s20+$0xFFFFFFF0]  }
0x1a7: {  	v1 =	vld [tilespmem:s21+$0xFFFFFFF0];
	_ =	sdelay $0x4  }
0x1a8: {  	v0 =	vadd.f32 v1, v0;
	_ =	sdelay $0x1  }
0x1a9: {  	[tilespmem:s20+$0xFFFFFFF0] =	vst v0;
	v0 =	vld [tilespmem:s20+$0x0]  }
0x1aa: {  	v1 =	vld [tilespmem:s21+$0x0];
	_ =	sdelay $0x4  }
0x1ab: {  	v0 =	vadd.f32 v1, v0  }
0x1ac: {  	s7 =	simm.s32 $0x0;
	s22 =	simm.s32 $0x91F0  }
.LBB2_15:
0x1ad: {  	v1 =	vld [tilespmem:s22+$0xFFFFFF90];
	[tilespmem:s20+$0x0] =	vst v0;
	s21 =	sadd.s32 $0x80, s21;
	s20 =	smov.u32 s22  }
0x1ae: {  	s7 =	sadd.s32 $0x2, s7;
	v0 =	vld [tilespmem:s21+$0xFFFFFF90]  }
0x1af: {  	p0 =	slt.u32 s7, $0x4E;
	_ =	sdelay $0x3  }
0x1b0: {  	v0 =	vadd.f32 v0, v1;
	_ =	sdelay $0x1  }
0x1b1: {  	[tilespmem:s22+$0xFFFFFF90] =	vst v0;
	v0 =	vld [tilespmem:s22+$0xFFFFFFA0]  }
0x1b2: {  	v1 =	vld [tilespmem:s21+$0xFFFFFFA0];
	_ =	sdelay $0x4  }
0x1b3: {  	v0 =	vadd.f32 v1, v0;
	_ =	sdelay $0x1  }
0x1b4: {  	[tilespmem:s22+$0xFFFFFFA0] =	vst v0;
	v0 =	vld [tilespmem:s22+$0xFFFFFFB0]  }
0x1b5: {  	v1 =	vld [tilespmem:s21+$0xFFFFFFB0];
	_ =	sdelay $0x4  }
0x1b6: {  	v0 =	vadd.f32 v1, v0;
	_ =	sdelay $0x1  }
0x1b7: {  	[tilespmem:s22+$0xFFFFFFB0] =	vst v0;
	v0 =	vld [tilespmem:s22+$0xFFFFFFC0]  }
0x1b8: {  	v1 =	vld [tilespmem:s21+$0xFFFFFFC0];
	_ =	sdelay $0x4  }
0x1b9: {  	v0 =	vadd.f32 v1, v0;
	_ =	sdelay $0x1  }
0x1ba: {  	[tilespmem:s22+$0xFFFFFFC0] =	vst v0;
	v0 =	vld [tilespmem:s22+$0xFFFFFFD0]  }
0x1bb: {  	v1 =	vld [tilespmem:s21+$0xFFFFFFD0];
	_ =	sdelay $0x4  }
0x1bc: {  	v0 =	vadd.f32 v1, v0;
	_ =	sdelay $0x1  }
0x1bd: {  	[tilespmem:s22+$0xFFFFFFD0] =	vst v0;
	v0 =	vld [tilespmem:s22+$0xFFFFFFE0]  }
0x1be: {  	v1 =	vld [tilespmem:s21+$0xFFFFFFE0];
	_ =	sdelay $0x4  }
0x1bf: {  	v0 =	vadd.f32 v1, v0;
	_ =	sdelay $0x1  }
0x1c0: {  	[tilespmem:s22+$0xFFFFFFE0] =	vst v0;
	v0 =	vld [tilespmem:s22+$0xFFFFFFF0]  }
0x1c1: {  	v1 =	vld [tilespmem:s21+$0xFFFFFFF0];
	_ =	sdelay $0x4  }
0x1c2: {  	v0 =	vadd.f32 v1, v0;
	_ =	sdelay $0x1  }
0x1c3: {  	[tilespmem:s22+$0xFFFFFFF0] =	vst v0;
	v0 =	vld [tilespmem:s22+$0x0]  }
0x1c4: {  	v1 =	vld [tilespmem:s21+$0x0];
	_ =	sdelay $0x1  }
.Ltmp6:
0x1c5: {  	(pc) =	sbr.rel @p0 .LBB2_15-.Ltmp6, $3  }
0x1c6: {  	_ =	sdelay $0x1  }
0x1c7: {  	v0 =	vadd.f32 v1, v0  }
0x1c8: {  	s22 =	sadd.s32 $0x80, s22  }
0x1c9: {  	[tilespmem:s20+$0x0] =	vst v0;
	s7 =	smul.u32 $0x640, s17  }
0x1ca: {  	_ =	swait.ge [sflag:s30], $0x1400  }
0x1cb: {  	s22 =	sadd.s32 s19, s13;
	[sflag:s30] =	ssyncset.done $0x0;
	s20 =	sshra.s32 s7, $0x2  }
0x1cc: {  	s7 =	smul.u32 $0x280, s22;
	[sflag:s30] =	ssyncadd.s32 $0xFFFFEC00;
	s16 =	sadd.s32 $0x190, s20  }
0x1cd: {  	[tilespmem:s25], [sflag:$0x1] =	stream.indirect.gather [hbm4b:s4+s24], $0x40, s16, s24, $0xb8;
	[tilespmem:$0xE100] =	vst v63  }
0x1ce: {  	s7 =	sadd.s32 s2, s7  }
0x1cf: {  	[hbm4b:s7+s3] =	stream.linear.scatter [tilespmem:s26], [sflag:$0x7], $0x1400, $0x38;
	[tilespmem:$0xE100] =	vst v63  }
0x1d0: {  	_ =	swait.ge [sflag:s0], $0x1400  }
0x1d1: {  	[sflag:s0] =	ssyncset.done $0x0  }
0x1d2: {  	s21 =	simm.s32 $0xA570;
	[sflag:s0] =	ssyncadd.s32 $0xFFFFEC00  }
0x1d3: {  	s7 =	simm.s32 $0x4170;
	v0 =	vld [tilespmem:s21+$0xFFFFFF90]  }
0x1d4: {  	v1 =	vld [tilespmem:s7+$0xFFFFFF90];
	_ =	sdelay $0x4  }
0x1d5: {  	v0 =	vadd.f32 v1, v0;
	_ =	sdelay $0x1  }
0x1d6: {  	[tilespmem:s21+$0xFFFFFF90] =	vst v0;
	v0 =	vld [tilespmem:s21+$0xFFFFFFA0]  }
0x1d7: {  	v1 =	vld [tilespmem:s7+$0xFFFFFFA0];
	_ =	sdelay $0x4  }
0x1d8: {  	v0 =	vadd.f32 v1, v0;
	_ =	sdelay $0x1  }
0x1d9: {  	[tilespmem:s21+$0xFFFFFFA0] =	vst v0;
	v0 =	vld [tilespmem:s21+$0xFFFFFFB0]  }
0x1da: {  	v1 =	vld [tilespmem:s7+$0xFFFFFFB0];
	_ =	sdelay $0x4  }
0x1db: {  	v0 =	vadd.f32 v1, v0;
	_ =	sdelay $0x1  }
0x1dc: {  	[tilespmem:s21+$0xFFFFFFB0] =	vst v0;
	v0 =	vld [tilespmem:s21+$0xFFFFFFC0]  }
0x1dd: {  	v1 =	vld [tilespmem:s7+$0xFFFFFFC0];
	_ =	sdelay $0x4  }
0x1de: {  	v0 =	vadd.f32 v1, v0;
	_ =	sdelay $0x1  }
0x1df: {  	[tilespmem:s21+$0xFFFFFFC0] =	vst v0;
	v0 =	vld [tilespmem:s21+$0xFFFFFFD0]  }
0x1e0: {  	v1 =	vld [tilespmem:s7+$0xFFFFFFD0];
	_ =	sdelay $0x4  }
0x1e1: {  	v0 =	vadd.f32 v1, v0;
	_ =	sdelay $0x1  }
0x1e2: {  	[tilespmem:s21+$0xFFFFFFD0] =	vst v0;
	v0 =	vld [tilespmem:s21+$0xFFFFFFE0]  }
0x1e3: {  	v1 =	vld [tilespmem:s7+$0xFFFFFFE0];
	_ =	sdelay $0x4  }
0x1e4: {  	v0 =	vadd.f32 v1, v0;
	_ =	sdelay $0x1  }
0x1e5: {  	[tilespmem:s21+$0xFFFFFFE0] =	vst v0;
	v0 =	vld [tilespmem:s21+$0xFFFFFFF0]  }
0x1e6: {  	v1 =	vld [tilespmem:s7+$0xFFFFFFF0];
	_ =	sdelay $0x4  }
0x1e7: {  	v0 =	vadd.f32 v1, v0;
	_ =	sdelay $0x1  }
0x1e8: {  	[tilespmem:s21+$0xFFFFFFF0] =	vst v0;
	v0 =	vld [tilespmem:s21+$0x0]  }
0x1e9: {  	v1 =	vld [tilespmem:s7+$0x0];
	_ =	sdelay $0x4  }
0x1ea: {  	v0 =	vadd.f32 v1, v0  }
0x1eb: {  	s22 =	simm.s32 $0x0;
	s16 =	simm.s32 $0xA5F0  }
.LBB2_17:
0x1ec: {  	v1 =	vld [tilespmem:s16+$0xFFFFFF90];
	[tilespmem:s21+$0x0] =	vst v0;
	s7 =	sadd.s32 $0x80, s7;
	s21 =	smov.u32 s16  }
0x1ed: {  	s22 =	sadd.s32 $0x2, s22;
	v0 =	vld [tilespmem:s7+$0xFFFFFF90]  }
0x1ee: {  	p0 =	slt.u32 s22, $0x4E;
	_ =	sdelay $0x3  }
0x1ef: {  	v0 =	vadd.f32 v0, v1;
	_ =	sdelay $0x1  }
0x1f0: {  	[tilespmem:s16+$0xFFFFFF90] =	vst v0;
	v0 =	vld [tilespmem:s16+$0xFFFFFFA0]  }
0x1f1: {  	v1 =	vld [tilespmem:s7+$0xFFFFFFA0];
	_ =	sdelay $0x4  }
0x1f2: {  	v0 =	vadd.f32 v1, v0;
	_ =	sdelay $0x1  }
0x1f3: {  	[tilespmem:s16+$0xFFFFFFA0] =	vst v0;
	v0 =	vld [tilespmem:s16+$0xFFFFFFB0]  }
0x1f4: {  	v1 =	vld [tilespmem:s7+$0xFFFFFFB0];
	_ =	sdelay $0x4  }
0x1f5: {  	v0 =	vadd.f32 v1, v0;
	_ =	sdelay $0x1  }
0x1f6: {  	[tilespmem:s16+$0xFFFFFFB0] =	vst v0;
	v0 =	vld [tilespmem:s16+$0xFFFFFFC0]  }
0x1f7: {  	v1 =	vld [tilespmem:s7+$0xFFFFFFC0];
	_ =	sdelay $0x4  }
0x1f8: {  	v0 =	vadd.f32 v1, v0;
	_ =	sdelay $0x1  }
0x1f9: {  	[tilespmem:s16+$0xFFFFFFC0] =	vst v0;
	v0 =	vld [tilespmem:s16+$0xFFFFFFD0]  }
0x1fa: {  	v1 =	vld [tilespmem:s7+$0xFFFFFFD0];
	_ =	sdelay $0x4  }
0x1fb: {  	v0 =	vadd.f32 v1, v0;
	_ =	sdelay $0x1  }
0x1fc: {  	[tilespmem:s16+$0xFFFFFFD0] =	vst v0;
	v0 =	vld [tilespmem:s16+$0xFFFFFFE0]  }
0x1fd: {  	v1 =	vld [tilespmem:s7+$0xFFFFFFE0];
	_ =	sdelay $0x4  }
0x1fe: {  	v0 =	vadd.f32 v1, v0;
	_ =	sdelay $0x1  }
0x1ff: {  	[tilespmem:s16+$0xFFFFFFE0] =	vst v0;
	v0 =	vld [tilespmem:s16+$0xFFFFFFF0]  }
0x200: {  	v1 =	vld [tilespmem:s7+$0xFFFFFFF0];
	_ =	sdelay $0x4  }
0x201: {  	v0 =	vadd.f32 v1, v0;
	_ =	sdelay $0x1  }
0x202: {  	[tilespmem:s16+$0xFFFFFFF0] =	vst v0;
	v0 =	vld [tilespmem:s16+$0x0]  }
0x203: {  	v1 =	vld [tilespmem:s7+$0x0];
	_ =	sdelay $0x1  }
.Ltmp7:
0x204: {  	(pc) =	sbr.rel @p0 .LBB2_17-.Ltmp7, $3  }
0x205: {  	_ =	sdelay $0x1  }
0x206: {  	v0 =	vadd.f32 v1, v0  }
0x207: {  	s16 =	sadd.s32 $0x80, s16  }
0x208: {  	[tilespmem:s21+$0x0] =	vst v0  }
0x209: {  	_ =	swait.ge [sflag:s5], $0x1400  }
0x20a: {  	s7 =	sadd.s32 s19, s14;
	[sflag:s5] =	ssyncset.done $0x0  }
0x20b: {  	s16 =	sadd.s32 $0x1E0, s20;
	s7 =	smul.u32 $0x280, s7;
	[sflag:s5] =	ssyncadd.s32 $0xFFFFEC00  }
0x20c: {  	[tilespmem:s26], [sflag:$0x2] =	stream.indirect.gather [hbm4b:s4+s24], $0x40, s16, s24, $0xb8;
	[tilespmem:$0xE100] =	vst v63  }
0x20d: {  	s7 =	sadd.s32 s2, s7  }
0x20e: {  	[hbm4b:s7+s3] =	stream.linear.scatter [tilespmem:s29], [sflag:$0x8], $0x1400, $0x38;
	[tilespmem:$0xE100] =	vst v63  }
0x20f: {  	_ =	swait.ge [sflag:s8], $0x1400  }
0x210: {  	[sflag:s8] =	ssyncset.done $0x0  }
0x211: {  	s21 =	simm.s32 $0xB970;
	[sflag:s8] =	ssyncadd.s32 $0xFFFFEC00  }
0x212: {  	s7 =	simm.s32 $0x2370;
	v0 =	vld [tilespmem:s21+$0xFFFFFF90]  }
0x213: {  	v1 =	vld [tilespmem:s7+$0xFFFFFF90];
	_ =	sdelay $0x4  }
0x214: {  	v0 =	vadd.f32 v1, v0;
	_ =	sdelay $0x1  }
0x215: {  	[tilespmem:s21+$0xFFFFFF90] =	vst v0;
	v0 =	vld [tilespmem:s21+$0xFFFFFFA0]  }
0x216: {  	v1 =	vld [tilespmem:s7+$0xFFFFFFA0];
	_ =	sdelay $0x4  }
0x217: {  	v0 =	vadd.f32 v1, v0;
	_ =	sdelay $0x1  }
0x218: {  	[tilespmem:s21+$0xFFFFFFA0] =	vst v0;
	v0 =	vld [tilespmem:s21+$0xFFFFFFB0]  }
0x219: {  	v1 =	vld [tilespmem:s7+$0xFFFFFFB0];
	_ =	sdelay $0x4  }
0x21a: {  	v0 =	vadd.f32 v1, v0;
	_ =	sdelay $0x1  }
0x21b: {  	[tilespmem:s21+$0xFFFFFFB0] =	vst v0;
	v0 =	vld [tilespmem:s21+$0xFFFFFFC0]  }
0x21c: {  	v1 =	vld [tilespmem:s7+$0xFFFFFFC0];
	_ =	sdelay $0x4  }
0x21d: {  	v0 =	vadd.f32 v1, v0;
	_ =	sdelay $0x1  }
0x21e: {  	[tilespmem:s21+$0xFFFFFFC0] =	vst v0;
	v0 =	vld [tilespmem:s21+$0xFFFFFFD0]  }
0x21f: {  	v1 =	vld [tilespmem:s7+$0xFFFFFFD0];
	_ =	sdelay $0x4  }
0x220: {  	v0 =	vadd.f32 v1, v0;
	_ =	sdelay $0x1  }
0x221: {  	[tilespmem:s21+$0xFFFFFFD0] =	vst v0;
	v0 =	vld [tilespmem:s21+$0xFFFFFFE0]  }
0x222: {  	v1 =	vld [tilespmem:s7+$0xFFFFFFE0];
	_ =	sdelay $0x4  }
0x223: {  	v0 =	vadd.f32 v1, v0;
	_ =	sdelay $0x1  }
0x224: {  	[tilespmem:s21+$0xFFFFFFE0] =	vst v0;
	v0 =	vld [tilespmem:s21+$0xFFFFFFF0]  }
0x225: {  	v1 =	vld [tilespmem:s7+$0xFFFFFFF0];
	_ =	sdelay $0x4  }
0x226: {  	v0 =	vadd.f32 v1, v0;
	_ =	sdelay $0x1  }
0x227: {  	[tilespmem:s21+$0xFFFFFFF0] =	vst v0;
	v0 =	vld [tilespmem:s21+$0x0]  }
0x228: {  	v1 =	vld [tilespmem:s7+$0x0];
	_ =	sdelay $0x4  }
0x229: {  	v0 =	vadd.f32 v1, v0  }
0x22a: {  	s22 =	simm.s32 $0x0;
	s16 =	simm.s32 $0xB9F0  }
.LBB2_19:
0x22b: {  	v1 =	vld [tilespmem:s16+$0xFFFFFF90];
	[tilespmem:s21+$0x0] =	vst v0;
	s7 =	sadd.s32 $0x80, s7;
	s21 =	smov.u32 s16  }
0x22c: {  	s22 =	sadd.s32 $0x2, s22;
	v0 =	vld [tilespmem:s7+$0xFFFFFF90]  }
0x22d: {  	p0 =	slt.u32 s22, $0x4E;
	_ =	sdelay $0x3  }
0x22e: {  	v0 =	vadd.f32 v0, v1;
	_ =	sdelay $0x1  }
0x22f: {  	[tilespmem:s16+$0xFFFFFF90] =	vst v0;
	v0 =	vld [tilespmem:s16+$0xFFFFFFA0]  }
0x230: {  	v1 =	vld [tilespmem:s7+$0xFFFFFFA0];
	_ =	sdelay $0x4  }
0x231: {  	v0 =	vadd.f32 v1, v0;
	_ =	sdelay $0x1  }
0x232: {  	[tilespmem:s16+$0xFFFFFFA0] =	vst v0;
	v0 =	vld [tilespmem:s16+$0xFFFFFFB0]  }
0x233: {  	v1 =	vld [tilespmem:s7+$0xFFFFFFB0];
	_ =	sdelay $0x4  }
0x234: {  	v0 =	vadd.f32 v1, v0;
	_ =	sdelay $0x1  }
0x235: {  	[tilespmem:s16+$0xFFFFFFB0] =	vst v0;
	v0 =	vld [tilespmem:s16+$0xFFFFFFC0]  }
0x236: {  	v1 =	vld [tilespmem:s7+$0xFFFFFFC0];
	_ =	sdelay $0x4  }
0x237: {  	v0 =	vadd.f32 v1, v0;
	_ =	sdelay $0x1  }
0x238: {  	[tilespmem:s16+$0xFFFFFFC0] =	vst v0;
	v0 =	vld [tilespmem:s16+$0xFFFFFFD0]  }
0x239: {  	v1 =	vld [tilespmem:s7+$0xFFFFFFD0];
	_ =	sdelay $0x4  }
0x23a: {  	v0 =	vadd.f32 v1, v0;
	_ =	sdelay $0x1  }
0x23b: {  	[tilespmem:s16+$0xFFFFFFD0] =	vst v0;
	v0 =	vld [tilespmem:s16+$0xFFFFFFE0]  }
0x23c: {  	v1 =	vld [tilespmem:s7+$0xFFFFFFE0];
	_ =	sdelay $0x4  }
0x23d: {  	v0 =	vadd.f32 v1, v0;
	_ =	sdelay $0x1  }
0x23e: {  	[tilespmem:s16+$0xFFFFFFE0] =	vst v0;
	v0 =	vld [tilespmem:s16+$0xFFFFFFF0]  }
0x23f: {  	v1 =	vld [tilespmem:s7+$0xFFFFFFF0];
	_ =	sdelay $0x4  }
0x240: {  	v0 =	vadd.f32 v1, v0;
	_ =	sdelay $0x1  }
0x241: {  	[tilespmem:s16+$0xFFFFFFF0] =	vst v0;
	v0 =	vld [tilespmem:s16+$0x0]  }
0x242: {  	v1 =	vld [tilespmem:s7+$0x0];
	_ =	sdelay $0x1  }
.Ltmp8:
0x243: {  	(pc) =	sbr.rel @p0 .LBB2_19-.Ltmp8, $3  }
0x244: {  	_ =	sdelay $0x1  }
0x245: {  	v0 =	vadd.f32 v1, v0  }
0x246: {  	s16 =	sadd.s32 $0x80, s16  }
0x247: {  	[tilespmem:s21+$0x0] =	vst v0  }
0x248: {  	_ =	swait.ge [sflag:s9], $0x1400  }
0x249: {  	s7 =	sadd.s32 s19, s15;
	[sflag:s9] =	ssyncset.done $0x0  }
0x24a: {  	s16 =	sadd.s32 $0x230, s20;
	s7 =	smul.u32 $0x280, s7;
	[sflag:s9] =	ssyncadd.s32 $0xFFFFEC00  }
0x24b: {  	[tilespmem:s29], [sflag:$0x3] =	stream.indirect.gather [hbm4b:s4+s24], $0x40, s16, s24, $0xb8;
	[tilespmem:$0xE100] =	vst v63  }
0x24c: {  	s22 =	simm.s32 $0x0;
	s7 =	sadd.s32 s2, s7  }
0x24d: {  	[hbm4b:s7+s22] =	stream.linear.scatter [tilespmem:s31], [sflag:$0x9], $0x1400, $0x38;
	[tilespmem:$0xE100] =	vst v63  }
0x24e: {  	_ =	swait.ge [sflag:s10], $0x1400  }
0x24f: {  	[sflag:s10] =	ssyncset.done $0x0  }
0x250: {  	s7 =	simm.s32 $0x0;
	[sflag:s10] =	ssyncadd.s32 $0xFFFFEC00  }
0x251: {  	v3 =	vld [tilespmem:s7+$0xCD50]  }
0x252: {  	v1 =	vld [tilespmem:s7+$0x3770]  }
0x253: {  	v2 =	vld [tilespmem:s7+$0xCD70]  }
0x254: {  	v4 =	vld [tilespmem:s7+$0x3760]  }
0x255: {  	v5 =	vld [tilespmem:s7+$0xCD60]  }
0x256: {  	v6 =	vld [tilespmem:s7+$0x3750]  }
0x257: {  	v0 =	vld [tilespmem:s7+$0xCD40]  }
0x258: {  	v7 =	vld [tilespmem:s7+$0x3730]  }
0x259: {  	v8 =	vld [tilespmem:s7+$0xCD30]  }
0x25a: {  	v2 =	vadd.f32 v1, v2;
	v1 =	vld [tilespmem:s7+$0x3720]  }
0x25b: {  	v5 =	vadd.f32 v4, v5;
	v4 =	vld [tilespmem:s7+$0x3710]  }
0x25c: {  	v6 =	vadd.f32 v6, v3;
	v3 =	vld [tilespmem:s7+$0x3700]  }
0x25d: {  	[tilespmem:s7+$0xCD70] =	vst v2;
	v2 =	vld [tilespmem:s7+$0xCD20]  }
0x25e: {  	[tilespmem:s7+$0xCD50] =	vst v6;
	v6 =	vld [tilespmem:s7+$0xCD10]  }
0x25f: {  	s19 =	simm.s32 $0x200;
	s16 =	simm.s32 $0x0;
	v7 =	vadd.f32 v7, v8;
	[tilespmem:s7+$0xCD60] =	vst v5;
	v5 =	vld [tilespmem:s7+$0x3740]  }
.LBB2_21:
0x260: {  	s21 =	sshra.s32 s19, $0x2;
	s16 =	sadd.s32 $0x2, s16;
	v8 =	vld [tilespmem:s7+$0xCD00]  }
0x261: {  	v9 =	vld [tilespmem:s21+$0xCD50];
	p0 =	slt.u32 s16, $0x4E  }
0x262: {  	v10 =	vld [tilespmem:s21+$0x3770]  }
0x263: {  	v11 =	vld [tilespmem:s21+$0xCD70];
	v4 =	vadd.f32 v4, v6;
	[tilespmem:s7+$0xCD30] =	vst v7  }
0x264: {  	v1 =	vadd.f32 v1, v2;
	v6 =	vld [tilespmem:s21+$0x3760];
	v0 =	vadd.f32 v5, v0  }
0x265: {  	v2 =	vld [tilespmem:s21+$0xCD60];
	v3 =	vadd.f32 v3, v8;
	[tilespmem:s7+$0xCD10] =	vst v4  }
0x266: {  	v4 =	vld [tilespmem:s21+$0x3750];
	[tilespmem:s7+$0xCD40] =	vst v0  }
0x267: {  	v0 =	vld [tilespmem:s21+$0xCD40];
	[tilespmem:s7+$0xCD20] =	vst v1  }
0x268: {  	v5 =	vld [tilespmem:s21+$0x3730];
	v7 =	vadd.f32 v10, v11;
	[tilespmem:s7+$0xCD00] =	vst v3;
	s7 =	smov.u32 s21  }
0x269: {  	v8 =	vld [tilespmem:s7+$0xCD30]  }
0x26a: {  	v1 =	vld [tilespmem:s7+$0x3720];
	v3 =	vadd.f32 v6, v2;
	[tilespmem:s7+$0xCD70] =	vst v7  }
.Ltmp9:
0x26b: {  	v2 =	vld [tilespmem:s7+$0xCD20];
	v6 =	vadd.f32 v4, v9;
	(pc) =	sbr.rel @p0 .LBB2_21-.Ltmp9, $4  }
0x26c: {  	v4 =	vld [tilespmem:s7+$0x3710];
	[tilespmem:s7+$0xCD60] =	vst v3  }
0x26d: {  	v3 =	vld [tilespmem:s7+$0x3700];
	[tilespmem:s7+$0xCD50] =	vst v6  }
0x26e: {  	v6 =	vld [tilespmem:s7+$0xCD10];
	v7 =	vadd.f32 v5, v8  }
0x26f: {  	s19 =	sadd.s32 $0x200, s19;
	v5 =	vld [tilespmem:s7+$0x3740]  }
0x270: {  	v8 =	vld [tilespmem:s7+$0xCD00];
	_ =	sdelay $0x1  }
0x271: {  	v1 =	vadd.f32 v1, v2  }
0x272: {  	[tilespmem:s7+$0xCD30] =	vst v7;
	v4 =	vadd.f32 v4, v6  }
0x273: {  	[tilespmem:s7+$0xCD20] =	vst v1;
	v0 =	vadd.f32 v5, v0  }
0x274: {  	[tilespmem:s7+$0xCD10] =	vst v4;
	v63 =	vadd.f32 v3, v8  }
0x275: {  	[tilespmem:s7+$0xCD40] =	vst v0  }
0x276: {  	s17 =	sadd.s32 $0x1, s17;
	[tilespmem:s7+$0xCD00] =	vst v63  }
0x277: {  	p0 =	sne.s32 s17, $0xF;
	_ =	swait.ge [sflag:s11], $0x1400  }
.Ltmp10:
0x278: {  	s22 =	sadd.s32 s6, s18;
	[sflag:s11] =	ssyncset.done $0x0;
	(pc) =	sbr.rel @p0 .LBB2_12-.Ltmp10, $4  }
0x279: {  	s16 =	sadd.s32 $0x280, s20;
	s7 =	smul.u32 $0x280, s22;
	[sflag:s11] =	ssyncadd.s32 $0xFFFFEC00  }
0x27a: {  	[tilespmem:s31], [sflag:$0x4] =	stream.indirect.gather [hbm4b:s4+s24], $0x40, s16, s24, $0xb8;
	[tilespmem:$0xE100] =	vst v63  }
0x27b: {  	s7 =	sadd.s32 s2, s7  }
0x27c: {  	[hbm4b:s7+s3] =	stream.linear.scatter [tilespmem:s23], [sflag:$0xA], $0x1400, $0x38;
	[tilespmem:$0xE100] =	vst v63  }
0x27d: {  	_ =	swait.ge [sflag:s1], $0x1400  }
0x27e: {  	[sflag:s1] =	ssyncset.done $0x0  }
0x27f: {  	s17 =	simm.s32 $0x7D40;
	[sflag:s1] =	ssyncadd.s32 $0xFFFFEC00  }
0x280: {  	s7 =	simm.s32 $0x1940;
	v0 =	vld [tilespmem:s17+$0xFFFFFFC0]  }
0x281: {  	v1 =	vld [tilespmem:s7+$0xFFFFFFC0];
	_ =	sdelay $0x4  }
0x282: {  	v0 =	vadd.f32 v1, v0;
	_ =	sdelay $0x1  }
0x283: {  	[tilespmem:s17+$0xFFFFFFC0] =	vst v0;
	v0 =	vld [tilespmem:s17+$0xFFFFFFD0]  }
0x284: {  	v1 =	vld [tilespmem:s7+$0xFFFFFFD0];
	_ =	sdelay $0x4  }
0x285: {  	v0 =	vadd.f32 v1, v0;
	_ =	sdelay $0x1  }
0x286: {  	[tilespmem:s17+$0xFFFFFFD0] =	vst v0;
	v0 =	vld [tilespmem:s17+$0xFFFFFFE0]  }
0x287: {  	v1 =	vld [tilespmem:s7+$0xFFFFFFE0];
	_ =	sdelay $0x4  }
0x288: {  	v0 =	vadd.f32 v1, v0;
	_ =	sdelay $0x1  }
0x289: {  	[tilespmem:s17+$0xFFFFFFE0] =	vst v0;
	v0 =	vld [tilespmem:s17+$0xFFFFFFF0]  }
0x28a: {  	v1 =	vld [tilespmem:s7+$0xFFFFFFF0];
	_ =	sdelay $0x4  }
0x28b: {  	v0 =	vadd.f32 v1, v0;
	_ =	sdelay $0x1  }
0x28c: {  	[tilespmem:s17+$0xFFFFFFF0] =	vst v0;
	v0 =	vld [tilespmem:s17+$0x0]  }
0x28d: {  	v1 =	vld [tilespmem:s7+$0x0];
	_ =	sdelay $0x4  }
0x28e: {  	v0 =	vadd.f32 v1, v0;
	_ =	sdelay $0x1  }
0x28f: {  	[tilespmem:s17+$0x0] =	vst v0;
	v0 =	vld [tilespmem:s17+$0x10]  }
0x290: {  	v1 =	vld [tilespmem:s7+$0x10];
	_ =	sdelay $0x4  }
0x291: {  	v0 =	vadd.f32 v1, v0;
	_ =	sdelay $0x1  }
0x292: {  	[tilespmem:s17+$0x10] =	vst v0;
	v0 =	vld [tilespmem:s17+$0x20]  }
0x293: {  	v1 =	vld [tilespmem:s7+$0x20];
	_ =	sdelay $0x4  }
0x294: {  	v0 =	vadd.f32 v1, v0;
	_ =	sdelay $0x1  }
0x295: {  	[tilespmem:s17+$0x20] =	vst v0;
	v0 =	vld [tilespmem:s17+$0x30]  }
0x296: {  	v1 =	vld [tilespmem:s7+$0x30];
	_ =	sdelay $0x4  }
0x297: {  	v0 =	vadd.f32 v1, v0  }
0x298: {  	s18 =	simm.s32 $0x0;
	s16 =	simm.s32 $0x7DC0  }
.LBB2_24:
0x299: {  	v1 =	vld [tilespmem:s16+$0xFFFFFFC0];
	[tilespmem:s17+$0x30] =	vst v0;
	s7 =	sadd.s32 $0x80, s7;
	s17 =	smov.u32 s16  }
0x29a: {  	s18 =	sadd.s32 $0x2, s18;
	v0 =	vld [tilespmem:s7+$0xFFFFFFC0]  }
0x29b: {  	p0 =	slt.u32 s18, $0x4E;
	_ =	sdelay $0x3  }
0x29c: {  	v0 =	vadd.f32 v0, v1;
	_ =	sdelay $0x1  }
0x29d: {  	[tilespmem:s16+$0xFFFFFFC0] =	vst v0;
	v0 =	vld [tilespmem:s16+$0xFFFFFFD0]  }
0x29e: {  	v1 =	vld [tilespmem:s7+$0xFFFFFFD0];
	_ =	sdelay $0x4  }
0x29f: {  	v0 =	vadd.f32 v1, v0;
	_ =	sdelay $0x1  }
0x2a0: {  	[tilespmem:s16+$0xFFFFFFD0] =	vst v0;
	v0 =	vld [tilespmem:s16+$0xFFFFFFE0]  }
0x2a1: {  	v1 =	vld [tilespmem:s7+$0xFFFFFFE0];
	_ =	sdelay $0x4  }
0x2a2: {  	v0 =	vadd.f32 v1, v0;
	_ =	sdelay $0x1  }
0x2a3: {  	[tilespmem:s16+$0xFFFFFFE0] =	vst v0;
	v0 =	vld [tilespmem:s16+$0xFFFFFFF0]  }
0x2a4: {  	v1 =	vld [tilespmem:s7+$0xFFFFFFF0];
	_ =	sdelay $0x4  }
0x2a5: {  	v0 =	vadd.f32 v1, v0;
	_ =	sdelay $0x1  }
0x2a6: {  	[tilespmem:s16+$0xFFFFFFF0] =	vst v0;
	v0 =	vld [tilespmem:s16+$0x0]  }
0x2a7: {  	v1 =	vld [tilespmem:s7+$0x0];
	_ =	sdelay $0x4  }
0x2a8: {  	v0 =	vadd.f32 v1, v0;
	_ =	sdelay $0x1  }
0x2a9: {  	[tilespmem:s16+$0x0] =	vst v0;
	v0 =	vld [tilespmem:s16+$0x10]  }
0x2aa: {  	v1 =	vld [tilespmem:s7+$0x10];
	_ =	sdelay $0x4  }
0x2ab: {  	v0 =	vadd.f32 v1, v0;
	_ =	sdelay $0x1  }
0x2ac: {  	[tilespmem:s16+$0x10] =	vst v0;
	v0 =	vld [tilespmem:s16+$0x20]  }
0x2ad: {  	v1 =	vld [tilespmem:s7+$0x20];
	_ =	sdelay $0x4  }
0x2ae: {  	v0 =	vadd.f32 v1, v0;
	_ =	sdelay $0x1  }
0x2af: {  	[tilespmem:s16+$0x20] =	vst v0;
	v0 =	vld [tilespmem:s16+$0x30]  }
0x2b0: {  	v1 =	vld [tilespmem:s7+$0x30];
	_ =	sdelay $0x1  }
.Ltmp11:
0x2b1: {  	(pc) =	sbr.rel @p0 .LBB2_24-.Ltmp11, $3  }
0x2b2: {  	_ =	sdelay $0x1  }
0x2b3: {  	v0 =	vadd.f32 v1, v0  }
0x2b4: {  	s16 =	sadd.s32 $0x80, s16  }
0x2b5: {  	[tilespmem:s17+$0x30] =	vst v0  }
0x2b6: {  	_ =	swait.ge [sflag:s12], $0x1400  }
0x2b7: {  	[sflag:s12] =	ssyncset.done $0x0  }
0x2b8: {  	s7 =	simm.s32 $0x18B0;
	[sflag:s12] =	ssyncadd.s32 $0xFFFFEC00  }
0x2b9: {  	[tilespmem:s23], [sflag:$0x5] =	stream.indirect.gather [hbm4b:s4+s24], $0x40, s7, s24, $0xb8;
	[tilespmem:$0xE100] =	vst v63  }
0x2ba: {  	s22 =	rddreg [dreg:$0xa]  }
0x2bb: {  	[hbm4b:s22+s3] =	stream.linear.scatter [tilespmem:s25], [sflag:$0x6], $0x1400, $0x38;
	[tilespmem:$0xE100] =	vst v63  }
0x2bc: {  	_ =	swait.ge [sflag:s28], $0x1400  }
0x2bd: {  	[sflag:s28] =	ssyncset.done $0x0  }
0x2be: {  	s17 =	simm.s32 $0x9170;
	[sflag:s28] =	ssyncadd.s32 $0xFFFFEC00  }
0x2bf: {  	s7 =	simm.s32 $0x2D70;
	v0 =	vld [tilespmem:s17+$0xFFFFFF90]  }
0x2c0: {  	v1 =	vld [tilespmem:s7+$0xFFFFFF90];
	_ =	sdelay $0x4  }
0x2c1: {  	v0 =	vadd.f32 v1, v0;
	_ =	sdelay $0x1  }
0x2c2: {  	[tilespmem:s17+$0xFFFFFF90] =	vst v0;
	v0 =	vld [tilespmem:s17+$0xFFFFFFA0]  }
0x2c3: {  	v1 =	vld [tilespmem:s7+$0xFFFFFFA0];
	_ =	sdelay $0x4  }
0x2c4: {  	v0 =	vadd.f32 v1, v0;
	_ =	sdelay $0x1  }
0x2c5: {  	[tilespmem:s17+$0xFFFFFFA0] =	vst v0;
	v0 =	vld [tilespmem:s17+$0xFFFFFFB0]  }
0x2c6: {  	v1 =	vld [tilespmem:s7+$0xFFFFFFB0];
	_ =	sdelay $0x4  }
0x2c7: {  	v0 =	vadd.f32 v1, v0;
	_ =	sdelay $0x1  }
0x2c8: {  	[tilespmem:s17+$0xFFFFFFB0] =	vst v0;
	v0 =	vld [tilespmem:s17+$0xFFFFFFC0]  }
0x2c9: {  	v1 =	vld [tilespmem:s7+$0xFFFFFFC0];
	_ =	sdelay $0x4  }
0x2ca: {  	v0 =	vadd.f32 v1, v0;
	_ =	sdelay $0x1  }
0x2cb: {  	[tilespmem:s17+$0xFFFFFFC0] =	vst v0;
	v0 =	vld [tilespmem:s17+$0xFFFFFFD0]  }
0x2cc: {  	v1 =	vld [tilespmem:s7+$0xFFFFFFD0];
	_ =	sdelay $0x4  }
0x2cd: {  	v0 =	vadd.f32 v1, v0;
	_ =	sdelay $0x1  }
0x2ce: {  	[tilespmem:s17+$0xFFFFFFD0] =	vst v0;
	v0 =	vld [tilespmem:s17+$0xFFFFFFE0]  }
0x2cf: {  	v1 =	vld [tilespmem:s7+$0xFFFFFFE0];
	_ =	sdelay $0x4  }
0x2d0: {  	v0 =	vadd.f32 v1, v0;
	_ =	sdelay $0x1  }
0x2d1: {  	[tilespmem:s17+$0xFFFFFFE0] =	vst v0;
	v0 =	vld [tilespmem:s17+$0xFFFFFFF0]  }
0x2d2: {  	v1 =	vld [tilespmem:s7+$0xFFFFFFF0];
	_ =	sdelay $0x4  }
0x2d3: {  	v0 =	vadd.f32 v1, v0;
	_ =	sdelay $0x1  }
0x2d4: {  	[tilespmem:s17+$0xFFFFFFF0] =	vst v0;
	v0 =	vld [tilespmem:s17+$0x0]  }
0x2d5: {  	v1 =	vld [tilespmem:s7+$0x0];
	_ =	sdelay $0x4  }
0x2d6: {  	v0 =	vadd.f32 v1, v0  }
0x2d7: {  	s18 =	simm.s32 $0x0;
	s16 =	simm.s32 $0x91F0  }
.LBB2_26:
0x2d8: {  	v1 =	vld [tilespmem:s16+$0xFFFFFF90];
	[tilespmem:s17+$0x0] =	vst v0;
	s7 =	sadd.s32 $0x80, s7;
	s17 =	smov.u32 s16  }
0x2d9: {  	s18 =	sadd.s32 $0x2, s18;
	v0 =	vld [tilespmem:s7+$0xFFFFFF90]  }
0x2da: {  	p0 =	slt.u32 s18, $0x4E;
	_ =	sdelay $0x3  }
0x2db: {  	v0 =	vadd.f32 v0, v1;
	_ =	sdelay $0x1  }
0x2dc: {  	[tilespmem:s16+$0xFFFFFF90] =	vst v0;
	v0 =	vld [tilespmem:s16+$0xFFFFFFA0]  }
0x2dd: {  	v1 =	vld [tilespmem:s7+$0xFFFFFFA0];
	_ =	sdelay $0x4  }
0x2de: {  	v0 =	vadd.f32 v1, v0;
	_ =	sdelay $0x1  }
0x2df: {  	[tilespmem:s16+$0xFFFFFFA0] =	vst v0;
	v0 =	vld [tilespmem:s16+$0xFFFFFFB0]  }
0x2e0: {  	v1 =	vld [tilespmem:s7+$0xFFFFFFB0];
	_ =	sdelay $0x4  }
0x2e1: {  	v0 =	vadd.f32 v1, v0;
	_ =	sdelay $0x1  }
0x2e2: {  	[tilespmem:s16+$0xFFFFFFB0] =	vst v0;
	v0 =	vld [tilespmem:s16+$0xFFFFFFC0]  }
0x2e3: {  	v1 =	vld [tilespmem:s7+$0xFFFFFFC0];
	_ =	sdelay $0x4  }
0x2e4: {  	v0 =	vadd.f32 v1, v0;
	_ =	sdelay $0x1  }
0x2e5: {  	[tilespmem:s16+$0xFFFFFFC0] =	vst v0;
	v0 =	vld [tilespmem:s16+$0xFFFFFFD0]  }
0x2e6: {  	v1 =	vld [tilespmem:s7+$0xFFFFFFD0];
	_ =	sdelay $0x4  }
0x2e7: {  	v0 =	vadd.f32 v1, v0;
	_ =	sdelay $0x1  }
0x2e8: {  	[tilespmem:s16+$0xFFFFFFD0] =	vst v0;
	v0 =	vld [tilespmem:s16+$0xFFFFFFE0]  }
0x2e9: {  	v1 =	vld [tilespmem:s7+$0xFFFFFFE0];
	_ =	sdelay $0x4  }
0x2ea: {  	v0 =	vadd.f32 v1, v0;
	_ =	sdelay $0x1  }
0x2eb: {  	[tilespmem:s16+$0xFFFFFFE0] =	vst v0;
	v0 =	vld [tilespmem:s16+$0xFFFFFFF0]  }
0x2ec: {  	v1 =	vld [tilespmem:s7+$0xFFFFFFF0];
	_ =	sdelay $0x4  }
0x2ed: {  	v0 =	vadd.f32 v1, v0;
	_ =	sdelay $0x1  }
0x2ee: {  	[tilespmem:s16+$0xFFFFFFF0] =	vst v0;
	v0 =	vld [tilespmem:s16+$0x0]  }
0x2ef: {  	v1 =	vld [tilespmem:s7+$0x0];
	_ =	sdelay $0x1  }
.Ltmp12:
0x2f0: {  	(pc) =	sbr.rel @p0 .LBB2_26-.Ltmp12, $3  }
0x2f1: {  	_ =	sdelay $0x1  }
0x2f2: {  	v0 =	vadd.f32 v1, v0  }
0x2f3: {  	s16 =	sadd.s32 $0x80, s16  }
0x2f4: {  	[tilespmem:s17+$0x0] =	vst v0;
	s7 =	rddreg [dreg:$0xb]  }
0x2f5: {  	[hbm4b:s7+s3] =	stream.linear.scatter [tilespmem:s26], [sflag:$0x7], $0x1400, $0x38;
	[tilespmem:$0xE100] =	vst v63  }
0x2f6: {  	_ =	swait.ge [sflag:s0], $0x1400  }
0x2f7: {  	[sflag:s0] =	ssyncset.done $0x0  }
0x2f8: {  	s17 =	simm.s32 $0xA570;
	[sflag:s0] =	ssyncadd.s32 $0xFFFFEC00  }
0x2f9: {  	s7 =	simm.s32 $0x4170;
	v0 =	vld [tilespmem:s17+$0xFFFFFF90]  }
0x2fa: {  	v1 =	vld [tilespmem:s7+$0xFFFFFF90];
	_ =	sdelay $0x4  }
0x2fb: {  	v0 =	vadd.f32 v1, v0;
	_ =	sdelay $0x1  }
0x2fc: {  	[tilespmem:s17+$0xFFFFFF90] =	vst v0;
	v0 =	vld [tilespmem:s17+$0xFFFFFFA0]  }
0x2fd: {  	v1 =	vld [tilespmem:s7+$0xFFFFFFA0];
	_ =	sdelay $0x4  }
0x2fe: {  	v0 =	vadd.f32 v1, v0;
	_ =	sdelay $0x1  }
0x2ff: {  	[tilespmem:s17+$0xFFFFFFA0] =	vst v0;
	v0 =	vld [tilespmem:s17+$0xFFFFFFB0]  }
0x300: {  	v1 =	vld [tilespmem:s7+$0xFFFFFFB0];
	_ =	sdelay $0x4  }
0x301: {  	v0 =	vadd.f32 v1, v0;
	_ =	sdelay $0x1  }
0x302: {  	[tilespmem:s17+$0xFFFFFFB0] =	vst v0;
	v0 =	vld [tilespmem:s17+$0xFFFFFFC0]  }
0x303: {  	v1 =	vld [tilespmem:s7+$0xFFFFFFC0];
	_ =	sdelay $0x4  }
0x304: {  	v0 =	vadd.f32 v1, v0;
	_ =	sdelay $0x1  }
0x305: {  	[tilespmem:s17+$0xFFFFFFC0] =	vst v0;
	v0 =	vld [tilespmem:s17+$0xFFFFFFD0]  }
0x306: {  	v1 =	vld [tilespmem:s7+$0xFFFFFFD0];
	_ =	sdelay $0x4  }
0x307: {  	v0 =	vadd.f32 v1, v0;
	_ =	sdelay $0x1  }
0x308: {  	[tilespmem:s17+$0xFFFFFFD0] =	vst v0;
	v0 =	vld [tilespmem:s17+$0xFFFFFFE0]  }
0x309: {  	v1 =	vld [tilespmem:s7+$0xFFFFFFE0];
	_ =	sdelay $0x4  }
0x30a: {  	v0 =	vadd.f32 v1, v0;
	_ =	sdelay $0x1  }
0x30b: {  	[tilespmem:s17+$0xFFFFFFE0] =	vst v0;
	v0 =	vld [tilespmem:s17+$0xFFFFFFF0]  }
0x30c: {  	v1 =	vld [tilespmem:s7+$0xFFFFFFF0];
	_ =	sdelay $0x4  }
0x30d: {  	v0 =	vadd.f32 v1, v0;
	_ =	sdelay $0x1  }
0x30e: {  	[tilespmem:s17+$0xFFFFFFF0] =	vst v0;
	v0 =	vld [tilespmem:s17+$0x0]  }
0x30f: {  	v1 =	vld [tilespmem:s7+$0x0];
	_ =	sdelay $0x4  }
0x310: {  	v0 =	vadd.f32 v1, v0  }
0x311: {  	s18 =	simm.s32 $0x0;
	s16 =	simm.s32 $0xA5F0  }
.LBB2_28:
0x312: {  	v1 =	vld [tilespmem:s16+$0xFFFFFF90];
	[tilespmem:s17+$0x0] =	vst v0;
	s7 =	sadd.s32 $0x80, s7;
	s17 =	smov.u32 s16  }
0x313: {  	s18 =	sadd.s32 $0x2, s18;
	v0 =	vld [tilespmem:s7+$0xFFFFFF90]  }
0x314: {  	p0 =	slt.u32 s18, $0x4E;
	_ =	sdelay $0x3  }
0x315: {  	v0 =	vadd.f32 v0, v1;
	_ =	sdelay $0x1  }
0x316: {  	[tilespmem:s16+$0xFFFFFF90] =	vst v0;
	v0 =	vld [tilespmem:s16+$0xFFFFFFA0]  }
0x317: {  	v1 =	vld [tilespmem:s7+$0xFFFFFFA0];
	_ =	sdelay $0x4  }
0x318: {  	v0 =	vadd.f32 v1, v0;
	_ =	sdelay $0x1  }
0x319: {  	[tilespmem:s16+$0xFFFFFFA0] =	vst v0;
	v0 =	vld [tilespmem:s16+$0xFFFFFFB0]  }
0x31a: {  	v1 =	vld [tilespmem:s7+$0xFFFFFFB0];
	_ =	sdelay $0x4  }
0x31b: {  	v0 =	vadd.f32 v1, v0;
	_ =	sdelay $0x1  }
0x31c: {  	[tilespmem:s16+$0xFFFFFFB0] =	vst v0;
	v0 =	vld [tilespmem:s16+$0xFFFFFFC0]  }
0x31d: {  	v1 =	vld [tilespmem:s7+$0xFFFFFFC0];
	_ =	sdelay $0x4  }
0x31e: {  	v0 =	vadd.f32 v1, v0;
	_ =	sdelay $0x1  }
0x31f: {  	[tilespmem:s16+$0xFFFFFFC0] =	vst v0;
	v0 =	vld [tilespmem:s16+$0xFFFFFFD0]  }
0x320: {  	v1 =	vld [tilespmem:s7+$0xFFFFFFD0];
	_ =	sdelay $0x4  }
0x321: {  	v0 =	vadd.f32 v1, v0;
	_ =	sdelay $0x1  }
0x322: {  	[tilespmem:s16+$0xFFFFFFD0] =	vst v0;
	v0 =	vld [tilespmem:s16+$0xFFFFFFE0]  }
0x323: {  	v1 =	vld [tilespmem:s7+$0xFFFFFFE0];
	_ =	sdelay $0x4  }
0x324: {  	v0 =	vadd.f32 v1, v0;
	_ =	sdelay $0x1  }
0x325: {  	[tilespmem:s16+$0xFFFFFFE0] =	vst v0;
	v0 =	vld [tilespmem:s16+$0xFFFFFFF0]  }
0x326: {  	v1 =	vld [tilespmem:s7+$0xFFFFFFF0];
	_ =	sdelay $0x4  }
0x327: {  	v0 =	vadd.f32 v1, v0;
	_ =	sdelay $0x1  }
0x328: {  	[tilespmem:s16+$0xFFFFFFF0] =	vst v0;
	v0 =	vld [tilespmem:s16+$0x0]  }
0x329: {  	v1 =	vld [tilespmem:s7+$0x0];
	_ =	sdelay $0x1  }
.Ltmp13:
0x32a: {  	(pc) =	sbr.rel @p0 .LBB2_28-.Ltmp13, $3  }
0x32b: {  	_ =	sdelay $0x1  }
0x32c: {  	v0 =	vadd.f32 v1, v0  }
0x32d: {  	s16 =	sadd.s32 $0x80, s16  }
0x32e: {  	[tilespmem:s17+$0x0] =	vst v0;
	s7 =	rddreg [dreg:$0xc]  }
0x32f: {  	[hbm4b:s7+s3] =	stream.linear.scatter [tilespmem:s29], [sflag:$0x8], $0x1400, $0x38;
	[tilespmem:$0xE100] =	vst v63  }
0x330: {  	_ =	swait.ge [sflag:s8], $0x1400  }
0x331: {  	[sflag:s8] =	ssyncset.done $0x0  }
0x332: {  	s17 =	simm.s32 $0xB970;
	[sflag:s8] =	ssyncadd.s32 $0xFFFFEC00  }
0x333: {  	s7 =	simm.s32 $0x2370;
	v0 =	vld [tilespmem:s17+$0xFFFFFF90]  }
0x334: {  	v1 =	vld [tilespmem:s7+$0xFFFFFF90];
	_ =	sdelay $0x4  }
0x335: {  	v0 =	vadd.f32 v1, v0;
	_ =	sdelay $0x1  }
0x336: {  	[tilespmem:s17+$0xFFFFFF90] =	vst v0;
	v0 =	vld [tilespmem:s17+$0xFFFFFFA0]  }
0x337: {  	v1 =	vld [tilespmem:s7+$0xFFFFFFA0];
	_ =	sdelay $0x4  }
0x338: {  	v0 =	vadd.f32 v1, v0;
	_ =	sdelay $0x1  }
0x339: {  	[tilespmem:s17+$0xFFFFFFA0] =	vst v0;
	v0 =	vld [tilespmem:s17+$0xFFFFFFB0]  }
0x33a: {  	v1 =	vld [tilespmem:s7+$0xFFFFFFB0];
	_ =	sdelay $0x4  }
0x33b: {  	v0 =	vadd.f32 v1, v0;
	_ =	sdelay $0x1  }
0x33c: {  	[tilespmem:s17+$0xFFFFFFB0] =	vst v0;
	v0 =	vld [tilespmem:s17+$0xFFFFFFC0]  }
0x33d: {  	v1 =	vld [tilespmem:s7+$0xFFFFFFC0];
	_ =	sdelay $0x4  }
0x33e: {  	v0 =	vadd.f32 v1, v0;
	_ =	sdelay $0x1  }
0x33f: {  	[tilespmem:s17+$0xFFFFFFC0] =	vst v0;
	v0 =	vld [tilespmem:s17+$0xFFFFFFD0]  }
0x340: {  	v1 =	vld [tilespmem:s7+$0xFFFFFFD0];
	_ =	sdelay $0x4  }
0x341: {  	v0 =	vadd.f32 v1, v0;
	_ =	sdelay $0x1  }
0x342: {  	[tilespmem:s17+$0xFFFFFFD0] =	vst v0;
	v0 =	vld [tilespmem:s17+$0xFFFFFFE0]  }
0x343: {  	v1 =	vld [tilespmem:s7+$0xFFFFFFE0];
	_ =	sdelay $0x4  }
0x344: {  	v0 =	vadd.f32 v1, v0;
	_ =	sdelay $0x1  }
0x345: {  	[tilespmem:s17+$0xFFFFFFE0] =	vst v0;
	v0 =	vld [tilespmem:s17+$0xFFFFFFF0]  }
0x346: {  	v1 =	vld [tilespmem:s7+$0xFFFFFFF0];
	_ =	sdelay $0x4  }
0x347: {  	v0 =	vadd.f32 v1, v0;
	_ =	sdelay $0x1  }
0x348: {  	[tilespmem:s17+$0xFFFFFFF0] =	vst v0;
	v0 =	vld [tilespmem:s17+$0x0]  }
0x349: {  	v1 =	vld [tilespmem:s7+$0x0];
	_ =	sdelay $0x4  }
0x34a: {  	v0 =	vadd.f32 v1, v0  }
0x34b: {  	s18 =	simm.s32 $0x0;
	s16 =	simm.s32 $0xB9F0  }
.LBB2_30:
0x34c: {  	v1 =	vld [tilespmem:s16+$0xFFFFFF90];
	[tilespmem:s17+$0x0] =	vst v0;
	s7 =	sadd.s32 $0x80, s7;
	s17 =	smov.u32 s16  }
0x34d: {  	s18 =	sadd.s32 $0x2, s18;
	v0 =	vld [tilespmem:s7+$0xFFFFFF90]  }
0x34e: {  	p0 =	slt.u32 s18, $0x4E;
	_ =	sdelay $0x3  }
0x34f: {  	v0 =	vadd.f32 v0, v1;
	_ =	sdelay $0x1  }
0x350: {  	[tilespmem:s16+$0xFFFFFF90] =	vst v0;
	v0 =	vld [tilespmem:s16+$0xFFFFFFA0]  }
0x351: {  	v1 =	vld [tilespmem:s7+$0xFFFFFFA0];
	_ =	sdelay $0x4  }
0x352: {  	v0 =	vadd.f32 v1, v0;
	_ =	sdelay $0x1  }
0x353: {  	[tilespmem:s16+$0xFFFFFFA0] =	vst v0;
	v0 =	vld [tilespmem:s16+$0xFFFFFFB0]  }
0x354: {  	v1 =	vld [tilespmem:s7+$0xFFFFFFB0];
	_ =	sdelay $0x4  }
0x355: {  	v0 =	vadd.f32 v1, v0;
	_ =	sdelay $0x1  }
0x356: {  	[tilespmem:s16+$0xFFFFFFB0] =	vst v0;
	v0 =	vld [tilespmem:s16+$0xFFFFFFC0]  }
0x357: {  	v1 =	vld [tilespmem:s7+$0xFFFFFFC0];
	_ =	sdelay $0x4  }
0x358: {  	v0 =	vadd.f32 v1, v0;
	_ =	sdelay $0x1  }
0x359: {  	[tilespmem:s16+$0xFFFFFFC0] =	vst v0;
	v0 =	vld [tilespmem:s16+$0xFFFFFFD0]  }
0x35a: {  	v1 =	vld [tilespmem:s7+$0xFFFFFFD0];
	_ =	sdelay $0x4  }
0x35b: {  	v0 =	vadd.f32 v1, v0;
	_ =	sdelay $0x1  }
0x35c: {  	[tilespmem:s16+$0xFFFFFFD0] =	vst v0;
	v0 =	vld [tilespmem:s16+$0xFFFFFFE0]  }
0x35d: {  	v1 =	vld [tilespmem:s7+$0xFFFFFFE0];
	_ =	sdelay $0x4  }
0x35e: {  	v0 =	vadd.f32 v1, v0;
	_ =	sdelay $0x1  }
0x35f: {  	[tilespmem:s16+$0xFFFFFFE0] =	vst v0;
	v0 =	vld [tilespmem:s16+$0xFFFFFFF0]  }
0x360: {  	v1 =	vld [tilespmem:s7+$0xFFFFFFF0];
	_ =	sdelay $0x4  }
0x361: {  	v0 =	vadd.f32 v1, v0;
	_ =	sdelay $0x1  }
0x362: {  	[tilespmem:s16+$0xFFFFFFF0] =	vst v0;
	v0 =	vld [tilespmem:s16+$0x0]  }
0x363: {  	v1 =	vld [tilespmem:s7+$0x0];
	_ =	sdelay $0x1  }
.Ltmp14:
0x364: {  	(pc) =	sbr.rel @p0 .LBB2_30-.Ltmp14, $3  }
0x365: {  	_ =	sdelay $0x1  }
0x366: {  	v0 =	vadd.f32 v1, v0  }
0x367: {  	s16 =	sadd.s32 $0x80, s16  }
0x368: {  	[tilespmem:s17+$0x0] =	vst v0;
	s7 =	simm.s32 $0x0;
	s16 =	rddreg [dreg:$0xd]  }
0x369: {  	[hbm4b:s16+s7] =	stream.linear.scatter [tilespmem:s31], [sflag:$0x9], $0x1400, $0x38;
	[tilespmem:$0xE100] =	vst v63  }
0x36a: {  	_ =	swait.ge [sflag:s10], $0x1400  }
0x36b: {  	[sflag:s10] =	ssyncset.done $0x0  }
0x36c: {  	s7 =	simm.s32 $0x0;
	[sflag:s10] =	ssyncadd.s32 $0xFFFFEC00  }
0x36d: {  	v3 =	vld [tilespmem:s7+$0xCD50]  }
0x36e: {  	v1 =	vld [tilespmem:s7+$0x3770]  }
0x36f: {  	v2 =	vld [tilespmem:s7+$0xCD70]  }
0x370: {  	v4 =	vld [tilespmem:s7+$0x3760]  }
0x371: {  	v5 =	vld [tilespmem:s7+$0xCD60]  }
0x372: {  	v6 =	vld [tilespmem:s7+$0x3750]  }
0x373: {  	v0 =	vld [tilespmem:s7+$0xCD40]  }
0x374: {  	v7 =	vld [tilespmem:s7+$0x3730]  }
0x375: {  	v8 =	vld [tilespmem:s7+$0xCD30]  }
0x376: {  	v2 =	vadd.f32 v1, v2;
	v1 =	vld [tilespmem:s7+$0x3720]  }
0x377: {  	v5 =	vadd.f32 v4, v5;
	v4 =	vld [tilespmem:s7+$0x3710]  }
0x378: {  	v6 =	vadd.f32 v6, v3;
	v3 =	vld [tilespmem:s7+$0x3700]  }
0x379: {  	[tilespmem:s7+$0xCD70] =	vst v2;
	v2 =	vld [tilespmem:s7+$0xCD20]  }
0x37a: {  	[tilespmem:s7+$0xCD50] =	vst v6;
	v6 =	vld [tilespmem:s7+$0xCD10]  }
0x37b: {  	s17 =	simm.s32 $0x200;
	s16 =	simm.s32 $0x0;
	v7 =	vadd.f32 v7, v8;
	[tilespmem:s7+$0xCD60] =	vst v5;
	v5 =	vld [tilespmem:s7+$0x3740]  }
.LBB2_32:
0x37c: {  	s18 =	sshra.s32 s17, $0x2;
	s16 =	sadd.s32 $0x2, s16;
	v8 =	vld [tilespmem:s7+$0xCD00]  }
0x37d: {  	v9 =	vld [tilespmem:s18+$0xCD50];
	p0 =	slt.u32 s16, $0x4E  }
0x37e: {  	v10 =	vld [tilespmem:s18+$0x3770]  }
0x37f: {  	v11 =	vld [tilespmem:s18+$0xCD70];
	v4 =	vadd.f32 v4, v6;
	[tilespmem:s7+$0xCD30] =	vst v7  }
0x380: {  	v1 =	vadd.f32 v1, v2;
	v6 =	vld [tilespmem:s18+$0x3760];
	v0 =	vadd.f32 v5, v0  }
0x381: {  	v2 =	vld [tilespmem:s18+$0xCD60];
	v3 =	vadd.f32 v3, v8;
	[tilespmem:s7+$0xCD10] =	vst v4  }
0x382: {  	v4 =	vld [tilespmem:s18+$0x3750];
	[tilespmem:s7+$0xCD40] =	vst v0  }
0x383: {  	v0 =	vld [tilespmem:s18+$0xCD40];
	[tilespmem:s7+$0xCD20] =	vst v1  }
0x384: {  	v5 =	vld [tilespmem:s18+$0x3730];
	v7 =	vadd.f32 v10, v11;
	[tilespmem:s7+$0xCD00] =	vst v3;
	s7 =	smov.u32 s18  }
0x385: {  	v8 =	vld [tilespmem:s7+$0xCD30]  }
0x386: {  	v1 =	vld [tilespmem:s7+$0x3720];
	v3 =	vadd.f32 v6, v2;
	[tilespmem:s7+$0xCD70] =	vst v7  }
.Ltmp15:
0x387: {  	v2 =	vld [tilespmem:s7+$0xCD20];
	v6 =	vadd.f32 v4, v9;
	(pc) =	sbr.rel @p0 .LBB2_32-.Ltmp15, $4  }
0x388: {  	v4 =	vld [tilespmem:s7+$0x3710];
	[tilespmem:s7+$0xCD60] =	vst v3  }
0x389: {  	v3 =	vld [tilespmem:s7+$0x3700];
	[tilespmem:s7+$0xCD50] =	vst v6  }
0x38a: {  	v6 =	vld [tilespmem:s7+$0xCD10];
	v7 =	vadd.f32 v5, v8  }
0x38b: {  	s17 =	sadd.s32 $0x200, s17;
	v5 =	vld [tilespmem:s7+$0x3740]  }
0x38c: {  	v8 =	vld [tilespmem:s7+$0xCD00];
	_ =	sdelay $0x1  }
0x38d: {  	v1 =	vadd.f32 v1, v2  }
0x38e: {  	[tilespmem:s7+$0xCD30] =	vst v7;
	v4 =	vadd.f32 v4, v6  }
0x38f: {  	[tilespmem:s7+$0xCD20] =	vst v1;
	v0 =	vadd.f32 v5, v0  }
0x390: {  	[tilespmem:s7+$0xCD10] =	vst v4;
	v63 =	vadd.f32 v3, v8  }
0x391: {  	[tilespmem:s7+$0xCD40] =	vst v0  }
0x392: {  	s21 =	rddreg [dreg:$0xe];
	[tilespmem:s7+$0xCD00] =	vst v63  }
0x393: {  	[hbm4b:s21+s3] =	stream.linear.scatter [tilespmem:s23], [sflag:$0xA], $0x1400, $0x38;
	[tilespmem:$0xE100] =	vst v63  }
0x394: {  	_ =	swait.ge [sflag:s30], $0x1400  }
0x395: {  	[sflag:s30] =	ssyncset.done $0x0  }
0x396: {  	[sflag:s30] =	ssyncadd.s32 $0xFFFFEC00  }
0x397: {  	_ =	swait.ge [sflag:s5], $0x1400  }
0x398: {  	[sflag:s5] =	ssyncset.done $0x0  }
0x399: {  	[sflag:s5] =	ssyncadd.s32 $0xFFFFEC00  }
0x39a: {  	_ =	swait.ge [sflag:s9], $0x1400  }
0x39b: {  	[sflag:s9] =	ssyncset.done $0x0  }
0x39c: {  	[sflag:s9] =	ssyncadd.s32 $0xFFFFEC00  }
0x39d: {  	_ =	swait.ge [sflag:s11], $0x1400  }
0x39e: {  	[sflag:s11] =	ssyncset.done $0x0  }
0x39f: {  	[sflag:s11] =	ssyncadd.s32 $0xFFFFEC00  }
0x3a0: {  	_ =	swait.ge [sflag:s12], $0x1400  }
0x3a1: {  	s16 =	rddreg [dreg:$0x10]  }
0x3a2: {  	s22 =	rddreg [dreg:$0xf];
	s16 =	sadd.s32 $0x1, s16  }
0x3a3: {  	p0 =	sne.s32 s16, s22  }
.Ltmp16:
0x3a4: {  	_ = 	snop;
	(pc) =	sbr.rel @p0 .LBB2_1-.Ltmp16, $3  }
0x3a5: {  	_ =	sdelay $0x1  }
0x3a6: {  	[sflag:s12] =	ssyncset.done $0x0  }
0x3a7: {  	[sflag:s12] =	ssyncadd.s32 $0xFFFFEC00  }
0x3a8: {  	_ =	sfence.sel $0x180000  }
0x3a9: {  	[bflag:$0x0] =	sbarrier.arrive $0xFFFF  }
0x3aa: {  	_ =	strace $0x90000047  }
0x3ab: {  	s0 =	stileid.u32;
	[bflag:$0x2] =	sbarrier.arrive $0xFFFF  }
0x3ac: {  	p0 =	sne.s32 s0, $0x0;
	s0 =	rddreg [dreg:$0x2]  }
0x3ad: {  	s0 =	sadd.s32 @!p0 $0x100000, s0  }
0x3ae: {  	[sflag:s0] =	ssyncadd.tile.s32 @!p0 $0x1;
	_ =	shalt  }
.Lfunc_end2:
_tile_overlayer_lowered:
.L_overlay_start_2:
0x3af: {  	(tag) =	ssettag $0x2  }
0x3b0: {  	s0 =	rddreg [dreg:$0x0];
	s2 =	stileid.u32  }
0x3b1: {  	s1 =	rddreg [dreg:$0x1];
	p0 =	sne.s32 s2, $0x0  }
0x3b2: {  	s3 =	rddreg [dreg:$0x2];
	[bflag:$0x3] =	sbarrier.arrive $0xFFFF;
	s2 =	simm.s32 @!p0 $0x1C0B  }
0x3b3: {  	[timem:s3], [sflag:s2] =	dma.local @!p0 [hbm:s0], s1  }
0x3b4: {  	s0 =	simm.s32 @!p0 $0xB  }
0x3b5: {  	_ =	swait.ge @!p0 [sflag:s0], s1  }
0x3b6: {  	s1 =	ssub.s32 @!p0 $0x0, s1;
	[sflag:s0] =	ssyncset.done @!p0 $0x0  }
0x3b7: {  	[sflag:s0] =	ssyncadd.s32 @!p0 s1  }
0x3b8: {  	[bflag:$0x3] =	sbarrier.arrive $0xFFFF  }
0x3b9: {  	_ =	shalt  }

// kernel: sparse-core-data-format-call.cloned.1.call-start
scs
called_computation_lowered:
.L_overlay_start_0:
0x0: {  	s2 =	sld [smem:$0x3FD9]  }
0x1: {  	s3 =	sld [smem:$0x3FFE];
	_ =	sdelay $0x1  }
0x2: {  	s1 =	srdreg.scid  }
0x3: {  	s0 =	sand.u32 $0x1, s1  }
0x4: {  	s18 =	sshll.u32 s0, $0xA;
	s2 =	sadd.s32 s3, s2  }
0x5: {  	s2 =	sadd.s32 s2, s18  }
0x6: {  	[smem:$0x3FC5] =	sst s2  }
0x7: {  	_ = 	snop  }
0x8: {  	s2 =	sld [smem:$0x3FD0];
	(tm) =	ssettm $0x1  }
0x9: {  	s19 =	sld [smem:$0x3FFB];
	_ =	sdelay $0x3  }
0xa: {  	_ =	strace s19  }
0xb: {  	s3 =	sld [smem:$0x3FFC];
	_ =	sdelay $0x3  }
0xc: {  	_ =	strace s3  }
0xd: {  	s3 =	sld [smem:$0x3FFD];
	_ =	sdelay $0x3  }
0xe: {  	_ =	strace s3  }
0xf: {  	_ =	strace $0x8FFFFFFF  }
0x10: {  	s20 =	sld [smem:$0x3FDB];
	_ =	sdelay $0x1  }
0x11: {  	s4 =	simm.s32 $_scs_section_size  }
0x12: {  	s5 =	simm.s32 $_size__tile_overlayer_lowered;
	s6 =	simm.s32 $_tile_overlayer_lowered  }
0x13: {  	s23 =	simm.s32 $0x1BFF;
	s22 =	sshll.u32 s6, $0x1;
	s3 =	sadd.s32 s4, s20  }
0x14: {  	s7 =	simm.s32 $0x0;
	s21 =	sshll.u32 s5, $0x1;
	s5 =	sadd.s32 s22, s3  }
0x15: {  	[timem:s7], [sflag:s23] =	dma.local [hbm:s5], s21  }
0x16: {  	_ =	swait.ge [sflag:s23], s21  }
0x17: {  	s4 =	ssub.s32 $0x0, s21;
	[sflag:s23] =	ssyncset.done $0x0  }
0x18: {  	[sflag:s23] =	ssyncadd.s32 s4;
	_ =	sdelay $0x1  }
0x19: {  	s24 =	simm.s32 $0x1B8B  }
0x1a: {  	_ =	swait.ge [sflag:s24], $0x1  }
0x1b: {  	[sflag:s24] =	ssyncset.done $0x0  }
0x1c: {  	s26 =	simm.s32 $0x1B8E;
	s25 =	sld [smem:$0x3FFE];
	[sflag:s24] =	ssyncadd.s32 $0xFFFFFFFF  }
0x1d: {  	s27 =	simm.s32 $execute0_lowered;
	[smem:$0x3FD2] =	sst s26  }
0x1e: {  	s5 =	sshll.u32 s27, $0x1;
	_ =	strace $0x80000049;
	[dreg:$0x1] =	wrdreg $0xFFFFFFFF  }
0x1f: {  	s28 =	simm.s32 $_size_execute0_lowered;
	s3 =	sadd.s32 s3, s5;
	[dreg:$0x0] =	wrdreg $0x0  }
0x20: {  	s5 =	sshll.u32 s28, $0x1;
	[dreg:$0x2] =	wrdreg s3  }
0x21: {  	[dreg:$0x3] =	wrdreg s5  }
0x22: {  	[dreg:$0x4] =	wrdreg $0xC0  }
0x23: {  	_ =	task [dreg:s7], $0x5FFFF  }
0x24: {  	[dreg:$0x1] =	wrdreg $0xFFFFFFFF  }
0x25: {  	[dreg:$0x0] =	wrdreg $0x60  }
0x26: {  	[dreg:$0x2] =	wrdreg s25  }
0x27: {  	[dreg:$0x3] =	wrdreg s2  }
0x28: {  	[dreg:$0x4] =	wrdreg $0x9  }
0x29: {  	_ =	task.clear_ibuf [dreg:s7], $0x5FFFF;
	_ =	strace $0x90000049  }
0x2a: {  	s29 =	simm.s32 $0x9;
	_ =	strace $0x8000004B  }
0x2b: {  	_ =	swait.ge [sflag:s29], $0x1  }
0x2c: {  	[sflag:s29] =	ssyncadd.s32 $0xFFFFFFFF  }
0x2d: {  	_ =	strace $0x9000004B  }
0x2e: {  	_ =	sfence  }
0x2f: {  	s30 =	sld [smem:$0x0];
	_ =	sdelay $0x2  }
0x30: {  	s31 =	sshll.u32 s1, $0xD;
	s1 =	sshrl.u32 s1, $0x2  }
0x31: {  	s3 =	sand.u32 $0x4000, s31;
	s1 =	sadd.s32 s1, s30  }
0x32: {  	s0 =	sor.u32 s3, s0;
	s1 =	sshll.u32 s1, $0x11  }
0x33: {  	s0 =	sor.u32 s1, s0  }
0x34: {  	s0 =	sadd.s32 $0x8F2B, s0  }
0x35: {  	[sflag:s0] =	ssyncadd.remote.s32 $0x1  }
0x36: {  	_ =	sfence.sel $0xFFFF  }
0x37: {  	[dreg:$0x0] =	wrdreg $0xFFFFFFFF;
	(pc) =	sbr.abs _section_cstart, $3  }
0x38: {  	[dreg:$0x1] =	wrdreg $0xFFFFFFFF  }
0x39: {  	_ =	task.clear_ibuf [dreg:s7], $0x2FFFF;
	_ =	strace $0x9FFFFFFF  }
0x3a: {  	(tm) =	ssettm $0x7FFFFFFF  }
0x3b: {  	_ =	shalt  }
tec
execute0_lowered:
.L_overlay_start_1:
0x0: {  	(tag) =	ssettag $0x1  }
0x1: {  	s0 =	stileid.u32;
	s6 =	rddreg [dreg:$0x0]  }
0x2: {  	s2 =	rddreg [dreg:$0x1];
	s5 =	srdreg.scid  }
0x3: {  	s31 =	simm.s32 $0x2;
	s13 =	simm.s32 $0x0;
	s1 =	sshll.u32 s0, $0x7  }
0x4: {  	s14 =	simm.s32 $0x0;
	s12 =	simm.s32 $0x0;
	s3 =	sand.u32 $0x380, s1  }
0x5: {  	s5 =	sshll.u32 s5, $0x4;
	s6 =	sadd.s32 $0xC00, s6;
	s4 =	ssub.s32 $0x400, s3  }
0x6: {  	s1 =	rddreg [dreg:$0x2];
	_ =	strace $0x8000004A;
	s7 =	sand.u32 $0x380, s4  }
0x7: {  	s5 =	sand.u32 $0x10, s5;
	p0 =	sne.s32 s7, $0x0;
	s7 =	simm.s32 $0x1  }
.Ltmp0:
0x8: {  	s8 =	sshrl.u32 s4, $0xA;
	s7 =	simm.s32 @!p0 $0x0;
	(pc) =	sbr.rel .LBB1_1-.Ltmp0, $4  }
0x9: {  	s9 =	sor.u32 s0, s5;
	s4 =	simm.s32 $0x1;
	s30 =	sadd.s32 s7, s8  }
0xa: {  	s11 =	smov.u32 s3;
	[sflag:s4] =	ssyncpa.u1 $0x0;
	s5 =	smul.u32 $0x32, s30  }
0xb: {  	[sflag:s31] =	ssyncpa.u1 $0x0;
	p0 =	por $0x0, $0x0;
	s7 =	sshrl.u32 s9, $0x3  }
0xc: {  	s9 =	simm.s32 $0x2000;
	s10 =	smov.u32 s7;
	s8 =	sor.u32 $0x1, s5  }
.LBB1_4:
0xd: {  	s17 =	sand.u32 $0x1F80, s14;
	s13 =	sshll.u32 s13, $0xD  }
0xe: {  	[tilespmem:s16+$0x810 ss:$0x81] =	vst.msk $0xffff, v2;
	s18 =	sshrl.u32 s14, $0x3;
	s31 =	sand.u32 $0x7, s14;
	s17 =	sadd.s32 s2, s17  }
0xf: {  	[tilespmem:s16+$0x1020 ss:$0x81] =	vst.msk $0xffff, v0;
	s18 =	sand.u32 $0xF, s18;
	s14 =	sshll.u32 s31, $0x12;
	s13 =	sadd.s32 s13, s17  }
0x10: {  	[tilespmem:s16+$0x0 ss:$0x81] =	vst.msk $0xffff, v1;
	s14 =	sor.u32 $0x400, s14;
	s13 =	sadd.s32 s18, s13  }
0x11: {  	[hbm4b:s13+s14] =	stream.strided.scatter [tilespmem:s15], [sflag:$0x2], $0x2000, s9, s14, $0x20;
	[tilespmem:$0x8080] =	vst v63  }
.LBB1_5:
0x12: {  	s15 =	sadd.s32 $0x4, s10  }
0x13: {  	s13 =	sadd.s32 $0x400, s11;
	s17 =	smov.u32 s11;
	p2 =	sgt.s32 s15, $0xC7  }
0x14: {  	s17 =	smov.u32 @p2 s13  }
0x15: {  	s15 =	smov.u32 @p2 s7;
	p2 =	sgt.s32 s17, $0x3FF  }
0x16: {  	s17 =	smov.u32 @p2 s3;
	p2 =	sne.s32 s12, s8  }
.Ltmp1:
0x17: {  	p1 =	slt.u32 s12, $0x2;
	(pc) =	sbr.rel @!p2 .LBB1_6-.Ltmp1, $4  }
0x18: {  	s16 =	simm.s32 @!p1 $0x2  }
0x19: {  	s14 =	smov.u32 s11;
	p0 =	por !p0, !p0;
	_ =	swait.ge @!p1 [sflag:s16], $0x2000  }
0x1a: {  	s13 =	smov.u32 s10;
	[sflag:s16] =	ssyncset.done @!p1 $0x0;
	s10 =	smov.u32 s15  }
0x1b: {  	s12 =	sadd.s32 $0x1, s12;
	[sflag:s16] =	ssyncadd.s32 @!p1 $0xFFFFE000;
	s11 =	smov.u32 s17  }
.LBB1_1:
0x1c: {  	p1 =	sge.u32 s12, s5  }
0x1d: {  	s15 =	sand.u32 @!p1 $0x1FFFFFF, s10  }
0x1e: {  	s16 =	smulhi.u32 @!p1 $0x147AE15, s15;
	_ =	sdelay $0x1  }
0x1f: {  	s16 =	smul.u32 @!p1 $0xC8, s16  }
0x20: {  	s17 =	sxor.u32 @!p1 $0xFFFFFFFF, s12;
	s18 =	smul.u32 @!p1 $0xC80, s11  }
0x21: {  	s31 =	sadd.s32 $0xFFFFFFFF, s12;
	s17 =	sshll.u32 @!p1 s17, $0xD;
	s15 =	ssub.s32 @!p1 s15, s16  }
0x22: {  	s16 =	sand.u32 @!p1 $0x2000, s17;
	s17 =	sadd.s32 @!p1 s6, s18;
	s15 =	sshll.u32 @!p1 s15, $0x4  }
0x23: {  	s18 =	simm.s32 @!p1 $0x6400;
	s15 =	sadd.s32 @!p1 s15, s17;
	s17 =	simm.s32 @!p1 $0x40  }
0x24: {  	[tilespmem:s16], [sflag:$0x1] =	stream.strided.gather @!p1 [hbm4b:s15+s17], $0x2000, s18, s17, $0x38;
	[tilespmem:$0x8080] =	vst v63  }
0x25: {  	p1 =	sge.u32 s31, s5  }
.Ltmp2:
0x26: {  	_ = 	snop;
	(pc) =	sbr.rel @p1 .LBB1_5-.Ltmp2, $1  }
0x27: {  	_ =	sdelay $0x3  }
0x28: {  	s15 =	simm.s32 $0x1  }
0x29: {  	_ =	swait.ge [sflag:s4], $0x2000;
	s15 =	simm.s32 @!p0 $0x0  }
0x2a: {  	[sflag:s4] =	ssyncset.done $0x0;
	s16 =	sshll.u32 s15, $0xD  }
0x2b: {  	[sflag:s4] =	ssyncadd.s32 $0xFFFFE000;
	s19 =	sor.u32 $0x20, s16  }
0x2c: {  	s15 =	smul.u32 $0x8100, s15;
	v3 =	vld [tilespmem:s19+$0x10]  }
0x2d: {  	s30 =	sand.u32 $0x1, s12;
	v2 =	vld [tilespmem:s19+$0xFFFFFFF0]  }
0x2e: {  	s16 =	smul.u32 $0x8100, s30;
	s15 =	sshrl.u32 s15, $0x2;
	v0 =	vld [tilespmem:s19+$0x0]  }
0x2f: {  	v1 =	vld [tilespmem:s19+$0xFFFFFFE0];
	s17 =	sor.u32 $0x4000, s15  }
0x30: {  	s31 =	sshrl.u32 s16, $0x2;
	s16 =	sadd.s32 $0x0, s17  }
0x31: {  	s18 =	simm.s32 $0x4;
	s19 =	sadd.s32 $0x40, s19;
	s15 =	sor.u32 $0x4000, s31;
	[tilespmem:s16+$0x1830 ss:$0x81] =	vst.msk $0xffff, v3  }
.LBB1_3:
0x32: {  	v3 =	vld [tilespmem:s19+$0x10];
	p1 =	sne.s32 s18, $0x1FC;
	[tilespmem:s16+$0x810 ss:$0x81] =	vst.msk $0xffff, v2;
	s20 =	smov.u32 s18;
	s18 =	sadd.s32 $0x4, s18  }
.Ltmp3:
0x33: {  	v2 =	vld [tilespmem:s19+$0xFFFFFFF0];
	[tilespmem:s16+$0x1020 ss:$0x81] =	vst.msk $0xffff, v0;
	(pc) =	sbr.rel @p1 .LBB1_3-.Ltmp3, $4  }
0x34: {  	v0 =	vld [tilespmem:s19+$0x0];
	[tilespmem:s16+$0x0 ss:$0x81] =	vst.msk $0xffff, v1  }
0x35: {  	s16 =	sshra.s32 s20, $0x2;
	v1 =	vld [tilespmem:s19+$0xFFFFFFE0]  }
0x36: {  	s16 =	sadd.s32 s16, s17  }
0x37: {  	s19 =	sadd.s32 $0x40, s19;
	[tilespmem:s16+$0x1830 ss:$0x81] =	vst.msk $0xffff, v3  }
.Ltmp4:
0x38: {  	_ = 	snop;
	(pc) =	sbr.rel .LBB1_4-.Ltmp4, $1  }
0x39: {  	_ =	sdelay $0x3  }
.LBB1_6:
0x3a: {  	_ =	sfence.sel $0x180000  }
0x3b: {  	s2 =	simm.s32 $0x1;
	[bflag:$0x0] =	sbarrier.arrive $0xFFFF  }
0x3c: {  	s31 =	simm.s32 $0x2;
	[sflag:s2] =	ssyncpa.u1 $0x1  }
0x3d: {  	[sflag:s31] =	ssyncpa.u1 $0x1  }
0x3e: {  	p0 =	sne.s32 s0, $0x0;
	_ =	strace $0x9000004A  }
0x3f: {  	s0 =	sadd.s32 @!p0 $0x100000, s1;
	[bflag:$0x2] =	sbarrier.arrive $0xFFFF  }
0x40: {  	[sflag:s0] =	ssyncadd.tile.s32 @!p0 $0x1;
	_ =	shalt  }
.Lfunc_end1:
_tile_overlayer_lowered:
.L_overlay_start_2:
0x41: {  	(tag) =	ssettag $0x2  }
0x42: {  	s0 =	rddreg [dreg:$0x0];
	s2 =	stileid.u32  }
0x43: {  	s1 =	rddreg [dreg:$0x1];
	p0 =	sne.s32 s2, $0x0  }
0x44: {  	s3 =	rddreg [dreg:$0x2];
	[bflag:$0x3] =	sbarrier.arrive $0xFFFF;
	s2 =	simm.s32 @!p0 $0x1C01  }
0x45: {  	[timem:s3], [sflag:s2] =	dma.local @!p0 [hbm:s0], s1  }
0x46: {  	s0 =	simm.s32 @!p0 $0x1  }
0x47: {  	_ =	swait.ge @!p0 [sflag:s0], s1  }
0x48: {  	s1 =	ssub.s32 @!p0 $0x0, s1;
	[sflag:s0] =	ssyncset.done @!p0 $0x0  }
0x49: {  	[sflag:s0] =	ssyncadd.s32 @!p0 s1  }
0x4a: {  	[bflag:$0x3] =	sbarrier.arrive $0xFFFF  }
0x4b: {  	_ =	shalt  }

</sc_bundles>
